<compile_context>
chip_gen: v7x
topology: tpu7x:2x2x1
jax: 0.10.2.dev20260603
libtpu: 0.0.44.dev20260713+nightly
codegen_flags: <defaults>
</compile_context>

<pallas_src>
import jax
import jax.numpy as jnp
from jax import lax
from jax.experimental import pallas as pl
from jax.experimental.pallas import tpu as pltpu
from jax.experimental.pallas import tpu_sc as plsc

B = 8
H = 16
N = 512
V = 513
L = 16
P = H // 2
G = 2
ROWS_PER_TILE = (B * N) // 32
NCHUNK = ROWS_PER_TILE // G
TW = V * L


def _sc_body(ab_hbm, sp_hbm, rep_hbm, out_hbm, tab_v, ab_v, idx_v, out_v,
             tab_sem, ab_sems, idx_sems, out_sems):
    nc = 2
    wid = lax.axis_index("s") * nc + lax.axis_index("c")
    b = wid // (N // ROWS_PER_TILE)
    i0 = (wid % (N // ROWS_PER_TILE)) * ROWS_PER_TILE

    tab_cp = pltpu.async_copy(rep_hbm, tab_v, tab_sem)

    def in_descs(c, s):
        i = i0 + c * G
        return (
            pltpu.make_async_copy(ab_hbm.at[b, pl.ds(i, G), :], ab_v.at[s], ab_sems[s]),
            pltpu.make_async_copy(sp_hbm.at[b, pl.ds(i, G), :], idx_v.at[s], idx_sems[s]),
        )

    def out_desc(c, s):
        i = i0 + c * G
        return pltpu.make_async_copy(
            out_v.at[s], out_hbm.at[b, :, pl.ds(i, G), :], out_sems[s])

    def start_in(c, s):
        for d in in_descs(c, s):
            d.start()

    def wait_in(c, s):
        for d in in_descs(c, s):
            d.wait()

    lane = lax.iota(jnp.int32, L)
    himask = jnp.full((L,), jnp.int32(-65536))

    def compute(s):
        for r in range(G):
            @plsc.parallel_loop(0, N // L, unroll=4)
            def _vec_body(v):
                sl = pl.ds(v * L, L)
                idx16 = idx_v[s, r, sl] * L + lane
                ab2 = ab_v[s, r, sl] * 2.0
                for p in range(P):
                    w = plsc.load_gather(tab_v.at[pl.ds(p * TW, TW)], [idx16])
                    lo = plsc.bitcast(lax.shift_left(w, 16), jnp.float32)
                    hi = plsc.bitcast(w & himask, jnp.float32)
                    out_v[s, 2 * p, r, sl] = ab2 + lo
                    out_v[s, 2 * p + 1, r, sl] = ab2 + hi

    start_in(0, 0)
    start_in(1, 1)
    tab_cp.wait()

    def steady(c2, carry):
        for s in (0, 1):
            c = 2 * c2 + s

            @pl.when(c >= 2)
            def _wait_out():
                out_desc(c - 2, s).wait()

            wait_in(c, s)
            compute(s)
            out_desc(c, s).start()

            @pl.when(c < NCHUNK - 2)
            def _prefetch():
                start_in(c + 2, s)
        return carry

    lax.fori_loop(0, NCHUNK // 2, steady, 0)

    out_desc(NCHUNK - 2, 0).wait()
    out_desc(NCHUNK - 1, 1).wait()


def kernel(attn_bias, spatial_pos, table):
    tb = table.astype(jnp.bfloat16)
    u = lax.bitcast_convert_type(tb, jnp.uint16).astype(jnp.uint32)
    packed = (u[:, 0::2] | (u[:, 1::2] << 16)).astype(jnp.int32)
    rep = jnp.broadcast_to(packed.T[:, :, None], (P, V, L)).reshape(-1)
    mesh = plsc.VectorSubcoreMesh(core_axis_name="c", subcore_axis_name="s")
    f = pl.kernel(
        _sc_body,
        out_type=jax.ShapeDtypeStruct((B, H, N, N), jnp.float32),
        mesh=mesh,
        compiler_params=pltpu.CompilerParams(needs_layout_passes=False),
        scratch_types=[
            pltpu.VMEM((P * TW,), jnp.int32),
            pltpu.VMEM((2, G, N), jnp.float32),
            pltpu.VMEM((2, G, N), jnp.int32),
            pltpu.VMEM((2, H, G, N), jnp.float32),
            pltpu.SemaphoreType.DMA,
            [pltpu.SemaphoreType.DMA, pltpu.SemaphoreType.DMA],
            [pltpu.SemaphoreType.DMA, pltpu.SemaphoreType.DMA],
            [pltpu.SemaphoreType.DMA, pltpu.SemaphoreType.DMA],
        ],
    )
    return f(attn_bias, spatial_pos.astype(jnp.int32), rep)

# --- scband reference (transcript-rebuilt; emitter-appended) ---
"""Pipeline reference for scband-graph-attn-bias-62577673503848 (READ-ONLY COPY).

The authoritative reference and input builder live on the scoring server;
editing this copy changes nothing except your own understanding.
"""

import jax, jax.numpy as jnp
import numpy as np

NUM_HEADS = 16
NUM_SPATIAL = 512

def setup_inputs(seed: int = 0) -> dict:
    key = jax.random.key(seed)
    k1, k2, k3 = jax.random.split(key, 3)
    attn_bias = jax.random.normal(k1, (8, 512, 512), dtype=jnp.float32)
    spatial_pos = jax.random.randint(k2, (8, 512, 512), 0, NUM_SPATIAL + 1, dtype=jnp.int64 if jax.config.jax_enable_x64 else jnp.int32)
    table = jax.random.normal(k3, (NUM_SPATIAL + 1, NUM_HEADS), dtype=jnp.float32) * 0.02
    table = table.at[0].set(0.0)  # padding_idx=0
    return {"attn_bias": attn_bias, "spatial_pos": spatial_pos, "table": table}

def reference(attn_bias, spatial_pos, table):
    B, N, _ = attn_bias.shape
    H = table.shape[1]
    # graph_attn_bias = attn_bias.unsqueeze(1).repeat(1, H, 1, 1)
    graph_attn_bias = jnp.broadcast_to(attn_bias[:, None, :, :], (B, H, N, N))
    # spatial_pos_bias = embedding(spatial_pos).permute(0, 3, 1, 2)
    spatial_pos_bias = jnp.take(table, spatial_pos, axis=0)  # [B, N, N, H]
    spatial_pos_bias = jnp.transpose(spatial_pos_bias, (0, 3, 1, 2))  # [B, H, N, N]
    out = graph_attn_bias + spatial_pos_bias
    out = out + attn_bias[:, None, :, :]
    return out

if __name__ == "__main__":
    import jax
    _d = setup_inputs()
    print(jax.jit(kernel)(*tuple(_d.values())))

</pallas_src>

<mosaic_0001>
#map = affine_map<(d0, d1) -> (0, 0, 0)>
#map1 = affine_map<(d0, d1) -> (0)>
#map2 = affine_map<(d0, d1) -> (0, 0, 0, 0)>
module attributes {stable_mosaic.version = 14 : i64} {
  func.func @_sc_body(%arg0: i32, %arg1: i32, %arg2: memref<8x512x512xf32, #tpu.memory_space<hbm>>, %arg3: memref<8x512x512xi32, #tpu.memory_space<hbm>>, %arg4: memref<65664xi32, #tpu.memory_space<hbm>>, %arg5: memref<8x16x512x512xf32, #tpu.memory_space<hbm>>, %arg6: memref<65664xi32, #tpu.memory_space<vmem>>, %arg7: memref<2x2x512xf32, #tpu.memory_space<vmem>>, %arg8: memref<2x2x512xi32, #tpu.memory_space<vmem>>, %arg9: memref<2x16x2x512xf32, #tpu.memory_space<vmem>>, %arg10: memref<!tpu.dma_semaphore, #tpu.memory_space<semaphore_mem>>, %arg11: memref<!tpu.dma_semaphore, #tpu.memory_space<semaphore_mem>>, %arg12: memref<!tpu.dma_semaphore, #tpu.memory_space<semaphore_mem>>, %arg13: memref<!tpu.dma_semaphore, #tpu.memory_space<semaphore_mem>>, %arg14: memref<!tpu.dma_semaphore, #tpu.memory_space<semaphore_mem>>, %arg15: memref<!tpu.dma_semaphore, #tpu.memory_space<semaphore_mem>>, %arg16: memref<!tpu.dma_semaphore, #tpu.memory_space<semaphore_mem>>) attributes {dimension_semantics = [#tpu.dimension_semantics<core_parallel>, #tpu.dimension_semantics<subcore_parallel>], iteration_bounds = array<i64: 2, 16>, scalar_prefetch = 0 : i64, scratch_operands = 11 : i64, tpu.core_type = #tpu.core_type<sc_vector_subcore>, window_params = [{transform_indices = #map}, {transform_indices = #map}, {transform_indices = #map1}, {transform_indices = #map2}]} {
    %mul3A = arith.constant 2 : i32
    %mul3A_0 = arith.muli %arg1, %mul3A : i32
    %add3A = arith.addi %mul3A_0, %arg0 : i32
    %jit3A = arith.constant 4 : i32
    %div3A = arith.divsi %add3A, %jit3A : i32
    %sign3A = arith.constant 0 : i32
    %sign3A_1 = arith.cmpi sgt, %add3A, %sign3A : i32
    %sign3A_2 = arith.extui %sign3A_1 : i1 to i32
    %sign3A_3 = arith.constant 0 : i32
    %sign3A_4 = arith.cmpi slt, %add3A, %sign3A_3 : i32
    %sign3A_5 = arith.extui %sign3A_4 : i1 to i32
    %sign3A_6 = arith.subi %sign3A_2, %sign3A_5 : i32
    %sign3A_7 = arith.constant 0 : i32
    %sign3A_8 = arith.cmpi sgt, %jit3A, %sign3A_7 : i32
    %sign3A_9 = arith.extui %sign3A_8 : i1 to i32
    %sign3A_10 = arith.constant 0 : i32
    %sign3A_11 = arith.cmpi slt, %jit3A, %sign3A_10 : i32
    %sign3A_12 = arith.extui %sign3A_11 : i1 to i32
    %sign3A_13 = arith.subi %sign3A_9, %sign3A_12 : i32
    %ne3A = arith.cmpi ne, %sign3A_6, %sign3A_13 : i32
    %rem3A = arith.remsi %add3A, %jit3A : i32
    %ne3A_14 = arith.constant 0 : i32
    %ne3A_15 = arith.cmpi ne, %rem3A, %ne3A_14 : i32
    %and3A = arith.andi %ne3A, %ne3A_15 : i1
    %sub3A = arith.constant 1 : i32
    %sub3A_16 = arith.subi %div3A, %sub3A : i32
    %select_n3A = arith.select %and3A, %sub3A_16, %div3A : i32
    %jit3A_17 = arith.constant 4 : i32
    %eq3A = arith.constant 0 : i32
    %eq3A_18 = arith.cmpi eq, %jit3A_17, %eq3A : i32
    %jit3A_19 = arith.constant 1 : i32
    %select_n3A_20 = arith.select %eq3A_18, %jit3A_19, %jit3A_17 : i32
    %rem3A_21 = arith.remsi %add3A, %select_n3A_20 : i32
    %ne3A_22 = arith.constant 0 : i32
    %ne3A_23 = arith.cmpi ne, %rem3A_21, %ne3A_22 : i32
    %lt3A = arith.constant 0 : i32
    %lt3A_24 = arith.cmpi slt, %rem3A_21, %lt3A : i32
    %lt3A_25 = arith.constant 0 : i32
    %lt3A_26 = arith.cmpi slt, %select_n3A_20, %lt3A_25 : i32
    %ne3A_27 = arith.xori %lt3A_24, %lt3A_26 : i1
    %and3A_28 = arith.andi %ne3A_27, %ne3A_23 : i1
    %add3A_29 = arith.addi %rem3A_21, %select_n3A_20 : i32
    %select_n3A_30 = arith.select %and3A_28, %add3A_29, %rem3A_21 : i32
    %mul3A_31 = arith.constant 128 : i32
    %mul3A_32 = arith.muli %select_n3A_30, %mul3A_31 : i32
    tpu.enqueue_dma source(%arg4 : memref<65664xi32, #tpu.memory_space<hbm>>) target(%arg6 : memref<65664xi32, #tpu.memory_space<vmem>>) target_semaphore(%arg10 : memref<!tpu.dma_semaphore, #tpu.memory_space<semaphore_mem>>)
    %iota3A = tpu.iota {dimensions = array<i32: 0>} : vector<16xi32>
    %broadcast_in_dim3A = arith.constant -65536 : i32
    %broadcast_in_dim3A_33 = vector.broadcast %broadcast_in_dim3A : i32 to vector<16xi32>
    %add3A_34 = arith.constant 0 : i32
    %add3A_35 = arith.addi %mul3A_32, %add3A_34 : i32
    %dma_start3A = arith.constant 0 : i32
    %dma_start3A_36 = arith.constant 0 : i32
    %dma_start3A_37 = arith.constant 0 : i32
    %dma_start3A_38 = tpu.memref_slice %arg7[%dma_start3A, %dma_start3A_36, %dma_start3A_37] : memref<2x2x512xf32, #tpu.memory_space<vmem>> -> memref<1x2x512xf32, #tpu.memory_space<vmem>>
    %dma_start3A_39 = tpu.memref_squeeze %dma_start3A_38 : memref<1x2x512xf32, #tpu.memory_space<vmem>> -> memref<2x512xf32, #tpu.memory_space<vmem>>
    %dma_start3A_40 = arith.constant 0 : i32
    %dma_start3A_41 = tpu.memref_slice %arg2[%select_n3A, %add3A_35, %dma_start3A_40] : memref<8x512x512xf32, #tpu.memory_space<hbm>> -> memref<1x2x512xf32, #tpu.memory_space<hbm>>
    %dma_start3A_42 = tpu.memref_squeeze %dma_start3A_41 : memref<1x2x512xf32, #tpu.memory_space<hbm>> -> memref<2x512xf32, #tpu.memory_space<hbm>>
    %dma_start3A_43 = arith.constant 0 : i32
    %dma_start3A_44 = arith.constant 0 : i32
    %dma_start3A_45 = tpu.memref_slice %arg7[%dma_start3A, %dma_start3A_43, %dma_start3A_44] : memref<2x2x512xf32, #tpu.memory_space<vmem>> -> memref<1x2x512xf32, #tpu.memory_space<vmem>>
    %dma_start3A_46 = tpu.memref_squeeze %dma_start3A_45 : memref<1x2x512xf32, #tpu.memory_space<vmem>> -> memref<2x512xf32, #tpu.memory_space<vmem>>
    %dma_start3A_47 = arith.constant 0 : i32
    %dma_start3A_48 = tpu.memref_slice %arg2[%select_n3A, %add3A_35, %dma_start3A_47] : memref<8x512x512xf32, #tpu.memory_space<hbm>> -> memref<1x2x512xf32, #tpu.memory_space<hbm>>
    %dma_start3A_49 = tpu.memref_squeeze %dma_start3A_48 : memref<1x2x512xf32, #tpu.memory_space<hbm>> -> memref<2x512xf32, #tpu.memory_space<hbm>>
    tpu.enqueue_dma source(%dma_start3A_49 : memref<2x512xf32, #tpu.memory_space<hbm>>) target(%dma_start3A_46 : memref<2x512xf32, #tpu.memory_space<vmem>>) target_semaphore(%arg11 : memref<!tpu.dma_semaphore, #tpu.memory_space<semaphore_mem>>)
    %dma_start3A_50 = arith.constant 0 : i32
    %dma_start3A_51 = arith.constant 0 : i32
    %dma_start3A_52 = arith.constant 0 : i32
    %dma_start3A_53 = tpu.memref_slice %arg8[%dma_start3A_50, %dma_start3A_51, %dma_start3A_52] : memref<2x2x512xi32, #tpu.memory_space<vmem>> -> memref<1x2x512xi32, #tpu.memory_space<vmem>>
    %dma_start3A_54 = tpu.memref_squeeze %dma_start3A_53 : memref<1x2x512xi32, #tpu.memory_space<vmem>> -> memref<2x512xi32, #tpu.memory_space<vmem>>
    %dma_start3A_55 = arith.constant 0 : i32
    %dma_start3A_56 = tpu.memref_slice %arg3[%select_n3A, %add3A_35, %dma_start3A_55] : memref<8x512x512xi32, #tpu.memory_space<hbm>> -> memref<1x2x512xi32, #tpu.memory_space<hbm>>
    %dma_start3A_57 = tpu.memref_squeeze %dma_start3A_56 : memref<1x2x512xi32, #tpu.memory_space<hbm>> -> memref<2x512xi32, #tpu.memory_space<hbm>>
    %dma_start3A_58 = arith.constant 0 : i32
    %dma_start3A_59 = arith.constant 0 : i32
    %dma_start3A_60 = tpu.memref_slice %arg8[%dma_start3A_50, %dma_start3A_58, %dma_start3A_59] : memref<2x2x512xi32, #tpu.memory_space<vmem>> -> memref<1x2x512xi32, #tpu.memory_space<vmem>>
    %dma_start3A_61 = tpu.memref_squeeze %dma_start3A_60 : memref<1x2x512xi32, #tpu.memory_space<vmem>> -> memref<2x512xi32, #tpu.memory_space<vmem>>
    %dma_start3A_62 = arith.constant 0 : i32
    %dma_start3A_63 = tpu.memref_slice %arg3[%select_n3A, %add3A_35, %dma_start3A_62] : memref<8x512x512xi32, #tpu.memory_space<hbm>> -> memref<1x2x512xi32, #tpu.memory_space<hbm>>
    %dma_start3A_64 = tpu.memref_squeeze %dma_start3A_63 : memref<1x2x512xi32, #tpu.memory_space<hbm>> -> memref<2x512xi32, #tpu.memory_space<hbm>>
    tpu.enqueue_dma source(%dma_start3A_64 : memref<2x512xi32, #tpu.memory_space<hbm>>) target(%dma_start3A_61 : memref<2x512xi32, #tpu.memory_space<vmem>>) target_semaphore(%arg13 : memref<!tpu.dma_semaphore, #tpu.memory_space<semaphore_mem>>)
    %add3A_65 = arith.constant 2 : i32
    %add3A_66 = arith.addi %mul3A_32, %add3A_65 : i32
    %dma_start3A_67 = arith.constant 1 : i32
    %dma_start3A_68 = arith.constant 0 : i32
    %dma_start3A_69 = arith.constant 0 : i32
    %dma_start3A_70 = tpu.memref_slice %arg7[%dma_start3A_67, %dma_start3A_68, %dma_start3A_69] : memref<2x2x512xf32, #tpu.memory_space<vmem>> -> memref<1x2x512xf32, #tpu.memory_space<vmem>>
    %dma_start3A_71 = tpu.memref_squeeze %dma_start3A_70 : memref<1x2x512xf32, #tpu.memory_space<vmem>> -> memref<2x512xf32, #tpu.memory_space<vmem>>
    %dma_start3A_72 = arith.constant 0 : i32
    %dma_start3A_73 = tpu.memref_slice %arg2[%select_n3A, %add3A_66, %dma_start3A_72] : memref<8x512x512xf32, #tpu.memory_space<hbm>> -> memref<1x2x512xf32, #tpu.memory_space<hbm>>
    %dma_start3A_74 = tpu.memref_squeeze %dma_start3A_73 : memref<1x2x512xf32, #tpu.memory_space<hbm>> -> memref<2x512xf32, #tpu.memory_space<hbm>>
    %dma_start3A_75 = arith.constant 0 : i32
    %dma_start3A_76 = arith.constant 0 : i32
    %dma_start3A_77 = tpu.memref_slice %arg7[%dma_start3A_67, %dma_start3A_75, %dma_start3A_76] : memref<2x2x512xf32, #tpu.memory_space<vmem>> -> memref<1x2x512xf32, #tpu.memory_space<vmem>>
    %dma_start3A_78 = tpu.memref_squeeze %dma_start3A_77 : memref<1x2x512xf32, #tpu.memory_space<vmem>> -> memref<2x512xf32, #tpu.memory_space<vmem>>
    %dma_start3A_79 = arith.constant 0 : i32
    %dma_start3A_80 = tpu.memref_slice %arg2[%select_n3A, %add3A_66, %dma_start3A_79] : memref<8x512x512xf32, #tpu.memory_space<hbm>> -> memref<1x2x512xf32, #tpu.memory_space<hbm>>
    %dma_start3A_81 = tpu.memref_squeeze %dma_start3A_80 : memref<1x2x512xf32, #tpu.memory_space<hbm>> -> memref<2x512xf32, #tpu.memory_space<hbm>>
    tpu.enqueue_dma source(%dma_start3A_81 : memref<2x512xf32, #tpu.memory_space<hbm>>) target(%dma_start3A_78 : memref<2x512xf32, #tpu.memory_space<vmem>>) target_semaphore(%arg12 : memref<!tpu.dma_semaphore, #tpu.memory_space<semaphore_mem>>)
    %dma_start3A_82 = arith.constant 1 : i32
    %dma_start3A_83 = arith.constant 0 : i32
    %dma_start3A_84 = arith.constant 0 : i32
    %dma_start3A_85 = tpu.memref_slice %arg8[%dma_start3A_82, %dma_start3A_83, %dma_start3A_84] : memref<2x2x512xi32, #tpu.memory_space<vmem>> -> memref<1x2x512xi32, #tpu.memory_space<vmem>>
    %dma_start3A_86 = tpu.memref_squeeze %dma_start3A_85 : memref<1x2x512xi32, #tpu.memory_space<vmem>> -> memref<2x512xi32, #tpu.memory_space<vmem>>
    %dma_start3A_87 = arith.constant 0 : i32
    %dma_start3A_88 = tpu.memref_slice %arg3[%select_n3A, %add3A_66, %dma_start3A_87] : memref<8x512x512xi32, #tpu.memory_space<hbm>> -> memref<1x2x512xi32, #tpu.memory_space<hbm>>
    %dma_start3A_89 = tpu.memref_squeeze %dma_start3A_88 : memref<1x2x512xi32, #tpu.memory_space<hbm>> -> memref<2x512xi32, #tpu.memory_space<hbm>>
    %dma_start3A_90 = arith.constant 0 : i32
    %dma_start3A_91 = arith.constant 0 : i32
    %dma_start3A_92 = tpu.memref_slice %arg8[%dma_start3A_82, %dma_start3A_90, %dma_start3A_91] : memref<2x2x512xi32, #tpu.memory_space<vmem>> -> memref<1x2x512xi32, #tpu.memory_space<vmem>>
    %dma_start3A_93 = tpu.memref_squeeze %dma_start3A_92 : memref<1x2x512xi32, #tpu.memory_space<vmem>> -> memref<2x512xi32, #tpu.memory_space<vmem>>
    %dma_start3A_94 = arith.constant 0 : i32
    %dma_start3A_95 = tpu.memref_slice %arg3[%select_n3A, %add3A_66, %dma_start3A_94] : memref<8x512x512xi32, #tpu.memory_space<hbm>> -> memref<1x2x512xi32, #tpu.memory_space<hbm>>
    %dma_start3A_96 = tpu.memref_squeeze %dma_start3A_95 : memref<1x2x512xi32, #tpu.memory_space<hbm>> -> memref<2x512xi32, #tpu.memory_space<hbm>>
    tpu.enqueue_dma source(%dma_start3A_96 : memref<2x512xi32, #tpu.memory_space<hbm>>) target(%dma_start3A_93 : memref<2x512xi32, #tpu.memory_space<vmem>>) target_semaphore(%arg14 : memref<!tpu.dma_semaphore, #tpu.memory_space<semaphore_mem>>)
    tpu.wait_dma2 semaphore(%arg10 : memref<!tpu.dma_semaphore, #tpu.memory_space<semaphore_mem>>) src(%arg4 : memref<65664xi32, #tpu.memory_space<hbm>>) dst(%arg6 : memref<65664xi32, #tpu.memory_space<vmem>>)
    %scan3A = arith.constant 0 : i32
    %scan3A_97 = arith.constant 0 : i32
    %scan3A_98 = arith.constant 32 : i32
    %scan3A_99 = arith.addi %scan3A_97, %scan3A_98 : i32
    %scan3A_100 = arith.constant 1 : i32
    scf.for %scan3A_143 = %scan3A_97 to %scan3A_99 step %scan3A_100  : i32 {
      %mul3A_144 = arith.constant 2 : i32
      %mul3A_145 = arith.muli %mul3A_144, %scan3A_143 : i32
      %add3A_146 = arith.constant 0 : i32
      %add3A_147 = arith.addi %mul3A_145, %add3A_146 : i32
      %ge3A = arith.constant 2 : i32
      %ge3A_148 = arith.cmpi sge, %add3A_147, %ge3A : i32
      %convert_element_type3A = arith.extui %ge3A_148 : i1 to i32
      %cond3A = arith.constant 0 : i32
      %cond3A_149 = arith.cmpi ne, %convert_element_type3A, %cond3A : i32
      scf.if %cond3A_149 {
        %sub3A_290 = arith.constant 2 : i32
        %sub3A_291 = arith.subi %add3A_147, %sub3A_290 : i32
        %mul3A_292 = arith.constant 2 : i32
        %mul3A_293 = arith.muli %sub3A_291, %mul3A_292 : i32
        %add3A_294 = arith.addi %mul3A_32, %mul3A_293 : i32
        %dma_wait3A_295 = arith.constant 0 : i32
        %dma_wait3A_296 = arith.constant 0 : i32
        %dma_wait3A_297 = arith.constant 0 : i32
        %dma_wait3A_298 = arith.constant 0 : i32
        %dma_wait3A_299 = tpu.memref_slice %arg9[%dma_wait3A_295, %dma_wait3A_296, %dma_wait3A_297, %dma_wait3A_298] : memref<2x16x2x512xf32, #tpu.memory_space<vmem>> -> memref<1x16x2x512xf32, #tpu.memory_space<vmem>>
        %dma_wait3A_300 = tpu.memref_squeeze %dma_wait3A_299 : memref<1x16x2x512xf32, #tpu.memory_space<vmem>> -> memref<16x2x512xf32, #tpu.memory_space<vmem>>
        %dma_wait3A_301 = arith.constant 0 : i32
        %dma_wait3A_302 = arith.constant 0 : i32
        %dma_wait3A_303 = tpu.memref_slice %arg5[%select_n3A, %dma_wait3A_301, %add3A_294, %dma_wait3A_302] : memref<8x16x512x512xf32, #tpu.memory_space<hbm>> -> memref<1x16x2x512xf32, #tpu.memory_space<hbm>>
        %dma_wait3A_304 = tpu.memref_squeeze %dma_wait3A_303 : memref<1x16x2x512xf32, #tpu.memory_space<hbm>> -> memref<16x2x512xf32, #tpu.memory_space<hbm>>
        %dma_wait3A_305 = arith.constant 0 : i32
        %dma_wait3A_306 = arith.constant 0 : i32
        %dma_wait3A_307 = tpu.memref_slice %arg5[%select_n3A, %dma_wait3A_305, %add3A_294, %dma_wait3A_306] : memref<8x16x512x512xf32, #tpu.memory_space<hbm>> -> memref<1x16x2x512xf32, #tpu.memory_space<hbm>>
        %dma_wait3A_308 = tpu.memref_squeeze %dma_wait3A_307 : memref<1x16x2x512xf32, #tpu.memory_space<hbm>> -> memref<16x2x512xf32, #tpu.memory_space<hbm>>
        %dma_wait3A_309 = arith.constant 0 : i32
        %dma_wait3A_310 = arith.constant 0 : i32
        %dma_wait3A_311 = arith.constant 0 : i32
        %dma_wait3A_312 = tpu.memref_slice %arg9[%dma_wait3A_295, %dma_wait3A_309, %dma_wait3A_310, %dma_wait3A_311] : memref<2x16x2x512xf32, #tpu.memory_space<vmem>> -> memref<1x16x2x512xf32, #tpu.memory_space<vmem>>
        %dma_wait3A_313 = tpu.memref_squeeze %dma_wait3A_312 : memref<1x16x2x512xf32, #tpu.memory_space<vmem>> -> memref<16x2x512xf32, #tpu.memory_space<vmem>>
        tpu.wait_dma2 semaphore(%arg15 : memref<!tpu.dma_semaphore, #tpu.memory_space<semaphore_mem>>) src(%dma_wait3A_313 : memref<16x2x512xf32, #tpu.memory_space<vmem>>) dst(%dma_wait3A_308 : memref<16x2x512xf32, #tpu.memory_space<hbm>>)
      } else {
      }
      %mul3A_150 = arith.constant 2 : i32
      %mul3A_151 = arith.muli %add3A_147, %mul3A_150 : i32
      %add3A_152 = arith.addi %mul3A_32, %mul3A_151 : i32
      %dma_wait3A_153 = arith.constant 0 : i32
      %dma_wait3A_154 = arith.constant 0 : i32
      %dma_wait3A_155 = arith.constant 0 : i32
      %dma_wait3A_156 = tpu.memref_slice %arg7[%dma_wait3A_153, %dma_wait3A_154, %dma_wait3A_155] : memref<2x2x512xf32, #tpu.memory_space<vmem>> -> memref<1x2x512xf32, #tpu.memory_space<vmem>>
      %dma_wait3A_157 = tpu.memref_squeeze %dma_wait3A_156 : memref<1x2x512xf32, #tpu.memory_space<vmem>> -> memref<2x512xf32, #tpu.memory_space<vmem>>
      %dma_wait3A_158 = arith.constant 0 : i32
      %dma_wait3A_159 = tpu.memref_slice %arg2[%select_n3A, %add3A_152, %dma_wait3A_158] : memref<8x512x512xf32, #tpu.memory_space<hbm>> -> memref<1x2x512xf32, #tpu.memory_space<hbm>>
      %dma_wait3A_160 = tpu.memref_squeeze %dma_wait3A_159 : memref<1x2x512xf32, #tpu.memory_space<hbm>> -> memref<2x512xf32, #tpu.memory_space<hbm>>
      %dma_wait3A_161 = arith.constant 0 : i32
      %dma_wait3A_162 = arith.constant 0 : i32
      %dma_wait3A_163 = tpu.memref_slice %arg7[%dma_wait3A_153, %dma_wait3A_161, %dma_wait3A_162] : memref<2x2x512xf32, #tpu.memory_space<vmem>> -> memref<1x2x512xf32, #tpu.memory_space<vmem>>
      %dma_wait3A_164 = tpu.memref_squeeze %dma_wait3A_163 : memref<1x2x512xf32, #tpu.memory_space<vmem>> -> memref<2x512xf32, #tpu.memory_space<vmem>>
      %dma_wait3A_165 = arith.constant 0 : i32
      %dma_wait3A_166 = tpu.memref_slice %arg2[%select_n3A, %add3A_152, %dma_wait3A_165] : memref<8x512x512xf32, #tpu.memory_space<hbm>> -> memref<1x2x512xf32, #tpu.memory_space<hbm>>
      %dma_wait3A_167 = tpu.memref_squeeze %dma_wait3A_166 : memref<1x2x512xf32, #tpu.memory_space<hbm>> -> memref<2x512xf32, #tpu.memory_space<hbm>>
      tpu.wait_dma2 semaphore(%arg11 : memref<!tpu.dma_semaphore, #tpu.memory_space<semaphore_mem>>) src(%dma_wait3A_167 : memref<2x512xf32, #tpu.memory_space<hbm>>) dst(%dma_wait3A_164 : memref<2x512xf32, #tpu.memory_space<vmem>>)
      %dma_wait3A_168 = arith.constant 0 : i32
      %dma_wait3A_169 = arith.constant 0 : i32
      %dma_wait3A_170 = arith.constant 0 : i32
      %dma_wait3A_171 = tpu.memref_slice %arg8[%dma_wait3A_168, %dma_wait3A_169, %dma_wait3A_170] : memref<2x2x512xi32, #tpu.memory_space<vmem>> -> memref<1x2x512xi32, #tpu.memory_space<vmem>>
      %dma_wait3A_172 = tpu.memref_squeeze %dma_wait3A_171 : memref<1x2x512xi32, #tpu.memory_space<vmem>> -> memref<2x512xi32, #tpu.memory_space<vmem>>
      %dma_wait3A_173 = arith.constant 0 : i32
      %dma_wait3A_174 = tpu.memref_slice %arg3[%select_n3A, %add3A_152, %dma_wait3A_173] : memref<8x512x512xi32, #tpu.memory_space<hbm>> -> memref<1x2x512xi32, #tpu.memory_space<hbm>>
      %dma_wait3A_175 = tpu.memref_squeeze %dma_wait3A_174 : memref<1x2x512xi32, #tpu.memory_space<hbm>> -> memref<2x512xi32, #tpu.memory_space<hbm>>
      %dma_wait3A_176 = arith.constant 0 : i32
      %dma_wait3A_177 = arith.constant 0 : i32
      %dma_wait3A_178 = tpu.memref_slice %arg8[%dma_wait3A_168, %dma_wait3A_176, %dma_wait3A_177] : memref<2x2x512xi32, #tpu.memory_space<vmem>> -> memref<1x2x512xi32, #tpu.memory_space<vmem>>
      %dma_wait3A_179 = tpu.memref_squeeze %dma_wait3A_178 : memref<1x2x512xi32, #tpu.memory_space<vmem>> -> memref<2x512xi32, #tpu.memory_space<vmem>>
      %dma_wait3A_180 = arith.constant 0 : i32
      %dma_wait3A_181 = tpu.memref_slice %arg3[%select_n3A, %add3A_152, %dma_wait3A_180] : memref<8x512x512xi32, #tpu.memory_space<hbm>> -> memref<1x2x512xi32, #tpu.memory_space<hbm>>
      %dma_wait3A_182 = tpu.memref_squeeze %dma_wait3A_181 : memref<1x2x512xi32, #tpu.memory_space<hbm>> -> memref<2x512xi32, #tpu.memory_space<hbm>>
      tpu.wait_dma2 semaphore(%arg13 : memref<!tpu.dma_semaphore, #tpu.memory_space<semaphore_mem>>) src(%dma_wait3A_182 : memref<2x512xi32, #tpu.memory_space<hbm>>) dst(%dma_wait3A_179 : memref<2x512xi32, #tpu.memory_space<vmem>>)
      %parallel_loop3A = arith.constant 0 : i32
      %parallel_loop3A_183 = arith.constant 32 : i32
      %parallel_loop3A_184 = arith.constant 1 : i32
      scf.for %parallel_loop3A_290 = %parallel_loop3A to %parallel_loop3A_183 step %parallel_loop3A_184  : i32 {
        %parallel_loop3A_291 = arith.constant 16 : i32
        %parallel_loop3A_292 = arith.muli %parallel_loop3A_290, %parallel_loop3A_291 : i32
        %parallel_loop3A_293 = arith.constant 0 : i32
        %parallel_loop3A_294 = arith.constant 0 : i32
        %parallel_loop3A_295 = arith.index_cast %parallel_loop3A_293 : i32 to index
        %parallel_loop3A_296 = arith.index_cast %parallel_loop3A_294 : i32 to index
        %parallel_loop3A_297 = arith.index_cast %parallel_loop3A_292 : i32 to index
        %parallel_loop3A_298 = tpu.vector_load %arg8[%parallel_loop3A_295, %parallel_loop3A_296, %parallel_loop3A_297] {strides = array<i32>} : memref<2x2x512xi32, #tpu.memory_space<vmem>>, vector<16xi32>,
        %parallel_loop3A_299 = arith.constant 16 : i32
        %parallel_loop3A_300 = vector.broadcast %parallel_loop3A_299 : i32 to vector<16xi32>
        %parallel_loop3A_301 = arith.muli %parallel_loop3A_298, %parallel_loop3A_300 : vector<16xi32>
        %parallel_loop3A_302 = arith.addi %parallel_loop3A_301, %iota3A : vector<16xi32>
        %parallel_loop3A_303 = arith.constant 0 : i32
        %parallel_loop3A_304 = arith.constant 0 : i32
        %parallel_loop3A_305 = arith.index_cast %parallel_loop3A_303 : i32 to index
        %parallel_loop3A_306 = arith.index_cast %parallel_loop3A_304 : i32 to index
        %parallel_loop3A_307 = arith.index_cast %parallel_loop3A_292 : i32 to index
        %parallel_loop3A_308 = tpu.vector_load %arg7[%parallel_loop3A_305, %parallel_loop3A_306, %parallel_loop3A_307] {strides = array<i32>} : memref<2x2x512xf32, #tpu.memory_space<vmem>>, vector<16xf32>,
        %parallel_loop3A_309 = arith.constant 2.000000e+00 : f32
        %parallel_loop3A_310 = vector.broadcast %parallel_loop3A_309 : f32 to vector<16xf32>
        %parallel_loop3A_311 = arith.mulf %parallel_loop3A_308, %parallel_loop3A_310 : vector<16xf32>
        %parallel_loop3A_312 = arith.constant 0 : i32
        %parallel_loop3A_313 = tpu.memref_slice %arg6[%parallel_loop3A_312] : memref<65664xi32, #tpu.memory_space<vmem>> -> memref<8208xi32, #tpu.memory_space<vmem>>
        %parallel_loop3A_314 = tpu.vector_load_idx %parallel_loop3A_313[%parallel_loop3A_302] : memref<8208xi32, #tpu.memory_space<vmem>>[vector<16xi32>], vector<16xi32>,
        %parallel_loop3A_315 = arith.constant 16 : i32
        %parallel_loop3A_316 = vector.broadcast %parallel_loop3A_315 : i32 to vector<16xi32>
        %parallel_loop3A_317 = arith.shli %parallel_loop3A_314, %parallel_loop3A_316 : vector<16xi32>
        %parallel_loop3A_318 = vector.bitcast %parallel_loop3A_317 : vector<16xi32> to vector<16xf32>
        %parallel_loop3A_319 = arith.andi %parallel_loop3A_314, %broadcast_in_dim3A_33 : vector<16xi32>
        %parallel_loop3A_320 = vector.bitcast %parallel_loop3A_319 : vector<16xi32> to vector<16xf32>
        %parallel_loop3A_321 = arith.addf %parallel_loop3A_311, %parallel_loop3A_318 : vector<16xf32>
        %parallel_loop3A_322 = arith.constant 0 : i32
        %parallel_loop3A_323 = arith.constant 0 : i32
        %parallel_loop3A_324 = arith.constant 0 : i32
        %parallel_loop3A_325 = arith.index_cast %parallel_loop3A_322 : i32 to index
        %parallel_loop3A_326 = arith.index_cast %parallel_loop3A_323 : i32 to index
        %parallel_loop3A_327 = arith.index_cast %parallel_loop3A_324 : i32 to index
        %parallel_loop3A_328 = arith.index_cast %parallel_loop3A_292 : i32 to index
        %parallel_loop3A_329 = tpu.vector_load %arg9[%parallel_loop3A_325, %parallel_loop3A_326, %parallel_loop3A_327, %parallel_loop3A_328] {strides = array<i32>} : memref<2x16x2x512xf32, #tpu.memory_space<vmem>>, vector<16xf32>,
        tpu.vector_store %arg9[%parallel_loop3A_325, %parallel_loop3A_326, %parallel_loop3A_327, %parallel_loop3A_328], %parallel_loop3A_321 {strides = array<i32>} : memref<2x16x2x512xf32, #tpu.memory_space<vmem>>, vector<16xf32>,
        %parallel_loop3A_330 = arith.addf %parallel_loop3A_311, %parallel_loop3A_320 : vector<16xf32>
        %parallel_loop3A_331 = arith.constant 0 : i32
        %parallel_loop3A_332 = arith.constant 1 : i32
        %parallel_loop3A_333 = arith.constant 0 : i32
        %parallel_loop3A_334 = arith.index_cast %parallel_loop3A_331 : i32 to index
        %parallel_loop3A_335 = arith.index_cast %parallel_loop3A_332 : i32 to index
        %parallel_loop3A_336 = arith.index_cast %parallel_loop3A_333 : i32 to index
        %parallel_loop3A_337 = arith.index_cast %parallel_loop3A_292 : i32 to index
        %parallel_loop3A_338 = tpu.vector_load %arg9[%parallel_loop3A_334, %parallel_loop3A_335, %parallel_loop3A_336, %parallel_loop3A_337] {strides = array<i32>} : memref<2x16x2x512xf32, #tpu.memory_space<vmem>>, vector<16xf32>,
        tpu.vector_store %arg9[%parallel_loop3A_334, %parallel_loop3A_335, %parallel_loop3A_336, %parallel_loop3A_337], %parallel_loop3A_330 {strides = array<i32>} : memref<2x16x2x512xf32, #tpu.memory_space<vmem>>, vector<16xf32>,
        %parallel_loop3A_339 = arith.constant 8208 : i32
        %parallel_loop3A_340 = tpu.memref_slice %arg6[%parallel_loop3A_339] : memref<65664xi32, #tpu.memory_space<vmem>> -> memref<8208xi32, #tpu.memory_space<vmem>>
        %parallel_loop3A_341 = tpu.vector_load_idx %parallel_loop3A_340[%parallel_loop3A_302] : memref<8208xi32, #tpu.memory_space<vmem>>[vector<16xi32>], vector<16xi32>,
        %parallel_loop3A_342 = arith.constant 16 : i32
        %parallel_loop3A_343 = vector.broadcast %parallel_loop3A_342 : i32 to vector<16xi32>
        %parallel_loop3A_344 = arith.shli %parallel_loop3A_341, %parallel_loop3A_343 : vector<16xi32>
        %parallel_loop3A_345 = vector.bitcast %parallel_loop3A_344 : vector<16xi32> to vector<16xf32>
        %parallel_loop3A_346 = arith.andi %parallel_loop3A_341, %broadcast_in_dim3A_33 : vector<16xi32>
        %parallel_loop3A_347 = vector.bitcast %parallel_loop3A_346 : vector<16xi32> to vector<16xf32>
        %parallel_loop3A_348 = arith.addf %parallel_loop3A_311, %parallel_loop3A_345 : vector<16xf32>
        %parallel_loop3A_349 = arith.constant 0 : i32
        %parallel_loop3A_350 = arith.constant 2 : i32
        %parallel_loop3A_351 = arith.constant 0 : i32
        %parallel_loop3A_352 = arith.index_cast %parallel_loop3A_349 : i32 to index
        %parallel_loop3A_353 = arith.index_cast %parallel_loop3A_350 : i32 to index
        %parallel_loop3A_354 = arith.index_cast %parallel_loop3A_351 : i32 to index
        %parallel_loop3A_355 = arith.index_cast %parallel_loop3A_292 : i32 to index
        %parallel_loop3A_356 = tpu.vector_load %arg9[%parallel_loop3A_352, %parallel_loop3A_353, %parallel_loop3A_354, %parallel_loop3A_355] {strides = array<i32>} : memref<2x16x2x512xf32, #tpu.memory_space<vmem>>, vector<16xf32>,
        tpu.vector_store %arg9[%parallel_loop3A_352, %parallel_loop3A_353, %parallel_loop3A_354, %parallel_loop3A_355], %parallel_loop3A_348 {strides = array<i32>} : memref<2x16x2x512xf32, #tpu.memory_space<vmem>>, vector<16xf32>,
        %parallel_loop3A_357 = arith.addf %parallel_loop3A_311, %parallel_loop3A_347 : vector<16xf32>
        %parallel_loop3A_358 = arith.constant 0 : i32
        %parallel_loop3A_359 = arith.constant 3 : i32
        %parallel_loop3A_360 = arith.constant 0 : i32
        %parallel_loop3A_361 = arith.index_cast %parallel_loop3A_358 : i32 to index
        %parallel_loop3A_362 = arith.index_cast %parallel_loop3A_359 : i32 to index
        %parallel_loop3A_363 = arith.index_cast %parallel_loop3A_360 : i32 to index
        %parallel_loop3A_364 = arith.index_cast %parallel_loop3A_292 : i32 to index
        %parallel_loop3A_365 = tpu.vector_load %arg9[%parallel_loop3A_361, %parallel_loop3A_362, %parallel_loop3A_363, %parallel_loop3A_364] {strides = array<i32>} : memref<2x16x2x512xf32, #tpu.memory_space<vmem>>, vector<16xf32>,
        tpu.vector_store %arg9[%parallel_loop3A_361, %parallel_loop3A_362, %parallel_loop3A_363, %parallel_loop3A_364], %parallel_loop3A_357 {strides = array<i32>} : memref<2x16x2x512xf32, #tpu.memory_space<vmem>>, vector<16xf32>,
        %parallel_loop3A_366 = arith.constant 16416 : i32
        %parallel_loop3A_367 = tpu.memref_slice %arg6[%parallel_loop3A_366] : memref<65664xi32, #tpu.memory_space<vmem>> -> memref<8208xi32, #tpu.memory_space<vmem>>
        %parallel_loop3A_368 = tpu.vector_load_idx %parallel_loop3A_367[%parallel_loop3A_302] : memref<8208xi32, #tpu.memory_space<vmem>>[vector<16xi32>], vector<16xi32>,
        %parallel_loop3A_369 = arith.constant 16 : i32
        %parallel_loop3A_370 = vector.broadcast %parallel_loop3A_369 : i32 to vector<16xi32>
        %parallel_loop3A_371 = arith.shli %parallel_loop3A_368, %parallel_loop3A_370 : vector<16xi32>
        %parallel_loop3A_372 = vector.bitcast %parallel_loop3A_371 : vector<16xi32> to vector<16xf32>
        %parallel_loop3A_373 = arith.andi %parallel_loop3A_368, %broadcast_in_dim3A_33 : vector<16xi32>
        %parallel_loop3A_374 = vector.bitcast %parallel_loop3A_373 : vector<16xi32> to vector<16xf32>
        %parallel_loop3A_375 = arith.addf %parallel_loop3A_311, %parallel_loop3A_372 : vector<16xf32>
        %parallel_loop3A_376 = arith.constant 0 : i32
        %parallel_loop3A_377 = arith.constant 4 : i32
        %parallel_loop3A_378 = arith.constant 0 : i32
        %parallel_loop3A_379 = arith.index_cast %parallel_loop3A_376 : i32 to index
        %parallel_loop3A_380 = arith.index_cast %parallel_loop3A_377 : i32 to index
        %parallel_loop3A_381 = arith.index_cast %parallel_loop3A_378 : i32 to index
        %parallel_loop3A_382 = arith.index_cast %parallel_loop3A_292 : i32 to index
        %parallel_loop3A_383 = tpu.vector_load %arg9[%parallel_loop3A_379, %parallel_loop3A_380, %parallel_loop3A_381, %parallel_loop3A_382] {strides = array<i32>} : memref<2x16x2x512xf32, #tpu.memory_space<vmem>>, vector<16xf32>,
        tpu.vector_store %arg9[%parallel_loop3A_379, %parallel_loop3A_380, %parallel_loop3A_381, %parallel_loop3A_382], %parallel_loop3A_375 {strides = array<i32>} : memref<2x16x2x512xf32, #tpu.memory_space<vmem>>, vector<16xf32>,
        %parallel_loop3A_384 = arith.addf %parallel_loop3A_311, %parallel_loop3A_374 : vector<16xf32>
        %parallel_loop3A_385 = arith.constant 0 : i32
        %parallel_loop3A_386 = arith.constant 5 : i32
        %parallel_loop3A_387 = arith.constant 0 : i32
        %parallel_loop3A_388 = arith.index_cast %parallel_loop3A_385 : i32 to index
        %parallel_loop3A_389 = arith.index_cast %parallel_loop3A_386 : i32 to index
        %parallel_loop3A_390 = arith.index_cast %parallel_loop3A_387 : i32 to index
        %parallel_loop3A_391 = arith.index_cast %parallel_loop3A_292 : i32 to index
        %parallel_loop3A_392 = tpu.vector_load %arg9[%parallel_loop3A_388, %parallel_loop3A_389, %parallel_loop3A_390, %parallel_loop3A_391] {strides = array<i32>} : memref<2x16x2x512xf32, #tpu.memory_space<vmem>>, vector<16xf32>,
        tpu.vector_store %arg9[%parallel_loop3A_388, %parallel_loop3A_389, %parallel_loop3A_390, %parallel_loop3A_391], %parallel_loop3A_384 {strides = array<i32>} : memref<2x16x2x512xf32, #tpu.memory_space<vmem>>, vector<16xf32>,
        %parallel_loop3A_393 = arith.constant 24624 : i32
        %parallel_loop3A_394 = tpu.memref_slice %arg6[%parallel_loop3A_393] : memref<65664xi32, #tpu.memory_space<vmem>> -> memref<8208xi32, #tpu.memory_space<vmem>>
        %parallel_loop3A_395 = tpu.vector_load_idx %parallel_loop3A_394[%parallel_loop3A_302] : memref<8208xi32, #tpu.memory_space<vmem>>[vector<16xi32>], vector<16xi32>,
        %parallel_loop3A_396 = arith.constant 16 : i32
        %parallel_loop3A_397 = vector.broadcast %parallel_loop3A_396 : i32 to vector<16xi32>
        %parallel_loop3A_398 = arith.shli %parallel_loop3A_395, %parallel_loop3A_397 : vector<16xi32>
        %parallel_loop3A_399 = vector.bitcast %parallel_loop3A_398 : vector<16xi32> to vector<16xf32>
        %parallel_loop3A_400 = arith.andi %parallel_loop3A_395, %broadcast_in_dim3A_33 : vector<16xi32>
        %parallel_loop3A_401 = vector.bitcast %parallel_loop3A_400 : vector<16xi32> to vector<16xf32>
        %parallel_loop3A_402 = arith.addf %parallel_loop3A_311, %parallel_loop3A_399 : vector<16xf32>
        %parallel_loop3A_403 = arith.constant 0 : i32
        %parallel_loop3A_404 = arith.constant 6 : i32
        %parallel_loop3A_405 = arith.constant 0 : i32
        %parallel_loop3A_406 = arith.index_cast %parallel_loop3A_403 : i32 to index
        %parallel_loop3A_407 = arith.index_cast %parallel_loop3A_404 : i32 to index
        %parallel_loop3A_408 = arith.index_cast %parallel_loop3A_405 : i32 to index
        %parallel_loop3A_409 = arith.index_cast %parallel_loop3A_292 : i32 to index
        %parallel_loop3A_410 = tpu.vector_load %arg9[%parallel_loop3A_406, %parallel_loop3A_407, %parallel_loop3A_408, %parallel_loop3A_409] {strides = array<i32>} : memref<2x16x2x512xf32, #tpu.memory_space<vmem>>, vector<16xf32>,
        tpu.vector_store %arg9[%parallel_loop3A_406, %parallel_loop3A_407, %parallel_loop3A_408, %parallel_loop3A_409], %parallel_loop3A_402 {strides = array<i32>} : memref<2x16x2x512xf32, #tpu.memory_space<vmem>>, vector<16xf32>,
        %parallel_loop3A_411 = arith.addf %parallel_loop3A_311, %parallel_loop3A_401 : vector<16xf32>
        %parallel_loop3A_412 = arith.constant 0 : i32
        %parallel_loop3A_413 = arith.constant 7 : i32
        %parallel_loop3A_414 = arith.constant 0 : i32
        %parallel_loop3A_415 = arith.index_cast %parallel_loop3A_412 : i32 to index
        %parallel_loop3A_416 = arith.index_cast %parallel_loop3A_413 : i32 to index
        %parallel_loop3A_417 = arith.index_cast %parallel_loop3A_414 : i32 to index
        %parallel_loop3A_418 = arith.index_cast %parallel_loop3A_292 : i32 to index
        %parallel_loop3A_419 = tpu.vector_load %arg9[%parallel_loop3A_415, %parallel_loop3A_416, %parallel_loop3A_417, %parallel_loop3A_418] {strides = array<i32>} : memref<2x16x2x512xf32, #tpu.memory_space<vmem>>, vector<16xf32>,
        tpu.vector_store %arg9[%parallel_loop3A_415, %parallel_loop3A_416, %parallel_loop3A_417, %parallel_loop3A_418], %parallel_loop3A_411 {strides = array<i32>} : memref<2x16x2x512xf32, #tpu.memory_space<vmem>>, vector<16xf32>,
        %parallel_loop3A_420 = arith.constant 32832 : i32
        %parallel_loop3A_421 = tpu.memref_slice %arg6[%parallel_loop3A_420] : memref<65664xi32, #tpu.memory_space<vmem>> -> memref<8208xi32, #tpu.memory_space<vmem>>
        %parallel_loop3A_422 = tpu.vector_load_idx %parallel_loop3A_421[%parallel_loop3A_302] : memref<8208xi32, #tpu.memory_space<vmem>>[vector<16xi32>], vector<16xi32>,
        %parallel_loop3A_423 = arith.constant 16 : i32
        %parallel_loop3A_424 = vector.broadcast %parallel_loop3A_423 : i32 to vector<16xi32>
        %parallel_loop3A_425 = arith.shli %parallel_loop3A_422, %parallel_loop3A_424 : vector<16xi32>
        %parallel_loop3A_426 = vector.bitcast %parallel_loop3A_425 : vector<16xi32> to vector<16xf32>
        %parallel_loop3A_427 = arith.andi %parallel_loop3A_422, %broadcast_in_dim3A_33 : vector<16xi32>
        %parallel_loop3A_428 = vector.bitcast %parallel_loop3A_427 : vector<16xi32> to vector<16xf32>
        %parallel_loop3A_429 = arith.addf %parallel_loop3A_311, %parallel_loop3A_426 : vector<16xf32>
        %parallel_loop3A_430 = arith.constant 0 : i32
        %parallel_loop3A_431 = arith.constant 8 : i32
        %parallel_loop3A_432 = arith.constant 0 : i32
        %parallel_loop3A_433 = arith.index_cast %parallel_loop3A_430 : i32 to index
        %parallel_loop3A_434 = arith.index_cast %parallel_loop3A_431 : i32 to index
        %parallel_loop3A_435 = arith.index_cast %parallel_loop3A_432 : i32 to index
        %parallel_loop3A_436 = arith.index_cast %parallel_loop3A_292 : i32 to index
        %parallel_loop3A_437 = tpu.vector_load %arg9[%parallel_loop3A_433, %parallel_loop3A_434, %parallel_loop3A_435, %parallel_loop3A_436] {strides = array<i32>} : memref<2x16x2x512xf32, #tpu.memory_space<vmem>>, vector<16xf32>,
        tpu.vector_store %arg9[%parallel_loop3A_433, %parallel_loop3A_434, %parallel_loop3A_435, %parallel_loop3A_436], %parallel_loop3A_429 {strides = array<i32>} : memref<2x16x2x512xf32, #tpu.memory_space<vmem>>, vector<16xf32>,
        %parallel_loop3A_438 = arith.addf %parallel_loop3A_311, %parallel_loop3A_428 : vector<16xf32>
        %parallel_loop3A_439 = arith.constant 0 : i32
        %parallel_loop3A_440 = arith.constant 9 : i32
        %parallel_loop3A_441 = arith.constant 0 : i32
        %parallel_loop3A_442 = arith.index_cast %parallel_loop3A_439 : i32 to index
        %parallel_loop3A_443 = arith.index_cast %parallel_loop3A_440 : i32 to index
        %parallel_loop3A_444 = arith.index_cast %parallel_loop3A_441 : i32 to index
        %parallel_loop3A_445 = arith.index_cast %parallel_loop3A_292 : i32 to index
        %parallel_loop3A_446 = tpu.vector_load %arg9[%parallel_loop3A_442, %parallel_loop3A_443, %parallel_loop3A_444, %parallel_loop3A_445] {strides = array<i32>} : memref<2x16x2x512xf32, #tpu.memory_space<vmem>>, vector<16xf32>,
        tpu.vector_store %arg9[%parallel_loop3A_442, %parallel_loop3A_443, %parallel_loop3A_444, %parallel_loop3A_445], %parallel_loop3A_438 {strides = array<i32>} : memref<2x16x2x512xf32, #tpu.memory_space<vmem>>, vector<16xf32>,
        %parallel_loop3A_447 = arith.constant 41040 : i32
        %parallel_loop3A_448 = tpu.memref_slice %arg6[%parallel_loop3A_447] : memref<65664xi32, #tpu.memory_space<vmem>> -> memref<8208xi32, #tpu.memory_space<vmem>>
        %parallel_loop3A_449 = tpu.vector_load_idx %parallel_loop3A_448[%parallel_loop3A_302] : memref<8208xi32, #tpu.memory_space<vmem>>[vector<16xi32>], vector<16xi32>,
        %parallel_loop3A_450 = arith.constant 16 : i32
        %parallel_loop3A_451 = vector.broadcast %parallel_loop3A_450 : i32 to vector<16xi32>
        %parallel_loop3A_452 = arith.shli %parallel_loop3A_449, %parallel_loop3A_451 : vector<16xi32>
        %parallel_loop3A_453 = vector.bitcast %parallel_loop3A_452 : vector<16xi32> to vector<16xf32>
        %parallel_loop3A_454 = arith.andi %parallel_loop3A_449, %broadcast_in_dim3A_33 : vector<16xi32>
        %parallel_loop3A_455 = vector.bitcast %parallel_loop3A_454 : vector<16xi32> to vector<16xf32>
        %parallel_loop3A_456 = arith.addf %parallel_loop3A_311, %parallel_loop3A_453 : vector<16xf32>
        %parallel_loop3A_457 = arith.constant 0 : i32
        %parallel_loop3A_458 = arith.constant 10 : i32
        %parallel_loop3A_459 = arith.constant 0 : i32
        %parallel_loop3A_460 = arith.index_cast %parallel_loop3A_457 : i32 to index
        %parallel_loop3A_461 = arith.index_cast %parallel_loop3A_458 : i32 to index
        %parallel_loop3A_462 = arith.index_cast %parallel_loop3A_459 : i32 to index
        %parallel_loop3A_463 = arith.index_cast %parallel_loop3A_292 : i32 to index
        %parallel_loop3A_464 = tpu.vector_load %arg9[%parallel_loop3A_460, %parallel_loop3A_461, %parallel_loop3A_462, %parallel_loop3A_463] {strides = array<i32>} : memref<2x16x2x512xf32, #tpu.memory_space<vmem>>, vector<16xf32>,
        tpu.vector_store %arg9[%parallel_loop3A_460, %parallel_loop3A_461, %parallel_loop3A_462, %parallel_loop3A_463], %parallel_loop3A_456 {strides = array<i32>} : memref<2x16x2x512xf32, #tpu.memory_space<vmem>>, vector<16xf32>,
        %parallel_loop3A_465 = arith.addf %parallel_loop3A_311, %parallel_loop3A_455 : vector<16xf32>
        %parallel_loop3A_466 = arith.constant 0 : i32
        %parallel_loop3A_467 = arith.constant 11 : i32
        %parallel_loop3A_468 = arith.constant 0 : i32
        %parallel_loop3A_469 = arith.index_cast %parallel_loop3A_466 : i32 to index
        %parallel_loop3A_470 = arith.index_cast %parallel_loop3A_467 : i32 to index
        %parallel_loop3A_471 = arith.index_cast %parallel_loop3A_468 : i32 to index
        %parallel_loop3A_472 = arith.index_cast %parallel_loop3A_292 : i32 to index
        %parallel_loop3A_473 = tpu.vector_load %arg9[%parallel_loop3A_469, %parallel_loop3A_470, %parallel_loop3A_471, %parallel_loop3A_472] {strides = array<i32>} : memref<2x16x2x512xf32, #tpu.memory_space<vmem>>, vector<16xf32>,
        tpu.vector_store %arg9[%parallel_loop3A_469, %parallel_loop3A_470, %parallel_loop3A_471, %parallel_loop3A_472], %parallel_loop3A_465 {strides = array<i32>} : memref<2x16x2x512xf32, #tpu.memory_space<vmem>>, vector<16xf32>,
        %parallel_loop3A_474 = arith.constant 49248 : i32
        %parallel_loop3A_475 = tpu.memref_slice %arg6[%parallel_loop3A_474] : memref<65664xi32, #tpu.memory_space<vmem>> -> memref<8208xi32, #tpu.memory_space<vmem>>
        %parallel_loop3A_476 = tpu.vector_load_idx %parallel_loop3A_475[%parallel_loop3A_302] : memref<8208xi32, #tpu.memory_space<vmem>>[vector<16xi32>], vector<16xi32>,
        %parallel_loop3A_477 = arith.constant 16 : i32
        %parallel_loop3A_478 = vector.broadcast %parallel_loop3A_477 : i32 to vector<16xi32>
        %parallel_loop3A_479 = arith.shli %parallel_loop3A_476, %parallel_loop3A_478 : vector<16xi32>
        %parallel_loop3A_480 = vector.bitcast %parallel_loop3A_479 : vector<16xi32> to vector<16xf32>
        %parallel_loop3A_481 = arith.andi %parallel_loop3A_476, %broadcast_in_dim3A_33 : vector<16xi32>
        %parallel_loop3A_482 = vector.bitcast %parallel_loop3A_481 : vector<16xi32> to vector<16xf32>
        %parallel_loop3A_483 = arith.addf %parallel_loop3A_311, %parallel_loop3A_480 : vector<16xf32>
        %parallel_loop3A_484 = arith.constant 0 : i32
        %parallel_loop3A_485 = arith.constant 12 : i32
        %parallel_loop3A_486 = arith.constant 0 : i32
        %parallel_loop3A_487 = arith.index_cast %parallel_loop3A_484 : i32 to index
        %parallel_loop3A_488 = arith.index_cast %parallel_loop3A_485 : i32 to index
        %parallel_loop3A_489 = arith.index_cast %parallel_loop3A_486 : i32 to index
        %parallel_loop3A_490 = arith.index_cast %parallel_loop3A_292 : i32 to index
        %parallel_loop3A_491 = tpu.vector_load %arg9[%parallel_loop3A_487, %parallel_loop3A_488, %parallel_loop3A_489, %parallel_loop3A_490] {strides = array<i32>} : memref<2x16x2x512xf32, #tpu.memory_space<vmem>>, vector<16xf32>,
        tpu.vector_store %arg9[%parallel_loop3A_487, %parallel_loop3A_488, %parallel_loop3A_489, %parallel_loop3A_490], %parallel_loop3A_483 {strides = array<i32>} : memref<2x16x2x512xf32, #tpu.memory_space<vmem>>, vector<16xf32>,
        %parallel_loop3A_492 = arith.addf %parallel_loop3A_311, %parallel_loop3A_482 : vector<16xf32>
        %parallel_loop3A_493 = arith.constant 0 : i32
        %parallel_loop3A_494 = arith.constant 13 : i32
        %parallel_loop3A_495 = arith.constant 0 : i32
        %parallel_loop3A_496 = arith.index_cast %parallel_loop3A_493 : i32 to index
        %parallel_loop3A_497 = arith.index_cast %parallel_loop3A_494 : i32 to index
        %parallel_loop3A_498 = arith.index_cast %parallel_loop3A_495 : i32 to index
        %parallel_loop3A_499 = arith.index_cast %parallel_loop3A_292 : i32 to index
        %parallel_loop3A_500 = tpu.vector_load %arg9[%parallel_loop3A_496, %parallel_loop3A_497, %parallel_loop3A_498, %parallel_loop3A_499] {strides = array<i32>} : memref<2x16x2x512xf32, #tpu.memory_space<vmem>>, vector<16xf32>,
        tpu.vector_store %arg9[%parallel_loop3A_496, %parallel_loop3A_497, %parallel_loop3A_498, %parallel_loop3A_499], %parallel_loop3A_492 {strides = array<i32>} : memref<2x16x2x512xf32, #tpu.memory_space<vmem>>, vector<16xf32>,
        %parallel_loop3A_501 = arith.constant 57456 : i32
        %parallel_loop3A_502 = tpu.memref_slice %arg6[%parallel_loop3A_501] : memref<65664xi32, #tpu.memory_space<vmem>> -> memref<8208xi32, #tpu.memory_space<vmem>>
        %parallel_loop3A_503 = tpu.vector_load_idx %parallel_loop3A_502[%parallel_loop3A_302] : memref<8208xi32, #tpu.memory_space<vmem>>[vector<16xi32>], vector<16xi32>,
        %parallel_loop3A_504 = arith.constant 16 : i32
        %parallel_loop3A_505 = vector.broadcast %parallel_loop3A_504 : i32 to vector<16xi32>
        %parallel_loop3A_506 = arith.shli %parallel_loop3A_503, %parallel_loop3A_505 : vector<16xi32>
        %parallel_loop3A_507 = vector.bitcast %parallel_loop3A_506 : vector<16xi32> to vector<16xf32>
        %parallel_loop3A_508 = arith.andi %parallel_loop3A_503, %broadcast_in_dim3A_33 : vector<16xi32>
        %parallel_loop3A_509 = vector.bitcast %parallel_loop3A_508 : vector<16xi32> to vector<16xf32>
        %parallel_loop3A_510 = arith.addf %parallel_loop3A_311, %parallel_loop3A_507 : vector<16xf32>
        %parallel_loop3A_511 = arith.constant 0 : i32
        %parallel_loop3A_512 = arith.constant 14 : i32
        %parallel_loop3A_513 = arith.constant 0 : i32
        %parallel_loop3A_514 = arith.index_cast %parallel_loop3A_511 : i32 to index
        %parallel_loop3A_515 = arith.index_cast %parallel_loop3A_512 : i32 to index
        %parallel_loop3A_516 = arith.index_cast %parallel_loop3A_513 : i32 to index
        %parallel_loop3A_517 = arith.index_cast %parallel_loop3A_292 : i32 to index
        %parallel_loop3A_518 = tpu.vector_load %arg9[%parallel_loop3A_514, %parallel_loop3A_515, %parallel_loop3A_516, %parallel_loop3A_517] {strides = array<i32>} : memref<2x16x2x512xf32, #tpu.memory_space<vmem>>, vector<16xf32>,
        tpu.vector_store %arg9[%parallel_loop3A_514, %parallel_loop3A_515, %parallel_loop3A_516, %parallel_loop3A_517], %parallel_loop3A_510 {strides = array<i32>} : memref<2x16x2x512xf32, #tpu.memory_space<vmem>>, vector<16xf32>,
        %parallel_loop3A_519 = arith.addf %parallel_loop3A_311, %parallel_loop3A_509 : vector<16xf32>
        %parallel_loop3A_520 = arith.constant 0 : i32
        %parallel_loop3A_521 = arith.constant 15 : i32
        %parallel_loop3A_522 = arith.constant 0 : i32
        %parallel_loop3A_523 = arith.index_cast %parallel_loop3A_520 : i32 to index
        %parallel_loop3A_524 = arith.index_cast %parallel_loop3A_521 : i32 to index
        %parallel_loop3A_525 = arith.index_cast %parallel_loop3A_522 : i32 to index
        %parallel_loop3A_526 = arith.index_cast %parallel_loop3A_292 : i32 to index
        %parallel_loop3A_527 = tpu.vector_load %arg9[%parallel_loop3A_523, %parallel_loop3A_524, %parallel_loop3A_525, %parallel_loop3A_526] {strides = array<i32>} : memref<2x16x2x512xf32, #tpu.memory_space<vmem>>, vector<16xf32>,
        tpu.vector_store %arg9[%parallel_loop3A_523, %parallel_loop3A_524, %parallel_loop3A_525, %parallel_loop3A_526], %parallel_loop3A_519 {strides = array<i32>} : memref<2x16x2x512xf32, #tpu.memory_space<vmem>>, vector<16xf32>,
      } {sc.loop_unroll_factor = 4 : i64, sc.parallel_access}
      %parallel_loop3A_185 = arith.constant 0 : i32
      %parallel_loop3A_186 = arith.constant 32 : i32
      %parallel_loop3A_187 = arith.constant 1 : i32
      scf.for %parallel_loop3A_290 = %parallel_loop3A_185 to %parallel_loop3A_186 step %parallel_loop3A_187  : i32 {
        %parallel_loop3A_291 = arith.constant 16 : i32
        %parallel_loop3A_292 = arith.muli %parallel_loop3A_290, %parallel_loop3A_291 : i32
        %parallel_loop3A_293 = arith.constant 0 : i32
        %parallel_loop3A_294 = arith.constant 1 : i32
        %parallel_loop3A_295 = arith.index_cast %parallel_loop3A_293 : i32 to index
        %parallel_loop3A_296 = arith.index_cast %parallel_loop3A_294 : i32 to index
        %parallel_loop3A_297 = arith.index_cast %parallel_loop3A_292 : i32 to index
        %parallel_loop3A_298 = tpu.vector_load %arg8[%parallel_loop3A_295, %parallel_loop3A_296, %parallel_loop3A_297] {strides = array<i32>} : memref<2x2x512xi32, #tpu.memory_space<vmem>>, vector<16xi32>,
        %parallel_loop3A_299 = arith.constant 16 : i32
        %parallel_loop3A_300 = vector.broadcast %parallel_loop3A_299 : i32 to vector<16xi32>
        %parallel_loop3A_301 = arith.muli %parallel_loop3A_298, %parallel_loop3A_300 : vector<16xi32>
        %parallel_loop3A_302 = arith.addi %parallel_loop3A_301, %iota3A : vector<16xi32>
        %parallel_loop3A_303 = arith.constant 0 : i32
        %parallel_loop3A_304 = arith.constant 1 : i32
        %parallel_loop3A_305 = arith.index_cast %parallel_loop3A_303 : i32 to index
        %parallel_loop3A_306 = arith.index_cast %parallel_loop3A_304 : i32 to index
        %parallel_loop3A_307 = arith.index_cast %parallel_loop3A_292 : i32 to index
        %parallel_loop3A_308 = tpu.vector_load %arg7[%parallel_loop3A_305, %parallel_loop3A_306, %parallel_loop3A_307] {strides = array<i32>} : memref<2x2x512xf32, #tpu.memory_space<vmem>>, vector<16xf32>,
        %parallel_loop3A_309 = arith.constant 2.000000e+00 : f32
        %parallel_loop3A_310 = vector.broadcast %parallel_loop3A_309 : f32 to vector<16xf32>
        %parallel_loop3A_311 = arith.mulf %parallel_loop3A_308, %parallel_loop3A_310 : vector<16xf32>
        %parallel_loop3A_312 = arith.constant 0 : i32
        %parallel_loop3A_313 = tpu.memref_slice %arg6[%parallel_loop3A_312] : memref<65664xi32, #tpu.memory_space<vmem>> -> memref<8208xi32, #tpu.memory_space<vmem>>
        %parallel_loop3A_314 = tpu.vector_load_idx %parallel_loop3A_313[%parallel_loop3A_302] : memref<8208xi32, #tpu.memory_space<vmem>>[vector<16xi32>], vector<16xi32>,
        %parallel_loop3A_315 = arith.constant 16 : i32
        %parallel_loop3A_316 = vector.broadcast %parallel_loop3A_315 : i32 to vector<16xi32>
        %parallel_loop3A_317 = arith.shli %parallel_loop3A_314, %parallel_loop3A_316 : vector<16xi32>
        %parallel_loop3A_318 = vector.bitcast %parallel_loop3A_317 : vector<16xi32> to vector<16xf32>
        %parallel_loop3A_319 = arith.andi %parallel_loop3A_314, %broadcast_in_dim3A_33 : vector<16xi32>
        %parallel_loop3A_320 = vector.bitcast %parallel_loop3A_319 : vector<16xi32> to vector<16xf32>
        %parallel_loop3A_321 = arith.addf %parallel_loop3A_311, %parallel_loop3A_318 : vector<16xf32>
        %parallel_loop3A_322 = arith.constant 0 : i32
        %parallel_loop3A_323 = arith.constant 0 : i32
        %parallel_loop3A_324 = arith.constant 1 : i32
        %parallel_loop3A_325 = arith.index_cast %parallel_loop3A_322 : i32 to index
        %parallel_loop3A_326 = arith.index_cast %parallel_loop3A_323 : i32 to index
        %parallel_loop3A_327 = arith.index_cast %parallel_loop3A_324 : i32 to index
        %parallel_loop3A_328 = arith.index_cast %parallel_loop3A_292 : i32 to index
        %parallel_loop3A_329 = tpu.vector_load %arg9[%parallel_loop3A_325, %parallel_loop3A_326, %parallel_loop3A_327, %parallel_loop3A_328] {strides = array<i32>} : memref<2x16x2x512xf32, #tpu.memory_space<vmem>>, vector<16xf32>,
        tpu.vector_store %arg9[%parallel_loop3A_325, %parallel_loop3A_326, %parallel_loop3A_327, %parallel_loop3A_328], %parallel_loop3A_321 {strides = array<i32>} : memref<2x16x2x512xf32, #tpu.memory_space<vmem>>, vector<16xf32>,
        %parallel_loop3A_330 = arith.addf %parallel_loop3A_311, %parallel_loop3A_320 : vector<16xf32>
        %parallel_loop3A_331 = arith.constant 0 : i32
        %parallel_loop3A_332 = arith.constant 1 : i32
        %parallel_loop3A_333 = arith.constant 1 : i32
        %parallel_loop3A_334 = arith.index_cast %parallel_loop3A_331 : i32 to index
        %parallel_loop3A_335 = arith.index_cast %parallel_loop3A_332 : i32 to index
        %parallel_loop3A_336 = arith.index_cast %parallel_loop3A_333 : i32 to index
        %parallel_loop3A_337 = arith.index_cast %parallel_loop3A_292 : i32 to index
        %parallel_loop3A_338 = tpu.vector_load %arg9[%parallel_loop3A_334, %parallel_loop3A_335, %parallel_loop3A_336, %parallel_loop3A_337] {strides = array<i32>} : memref<2x16x2x512xf32, #tpu.memory_space<vmem>>, vector<16xf32>,
        tpu.vector_store %arg9[%parallel_loop3A_334, %parallel_loop3A_335, %parallel_loop3A_336, %parallel_loop3A_337], %parallel_loop3A_330 {strides = array<i32>} : memref<2x16x2x512xf32, #tpu.memory_space<vmem>>, vector<16xf32>,
        %parallel_loop3A_339 = arith.constant 8208 : i32
        %parallel_loop3A_340 = tpu.memref_slice %arg6[%parallel_loop3A_339] : memref<65664xi32, #tpu.memory_space<vmem>> -> memref<8208xi32, #tpu.memory_space<vmem>>
        %parallel_loop3A_341 = tpu.vector_load_idx %parallel_loop3A_340[%parallel_loop3A_302] : memref<8208xi32, #tpu.memory_space<vmem>>[vector<16xi32>], vector<16xi32>,
        %parallel_loop3A_342 = arith.constant 16 : i32
        %parallel_loop3A_343 = vector.broadcast %parallel_loop3A_342 : i32 to vector<16xi32>
        %parallel_loop3A_344 = arith.shli %parallel_loop3A_341, %parallel_loop3A_343 : vector<16xi32>
        %parallel_loop3A_345 = vector.bitcast %parallel_loop3A_344 : vector<16xi32> to vector<16xf32>
        %parallel_loop3A_346 = arith.andi %parallel_loop3A_341, %broadcast_in_dim3A_33 : vector<16xi32>
        %parallel_loop3A_347 = vector.bitcast %parallel_loop3A_346 : vector<16xi32> to vector<16xf32>
        %parallel_loop3A_348 = arith.addf %parallel_loop3A_311, %parallel_loop3A_345 : vector<16xf32>
        %parallel_loop3A_349 = arith.constant 0 : i32
        %parallel_loop3A_350 = arith.constant 2 : i32
        %parallel_loop3A_351 = arith.constant 1 : i32
        %parallel_loop3A_352 = arith.index_cast %parallel_loop3A_349 : i32 to index
        %parallel_loop3A_353 = arith.index_cast %parallel_loop3A_350 : i32 to index
        %parallel_loop3A_354 = arith.index_cast %parallel_loop3A_351 : i32 to index
        %parallel_loop3A_355 = arith.index_cast %parallel_loop3A_292 : i32 to index
        %parallel_loop3A_356 = tpu.vector_load %arg9[%parallel_loop3A_352, %parallel_loop3A_353, %parallel_loop3A_354, %parallel_loop3A_355] {strides = array<i32>} : memref<2x16x2x512xf32, #tpu.memory_space<vmem>>, vector<16xf32>,
        tpu.vector_store %arg9[%parallel_loop3A_352, %parallel_loop3A_353, %parallel_loop3A_354, %parallel_loop3A_355], %parallel_loop3A_348 {strides = array<i32>} : memref<2x16x2x512xf32, #tpu.memory_space<vmem>>, vector<16xf32>,
        %parallel_loop3A_357 = arith.addf %parallel_loop3A_311, %parallel_loop3A_347 : vector<16xf32>
        %parallel_loop3A_358 = arith.constant 0 : i32
        %parallel_loop3A_359 = arith.constant 3 : i32
        %parallel_loop3A_360 = arith.constant 1 : i32
        %parallel_loop3A_361 = arith.index_cast %parallel_loop3A_358 : i32 to index
        %parallel_loop3A_362 = arith.index_cast %parallel_loop3A_359 : i32 to index
        %parallel_loop3A_363 = arith.index_cast %parallel_loop3A_360 : i32 to index
        %parallel_loop3A_364 = arith.index_cast %parallel_loop3A_292 : i32 to index
        %parallel_loop3A_365 = tpu.vector_load %arg9[%parallel_loop3A_361, %parallel_loop3A_362, %parallel_loop3A_363, %parallel_loop3A_364] {strides = array<i32>} : memref<2x16x2x512xf32, #tpu.memory_space<vmem>>, vector<16xf32>,
        tpu.vector_store %arg9[%parallel_loop3A_361, %parallel_loop3A_362, %parallel_loop3A_363, %parallel_loop3A_364], %parallel_loop3A_357 {strides = array<i32>} : memref<2x16x2x512xf32, #tpu.memory_space<vmem>>, vector<16xf32>,
        %parallel_loop3A_366 = arith.constant 16416 : i32
        %parallel_loop3A_367 = tpu.memref_slice %arg6[%parallel_loop3A_366] : memref<65664xi32, #tpu.memory_space<vmem>> -> memref<8208xi32, #tpu.memory_space<vmem>>
        %parallel_loop3A_368 = tpu.vector_load_idx %parallel_loop3A_367[%parallel_loop3A_302] : memref<8208xi32, #tpu.memory_space<vmem>>[vector<16xi32>], vector<16xi32>,
        %parallel_loop3A_369 = arith.constant 16 : i32
        %parallel_loop3A_370 = vector.broadcast %parallel_loop3A_369 : i32 to vector<16xi32>
        %parallel_loop3A_371 = arith.shli %parallel_loop3A_368, %parallel_loop3A_370 : vector<16xi32>
        %parallel_loop3A_372 = vector.bitcast %parallel_loop3A_371 : vector<16xi32> to vector<16xf32>
        %parallel_loop3A_373 = arith.andi %parallel_loop3A_368, %broadcast_in_dim3A_33 : vector<16xi32>
        %parallel_loop3A_374 = vector.bitcast %parallel_loop3A_373 : vector<16xi32> to vector<16xf32>
        %parallel_loop3A_375 = arith.addf %parallel_loop3A_311, %parallel_loop3A_372 : vector<16xf32>
        %parallel_loop3A_376 = arith.constant 0 : i32
        %parallel_loop3A_377 = arith.constant 4 : i32
        %parallel_loop3A_378 = arith.constant 1 : i32
        %parallel_loop3A_379 = arith.index_cast %parallel_loop3A_376 : i32 to index
        %parallel_loop3A_380 = arith.index_cast %parallel_loop3A_377 : i32 to index
        %parallel_loop3A_381 = arith.index_cast %parallel_loop3A_378 : i32 to index
        %parallel_loop3A_382 = arith.index_cast %parallel_loop3A_292 : i32 to index
        %parallel_loop3A_383 = tpu.vector_load %arg9[%parallel_loop3A_379, %parallel_loop3A_380, %parallel_loop3A_381, %parallel_loop3A_382] {strides = array<i32>} : memref<2x16x2x512xf32, #tpu.memory_space<vmem>>, vector<16xf32>,
        tpu.vector_store %arg9[%parallel_loop3A_379, %parallel_loop3A_380, %parallel_loop3A_381, %parallel_loop3A_382], %parallel_loop3A_375 {strides = array<i32>} : memref<2x16x2x512xf32, #tpu.memory_space<vmem>>, vector<16xf32>,
        %parallel_loop3A_384 = arith.addf %parallel_loop3A_311, %parallel_loop3A_374 : vector<16xf32>
        %parallel_loop3A_385 = arith.constant 0 : i32
        %parallel_loop3A_386 = arith.constant 5 : i32
        %parallel_loop3A_387 = arith.constant 1 : i32
        %parallel_loop3A_388 = arith.index_cast %parallel_loop3A_385 : i32 to index
        %parallel_loop3A_389 = arith.index_cast %parallel_loop3A_386 : i32 to index
        %parallel_loop3A_390 = arith.index_cast %parallel_loop3A_387 : i32 to index
        %parallel_loop3A_391 = arith.index_cast %parallel_loop3A_292 : i32 to index
        %parallel_loop3A_392 = tpu.vector_load %arg9[%parallel_loop3A_388, %parallel_loop3A_389, %parallel_loop3A_390, %parallel_loop3A_391] {strides = array<i32>} : memref<2x16x2x512xf32, #tpu.memory_space<vmem>>, vector<16xf32>,
        tpu.vector_store %arg9[%parallel_loop3A_388, %parallel_loop3A_389, %parallel_loop3A_390, %parallel_loop3A_391], %parallel_loop3A_384 {strides = array<i32>} : memref<2x16x2x512xf32, #tpu.memory_space<vmem>>, vector<16xf32>,
        %parallel_loop3A_393 = arith.constant 24624 : i32
        %parallel_loop3A_394 = tpu.memref_slice %arg6[%parallel_loop3A_393] : memref<65664xi32, #tpu.memory_space<vmem>> -> memref<8208xi32, #tpu.memory_space<vmem>>
        %parallel_loop3A_395 = tpu.vector_load_idx %parallel_loop3A_394[%parallel_loop3A_302] : memref<8208xi32, #tpu.memory_space<vmem>>[vector<16xi32>], vector<16xi32>,
        %parallel_loop3A_396 = arith.constant 16 : i32
        %parallel_loop3A_397 = vector.broadcast %parallel_loop3A_396 : i32 to vector<16xi32>
        %parallel_loop3A_398 = arith.shli %parallel_loop3A_395, %parallel_loop3A_397 : vector<16xi32>
        %parallel_loop3A_399 = vector.bitcast %parallel_loop3A_398 : vector<16xi32> to vector<16xf32>
        %parallel_loop3A_400 = arith.andi %parallel_loop3A_395, %broadcast_in_dim3A_33 : vector<16xi32>
        %parallel_loop3A_401 = vector.bitcast %parallel_loop3A_400 : vector<16xi32> to vector<16xf32>
        %parallel_loop3A_402 = arith.addf %parallel_loop3A_311, %parallel_loop3A_399 : vector<16xf32>
        %parallel_loop3A_403 = arith.constant 0 : i32
        %parallel_loop3A_404 = arith.constant 6 : i32
        %parallel_loop3A_405 = arith.constant 1 : i32
        %parallel_loop3A_406 = arith.index_cast %parallel_loop3A_403 : i32 to index
        %parallel_loop3A_407 = arith.index_cast %parallel_loop3A_404 : i32 to index
        %parallel_loop3A_408 = arith.index_cast %parallel_loop3A_405 : i32 to index
        %parallel_loop3A_409 = arith.index_cast %parallel_loop3A_292 : i32 to index
        %parallel_loop3A_410 = tpu.vector_load %arg9[%parallel_loop3A_406, %parallel_loop3A_407, %parallel_loop3A_408, %parallel_loop3A_409] {strides = array<i32>} : memref<2x16x2x512xf32, #tpu.memory_space<vmem>>, vector<16xf32>,
        tpu.vector_store %arg9[%parallel_loop3A_406, %parallel_loop3A_407, %parallel_loop3A_408, %parallel_loop3A_409], %parallel_loop3A_402 {strides = array<i32>} : memref<2x16x2x512xf32, #tpu.memory_space<vmem>>, vector<16xf32>,
        %parallel_loop3A_411 = arith.addf %parallel_loop3A_311, %parallel_loop3A_401 : vector<16xf32>
        %parallel_loop3A_412 = arith.constant 0 : i32
        %parallel_loop3A_413 = arith.constant 7 : i32
        %parallel_loop3A_414 = arith.constant 1 : i32
        %parallel_loop3A_415 = arith.index_cast %parallel_loop3A_412 : i32 to index
        %parallel_loop3A_416 = arith.index_cast %parallel_loop3A_413 : i32 to index
        %parallel_loop3A_417 = arith.index_cast %parallel_loop3A_414 : i32 to index
        %parallel_loop3A_418 = arith.index_cast %parallel_loop3A_292 : i32 to index
        %parallel_loop3A_419 = tpu.vector_load %arg9[%parallel_loop3A_415, %parallel_loop3A_416, %parallel_loop3A_417, %parallel_loop3A_418] {strides = array<i32>} : memref<2x16x2x512xf32, #tpu.memory_space<vmem>>, vector<16xf32>,
        tpu.vector_store %arg9[%parallel_loop3A_415, %parallel_loop3A_416, %parallel_loop3A_417, %parallel_loop3A_418], %parallel_loop3A_411 {strides = array<i32>} : memref<2x16x2x512xf32, #tpu.memory_space<vmem>>, vector<16xf32>,
        %parallel_loop3A_420 = arith.constant 32832 : i32
        %parallel_loop3A_421 = tpu.memref_slice %arg6[%parallel_loop3A_420] : memref<65664xi32, #tpu.memory_space<vmem>> -> memref<8208xi32, #tpu.memory_space<vmem>>
        %parallel_loop3A_422 = tpu.vector_load_idx %parallel_loop3A_421[%parallel_loop3A_302] : memref<8208xi32, #tpu.memory_space<vmem>>[vector<16xi32>], vector<16xi32>,
        %parallel_loop3A_423 = arith.constant 16 : i32
        %parallel_loop3A_424 = vector.broadcast %parallel_loop3A_423 : i32 to vector<16xi32>
        %parallel_loop3A_425 = arith.shli %parallel_loop3A_422, %parallel_loop3A_424 : vector<16xi32>
        %parallel_loop3A_426 = vector.bitcast %parallel_loop3A_425 : vector<16xi32> to vector<16xf32>
        %parallel_loop3A_427 = arith.andi %parallel_loop3A_422, %broadcast_in_dim3A_33 : vector<16xi32>
        %parallel_loop3A_428 = vector.bitcast %parallel_loop3A_427 : vector<16xi32> to vector<16xf32>
        %parallel_loop3A_429 = arith.addf %parallel_loop3A_311, %parallel_loop3A_426 : vector<16xf32>
        %parallel_loop3A_430 = arith.constant 0 : i32
        %parallel_loop3A_431 = arith.constant 8 : i32
        %parallel_loop3A_432 = arith.constant 1 : i32
        %parallel_loop3A_433 = arith.index_cast %parallel_loop3A_430 : i32 to index
        %parallel_loop3A_434 = arith.index_cast %parallel_loop3A_431 : i32 to index
        %parallel_loop3A_435 = arith.index_cast %parallel_loop3A_432 : i32 to index
        %parallel_loop3A_436 = arith.index_cast %parallel_loop3A_292 : i32 to index
        %parallel_loop3A_437 = tpu.vector_load %arg9[%parallel_loop3A_433, %parallel_loop3A_434, %parallel_loop3A_435, %parallel_loop3A_436] {strides = array<i32>} : memref<2x16x2x512xf32, #tpu.memory_space<vmem>>, vector<16xf32>,
        tpu.vector_store %arg9[%parallel_loop3A_433, %parallel_loop3A_434, %parallel_loop3A_435, %parallel_loop3A_436], %parallel_loop3A_429 {strides = array<i32>} : memref<2x16x2x512xf32, #tpu.memory_space<vmem>>, vector<16xf32>,
        %parallel_loop3A_438 = arith.addf %parallel_loop3A_311, %parallel_loop3A_428 : vector<16xf32>
        %parallel_loop3A_439 = arith.constant 0 : i32
        %parallel_loop3A_440 = arith.constant 9 : i32
        %parallel_loop3A_441 = arith.constant 1 : i32
        %parallel_loop3A_442 = arith.index_cast %parallel_loop3A_439 : i32 to index
        %parallel_loop3A_443 = arith.index_cast %parallel_loop3A_440 : i32 to index
        %parallel_loop3A_444 = arith.index_cast %parallel_loop3A_441 : i32 to index
        %parallel_loop3A_445 = arith.index_cast %parallel_loop3A_292 : i32 to index
        %parallel_loop3A_446 = tpu.vector_load %arg9[%parallel_loop3A_442, %parallel_loop3A_443, %parallel_loop3A_444, %parallel_loop3A_445] {strides = array<i32>} : memref<2x16x2x512xf32, #tpu.memory_space<vmem>>, vector<16xf32>,
        tpu.vector_store %arg9[%parallel_loop3A_442, %parallel_loop3A_443, %parallel_loop3A_444, %parallel_loop3A_445], %parallel_loop3A_438 {strides = array<i32>} : memref<2x16x2x512xf32, #tpu.memory_space<vmem>>, vector<16xf32>,
        %parallel_loop3A_447 = arith.constant 41040 : i32
        %parallel_loop3A_448 = tpu.memref_slice %arg6[%parallel_loop3A_447] : memref<65664xi32, #tpu.memory_space<vmem>> -> memref<8208xi32, #tpu.memory_space<vmem>>
        %parallel_loop3A_449 = tpu.vector_load_idx %parallel_loop3A_448[%parallel_loop3A_302] : memref<8208xi32, #tpu.memory_space<vmem>>[vector<16xi32>], vector<16xi32>,
        %parallel_loop3A_450 = arith.constant 16 : i32
        %parallel_loop3A_451 = vector.broadcast %parallel_loop3A_450 : i32 to vector<16xi32>
        %parallel_loop3A_452 = arith.shli %parallel_loop3A_449, %parallel_loop3A_451 : vector<16xi32>
        %parallel_loop3A_453 = vector.bitcast %parallel_loop3A_452 : vector<16xi32> to vector<16xf32>
        %parallel_loop3A_454 = arith.andi %parallel_loop3A_449, %broadcast_in_dim3A_33 : vector<16xi32>
        %parallel_loop3A_455 = vector.bitcast %parallel_loop3A_454 : vector<16xi32> to vector<16xf32>
        %parallel_loop3A_456 = arith.addf %parallel_loop3A_311, %parallel_loop3A_453 : vector<16xf32>
        %parallel_loop3A_457 = arith.constant 0 : i32
        %parallel_loop3A_458 = arith.constant 10 : i32
        %parallel_loop3A_459 = arith.constant 1 : i32
        %parallel_loop3A_460 = arith.index_cast %parallel_loop3A_457 : i32 to index
        %parallel_loop3A_461 = arith.index_cast %parallel_loop3A_458 : i32 to index
        %parallel_loop3A_462 = arith.index_cast %parallel_loop3A_459 : i32 to index
        %parallel_loop3A_463 = arith.index_cast %parallel_loop3A_292 : i32 to index
        %parallel_loop3A_464 = tpu.vector_load %arg9[%parallel_loop3A_460, %parallel_loop3A_461, %parallel_loop3A_462, %parallel_loop3A_463] {strides = array<i32>} : memref<2x16x2x512xf32, #tpu.memory_space<vmem>>, vector<16xf32>,
        tpu.vector_store %arg9[%parallel_loop3A_460, %parallel_loop3A_461, %parallel_loop3A_462, %parallel_loop3A_463], %parallel_loop3A_456 {strides = array<i32>} : memref<2x16x2x512xf32, #tpu.memory_space<vmem>>, vector<16xf32>,
        %parallel_loop3A_465 = arith.addf %parallel_loop3A_311, %parallel_loop3A_455 : vector<16xf32>
        %parallel_loop3A_466 = arith.constant 0 : i32
        %parallel_loop3A_467 = arith.constant 11 : i32
        %parallel_loop3A_468 = arith.constant 1 : i32
        %parallel_loop3A_469 = arith.index_cast %parallel_loop3A_466 : i32 to index
        %parallel_loop3A_470 = arith.index_cast %parallel_loop3A_467 : i32 to index
        %parallel_loop3A_471 = arith.index_cast %parallel_loop3A_468 : i32 to index
        %parallel_loop3A_472 = arith.index_cast %parallel_loop3A_292 : i32 to index
        %parallel_loop3A_473 = tpu.vector_load %arg9[%parallel_loop3A_469, %parallel_loop3A_470, %parallel_loop3A_471, %parallel_loop3A_472] {strides = array<i32>} : memref<2x16x2x512xf32, #tpu.memory_space<vmem>>, vector<16xf32>,
        tpu.vector_store %arg9[%parallel_loop3A_469, %parallel_loop3A_470, %parallel_loop3A_471, %parallel_loop3A_472], %parallel_loop3A_465 {strides = array<i32>} : memref<2x16x2x512xf32, #tpu.memory_space<vmem>>, vector<16xf32>,
        %parallel_loop3A_474 = arith.constant 49248 : i32
        %parallel_loop3A_475 = tpu.memref_slice %arg6[%parallel_loop3A_474] : memref<65664xi32, #tpu.memory_space<vmem>> -> memref<8208xi32, #tpu.memory_space<vmem>>
        %parallel_loop3A_476 = tpu.vector_load_idx %parallel_loop3A_475[%parallel_loop3A_302] : memref<8208xi32, #tpu.memory_space<vmem>>[vector<16xi32>], vector<16xi32>,
        %parallel_loop3A_477 = arith.constant 16 : i32
        %parallel_loop3A_478 = vector.broadcast %parallel_loop3A_477 : i32 to vector<16xi32>
        %parallel_loop3A_479 = arith.shli %parallel_loop3A_476, %parallel_loop3A_478 : vector<16xi32>
        %parallel_loop3A_480 = vector.bitcast %parallel_loop3A_479 : vector<16xi32> to vector<16xf32>
        %parallel_loop3A_481 = arith.andi %parallel_loop3A_476, %broadcast_in_dim3A_33 : vector<16xi32>
        %parallel_loop3A_482 = vector.bitcast %parallel_loop3A_481 : vector<16xi32> to vector<16xf32>
        %parallel_loop3A_483 = arith.addf %parallel_loop3A_311, %parallel_loop3A_480 : vector<16xf32>
        %parallel_loop3A_484 = arith.constant 0 : i32
        %parallel_loop3A_485 = arith.constant 12 : i32
        %parallel_loop3A_486 = arith.constant 1 : i32
        %parallel_loop3A_487 = arith.index_cast %parallel_loop3A_484 : i32 to index
        %parallel_loop3A_488 = arith.index_cast %parallel_loop3A_485 : i32 to index
        %parallel_loop3A_489 = arith.index_cast %parallel_loop3A_486 : i32 to index
        %parallel_loop3A_490 = arith.index_cast %parallel_loop3A_292 : i32 to index
        %parallel_loop3A_491 = tpu.vector_load %arg9[%parallel_loop3A_487, %parallel_loop3A_488, %parallel_loop3A_489, %parallel_loop3A_490] {strides = array<i32>} : memref<2x16x2x512xf32, #tpu.memory_space<vmem>>, vector<16xf32>,
        tpu.vector_store %arg9[%parallel_loop3A_487, %parallel_loop3A_488, %parallel_loop3A_489, %parallel_loop3A_490], %parallel_loop3A_483 {strides = array<i32>} : memref<2x16x2x512xf32, #tpu.memory_space<vmem>>, vector<16xf32>,
        %parallel_loop3A_492 = arith.addf %parallel_loop3A_311, %parallel_loop3A_482 : vector<16xf32>
        %parallel_loop3A_493 = arith.constant 0 : i32
        %parallel_loop3A_494 = arith.constant 13 : i32
        %parallel_loop3A_495 = arith.constant 1 : i32
        %parallel_loop3A_496 = arith.index_cast %parallel_loop3A_493 : i32 to index
        %parallel_loop3A_497 = arith.index_cast %parallel_loop3A_494 : i32 to index
        %parallel_loop3A_498 = arith.index_cast %parallel_loop3A_495 : i32 to index
        %parallel_loop3A_499 = arith.index_cast %parallel_loop3A_292 : i32 to index
        %parallel_loop3A_500 = tpu.vector_load %arg9[%parallel_loop3A_496, %parallel_loop3A_497, %parallel_loop3A_498, %parallel_loop3A_499] {strides = array<i32>} : memref<2x16x2x512xf32, #tpu.memory_space<vmem>>, vector<16xf32>,
        tpu.vector_store %arg9[%parallel_loop3A_496, %parallel_loop3A_497, %parallel_loop3A_498, %parallel_loop3A_499], %parallel_loop3A_492 {strides = array<i32>} : memref<2x16x2x512xf32, #tpu.memory_space<vmem>>, vector<16xf32>,
        %parallel_loop3A_501 = arith.constant 57456 : i32
        %parallel_loop3A_502 = tpu.memref_slice %arg6[%parallel_loop3A_501] : memref<65664xi32, #tpu.memory_space<vmem>> -> memref<8208xi32, #tpu.memory_space<vmem>>
        %parallel_loop3A_503 = tpu.vector_load_idx %parallel_loop3A_502[%parallel_loop3A_302] : memref<8208xi32, #tpu.memory_space<vmem>>[vector<16xi32>], vector<16xi32>,
        %parallel_loop3A_504 = arith.constant 16 : i32
        %parallel_loop3A_505 = vector.broadcast %parallel_loop3A_504 : i32 to vector<16xi32>
        %parallel_loop3A_506 = arith.shli %parallel_loop3A_503, %parallel_loop3A_505 : vector<16xi32>
        %parallel_loop3A_507 = vector.bitcast %parallel_loop3A_506 : vector<16xi32> to vector<16xf32>
        %parallel_loop3A_508 = arith.andi %parallel_loop3A_503, %broadcast_in_dim3A_33 : vector<16xi32>
        %parallel_loop3A_509 = vector.bitcast %parallel_loop3A_508 : vector<16xi32> to vector<16xf32>
        %parallel_loop3A_510 = arith.addf %parallel_loop3A_311, %parallel_loop3A_507 : vector<16xf32>
        %parallel_loop3A_511 = arith.constant 0 : i32
        %parallel_loop3A_512 = arith.constant 14 : i32
        %parallel_loop3A_513 = arith.constant 1 : i32
        %parallel_loop3A_514 = arith.index_cast %parallel_loop3A_511 : i32 to index
        %parallel_loop3A_515 = arith.index_cast %parallel_loop3A_512 : i32 to index
        %parallel_loop3A_516 = arith.index_cast %parallel_loop3A_513 : i32 to index
        %parallel_loop3A_517 = arith.index_cast %parallel_loop3A_292 : i32 to index
        %parallel_loop3A_518 = tpu.vector_load %arg9[%parallel_loop3A_514, %parallel_loop3A_515, %parallel_loop3A_516, %parallel_loop3A_517] {strides = array<i32>} : memref<2x16x2x512xf32, #tpu.memory_space<vmem>>, vector<16xf32>,
        tpu.vector_store %arg9[%parallel_loop3A_514, %parallel_loop3A_515, %parallel_loop3A_516, %parallel_loop3A_517], %parallel_loop3A_510 {strides = array<i32>} : memref<2x16x2x512xf32, #tpu.memory_space<vmem>>, vector<16xf32>,
        %parallel_loop3A_519 = arith.addf %parallel_loop3A_311, %parallel_loop3A_509 : vector<16xf32>
        %parallel_loop3A_520 = arith.constant 0 : i32
        %parallel_loop3A_521 = arith.constant 15 : i32
        %parallel_loop3A_522 = arith.constant 1 : i32
        %parallel_loop3A_523 = arith.index_cast %parallel_loop3A_520 : i32 to index
        %parallel_loop3A_524 = arith.index_cast %parallel_loop3A_521 : i32 to index
        %parallel_loop3A_525 = arith.index_cast %parallel_loop3A_522 : i32 to index
        %parallel_loop3A_526 = arith.index_cast %parallel_loop3A_292 : i32 to index
        %parallel_loop3A_527 = tpu.vector_load %arg9[%parallel_loop3A_523, %parallel_loop3A_524, %parallel_loop3A_525, %parallel_loop3A_526] {strides = array<i32>} : memref<2x16x2x512xf32, #tpu.memory_space<vmem>>, vector<16xf32>,
        tpu.vector_store %arg9[%parallel_loop3A_523, %parallel_loop3A_524, %parallel_loop3A_525, %parallel_loop3A_526], %parallel_loop3A_519 {strides = array<i32>} : memref<2x16x2x512xf32, #tpu.memory_space<vmem>>, vector<16xf32>,
      } {sc.loop_unroll_factor = 4 : i64, sc.parallel_access}
      %mul3A_188 = arith.constant 2 : i32
      %mul3A_189 = arith.muli %add3A_147, %mul3A_188 : i32
      %add3A_190 = arith.addi %mul3A_32, %mul3A_189 : i32
      %dma_start3A_191 = arith.constant 0 : i32
      %dma_start3A_192 = arith.constant 0 : i32
      %dma_start3A_193 = arith.constant 0 : i32
      %dma_start3A_194 = arith.constant 0 : i32
      %dma_start3A_195 = tpu.memref_slice %arg9[%dma_start3A_191, %dma_start3A_192, %dma_start3A_193, %dma_start3A_194] : memref<2x16x2x512xf32, #tpu.memory_space<vmem>> -> memref<1x16x2x512xf32, #tpu.memory_space<vmem>>
      %dma_start3A_196 = tpu.memref_squeeze %dma_start3A_195 : memref<1x16x2x512xf32, #tpu.memory_space<vmem>> -> memref<16x2x512xf32, #tpu.memory_space<vmem>>
      %dma_start3A_197 = arith.constant 0 : i32
      %dma_start3A_198 = arith.constant 0 : i32
      %dma_start3A_199 = tpu.memref_slice %arg5[%select_n3A, %dma_start3A_197, %add3A_190, %dma_start3A_198] : memref<8x16x512x512xf32, #tpu.memory_space<hbm>> -> memref<1x16x2x512xf32, #tpu.memory_space<hbm>>
      %dma_start3A_200 = tpu.memref_squeeze %dma_start3A_199 : memref<1x16x2x512xf32, #tpu.memory_space<hbm>> -> memref<16x2x512xf32, #tpu.memory_space<hbm>>
      %dma_start3A_201 = arith.constant 0 : i32
      %dma_start3A_202 = arith.constant 0 : i32
      %dma_start3A_203 = tpu.memref_slice %arg5[%select_n3A, %dma_start3A_201, %add3A_190, %dma_start3A_202] : memref<8x16x512x512xf32, #tpu.memory_space<hbm>> -> memref<1x16x2x512xf32, #tpu.memory_space<hbm>>
      %dma_start3A_204 = tpu.memref_squeeze %dma_start3A_203 : memref<1x16x2x512xf32, #tpu.memory_space<hbm>> -> memref<16x2x512xf32, #tpu.memory_space<hbm>>
      %dma_start3A_205 = arith.constant 0 : i32
      %dma_start3A_206 = arith.constant 0 : i32
      %dma_start3A_207 = arith.constant 0 : i32
      %dma_start3A_208 = tpu.memref_slice %arg9[%dma_start3A_191, %dma_start3A_205, %dma_start3A_206, %dma_start3A_207] : memref<2x16x2x512xf32, #tpu.memory_space<vmem>> -> memref<1x16x2x512xf32, #tpu.memory_space<vmem>>
      %dma_start3A_209 = tpu.memref_squeeze %dma_start3A_208 : memref<1x16x2x512xf32, #tpu.memory_space<vmem>> -> memref<16x2x512xf32, #tpu.memory_space<vmem>>
      tpu.enqueue_dma source(%dma_start3A_209 : memref<16x2x512xf32, #tpu.memory_space<vmem>>) target(%dma_start3A_204 : memref<16x2x512xf32, #tpu.memory_space<hbm>>) target_semaphore(%arg15 : memref<!tpu.dma_semaphore, #tpu.memory_space<semaphore_mem>>)
      %lt3A_210 = arith.constant 62 : i32
      %lt3A_211 = arith.cmpi slt, %add3A_147, %lt3A_210 : i32
      %convert_element_type3A_212 = arith.extui %lt3A_211 : i1 to i32
      %cond3A_213 = arith.constant 0 : i32
      %cond3A_214 = arith.cmpi ne, %convert_element_type3A_212, %cond3A_213 : i32
      scf.if %cond3A_214 {
        %add3A_290 = arith.constant 2 : i32
        %add3A_291 = arith.addi %add3A_147, %add3A_290 : i32
        %mul3A_292 = arith.constant 2 : i32
        %mul3A_293 = arith.muli %add3A_291, %mul3A_292 : i32
        %add3A_294 = arith.addi %mul3A_32, %mul3A_293 : i32
        %dma_start3A_295 = arith.constant 0 : i32
        %dma_start3A_296 = arith.constant 0 : i32
        %dma_start3A_297 = arith.constant 0 : i32
        %dma_start3A_298 = tpu.memref_slice %arg7[%dma_start3A_295, %dma_start3A_296, %dma_start3A_297] : memref<2x2x512xf32, #tpu.memory_space<vmem>> -> memref<1x2x512xf32, #tpu.memory_space<vmem>>
        %dma_start3A_299 = tpu.memref_squeeze %dma_start3A_298 : memref<1x2x512xf32, #tpu.memory_space<vmem>> -> memref<2x512xf32, #tpu.memory_space<vmem>>
        %dma_start3A_300 = arith.constant 0 : i32
        %dma_start3A_301 = tpu.memref_slice %arg2[%select_n3A, %add3A_294, %dma_start3A_300] : memref<8x512x512xf32, #tpu.memory_space<hbm>> -> memref<1x2x512xf32, #tpu.memory_space<hbm>>
        %dma_start3A_302 = tpu.memref_squeeze %dma_start3A_301 : memref<1x2x512xf32, #tpu.memory_space<hbm>> -> memref<2x512xf32, #tpu.memory_space<hbm>>
        %dma_start3A_303 = arith.constant 0 : i32
        %dma_start3A_304 = arith.constant 0 : i32
        %dma_start3A_305 = tpu.memref_slice %arg7[%dma_start3A_295, %dma_start3A_303, %dma_start3A_304] : memref<2x2x512xf32, #tpu.memory_space<vmem>> -> memref<1x2x512xf32, #tpu.memory_space<vmem>>
        %dma_start3A_306 = tpu.memref_squeeze %dma_start3A_305 : memref<1x2x512xf32, #tpu.memory_space<vmem>> -> memref<2x512xf32, #tpu.memory_space<vmem>>
        %dma_start3A_307 = arith.constant 0 : i32
        %dma_start3A_308 = tpu.memref_slice %arg2[%select_n3A, %add3A_294, %dma_start3A_307] : memref<8x512x512xf32, #tpu.memory_space<hbm>> -> memref<1x2x512xf32, #tpu.memory_space<hbm>>
        %dma_start3A_309 = tpu.memref_squeeze %dma_start3A_308 : memref<1x2x512xf32, #tpu.memory_space<hbm>> -> memref<2x512xf32, #tpu.memory_space<hbm>>
        tpu.enqueue_dma source(%dma_start3A_309 : memref<2x512xf32, #tpu.memory_space<hbm>>) target(%dma_start3A_306 : memref<2x512xf32, #tpu.memory_space<vmem>>) target_semaphore(%arg11 : memref<!tpu.dma_semaphore, #tpu.memory_space<semaphore_mem>>)
        %dma_start3A_310 = arith.constant 0 : i32
        %dma_start3A_311 = arith.constant 0 : i32
        %dma_start3A_312 = arith.constant 0 : i32
        %dma_start3A_313 = tpu.memref_slice %arg8[%dma_start3A_310, %dma_start3A_311, %dma_start3A_312] : memref<2x2x512xi32, #tpu.memory_space<vmem>> -> memref<1x2x512xi32, #tpu.memory_space<vmem>>
        %dma_start3A_314 = tpu.memref_squeeze %dma_start3A_313 : memref<1x2x512xi32, #tpu.memory_space<vmem>> -> memref<2x512xi32, #tpu.memory_space<vmem>>
        %dma_start3A_315 = arith.constant 0 : i32
        %dma_start3A_316 = tpu.memref_slice %arg3[%select_n3A, %add3A_294, %dma_start3A_315] : memref<8x512x512xi32, #tpu.memory_space<hbm>> -> memref<1x2x512xi32, #tpu.memory_space<hbm>>
        %dma_start3A_317 = tpu.memref_squeeze %dma_start3A_316 : memref<1x2x512xi32, #tpu.memory_space<hbm>> -> memref<2x512xi32, #tpu.memory_space<hbm>>
        %dma_start3A_318 = arith.constant 0 : i32
        %dma_start3A_319 = arith.constant 0 : i32
        %dma_start3A_320 = tpu.memref_slice %arg8[%dma_start3A_310, %dma_start3A_318, %dma_start3A_319] : memref<2x2x512xi32, #tpu.memory_space<vmem>> -> memref<1x2x512xi32, #tpu.memory_space<vmem>>
        %dma_start3A_321 = tpu.memref_squeeze %dma_start3A_320 : memref<1x2x512xi32, #tpu.memory_space<vmem>> -> memref<2x512xi32, #tpu.memory_space<vmem>>
        %dma_start3A_322 = arith.constant 0 : i32
        %dma_start3A_323 = tpu.memref_slice %arg3[%select_n3A, %add3A_294, %dma_start3A_322] : memref<8x512x512xi32, #tpu.memory_space<hbm>> -> memref<1x2x512xi32, #tpu.memory_space<hbm>>
        %dma_start3A_324 = tpu.memref_squeeze %dma_start3A_323 : memref<1x2x512xi32, #tpu.memory_space<hbm>> -> memref<2x512xi32, #tpu.memory_space<hbm>>
        tpu.enqueue_dma source(%dma_start3A_324 : memref<2x512xi32, #tpu.memory_space<hbm>>) target(%dma_start3A_321 : memref<2x512xi32, #tpu.memory_space<vmem>>) target_semaphore(%arg13 : memref<!tpu.dma_semaphore, #tpu.memory_space<semaphore_mem>>)
      } else {
      }
      %mul3A_215 = arith.constant 2 : i32
      %mul3A_216 = arith.muli %mul3A_215, %scan3A_143 : i32
      %add3A_217 = arith.constant 1 : i32
      %add3A_218 = arith.addi %mul3A_216, %add3A_217 : i32
      %ge3A_219 = arith.constant 2 : i32
      %ge3A_220 = arith.cmpi sge, %add3A_218, %ge3A_219 : i32
      %convert_element_type3A_221 = arith.extui %ge3A_220 : i1 to i32
      %cond3A_222 = arith.constant 0 : i32
      %cond3A_223 = arith.cmpi ne, %convert_element_type3A_221, %cond3A_222 : i32
      scf.if %cond3A_223 {
        %sub3A_290 = arith.constant 2 : i32
        %sub3A_291 = arith.subi %add3A_218, %sub3A_290 : i32
        %mul3A_292 = arith.constant 2 : i32
        %mul3A_293 = arith.muli %sub3A_291, %mul3A_292 : i32
        %add3A_294 = arith.addi %mul3A_32, %mul3A_293 : i32
        %dma_wait3A_295 = arith.constant 1 : i32
        %dma_wait3A_296 = arith.constant 0 : i32
        %dma_wait3A_297 = arith.constant 0 : i32
        %dma_wait3A_298 = arith.constant 0 : i32
        %dma_wait3A_299 = tpu.memref_slice %arg9[%dma_wait3A_295, %dma_wait3A_296, %dma_wait3A_297, %dma_wait3A_298] : memref<2x16x2x512xf32, #tpu.memory_space<vmem>> -> memref<1x16x2x512xf32, #tpu.memory_space<vmem>>
        %dma_wait3A_300 = tpu.memref_squeeze %dma_wait3A_299 : memref<1x16x2x512xf32, #tpu.memory_space<vmem>> -> memref<16x2x512xf32, #tpu.memory_space<vmem>>
        %dma_wait3A_301 = arith.constant 0 : i32
        %dma_wait3A_302 = arith.constant 0 : i32
        %dma_wait3A_303 = tpu.memref_slice %arg5[%select_n3A, %dma_wait3A_301, %add3A_294, %dma_wait3A_302] : memref<8x16x512x512xf32, #tpu.memory_space<hbm>> -> memref<1x16x2x512xf32, #tpu.memory_space<hbm>>
        %dma_wait3A_304 = tpu.memref_squeeze %dma_wait3A_303 : memref<1x16x2x512xf32, #tpu.memory_space<hbm>> -> memref<16x2x512xf32, #tpu.memory_space<hbm>>
        %dma_wait3A_305 = arith.constant 0 : i32
        %dma_wait3A_306 = arith.constant 0 : i32
        %dma_wait3A_307 = tpu.memref_slice %arg5[%select_n3A, %dma_wait3A_305, %add3A_294, %dma_wait3A_306] : memref<8x16x512x512xf32, #tpu.memory_space<hbm>> -> memref<1x16x2x512xf32, #tpu.memory_space<hbm>>
        %dma_wait3A_308 = tpu.memref_squeeze %dma_wait3A_307 : memref<1x16x2x512xf32, #tpu.memory_space<hbm>> -> memref<16x2x512xf32, #tpu.memory_space<hbm>>
        %dma_wait3A_309 = arith.constant 0 : i32
        %dma_wait3A_310 = arith.constant 0 : i32
        %dma_wait3A_311 = arith.constant 0 : i32
        %dma_wait3A_312 = tpu.memref_slice %arg9[%dma_wait3A_295, %dma_wait3A_309, %dma_wait3A_310, %dma_wait3A_311] : memref<2x16x2x512xf32, #tpu.memory_space<vmem>> -> memref<1x16x2x512xf32, #tpu.memory_space<vmem>>
        %dma_wait3A_313 = tpu.memref_squeeze %dma_wait3A_312 : memref<1x16x2x512xf32, #tpu.memory_space<vmem>> -> memref<16x2x512xf32, #tpu.memory_space<vmem>>
        tpu.wait_dma2 semaphore(%arg16 : memref<!tpu.dma_semaphore, #tpu.memory_space<semaphore_mem>>) src(%dma_wait3A_313 : memref<16x2x512xf32, #tpu.memory_space<vmem>>) dst(%dma_wait3A_308 : memref<16x2x512xf32, #tpu.memory_space<hbm>>)
      } else {
      }
      %mul3A_224 = arith.constant 2 : i32
      %mul3A_225 = arith.muli %add3A_218, %mul3A_224 : i32
      %add3A_226 = arith.addi %mul3A_32, %mul3A_225 : i32
      %dma_wait3A_227 = arith.constant 1 : i32
      %dma_wait3A_228 = arith.constant 0 : i32
      %dma_wait3A_229 = arith.constant 0 : i32
      %dma_wait3A_230 = tpu.memref_slice %arg7[%dma_wait3A_227, %dma_wait3A_228, %dma_wait3A_229] : memref<2x2x512xf32, #tpu.memory_space<vmem>> -> memref<1x2x512xf32, #tpu.memory_space<vmem>>
      %dma_wait3A_231 = tpu.memref_squeeze %dma_wait3A_230 : memref<1x2x512xf32, #tpu.memory_space<vmem>> -> memref<2x512xf32, #tpu.memory_space<vmem>>
      %dma_wait3A_232 = arith.constant 0 : i32
      %dma_wait3A_233 = tpu.memref_slice %arg2[%select_n3A, %add3A_226, %dma_wait3A_232] : memref<8x512x512xf32, #tpu.memory_space<hbm>> -> memref<1x2x512xf32, #tpu.memory_space<hbm>>
      %dma_wait3A_234 = tpu.memref_squeeze %dma_wait3A_233 : memref<1x2x512xf32, #tpu.memory_space<hbm>> -> memref<2x512xf32, #tpu.memory_space<hbm>>
      %dma_wait3A_235 = arith.constant 0 : i32
      %dma_wait3A_236 = arith.constant 0 : i32
      %dma_wait3A_237 = tpu.memref_slice %arg7[%dma_wait3A_227, %dma_wait3A_235, %dma_wait3A_236] : memref<2x2x512xf32, #tpu.memory_space<vmem>> -> memref<1x2x512xf32, #tpu.memory_space<vmem>>
      %dma_wait3A_238 = tpu.memref_squeeze %dma_wait3A_237 : memref<1x2x512xf32, #tpu.memory_space<vmem>> -> memref<2x512xf32, #tpu.memory_space<vmem>>
      %dma_wait3A_239 = arith.constant 0 : i32
      %dma_wait3A_240 = tpu.memref_slice %arg2[%select_n3A, %add3A_226, %dma_wait3A_239] : memref<8x512x512xf32, #tpu.memory_space<hbm>> -> memref<1x2x512xf32, #tpu.memory_space<hbm>>
      %dma_wait3A_241 = tpu.memref_squeeze %dma_wait3A_240 : memref<1x2x512xf32, #tpu.memory_space<hbm>> -> memref<2x512xf32, #tpu.memory_space<hbm>>
      tpu.wait_dma2 semaphore(%arg12 : memref<!tpu.dma_semaphore, #tpu.memory_space<semaphore_mem>>) src(%dma_wait3A_241 : memref<2x512xf32, #tpu.memory_space<hbm>>) dst(%dma_wait3A_238 : memref<2x512xf32, #tpu.memory_space<vmem>>)
      %dma_wait3A_242 = arith.constant 1 : i32
      %dma_wait3A_243 = arith.constant 0 : i32
      %dma_wait3A_244 = arith.constant 0 : i32
      %dma_wait3A_245 = tpu.memref_slice %arg8[%dma_wait3A_242, %dma_wait3A_243, %dma_wait3A_244] : memref<2x2x512xi32, #tpu.memory_space<vmem>> -> memref<1x2x512xi32, #tpu.memory_space<vmem>>
      %dma_wait3A_246 = tpu.memref_squeeze %dma_wait3A_245 : memref<1x2x512xi32, #tpu.memory_space<vmem>> -> memref<2x512xi32, #tpu.memory_space<vmem>>
      %dma_wait3A_247 = arith.constant 0 : i32
      %dma_wait3A_248 = tpu.memref_slice %arg3[%select_n3A, %add3A_226, %dma_wait3A_247] : memref<8x512x512xi32, #tpu.memory_space<hbm>> -> memref<1x2x512xi32, #tpu.memory_space<hbm>>
      %dma_wait3A_249 = tpu.memref_squeeze %dma_wait3A_248 : memref<1x2x512xi32, #tpu.memory_space<hbm>> -> memref<2x512xi32, #tpu.memory_space<hbm>>
      %dma_wait3A_250 = arith.constant 0 : i32
      %dma_wait3A_251 = arith.constant 0 : i32
      %dma_wait3A_252 = tpu.memref_slice %arg8[%dma_wait3A_242, %dma_wait3A_250, %dma_wait3A_251] : memref<2x2x512xi32, #tpu.memory_space<vmem>> -> memref<1x2x512xi32, #tpu.memory_space<vmem>>
      %dma_wait3A_253 = tpu.memref_squeeze %dma_wait3A_252 : memref<1x2x512xi32, #tpu.memory_space<vmem>> -> memref<2x512xi32, #tpu.memory_space<vmem>>
      %dma_wait3A_254 = arith.constant 0 : i32
      %dma_wait3A_255 = tpu.memref_slice %arg3[%select_n3A, %add3A_226, %dma_wait3A_254] : memref<8x512x512xi32, #tpu.memory_space<hbm>> -> memref<1x2x512xi32, #tpu.memory_space<hbm>>
      %dma_wait3A_256 = tpu.memref_squeeze %dma_wait3A_255 : memref<1x2x512xi32, #tpu.memory_space<hbm>> -> memref<2x512xi32, #tpu.memory_space<hbm>>
      tpu.wait_dma2 semaphore(%arg14 : memref<!tpu.dma_semaphore, #tpu.memory_space<semaphore_mem>>) src(%dma_wait3A_256 : memref<2x512xi32, #tpu.memory_space<hbm>>) dst(%dma_wait3A_253 : memref<2x512xi32, #tpu.memory_space<vmem>>)
      %parallel_loop3A_257 = arith.constant 0 : i32
      %parallel_loop3A_258 = arith.constant 32 : i32
      %parallel_loop3A_259 = arith.constant 1 : i32
      scf.for %parallel_loop3A_290 = %parallel_loop3A_257 to %parallel_loop3A_258 step %parallel_loop3A_259  : i32 {
        %parallel_loop3A_291 = arith.constant 16 : i32
        %parallel_loop3A_292 = arith.muli %parallel_loop3A_290, %parallel_loop3A_291 : i32
        %parallel_loop3A_293 = arith.constant 1 : i32
        %parallel_loop3A_294 = arith.constant 0 : i32
        %parallel_loop3A_295 = arith.index_cast %parallel_loop3A_293 : i32 to index
        %parallel_loop3A_296 = arith.index_cast %parallel_loop3A_294 : i32 to index
        %parallel_loop3A_297 = arith.index_cast %parallel_loop3A_292 : i32 to index
        %parallel_loop3A_298 = tpu.vector_load %arg8[%parallel_loop3A_295, %parallel_loop3A_296, %parallel_loop3A_297] {strides = array<i32>} : memref<2x2x512xi32, #tpu.memory_space<vmem>>, vector<16xi32>,
        %parallel_loop3A_299 = arith.constant 16 : i32
        %parallel_loop3A_300 = vector.broadcast %parallel_loop3A_299 : i32 to vector<16xi32>
        %parallel_loop3A_301 = arith.muli %parallel_loop3A_298, %parallel_loop3A_300 : vector<16xi32>
        %parallel_loop3A_302 = arith.addi %parallel_loop3A_301, %iota3A : vector<16xi32>
        %parallel_loop3A_303 = arith.constant 1 : i32
        %parallel_loop3A_304 = arith.constant 0 : i32
        %parallel_loop3A_305 = arith.index_cast %parallel_loop3A_303 : i32 to index
        %parallel_loop3A_306 = arith.index_cast %parallel_loop3A_304 : i32 to index
        %parallel_loop3A_307 = arith.index_cast %parallel_loop3A_292 : i32 to index
        %parallel_loop3A_308 = tpu.vector_load %arg7[%parallel_loop3A_305, %parallel_loop3A_306, %parallel_loop3A_307] {strides = array<i32>} : memref<2x2x512xf32, #tpu.memory_space<vmem>>, vector<16xf32>,
        %parallel_loop3A_309 = arith.constant 2.000000e+00 : f32
        %parallel_loop3A_310 = vector.broadcast %parallel_loop3A_309 : f32 to vector<16xf32>
        %parallel_loop3A_311 = arith.mulf %parallel_loop3A_308, %parallel_loop3A_310 : vector<16xf32>
        %parallel_loop3A_312 = arith.constant 0 : i32
        %parallel_loop3A_313 = tpu.memref_slice %arg6[%parallel_loop3A_312] : memref<65664xi32, #tpu.memory_space<vmem>> -> memref<8208xi32, #tpu.memory_space<vmem>>
        %parallel_loop3A_314 = tpu.vector_load_idx %parallel_loop3A_313[%parallel_loop3A_302] : memref<8208xi32, #tpu.memory_space<vmem>>[vector<16xi32>], vector<16xi32>,
        %parallel_loop3A_315 = arith.constant 16 : i32
        %parallel_loop3A_316 = vector.broadcast %parallel_loop3A_315 : i32 to vector<16xi32>
        %parallel_loop3A_317 = arith.shli %parallel_loop3A_314, %parallel_loop3A_316 : vector<16xi32>
        %parallel_loop3A_318 = vector.bitcast %parallel_loop3A_317 : vector<16xi32> to vector<16xf32>
        %parallel_loop3A_319 = arith.andi %parallel_loop3A_314, %broadcast_in_dim3A_33 : vector<16xi32>
        %parallel_loop3A_320 = vector.bitcast %parallel_loop3A_319 : vector<16xi32> to vector<16xf32>
        %parallel_loop3A_321 = arith.addf %parallel_loop3A_311, %parallel_loop3A_318 : vector<16xf32>
        %parallel_loop3A_322 = arith.constant 1 : i32
        %parallel_loop3A_323 = arith.constant 0 : i32
        %parallel_loop3A_324 = arith.constant 0 : i32
        %parallel_loop3A_325 = arith.index_cast %parallel_loop3A_322 : i32 to index
        %parallel_loop3A_326 = arith.index_cast %parallel_loop3A_323 : i32 to index
        %parallel_loop3A_327 = arith.index_cast %parallel_loop3A_324 : i32 to index
        %parallel_loop3A_328 = arith.index_cast %parallel_loop3A_292 : i32 to index
        %parallel_loop3A_329 = tpu.vector_load %arg9[%parallel_loop3A_325, %parallel_loop3A_326, %parallel_loop3A_327, %parallel_loop3A_328] {strides = array<i32>} : memref<2x16x2x512xf32, #tpu.memory_space<vmem>>, vector<16xf32>,
        tpu.vector_store %arg9[%parallel_loop3A_325, %parallel_loop3A_326, %parallel_loop3A_327, %parallel_loop3A_328], %parallel_loop3A_321 {strides = array<i32>} : memref<2x16x2x512xf32, #tpu.memory_space<vmem>>, vector<16xf32>,
        %parallel_loop3A_330 = arith.addf %parallel_loop3A_311, %parallel_loop3A_320 : vector<16xf32>
        %parallel_loop3A_331 = arith.constant 1 : i32
        %parallel_loop3A_332 = arith.constant 1 : i32
        %parallel_loop3A_333 = arith.constant 0 : i32
        %parallel_loop3A_334 = arith.index_cast %parallel_loop3A_331 : i32 to index
        %parallel_loop3A_335 = arith.index_cast %parallel_loop3A_332 : i32 to index
        %parallel_loop3A_336 = arith.index_cast %parallel_loop3A_333 : i32 to index
        %parallel_loop3A_337 = arith.index_cast %parallel_loop3A_292 : i32 to index
        %parallel_loop3A_338 = tpu.vector_load %arg9[%parallel_loop3A_334, %parallel_loop3A_335, %parallel_loop3A_336, %parallel_loop3A_337] {strides = array<i32>} : memref<2x16x2x512xf32, #tpu.memory_space<vmem>>, vector<16xf32>,
        tpu.vector_store %arg9[%parallel_loop3A_334, %parallel_loop3A_335, %parallel_loop3A_336, %parallel_loop3A_337], %parallel_loop3A_330 {strides = array<i32>} : memref<2x16x2x512xf32, #tpu.memory_space<vmem>>, vector<16xf32>,
        %parallel_loop3A_339 = arith.constant 8208 : i32
        %parallel_loop3A_340 = tpu.memref_slice %arg6[%parallel_loop3A_339] : memref<65664xi32, #tpu.memory_space<vmem>> -> memref<8208xi32, #tpu.memory_space<vmem>>
        %parallel_loop3A_341 = tpu.vector_load_idx %parallel_loop3A_340[%parallel_loop3A_302] : memref<8208xi32, #tpu.memory_space<vmem>>[vector<16xi32>], vector<16xi32>,
        %parallel_loop3A_342 = arith.constant 16 : i32
        %parallel_loop3A_343 = vector.broadcast %parallel_loop3A_342 : i32 to vector<16xi32>
        %parallel_loop3A_344 = arith.shli %parallel_loop3A_341, %parallel_loop3A_343 : vector<16xi32>
        %parallel_loop3A_345 = vector.bitcast %parallel_loop3A_344 : vector<16xi32> to vector<16xf32>
        %parallel_loop3A_346 = arith.andi %parallel_loop3A_341, %broadcast_in_dim3A_33 : vector<16xi32>
        %parallel_loop3A_347 = vector.bitcast %parallel_loop3A_346 : vector<16xi32> to vector<16xf32>
        %parallel_loop3A_348 = arith.addf %parallel_loop3A_311, %parallel_loop3A_345 : vector<16xf32>
        %parallel_loop3A_349 = arith.constant 1 : i32
        %parallel_loop3A_350 = arith.constant 2 : i32
        %parallel_loop3A_351 = arith.constant 0 : i32
        %parallel_loop3A_352 = arith.index_cast %parallel_loop3A_349 : i32 to index
        %parallel_loop3A_353 = arith.index_cast %parallel_loop3A_350 : i32 to index
        %parallel_loop3A_354 = arith.index_cast %parallel_loop3A_351 : i32 to index
        %parallel_loop3A_355 = arith.index_cast %parallel_loop3A_292 : i32 to index
        %parallel_loop3A_356 = tpu.vector_load %arg9[%parallel_loop3A_352, %parallel_loop3A_353, %parallel_loop3A_354, %parallel_loop3A_355] {strides = array<i32>} : memref<2x16x2x512xf32, #tpu.memory_space<vmem>>, vector<16xf32>,
        tpu.vector_store %arg9[%parallel_loop3A_352, %parallel_loop3A_353, %parallel_loop3A_354, %parallel_loop3A_355], %parallel_loop3A_348 {strides = array<i32>} : memref<2x16x2x512xf32, #tpu.memory_space<vmem>>, vector<16xf32>,
        %parallel_loop3A_357 = arith.addf %parallel_loop3A_311, %parallel_loop3A_347 : vector<16xf32>
        %parallel_loop3A_358 = arith.constant 1 : i32
        %parallel_loop3A_359 = arith.constant 3 : i32
        %parallel_loop3A_360 = arith.constant 0 : i32
        %parallel_loop3A_361 = arith.index_cast %parallel_loop3A_358 : i32 to index
        %parallel_loop3A_362 = arith.index_cast %parallel_loop3A_359 : i32 to index
        %parallel_loop3A_363 = arith.index_cast %parallel_loop3A_360 : i32 to index
        %parallel_loop3A_364 = arith.index_cast %parallel_loop3A_292 : i32 to index
        %parallel_loop3A_365 = tpu.vector_load %arg9[%parallel_loop3A_361, %parallel_loop3A_362, %parallel_loop3A_363, %parallel_loop3A_364] {strides = array<i32>} : memref<2x16x2x512xf32, #tpu.memory_space<vmem>>, vector<16xf32>,
        tpu.vector_store %arg9[%parallel_loop3A_361, %parallel_loop3A_362, %parallel_loop3A_363, %parallel_loop3A_364], %parallel_loop3A_357 {strides = array<i32>} : memref<2x16x2x512xf32, #tpu.memory_space<vmem>>, vector<16xf32>,
        %parallel_loop3A_366 = arith.constant 16416 : i32
        %parallel_loop3A_367 = tpu.memref_slice %arg6[%parallel_loop3A_366] : memref<65664xi32, #tpu.memory_space<vmem>> -> memref<8208xi32, #tpu.memory_space<vmem>>
        %parallel_loop3A_368 = tpu.vector_load_idx %parallel_loop3A_367[%parallel_loop3A_302] : memref<8208xi32, #tpu.memory_space<vmem>>[vector<16xi32>], vector<16xi32>,
        %parallel_loop3A_369 = arith.constant 16 : i32
        %parallel_loop3A_370 = vector.broadcast %parallel_loop3A_369 : i32 to vector<16xi32>
        %parallel_loop3A_371 = arith.shli %parallel_loop3A_368, %parallel_loop3A_370 : vector<16xi32>
        %parallel_loop3A_372 = vector.bitcast %parallel_loop3A_371 : vector<16xi32> to vector<16xf32>
        %parallel_loop3A_373 = arith.andi %parallel_loop3A_368, %broadcast_in_dim3A_33 : vector<16xi32>
        %parallel_loop3A_374 = vector.bitcast %parallel_loop3A_373 : vector<16xi32> to vector<16xf32>
        %parallel_loop3A_375 = arith.addf %parallel_loop3A_311, %parallel_loop3A_372 : vector<16xf32>
        %parallel_loop3A_376 = arith.constant 1 : i32
        %parallel_loop3A_377 = arith.constant 4 : i32
        %parallel_loop3A_378 = arith.constant 0 : i32
        %parallel_loop3A_379 = arith.index_cast %parallel_loop3A_376 : i32 to index
        %parallel_loop3A_380 = arith.index_cast %parallel_loop3A_377 : i32 to index
        %parallel_loop3A_381 = arith.index_cast %parallel_loop3A_378 : i32 to index
        %parallel_loop3A_382 = arith.index_cast %parallel_loop3A_292 : i32 to index
        %parallel_loop3A_383 = tpu.vector_load %arg9[%parallel_loop3A_379, %parallel_loop3A_380, %parallel_loop3A_381, %parallel_loop3A_382] {strides = array<i32>} : memref<2x16x2x512xf32, #tpu.memory_space<vmem>>, vector<16xf32>,
        tpu.vector_store %arg9[%parallel_loop3A_379, %parallel_loop3A_380, %parallel_loop3A_381, %parallel_loop3A_382], %parallel_loop3A_375 {strides = array<i32>} : memref<2x16x2x512xf32, #tpu.memory_space<vmem>>, vector<16xf32>,
        %parallel_loop3A_384 = arith.addf %parallel_loop3A_311, %parallel_loop3A_374 : vector<16xf32>
        %parallel_loop3A_385 = arith.constant 1 : i32
        %parallel_loop3A_386 = arith.constant 5 : i32
        %parallel_loop3A_387 = arith.constant 0 : i32
        %parallel_loop3A_388 = arith.index_cast %parallel_loop3A_385 : i32 to index
        %parallel_loop3A_389 = arith.index_cast %parallel_loop3A_386 : i32 to index
        %parallel_loop3A_390 = arith.index_cast %parallel_loop3A_387 : i32 to index
        %parallel_loop3A_391 = arith.index_cast %parallel_loop3A_292 : i32 to index
        %parallel_loop3A_392 = tpu.vector_load %arg9[%parallel_loop3A_388, %parallel_loop3A_389, %parallel_loop3A_390, %parallel_loop3A_391] {strides = array<i32>} : memref<2x16x2x512xf32, #tpu.memory_space<vmem>>, vector<16xf32>,
        tpu.vector_store %arg9[%parallel_loop3A_388, %parallel_loop3A_389, %parallel_loop3A_390, %parallel_loop3A_391], %parallel_loop3A_384 {strides = array<i32>} : memref<2x16x2x512xf32, #tpu.memory_space<vmem>>, vector<16xf32>,
        %parallel_loop3A_393 = arith.constant 24624 : i32
        %parallel_loop3A_394 = tpu.memref_slice %arg6[%parallel_loop3A_393] : memref<65664xi32, #tpu.memory_space<vmem>> -> memref<8208xi32, #tpu.memory_space<vmem>>
        %parallel_loop3A_395 = tpu.vector_load_idx %parallel_loop3A_394[%parallel_loop3A_302] : memref<8208xi32, #tpu.memory_space<vmem>>[vector<16xi32>], vector<16xi32>,
        %parallel_loop3A_396 = arith.constant 16 : i32
        %parallel_loop3A_397 = vector.broadcast %parallel_loop3A_396 : i32 to vector<16xi32>
        %parallel_loop3A_398 = arith.shli %parallel_loop3A_395, %parallel_loop3A_397 : vector<16xi32>
        %parallel_loop3A_399 = vector.bitcast %parallel_loop3A_398 : vector<16xi32> to vector<16xf32>
        %parallel_loop3A_400 = arith.andi %parallel_loop3A_395, %broadcast_in_dim3A_33 : vector<16xi32>
        %parallel_loop3A_401 = vector.bitcast %parallel_loop3A_400 : vector<16xi32> to vector<16xf32>
        %parallel_loop3A_402 = arith.addf %parallel_loop3A_311, %parallel_loop3A_399 : vector<16xf32>
        %parallel_loop3A_403 = arith.constant 1 : i32
        %parallel_loop3A_404 = arith.constant 6 : i32
        %parallel_loop3A_405 = arith.constant 0 : i32
        %parallel_loop3A_406 = arith.index_cast %parallel_loop3A_403 : i32 to index
        %parallel_loop3A_407 = arith.index_cast %parallel_loop3A_404 : i32 to index
        %parallel_loop3A_408 = arith.index_cast %parallel_loop3A_405 : i32 to index
        %parallel_loop3A_409 = arith.index_cast %parallel_loop3A_292 : i32 to index
        %parallel_loop3A_410 = tpu.vector_load %arg9[%parallel_loop3A_406, %parallel_loop3A_407, %parallel_loop3A_408, %parallel_loop3A_409] {strides = array<i32>} : memref<2x16x2x512xf32, #tpu.memory_space<vmem>>, vector<16xf32>,
        tpu.vector_store %arg9[%parallel_loop3A_406, %parallel_loop3A_407, %parallel_loop3A_408, %parallel_loop3A_409], %parallel_loop3A_402 {strides = array<i32>} : memref<2x16x2x512xf32, #tpu.memory_space<vmem>>, vector<16xf32>,
        %parallel_loop3A_411 = arith.addf %parallel_loop3A_311, %parallel_loop3A_401 : vector<16xf32>
        %parallel_loop3A_412 = arith.constant 1 : i32
        %parallel_loop3A_413 = arith.constant 7 : i32
        %parallel_loop3A_414 = arith.constant 0 : i32
        %parallel_loop3A_415 = arith.index_cast %parallel_loop3A_412 : i32 to index
        %parallel_loop3A_416 = arith.index_cast %parallel_loop3A_413 : i32 to index
        %parallel_loop3A_417 = arith.index_cast %parallel_loop3A_414 : i32 to index
        %parallel_loop3A_418 = arith.index_cast %parallel_loop3A_292 : i32 to index
        %parallel_loop3A_419 = tpu.vector_load %arg9[%parallel_loop3A_415, %parallel_loop3A_416, %parallel_loop3A_417, %parallel_loop3A_418] {strides = array<i32>} : memref<2x16x2x512xf32, #tpu.memory_space<vmem>>, vector<16xf32>,
        tpu.vector_store %arg9[%parallel_loop3A_415, %parallel_loop3A_416, %parallel_loop3A_417, %parallel_loop3A_418], %parallel_loop3A_411 {strides = array<i32>} : memref<2x16x2x512xf32, #tpu.memory_space<vmem>>, vector<16xf32>,
        %parallel_loop3A_420 = arith.constant 32832 : i32
        %parallel_loop3A_421 = tpu.memref_slice %arg6[%parallel_loop3A_420] : memref<65664xi32, #tpu.memory_space<vmem>> -> memref<8208xi32, #tpu.memory_space<vmem>>
        %parallel_loop3A_422 = tpu.vector_load_idx %parallel_loop3A_421[%parallel_loop3A_302] : memref<8208xi32, #tpu.memory_space<vmem>>[vector<16xi32>], vector<16xi32>,
        %parallel_loop3A_423 = arith.constant 16 : i32
        %parallel_loop3A_424 = vector.broadcast %parallel_loop3A_423 : i32 to vector<16xi32>
        %parallel_loop3A_425 = arith.shli %parallel_loop3A_422, %parallel_loop3A_424 : vector<16xi32>
        %parallel_loop3A_426 = vector.bitcast %parallel_loop3A_425 : vector<16xi32> to vector<16xf32>
        %parallel_loop3A_427 = arith.andi %parallel_loop3A_422, %broadcast_in_dim3A_33 : vector<16xi32>
        %parallel_loop3A_428 = vector.bitcast %parallel_loop3A_427 : vector<16xi32> to vector<16xf32>
        %parallel_loop3A_429 = arith.addf %parallel_loop3A_311, %parallel_loop3A_426 : vector<16xf32>
        %parallel_loop3A_430 = arith.constant 1 : i32
        %parallel_loop3A_431 = arith.constant 8 : i32
        %parallel_loop3A_432 = arith.constant 0 : i32
        %parallel_loop3A_433 = arith.index_cast %parallel_loop3A_430 : i32 to index
        %parallel_loop3A_434 = arith.index_cast %parallel_loop3A_431 : i32 to index
        %parallel_loop3A_435 = arith.index_cast %parallel_loop3A_432 : i32 to index
        %parallel_loop3A_436 = arith.index_cast %parallel_loop3A_292 : i32 to index
        %parallel_loop3A_437 = tpu.vector_load %arg9[%parallel_loop3A_433, %parallel_loop3A_434, %parallel_loop3A_435, %parallel_loop3A_436] {strides = array<i32>} : memref<2x16x2x512xf32, #tpu.memory_space<vmem>>, vector<16xf32>,
        tpu.vector_store %arg9[%parallel_loop3A_433, %parallel_loop3A_434, %parallel_loop3A_435, %parallel_loop3A_436], %parallel_loop3A_429 {strides = array<i32>} : memref<2x16x2x512xf32, #tpu.memory_space<vmem>>, vector<16xf32>,
        %parallel_loop3A_438 = arith.addf %parallel_loop3A_311, %parallel_loop3A_428 : vector<16xf32>
        %parallel_loop3A_439 = arith.constant 1 : i32
        %parallel_loop3A_440 = arith.constant 9 : i32
        %parallel_loop3A_441 = arith.constant 0 : i32
        %parallel_loop3A_442 = arith.index_cast %parallel_loop3A_439 : i32 to index
        %parallel_loop3A_443 = arith.index_cast %parallel_loop3A_440 : i32 to index
        %parallel_loop3A_444 = arith.index_cast %parallel_loop3A_441 : i32 to index
        %parallel_loop3A_445 = arith.index_cast %parallel_loop3A_292 : i32 to index
        %parallel_loop3A_446 = tpu.vector_load %arg9[%parallel_loop3A_442, %parallel_loop3A_443, %parallel_loop3A_444, %parallel_loop3A_445] {strides = array<i32>} : memref<2x16x2x512xf32, #tpu.memory_space<vmem>>, vector<16xf32>,
        tpu.vector_store %arg9[%parallel_loop3A_442, %parallel_loop3A_443, %parallel_loop3A_444, %parallel_loop3A_445], %parallel_loop3A_438 {strides = array<i32>} : memref<2x16x2x512xf32, #tpu.memory_space<vmem>>, vector<16xf32>,
        %parallel_loop3A_447 = arith.constant 41040 : i32
        %parallel_loop3A_448 = tpu.memref_slice %arg6[%parallel_loop3A_447] : memref<65664xi32, #tpu.memory_space<vmem>> -> memref<8208xi32, #tpu.memory_space<vmem>>
        %parallel_loop3A_449 = tpu.vector_load_idx %parallel_loop3A_448[%parallel_loop3A_302] : memref<8208xi32, #tpu.memory_space<vmem>>[vector<16xi32>], vector<16xi32>,
        %parallel_loop3A_450 = arith.constant 16 : i32
        %parallel_loop3A_451 = vector.broadcast %parallel_loop3A_450 : i32 to vector<16xi32>
        %parallel_loop3A_452 = arith.shli %parallel_loop3A_449, %parallel_loop3A_451 : vector<16xi32>
        %parallel_loop3A_453 = vector.bitcast %parallel_loop3A_452 : vector<16xi32> to vector<16xf32>
        %parallel_loop3A_454 = arith.andi %parallel_loop3A_449, %broadcast_in_dim3A_33 : vector<16xi32>
        %parallel_loop3A_455 = vector.bitcast %parallel_loop3A_454 : vector<16xi32> to vector<16xf32>
        %parallel_loop3A_456 = arith.addf %parallel_loop3A_311, %parallel_loop3A_453 : vector<16xf32>
        %parallel_loop3A_457 = arith.constant 1 : i32
        %parallel_loop3A_458 = arith.constant 10 : i32
        %parallel_loop3A_459 = arith.constant 0 : i32
        %parallel_loop3A_460 = arith.index_cast %parallel_loop3A_457 : i32 to index
        %parallel_loop3A_461 = arith.index_cast %parallel_loop3A_458 : i32 to index
        %parallel_loop3A_462 = arith.index_cast %parallel_loop3A_459 : i32 to index
        %parallel_loop3A_463 = arith.index_cast %parallel_loop3A_292 : i32 to index
        %parallel_loop3A_464 = tpu.vector_load %arg9[%parallel_loop3A_460, %parallel_loop3A_461, %parallel_loop3A_462, %parallel_loop3A_463] {strides = array<i32>} : memref<2x16x2x512xf32, #tpu.memory_space<vmem>>, vector<16xf32>,
        tpu.vector_store %arg9[%parallel_loop3A_460, %parallel_loop3A_461, %parallel_loop3A_462, %parallel_loop3A_463], %parallel_loop3A_456 {strides = array<i32>} : memref<2x16x2x512xf32, #tpu.memory_space<vmem>>, vector<16xf32>,
        %parallel_loop3A_465 = arith.addf %parallel_loop3A_311, %parallel_loop3A_455 : vector<16xf32>
        %parallel_loop3A_466 = arith.constant 1 : i32
        %parallel_loop3A_467 = arith.constant 11 : i32
        %parallel_loop3A_468 = arith.constant 0 : i32
        %parallel_loop3A_469 = arith.index_cast %parallel_loop3A_466 : i32 to index
        %parallel_loop3A_470 = arith.index_cast %parallel_loop3A_467 : i32 to index
        %parallel_loop3A_471 = arith.index_cast %parallel_loop3A_468 : i32 to index
        %parallel_loop3A_472 = arith.index_cast %parallel_loop3A_292 : i32 to index
        %parallel_loop3A_473 = tpu.vector_load %arg9[%parallel_loop3A_469, %parallel_loop3A_470, %parallel_loop3A_471, %parallel_loop3A_472] {strides = array<i32>} : memref<2x16x2x512xf32, #tpu.memory_space<vmem>>, vector<16xf32>,
        tpu.vector_store %arg9[%parallel_loop3A_469, %parallel_loop3A_470, %parallel_loop3A_471, %parallel_loop3A_472], %parallel_loop3A_465 {strides = array<i32>} : memref<2x16x2x512xf32, #tpu.memory_space<vmem>>, vector<16xf32>,
        %parallel_loop3A_474 = arith.constant 49248 : i32
        %parallel_loop3A_475 = tpu.memref_slice %arg6[%parallel_loop3A_474] : memref<65664xi32, #tpu.memory_space<vmem>> -> memref<8208xi32, #tpu.memory_space<vmem>>
        %parallel_loop3A_476 = tpu.vector_load_idx %parallel_loop3A_475[%parallel_loop3A_302] : memref<8208xi32, #tpu.memory_space<vmem>>[vector<16xi32>], vector<16xi32>,
        %parallel_loop3A_477 = arith.constant 16 : i32
        %parallel_loop3A_478 = vector.broadcast %parallel_loop3A_477 : i32 to vector<16xi32>
        %parallel_loop3A_479 = arith.shli %parallel_loop3A_476, %parallel_loop3A_478 : vector<16xi32>
        %parallel_loop3A_480 = vector.bitcast %parallel_loop3A_479 : vector<16xi32> to vector<16xf32>
        %parallel_loop3A_481 = arith.andi %parallel_loop3A_476, %broadcast_in_dim3A_33 : vector<16xi32>
        %parallel_loop3A_482 = vector.bitcast %parallel_loop3A_481 : vector<16xi32> to vector<16xf32>
        %parallel_loop3A_483 = arith.addf %parallel_loop3A_311, %parallel_loop3A_480 : vector<16xf32>
        %parallel_loop3A_484 = arith.constant 1 : i32
        %parallel_loop3A_485 = arith.constant 12 : i32
        %parallel_loop3A_486 = arith.constant 0 : i32
        %parallel_loop3A_487 = arith.index_cast %parallel_loop3A_484 : i32 to index
        %parallel_loop3A_488 = arith.index_cast %parallel_loop3A_485 : i32 to index
        %parallel_loop3A_489 = arith.index_cast %parallel_loop3A_486 : i32 to index
        %parallel_loop3A_490 = arith.index_cast %parallel_loop3A_292 : i32 to index
        %parallel_loop3A_491 = tpu.vector_load %arg9[%parallel_loop3A_487, %parallel_loop3A_488, %parallel_loop3A_489, %parallel_loop3A_490] {strides = array<i32>} : memref<2x16x2x512xf32, #tpu.memory_space<vmem>>, vector<16xf32>,
        tpu.vector_store %arg9[%parallel_loop3A_487, %parallel_loop3A_488, %parallel_loop3A_489, %parallel_loop3A_490], %parallel_loop3A_483 {strides = array<i32>} : memref<2x16x2x512xf32, #tpu.memory_space<vmem>>, vector<16xf32>,
        %parallel_loop3A_492 = arith.addf %parallel_loop3A_311, %parallel_loop3A_482 : vector<16xf32>
        %parallel_loop3A_493 = arith.constant 1 : i32
        %parallel_loop3A_494 = arith.constant 13 : i32
        %parallel_loop3A_495 = arith.constant 0 : i32
        %parallel_loop3A_496 = arith.index_cast %parallel_loop3A_493 : i32 to index
        %parallel_loop3A_497 = arith.index_cast %parallel_loop3A_494 : i32 to index
        %parallel_loop3A_498 = arith.index_cast %parallel_loop3A_495 : i32 to index
        %parallel_loop3A_499 = arith.index_cast %parallel_loop3A_292 : i32 to index
        %parallel_loop3A_500 = tpu.vector_load %arg9[%parallel_loop3A_496, %parallel_loop3A_497, %parallel_loop3A_498, %parallel_loop3A_499] {strides = array<i32>} : memref<2x16x2x512xf32, #tpu.memory_space<vmem>>, vector<16xf32>,
        tpu.vector_store %arg9[%parallel_loop3A_496, %parallel_loop3A_497, %parallel_loop3A_498, %parallel_loop3A_499], %parallel_loop3A_492 {strides = array<i32>} : memref<2x16x2x512xf32, #tpu.memory_space<vmem>>, vector<16xf32>,
        %parallel_loop3A_501 = arith.constant 57456 : i32
        %parallel_loop3A_502 = tpu.memref_slice %arg6[%parallel_loop3A_501] : memref<65664xi32, #tpu.memory_space<vmem>> -> memref<8208xi32, #tpu.memory_space<vmem>>
        %parallel_loop3A_503 = tpu.vector_load_idx %parallel_loop3A_502[%parallel_loop3A_302] : memref<8208xi32, #tpu.memory_space<vmem>>[vector<16xi32>], vector<16xi32>,
        %parallel_loop3A_504 = arith.constant 16 : i32
        %parallel_loop3A_505 = vector.broadcast %parallel_loop3A_504 : i32 to vector<16xi32>
        %parallel_loop3A_506 = arith.shli %parallel_loop3A_503, %parallel_loop3A_505 : vector<16xi32>
        %parallel_loop3A_507 = vector.bitcast %parallel_loop3A_506 : vector<16xi32> to vector<16xf32>
        %parallel_loop3A_508 = arith.andi %parallel_loop3A_503, %broadcast_in_dim3A_33 : vector<16xi32>
        %parallel_loop3A_509 = vector.bitcast %parallel_loop3A_508 : vector<16xi32> to vector<16xf32>
        %parallel_loop3A_510 = arith.addf %parallel_loop3A_311, %parallel_loop3A_507 : vector<16xf32>
        %parallel_loop3A_511 = arith.constant 1 : i32
        %parallel_loop3A_512 = arith.constant 14 : i32
        %parallel_loop3A_513 = arith.constant 0 : i32
        %parallel_loop3A_514 = arith.index_cast %parallel_loop3A_511 : i32 to index
        %parallel_loop3A_515 = arith.index_cast %parallel_loop3A_512 : i32 to index
        %parallel_loop3A_516 = arith.index_cast %parallel_loop3A_513 : i32 to index
        %parallel_loop3A_517 = arith.index_cast %parallel_loop3A_292 : i32 to index
        %parallel_loop3A_518 = tpu.vector_load %arg9[%parallel_loop3A_514, %parallel_loop3A_515, %parallel_loop3A_516, %parallel_loop3A_517] {strides = array<i32>} : memref<2x16x2x512xf32, #tpu.memory_space<vmem>>, vector<16xf32>,
        tpu.vector_store %arg9[%parallel_loop3A_514, %parallel_loop3A_515, %parallel_loop3A_516, %parallel_loop3A_517], %parallel_loop3A_510 {strides = array<i32>} : memref<2x16x2x512xf32, #tpu.memory_space<vmem>>, vector<16xf32>,
        %parallel_loop3A_519 = arith.addf %parallel_loop3A_311, %parallel_loop3A_509 : vector<16xf32>
        %parallel_loop3A_520 = arith.constant 1 : i32
        %parallel_loop3A_521 = arith.constant 15 : i32
        %parallel_loop3A_522 = arith.constant 0 : i32
        %parallel_loop3A_523 = arith.index_cast %parallel_loop3A_520 : i32 to index
        %parallel_loop3A_524 = arith.index_cast %parallel_loop3A_521 : i32 to index
        %parallel_loop3A_525 = arith.index_cast %parallel_loop3A_522 : i32 to index
        %parallel_loop3A_526 = arith.index_cast %parallel_loop3A_292 : i32 to index
        %parallel_loop3A_527 = tpu.vector_load %arg9[%parallel_loop3A_523, %parallel_loop3A_524, %parallel_loop3A_525, %parallel_loop3A_526] {strides = array<i32>} : memref<2x16x2x512xf32, #tpu.memory_space<vmem>>, vector<16xf32>,
        tpu.vector_store %arg9[%parallel_loop3A_523, %parallel_loop3A_524, %parallel_loop3A_525, %parallel_loop3A_526], %parallel_loop3A_519 {strides = array<i32>} : memref<2x16x2x512xf32, #tpu.memory_space<vmem>>, vector<16xf32>,
      } {sc.loop_unroll_factor = 4 : i64, sc.parallel_access}
      %parallel_loop3A_260 = arith.constant 0 : i32
      %parallel_loop3A_261 = arith.constant 32 : i32
      %parallel_loop3A_262 = arith.constant 1 : i32
      scf.for %parallel_loop3A_290 = %parallel_loop3A_260 to %parallel_loop3A_261 step %parallel_loop3A_262  : i32 {
        %parallel_loop3A_291 = arith.constant 16 : i32
        %parallel_loop3A_292 = arith.muli %parallel_loop3A_290, %parallel_loop3A_291 : i32
        %parallel_loop3A_293 = arith.constant 1 : i32
        %parallel_loop3A_294 = arith.constant 1 : i32
        %parallel_loop3A_295 = arith.index_cast %parallel_loop3A_293 : i32 to index
        %parallel_loop3A_296 = arith.index_cast %parallel_loop3A_294 : i32 to index
        %parallel_loop3A_297 = arith.index_cast %parallel_loop3A_292 : i32 to index
        %parallel_loop3A_298 = tpu.vector_load %arg8[%parallel_loop3A_295, %parallel_loop3A_296, %parallel_loop3A_297] {strides = array<i32>} : memref<2x2x512xi32, #tpu.memory_space<vmem>>, vector<16xi32>,
        %parallel_loop3A_299 = arith.constant 16 : i32
        %parallel_loop3A_300 = vector.broadcast %parallel_loop3A_299 : i32 to vector<16xi32>
        %parallel_loop3A_301 = arith.muli %parallel_loop3A_298, %parallel_loop3A_300 : vector<16xi32>
        %parallel_loop3A_302 = arith.addi %parallel_loop3A_301, %iota3A : vector<16xi32>
        %parallel_loop3A_303 = arith.constant 1 : i32
        %parallel_loop3A_304 = arith.constant 1 : i32
        %parallel_loop3A_305 = arith.index_cast %parallel_loop3A_303 : i32 to index
        %parallel_loop3A_306 = arith.index_cast %parallel_loop3A_304 : i32 to index
        %parallel_loop3A_307 = arith.index_cast %parallel_loop3A_292 : i32 to index
        %parallel_loop3A_308 = tpu.vector_load %arg7[%parallel_loop3A_305, %parallel_loop3A_306, %parallel_loop3A_307] {strides = array<i32>} : memref<2x2x512xf32, #tpu.memory_space<vmem>>, vector<16xf32>,
        %parallel_loop3A_309 = arith.constant 2.000000e+00 : f32
        %parallel_loop3A_310 = vector.broadcast %parallel_loop3A_309 : f32 to vector<16xf32>
        %parallel_loop3A_311 = arith.mulf %parallel_loop3A_308, %parallel_loop3A_310 : vector<16xf32>
        %parallel_loop3A_312 = arith.constant 0 : i32
        %parallel_loop3A_313 = tpu.memref_slice %arg6[%parallel_loop3A_312] : memref<65664xi32, #tpu.memory_space<vmem>> -> memref<8208xi32, #tpu.memory_space<vmem>>
        %parallel_loop3A_314 = tpu.vector_load_idx %parallel_loop3A_313[%parallel_loop3A_302] : memref<8208xi32, #tpu.memory_space<vmem>>[vector<16xi32>], vector<16xi32>,
        %parallel_loop3A_315 = arith.constant 16 : i32
        %parallel_loop3A_316 = vector.broadcast %parallel_loop3A_315 : i32 to vector<16xi32>
        %parallel_loop3A_317 = arith.shli %parallel_loop3A_314, %parallel_loop3A_316 : vector<16xi32>
        %parallel_loop3A_318 = vector.bitcast %parallel_loop3A_317 : vector<16xi32> to vector<16xf32>
        %parallel_loop3A_319 = arith.andi %parallel_loop3A_314, %broadcast_in_dim3A_33 : vector<16xi32>
        %parallel_loop3A_320 = vector.bitcast %parallel_loop3A_319 : vector<16xi32> to vector<16xf32>
        %parallel_loop3A_321 = arith.addf %parallel_loop3A_311, %parallel_loop3A_318 : vector<16xf32>
        %parallel_loop3A_322 = arith.constant 1 : i32
        %parallel_loop3A_323 = arith.constant 0 : i32
        %parallel_loop3A_324 = arith.constant 1 : i32
        %parallel_loop3A_325 = arith.index_cast %parallel_loop3A_322 : i32 to index
        %parallel_loop3A_326 = arith.index_cast %parallel_loop3A_323 : i32 to index
        %parallel_loop3A_327 = arith.index_cast %parallel_loop3A_324 : i32 to index
        %parallel_loop3A_328 = arith.index_cast %parallel_loop3A_292 : i32 to index
        %parallel_loop3A_329 = tpu.vector_load %arg9[%parallel_loop3A_325, %parallel_loop3A_326, %parallel_loop3A_327, %parallel_loop3A_328] {strides = array<i32>} : memref<2x16x2x512xf32, #tpu.memory_space<vmem>>, vector<16xf32>,
        tpu.vector_store %arg9[%parallel_loop3A_325, %parallel_loop3A_326, %parallel_loop3A_327, %parallel_loop3A_328], %parallel_loop3A_321 {strides = array<i32>} : memref<2x16x2x512xf32, #tpu.memory_space<vmem>>, vector<16xf32>,
        %parallel_loop3A_330 = arith.addf %parallel_loop3A_311, %parallel_loop3A_320 : vector<16xf32>
        %parallel_loop3A_331 = arith.constant 1 : i32
        %parallel_loop3A_332 = arith.constant 1 : i32
        %parallel_loop3A_333 = arith.constant 1 : i32
        %parallel_loop3A_334 = arith.index_cast %parallel_loop3A_331 : i32 to index
        %parallel_loop3A_335 = arith.index_cast %parallel_loop3A_332 : i32 to index
        %parallel_loop3A_336 = arith.index_cast %parallel_loop3A_333 : i32 to index
        %parallel_loop3A_337 = arith.index_cast %parallel_loop3A_292 : i32 to index
        %parallel_loop3A_338 = tpu.vector_load %arg9[%parallel_loop3A_334, %parallel_loop3A_335, %parallel_loop3A_336, %parallel_loop3A_337] {strides = array<i32>} : memref<2x16x2x512xf32, #tpu.memory_space<vmem>>, vector<16xf32>,
        tpu.vector_store %arg9[%parallel_loop3A_334, %parallel_loop3A_335, %parallel_loop3A_336, %parallel_loop3A_337], %parallel_loop3A_330 {strides = array<i32>} : memref<2x16x2x512xf32, #tpu.memory_space<vmem>>, vector<16xf32>,
        %parallel_loop3A_339 = arith.constant 8208 : i32
        %parallel_loop3A_340 = tpu.memref_slice %arg6[%parallel_loop3A_339] : memref<65664xi32, #tpu.memory_space<vmem>> -> memref<8208xi32, #tpu.memory_space<vmem>>
        %parallel_loop3A_341 = tpu.vector_load_idx %parallel_loop3A_340[%parallel_loop3A_302] : memref<8208xi32, #tpu.memory_space<vmem>>[vector<16xi32>], vector<16xi32>,
        %parallel_loop3A_342 = arith.constant 16 : i32
        %parallel_loop3A_343 = vector.broadcast %parallel_loop3A_342 : i32 to vector<16xi32>
        %parallel_loop3A_344 = arith.shli %parallel_loop3A_341, %parallel_loop3A_343 : vector<16xi32>
        %parallel_loop3A_345 = vector.bitcast %parallel_loop3A_344 : vector<16xi32> to vector<16xf32>
        %parallel_loop3A_346 = arith.andi %parallel_loop3A_341, %broadcast_in_dim3A_33 : vector<16xi32>
        %parallel_loop3A_347 = vector.bitcast %parallel_loop3A_346 : vector<16xi32> to vector<16xf32>
        %parallel_loop3A_348 = arith.addf %parallel_loop3A_311, %parallel_loop3A_345 : vector<16xf32>
        %parallel_loop3A_349 = arith.constant 1 : i32
        %parallel_loop3A_350 = arith.constant 2 : i32
        %parallel_loop3A_351 = arith.constant 1 : i32
        %parallel_loop3A_352 = arith.index_cast %parallel_loop3A_349 : i32 to index
        %parallel_loop3A_353 = arith.index_cast %parallel_loop3A_350 : i32 to index
        %parallel_loop3A_354 = arith.index_cast %parallel_loop3A_351 : i32 to index
        %parallel_loop3A_355 = arith.index_cast %parallel_loop3A_292 : i32 to index
        %parallel_loop3A_356 = tpu.vector_load %arg9[%parallel_loop3A_352, %parallel_loop3A_353, %parallel_loop3A_354, %parallel_loop3A_355] {strides = array<i32>} : memref<2x16x2x512xf32, #tpu.memory_space<vmem>>, vector<16xf32>,
        tpu.vector_store %arg9[%parallel_loop3A_352, %parallel_loop3A_353, %parallel_loop3A_354, %parallel_loop3A_355], %parallel_loop3A_348 {strides = array<i32>} : memref<2x16x2x512xf32, #tpu.memory_space<vmem>>, vector<16xf32>,
        %parallel_loop3A_357 = arith.addf %parallel_loop3A_311, %parallel_loop3A_347 : vector<16xf32>
        %parallel_loop3A_358 = arith.constant 1 : i32
        %parallel_loop3A_359 = arith.constant 3 : i32
        %parallel_loop3A_360 = arith.constant 1 : i32
        %parallel_loop3A_361 = arith.index_cast %parallel_loop3A_358 : i32 to index
        %parallel_loop3A_362 = arith.index_cast %parallel_loop3A_359 : i32 to index
        %parallel_loop3A_363 = arith.index_cast %parallel_loop3A_360 : i32 to index
        %parallel_loop3A_364 = arith.index_cast %parallel_loop3A_292 : i32 to index
        %parallel_loop3A_365 = tpu.vector_load %arg9[%parallel_loop3A_361, %parallel_loop3A_362, %parallel_loop3A_363, %parallel_loop3A_364] {strides = array<i32>} : memref<2x16x2x512xf32, #tpu.memory_space<vmem>>, vector<16xf32>,
        tpu.vector_store %arg9[%parallel_loop3A_361, %parallel_loop3A_362, %parallel_loop3A_363, %parallel_loop3A_364], %parallel_loop3A_357 {strides = array<i32>} : memref<2x16x2x512xf32, #tpu.memory_space<vmem>>, vector<16xf32>,
        %parallel_loop3A_366 = arith.constant 16416 : i32
        %parallel_loop3A_367 = tpu.memref_slice %arg6[%parallel_loop3A_366] : memref<65664xi32, #tpu.memory_space<vmem>> -> memref<8208xi32, #tpu.memory_space<vmem>>
        %parallel_loop3A_368 = tpu.vector_load_idx %parallel_loop3A_367[%parallel_loop3A_302] : memref<8208xi32, #tpu.memory_space<vmem>>[vector<16xi32>], vector<16xi32>,
        %parallel_loop3A_369 = arith.constant 16 : i32
        %parallel_loop3A_370 = vector.broadcast %parallel_loop3A_369 : i32 to vector<16xi32>
        %parallel_loop3A_371 = arith.shli %parallel_loop3A_368, %parallel_loop3A_370 : vector<16xi32>
        %parallel_loop3A_372 = vector.bitcast %parallel_loop3A_371 : vector<16xi32> to vector<16xf32>
        %parallel_loop3A_373 = arith.andi %parallel_loop3A_368, %broadcast_in_dim3A_33 : vector<16xi32>
        %parallel_loop3A_374 = vector.bitcast %parallel_loop3A_373 : vector<16xi32> to vector<16xf32>
        %parallel_loop3A_375 = arith.addf %parallel_loop3A_311, %parallel_loop3A_372 : vector<16xf32>
        %parallel_loop3A_376 = arith.constant 1 : i32
        %parallel_loop3A_377 = arith.constant 4 : i32
        %parallel_loop3A_378 = arith.constant 1 : i32
        %parallel_loop3A_379 = arith.index_cast %parallel_loop3A_376 : i32 to index
        %parallel_loop3A_380 = arith.index_cast %parallel_loop3A_377 : i32 to index
        %parallel_loop3A_381 = arith.index_cast %parallel_loop3A_378 : i32 to index
        %parallel_loop3A_382 = arith.index_cast %parallel_loop3A_292 : i32 to index
        %parallel_loop3A_383 = tpu.vector_load %arg9[%parallel_loop3A_379, %parallel_loop3A_380, %parallel_loop3A_381, %parallel_loop3A_382] {strides = array<i32>} : memref<2x16x2x512xf32, #tpu.memory_space<vmem>>, vector<16xf32>,
        tpu.vector_store %arg9[%parallel_loop3A_379, %parallel_loop3A_380, %parallel_loop3A_381, %parallel_loop3A_382], %parallel_loop3A_375 {strides = array<i32>} : memref<2x16x2x512xf32, #tpu.memory_space<vmem>>, vector<16xf32>,
        %parallel_loop3A_384 = arith.addf %parallel_loop3A_311, %parallel_loop3A_374 : vector<16xf32>
        %parallel_loop3A_385 = arith.constant 1 : i32
        %parallel_loop3A_386 = arith.constant 5 : i32
        %parallel_loop3A_387 = arith.constant 1 : i32
        %parallel_loop3A_388 = arith.index_cast %parallel_loop3A_385 : i32 to index
        %parallel_loop3A_389 = arith.index_cast %parallel_loop3A_386 : i32 to index
        %parallel_loop3A_390 = arith.index_cast %parallel_loop3A_387 : i32 to index
        %parallel_loop3A_391 = arith.index_cast %parallel_loop3A_292 : i32 to index
        %parallel_loop3A_392 = tpu.vector_load %arg9[%parallel_loop3A_388, %parallel_loop3A_389, %parallel_loop3A_390, %parallel_loop3A_391] {strides = array<i32>} : memref<2x16x2x512xf32, #tpu.memory_space<vmem>>, vector<16xf32>,
        tpu.vector_store %arg9[%parallel_loop3A_388, %parallel_loop3A_389, %parallel_loop3A_390, %parallel_loop3A_391], %parallel_loop3A_384 {strides = array<i32>} : memref<2x16x2x512xf32, #tpu.memory_space<vmem>>, vector<16xf32>,
        %parallel_loop3A_393 = arith.constant 24624 : i32
        %parallel_loop3A_394 = tpu.memref_slice %arg6[%parallel_loop3A_393] : memref<65664xi32, #tpu.memory_space<vmem>> -> memref<8208xi32, #tpu.memory_space<vmem>>
        %parallel_loop3A_395 = tpu.vector_load_idx %parallel_loop3A_394[%parallel_loop3A_302] : memref<8208xi32, #tpu.memory_space<vmem>>[vector<16xi32>], vector<16xi32>,
        %parallel_loop3A_396 = arith.constant 16 : i32
        %parallel_loop3A_397 = vector.broadcast %parallel_loop3A_396 : i32 to vector<16xi32>
        %parallel_loop3A_398 = arith.shli %parallel_loop3A_395, %parallel_loop3A_397 : vector<16xi32>
        %parallel_loop3A_399 = vector.bitcast %parallel_loop3A_398 : vector<16xi32> to vector<16xf32>
        %parallel_loop3A_400 = arith.andi %parallel_loop3A_395, %broadcast_in_dim3A_33 : vector<16xi32>
        %parallel_loop3A_401 = vector.bitcast %parallel_loop3A_400 : vector<16xi32> to vector<16xf32>
        %parallel_loop3A_402 = arith.addf %parallel_loop3A_311, %parallel_loop3A_399 : vector<16xf32>
        %parallel_loop3A_403 = arith.constant 1 : i32
        %parallel_loop3A_404 = arith.constant 6 : i32
        %parallel_loop3A_405 = arith.constant 1 : i32
        %parallel_loop3A_406 = arith.index_cast %parallel_loop3A_403 : i32 to index
        %parallel_loop3A_407 = arith.index_cast %parallel_loop3A_404 : i32 to index
        %parallel_loop3A_408 = arith.index_cast %parallel_loop3A_405 : i32 to index
        %parallel_loop3A_409 = arith.index_cast %parallel_loop3A_292 : i32 to index
        %parallel_loop3A_410 = tpu.vector_load %arg9[%parallel_loop3A_406, %parallel_loop3A_407, %parallel_loop3A_408, %parallel_loop3A_409] {strides = array<i32>} : memref<2x16x2x512xf32, #tpu.memory_space<vmem>>, vector<16xf32>,
        tpu.vector_store %arg9[%parallel_loop3A_406, %parallel_loop3A_407, %parallel_loop3A_408, %parallel_loop3A_409], %parallel_loop3A_402 {strides = array<i32>} : memref<2x16x2x512xf32, #tpu.memory_space<vmem>>, vector<16xf32>,
        %parallel_loop3A_411 = arith.addf %parallel_loop3A_311, %parallel_loop3A_401 : vector<16xf32>
        %parallel_loop3A_412 = arith.constant 1 : i32
        %parallel_loop3A_413 = arith.constant 7 : i32
        %parallel_loop3A_414 = arith.constant 1 : i32
        %parallel_loop3A_415 = arith.index_cast %parallel_loop3A_412 : i32 to index
        %parallel_loop3A_416 = arith.index_cast %parallel_loop3A_413 : i32 to index
        %parallel_loop3A_417 = arith.index_cast %parallel_loop3A_414 : i32 to index
        %parallel_loop3A_418 = arith.index_cast %parallel_loop3A_292 : i32 to index
        %parallel_loop3A_419 = tpu.vector_load %arg9[%parallel_loop3A_415, %parallel_loop3A_416, %parallel_loop3A_417, %parallel_loop3A_418] {strides = array<i32>} : memref<2x16x2x512xf32, #tpu.memory_space<vmem>>, vector<16xf32>,
        tpu.vector_store %arg9[%parallel_loop3A_415, %parallel_loop3A_416, %parallel_loop3A_417, %parallel_loop3A_418], %parallel_loop3A_411 {strides = array<i32>} : memref<2x16x2x512xf32, #tpu.memory_space<vmem>>, vector<16xf32>,
        %parallel_loop3A_420 = arith.constant 32832 : i32
        %parallel_loop3A_421 = tpu.memref_slice %arg6[%parallel_loop3A_420] : memref<65664xi32, #tpu.memory_space<vmem>> -> memref<8208xi32, #tpu.memory_space<vmem>>
        %parallel_loop3A_422 = tpu.vector_load_idx %parallel_loop3A_421[%parallel_loop3A_302] : memref<8208xi32, #tpu.memory_space<vmem>>[vector<16xi32>], vector<16xi32>,
        %parallel_loop3A_423 = arith.constant 16 : i32
        %parallel_loop3A_424 = vector.broadcast %parallel_loop3A_423 : i32 to vector<16xi32>
        %parallel_loop3A_425 = arith.shli %parallel_loop3A_422, %parallel_loop3A_424 : vector<16xi32>
        %parallel_loop3A_426 = vector.bitcast %parallel_loop3A_425 : vector<16xi32> to vector<16xf32>
        %parallel_loop3A_427 = arith.andi %parallel_loop3A_422, %broadcast_in_dim3A_33 : vector<16xi32>
        %parallel_loop3A_428 = vector.bitcast %parallel_loop3A_427 : vector<16xi32> to vector<16xf32>
        %parallel_loop3A_429 = arith.addf %parallel_loop3A_311, %parallel_loop3A_426 : vector<16xf32>
        %parallel_loop3A_430 = arith.constant 1 : i32
        %parallel_loop3A_431 = arith.constant 8 : i32
        %parallel_loop3A_432 = arith.constant 1 : i32
        %parallel_loop3A_433 = arith.index_cast %parallel_loop3A_430 : i32 to index
        %parallel_loop3A_434 = arith.index_cast %parallel_loop3A_431 : i32 to index
        %parallel_loop3A_435 = arith.index_cast %parallel_loop3A_432 : i32 to index
        %parallel_loop3A_436 = arith.index_cast %parallel_loop3A_292 : i32 to index
        %parallel_loop3A_437 = tpu.vector_load %arg9[%parallel_loop3A_433, %parallel_loop3A_434, %parallel_loop3A_435, %parallel_loop3A_436] {strides = array<i32>} : memref<2x16x2x512xf32, #tpu.memory_space<vmem>>, vector<16xf32>,
        tpu.vector_store %arg9[%parallel_loop3A_433, %parallel_loop3A_434, %parallel_loop3A_435, %parallel_loop3A_436], %parallel_loop3A_429 {strides = array<i32>} : memref<2x16x2x512xf32, #tpu.memory_space<vmem>>, vector<16xf32>,
        %parallel_loop3A_438 = arith.addf %parallel_loop3A_311, %parallel_loop3A_428 : vector<16xf32>
        %parallel_loop3A_439 = arith.constant 1 : i32
        %parallel_loop3A_440 = arith.constant 9 : i32
        %parallel_loop3A_441 = arith.constant 1 : i32
        %parallel_loop3A_442 = arith.index_cast %parallel_loop3A_439 : i32 to index
        %parallel_loop3A_443 = arith.index_cast %parallel_loop3A_440 : i32 to index
        %parallel_loop3A_444 = arith.index_cast %parallel_loop3A_441 : i32 to index
        %parallel_loop3A_445 = arith.index_cast %parallel_loop3A_292 : i32 to index
        %parallel_loop3A_446 = tpu.vector_load %arg9[%parallel_loop3A_442, %parallel_loop3A_443, %parallel_loop3A_444, %parallel_loop3A_445] {strides = array<i32>} : memref<2x16x2x512xf32, #tpu.memory_space<vmem>>, vector<16xf32>,
        tpu.vector_store %arg9[%parallel_loop3A_442, %parallel_loop3A_443, %parallel_loop3A_444, %parallel_loop3A_445], %parallel_loop3A_438 {strides = array<i32>} : memref<2x16x2x512xf32, #tpu.memory_space<vmem>>, vector<16xf32>,
        %parallel_loop3A_447 = arith.constant 41040 : i32
        %parallel_loop3A_448 = tpu.memref_slice %arg6[%parallel_loop3A_447] : memref<65664xi32, #tpu.memory_space<vmem>> -> memref<8208xi32, #tpu.memory_space<vmem>>
        %parallel_loop3A_449 = tpu.vector_load_idx %parallel_loop3A_448[%parallel_loop3A_302] : memref<8208xi32, #tpu.memory_space<vmem>>[vector<16xi32>], vector<16xi32>,
        %parallel_loop3A_450 = arith.constant 16 : i32
        %parallel_loop3A_451 = vector.broadcast %parallel_loop3A_450 : i32 to vector<16xi32>
        %parallel_loop3A_452 = arith.shli %parallel_loop3A_449, %parallel_loop3A_451 : vector<16xi32>
        %parallel_loop3A_453 = vector.bitcast %parallel_loop3A_452 : vector<16xi32> to vector<16xf32>
        %parallel_loop3A_454 = arith.andi %parallel_loop3A_449, %broadcast_in_dim3A_33 : vector<16xi32>
        %parallel_loop3A_455 = vector.bitcast %parallel_loop3A_454 : vector<16xi32> to vector<16xf32>
        %parallel_loop3A_456 = arith.addf %parallel_loop3A_311, %parallel_loop3A_453 : vector<16xf32>
        %parallel_loop3A_457 = arith.constant 1 : i32
        %parallel_loop3A_458 = arith.constant 10 : i32
        %parallel_loop3A_459 = arith.constant 1 : i32
        %parallel_loop3A_460 = arith.index_cast %parallel_loop3A_457 : i32 to index
        %parallel_loop3A_461 = arith.index_cast %parallel_loop3A_458 : i32 to index
        %parallel_loop3A_462 = arith.index_cast %parallel_loop3A_459 : i32 to index
        %parallel_loop3A_463 = arith.index_cast %parallel_loop3A_292 : i32 to index
        %parallel_loop3A_464 = tpu.vector_load %arg9[%parallel_loop3A_460, %parallel_loop3A_461, %parallel_loop3A_462, %parallel_loop3A_463] {strides = array<i32>} : memref<2x16x2x512xf32, #tpu.memory_space<vmem>>, vector<16xf32>,
        tpu.vector_store %arg9[%parallel_loop3A_460, %parallel_loop3A_461, %parallel_loop3A_462, %parallel_loop3A_463], %parallel_loop3A_456 {strides = array<i32>} : memref<2x16x2x512xf32, #tpu.memory_space<vmem>>, vector<16xf32>,
        %parallel_loop3A_465 = arith.addf %parallel_loop3A_311, %parallel_loop3A_455 : vector<16xf32>
        %parallel_loop3A_466 = arith.constant 1 : i32
        %parallel_loop3A_467 = arith.constant 11 : i32
        %parallel_loop3A_468 = arith.constant 1 : i32
        %parallel_loop3A_469 = arith.index_cast %parallel_loop3A_466 : i32 to index
        %parallel_loop3A_470 = arith.index_cast %parallel_loop3A_467 : i32 to index
        %parallel_loop3A_471 = arith.index_cast %parallel_loop3A_468 : i32 to index
        %parallel_loop3A_472 = arith.index_cast %parallel_loop3A_292 : i32 to index
        %parallel_loop3A_473 = tpu.vector_load %arg9[%parallel_loop3A_469, %parallel_loop3A_470, %parallel_loop3A_471, %parallel_loop3A_472] {strides = array<i32>} : memref<2x16x2x512xf32, #tpu.memory_space<vmem>>, vector<16xf32>,
        tpu.vector_store %arg9[%parallel_loop3A_469, %parallel_loop3A_470, %parallel_loop3A_471, %parallel_loop3A_472], %parallel_loop3A_465 {strides = array<i32>} : memref<2x16x2x512xf32, #tpu.memory_space<vmem>>, vector<16xf32>,
        %parallel_loop3A_474 = arith.constant 49248 : i32
        %parallel_loop3A_475 = tpu.memref_slice %arg6[%parallel_loop3A_474] : memref<65664xi32, #tpu.memory_space<vmem>> -> memref<8208xi32, #tpu.memory_space<vmem>>
        %parallel_loop3A_476 = tpu.vector_load_idx %parallel_loop3A_475[%parallel_loop3A_302] : memref<8208xi32, #tpu.memory_space<vmem>>[vector<16xi32>], vector<16xi32>,
        %parallel_loop3A_477 = arith.constant 16 : i32
        %parallel_loop3A_478 = vector.broadcast %parallel_loop3A_477 : i32 to vector<16xi32>
        %parallel_loop3A_479 = arith.shli %parallel_loop3A_476, %parallel_loop3A_478 : vector<16xi32>
        %parallel_loop3A_480 = vector.bitcast %parallel_loop3A_479 : vector<16xi32> to vector<16xf32>
        %parallel_loop3A_481 = arith.andi %parallel_loop3A_476, %broadcast_in_dim3A_33 : vector<16xi32>
        %parallel_loop3A_482 = vector.bitcast %parallel_loop3A_481 : vector<16xi32> to vector<16xf32>
        %parallel_loop3A_483 = arith.addf %parallel_loop3A_311, %parallel_loop3A_480 : vector<16xf32>
        %parallel_loop3A_484 = arith.constant 1 : i32
        %parallel_loop3A_485 = arith.constant 12 : i32
        %parallel_loop3A_486 = arith.constant 1 : i32
        %parallel_loop3A_487 = arith.index_cast %parallel_loop3A_484 : i32 to index
        %parallel_loop3A_488 = arith.index_cast %parallel_loop3A_485 : i32 to index
        %parallel_loop3A_489 = arith.index_cast %parallel_loop3A_486 : i32 to index
        %parallel_loop3A_490 = arith.index_cast %parallel_loop3A_292 : i32 to index
        %parallel_loop3A_491 = tpu.vector_load %arg9[%parallel_loop3A_487, %parallel_loop3A_488, %parallel_loop3A_489, %parallel_loop3A_490] {strides = array<i32>} : memref<2x16x2x512xf32, #tpu.memory_space<vmem>>, vector<16xf32>,
        tpu.vector_store %arg9[%parallel_loop3A_487, %parallel_loop3A_488, %parallel_loop3A_489, %parallel_loop3A_490], %parallel_loop3A_483 {strides = array<i32>} : memref<2x16x2x512xf32, #tpu.memory_space<vmem>>, vector<16xf32>,
        %parallel_loop3A_492 = arith.addf %parallel_loop3A_311, %parallel_loop3A_482 : vector<16xf32>
        %parallel_loop3A_493 = arith.constant 1 : i32
        %parallel_loop3A_494 = arith.constant 13 : i32
        %parallel_loop3A_495 = arith.constant 1 : i32
        %parallel_loop3A_496 = arith.index_cast %parallel_loop3A_493 : i32 to index
        %parallel_loop3A_497 = arith.index_cast %parallel_loop3A_494 : i32 to index
        %parallel_loop3A_498 = arith.index_cast %parallel_loop3A_495 : i32 to index
        %parallel_loop3A_499 = arith.index_cast %parallel_loop3A_292 : i32 to index
        %parallel_loop3A_500 = tpu.vector_load %arg9[%parallel_loop3A_496, %parallel_loop3A_497, %parallel_loop3A_498, %parallel_loop3A_499] {strides = array<i32>} : memref<2x16x2x512xf32, #tpu.memory_space<vmem>>, vector<16xf32>,
        tpu.vector_store %arg9[%parallel_loop3A_496, %parallel_loop3A_497, %parallel_loop3A_498, %parallel_loop3A_499], %parallel_loop3A_492 {strides = array<i32>} : memref<2x16x2x512xf32, #tpu.memory_space<vmem>>, vector<16xf32>,
        %parallel_loop3A_501 = arith.constant 57456 : i32
        %parallel_loop3A_502 = tpu.memref_slice %arg6[%parallel_loop3A_501] : memref<65664xi32, #tpu.memory_space<vmem>> -> memref<8208xi32, #tpu.memory_space<vmem>>
        %parallel_loop3A_503 = tpu.vector_load_idx %parallel_loop3A_502[%parallel_loop3A_302] : memref<8208xi32, #tpu.memory_space<vmem>>[vector<16xi32>], vector<16xi32>,
        %parallel_loop3A_504 = arith.constant 16 : i32
        %parallel_loop3A_505 = vector.broadcast %parallel_loop3A_504 : i32 to vector<16xi32>
        %parallel_loop3A_506 = arith.shli %parallel_loop3A_503, %parallel_loop3A_505 : vector<16xi32>
        %parallel_loop3A_507 = vector.bitcast %parallel_loop3A_506 : vector<16xi32> to vector<16xf32>
        %parallel_loop3A_508 = arith.andi %parallel_loop3A_503, %broadcast_in_dim3A_33 : vector<16xi32>
        %parallel_loop3A_509 = vector.bitcast %parallel_loop3A_508 : vector<16xi32> to vector<16xf32>
        %parallel_loop3A_510 = arith.addf %parallel_loop3A_311, %parallel_loop3A_507 : vector<16xf32>
        %parallel_loop3A_511 = arith.constant 1 : i32
        %parallel_loop3A_512 = arith.constant 14 : i32
        %parallel_loop3A_513 = arith.constant 1 : i32
        %parallel_loop3A_514 = arith.index_cast %parallel_loop3A_511 : i32 to index
        %parallel_loop3A_515 = arith.index_cast %parallel_loop3A_512 : i32 to index
        %parallel_loop3A_516 = arith.index_cast %parallel_loop3A_513 : i32 to index
        %parallel_loop3A_517 = arith.index_cast %parallel_loop3A_292 : i32 to index
        %parallel_loop3A_518 = tpu.vector_load %arg9[%parallel_loop3A_514, %parallel_loop3A_515, %parallel_loop3A_516, %parallel_loop3A_517] {strides = array<i32>} : memref<2x16x2x512xf32, #tpu.memory_space<vmem>>, vector<16xf32>,
        tpu.vector_store %arg9[%parallel_loop3A_514, %parallel_loop3A_515, %parallel_loop3A_516, %parallel_loop3A_517], %parallel_loop3A_510 {strides = array<i32>} : memref<2x16x2x512xf32, #tpu.memory_space<vmem>>, vector<16xf32>,
        %parallel_loop3A_519 = arith.addf %parallel_loop3A_311, %parallel_loop3A_509 : vector<16xf32>
        %parallel_loop3A_520 = arith.constant 1 : i32
        %parallel_loop3A_521 = arith.constant 15 : i32
        %parallel_loop3A_522 = arith.constant 1 : i32
        %parallel_loop3A_523 = arith.index_cast %parallel_loop3A_520 : i32 to index
        %parallel_loop3A_524 = arith.index_cast %parallel_loop3A_521 : i32 to index
        %parallel_loop3A_525 = arith.index_cast %parallel_loop3A_522 : i32 to index
        %parallel_loop3A_526 = arith.index_cast %parallel_loop3A_292 : i32 to index
        %parallel_loop3A_527 = tpu.vector_load %arg9[%parallel_loop3A_523, %parallel_loop3A_524, %parallel_loop3A_525, %parallel_loop3A_526] {strides = array<i32>} : memref<2x16x2x512xf32, #tpu.memory_space<vmem>>, vector<16xf32>,
        tpu.vector_store %arg9[%parallel_loop3A_523, %parallel_loop3A_524, %parallel_loop3A_525, %parallel_loop3A_526], %parallel_loop3A_519 {strides = array<i32>} : memref<2x16x2x512xf32, #tpu.memory_space<vmem>>, vector<16xf32>,
      } {sc.loop_unroll_factor = 4 : i64, sc.parallel_access}
      %mul3A_263 = arith.constant 2 : i32
      %mul3A_264 = arith.muli %add3A_218, %mul3A_263 : i32
      %add3A_265 = arith.addi %mul3A_32, %mul3A_264 : i32
      %dma_start3A_266 = arith.constant 1 : i32
      %dma_start3A_267 = arith.constant 0 : i32
      %dma_start3A_268 = arith.constant 0 : i32
      %dma_start3A_269 = arith.constant 0 : i32
      %dma_start3A_270 = tpu.memref_slice %arg9[%dma_start3A_266, %dma_start3A_267, %dma_start3A_268, %dma_start3A_269] : memref<2x16x2x512xf32, #tpu.memory_space<vmem>> -> memref<1x16x2x512xf32, #tpu.memory_space<vmem>>
      %dma_start3A_271 = tpu.memref_squeeze %dma_start3A_270 : memref<1x16x2x512xf32, #tpu.memory_space<vmem>> -> memref<16x2x512xf32, #tpu.memory_space<vmem>>
      %dma_start3A_272 = arith.constant 0 : i32
      %dma_start3A_273 = arith.constant 0 : i32
      %dma_start3A_274 = tpu.memref_slice %arg5[%select_n3A, %dma_start3A_272, %add3A_265, %dma_start3A_273] : memref<8x16x512x512xf32, #tpu.memory_space<hbm>> -> memref<1x16x2x512xf32, #tpu.memory_space<hbm>>
      %dma_start3A_275 = tpu.memref_squeeze %dma_start3A_274 : memref<1x16x2x512xf32, #tpu.memory_space<hbm>> -> memref<16x2x512xf32, #tpu.memory_space<hbm>>
      %dma_start3A_276 = arith.constant 0 : i32
      %dma_start3A_277 = arith.constant 0 : i32
      %dma_start3A_278 = tpu.memref_slice %arg5[%select_n3A, %dma_start3A_276, %add3A_265, %dma_start3A_277] : memref<8x16x512x512xf32, #tpu.memory_space<hbm>> -> memref<1x16x2x512xf32, #tpu.memory_space<hbm>>
      %dma_start3A_279 = tpu.memref_squeeze %dma_start3A_278 : memref<1x16x2x512xf32, #tpu.memory_space<hbm>> -> memref<16x2x512xf32, #tpu.memory_space<hbm>>
      %dma_start3A_280 = arith.constant 0 : i32
      %dma_start3A_281 = arith.constant 0 : i32
      %dma_start3A_282 = arith.constant 0 : i32
      %dma_start3A_283 = tpu.memref_slice %arg9[%dma_start3A_266, %dma_start3A_280, %dma_start3A_281, %dma_start3A_282] : memref<2x16x2x512xf32, #tpu.memory_space<vmem>> -> memref<1x16x2x512xf32, #tpu.memory_space<vmem>>
      %dma_start3A_284 = tpu.memref_squeeze %dma_start3A_283 : memref<1x16x2x512xf32, #tpu.memory_space<vmem>> -> memref<16x2x512xf32, #tpu.memory_space<vmem>>
      tpu.enqueue_dma source(%dma_start3A_284 : memref<16x2x512xf32, #tpu.memory_space<vmem>>) target(%dma_start3A_279 : memref<16x2x512xf32, #tpu.memory_space<hbm>>) target_semaphore(%arg16 : memref<!tpu.dma_semaphore, #tpu.memory_space<semaphore_mem>>)
      %lt3A_285 = arith.constant 62 : i32
      %lt3A_286 = arith.cmpi slt, %add3A_218, %lt3A_285 : i32
      %convert_element_type3A_287 = arith.extui %lt3A_286 : i1 to i32
      %cond3A_288 = arith.constant 0 : i32
      %cond3A_289 = arith.cmpi ne, %convert_element_type3A_287, %cond3A_288 : i32
      scf.if %cond3A_289 {
        %add3A_290 = arith.constant 2 : i32
        %add3A_291 = arith.addi %add3A_218, %add3A_290 : i32
        %mul3A_292 = arith.constant 2 : i32
        %mul3A_293 = arith.muli %add3A_291, %mul3A_292 : i32
        %add3A_294 = arith.addi %mul3A_32, %mul3A_293 : i32
        %dma_start3A_295 = arith.constant 1 : i32
        %dma_start3A_296 = arith.constant 0 : i32
        %dma_start3A_297 = arith.constant 0 : i32
        %dma_start3A_298 = tpu.memref_slice %arg7[%dma_start3A_295, %dma_start3A_296, %dma_start3A_297] : memref<2x2x512xf32, #tpu.memory_space<vmem>> -> memref<1x2x512xf32, #tpu.memory_space<vmem>>
        %dma_start3A_299 = tpu.memref_squeeze %dma_start3A_298 : memref<1x2x512xf32, #tpu.memory_space<vmem>> -> memref<2x512xf32, #tpu.memory_space<vmem>>
        %dma_start3A_300 = arith.constant 0 : i32
        %dma_start3A_301 = tpu.memref_slice %arg2[%select_n3A, %add3A_294, %dma_start3A_300] : memref<8x512x512xf32, #tpu.memory_space<hbm>> -> memref<1x2x512xf32, #tpu.memory_space<hbm>>
        %dma_start3A_302 = tpu.memref_squeeze %dma_start3A_301 : memref<1x2x512xf32, #tpu.memory_space<hbm>> -> memref<2x512xf32, #tpu.memory_space<hbm>>
        %dma_start3A_303 = arith.constant 0 : i32
        %dma_start3A_304 = arith.constant 0 : i32
        %dma_start3A_305 = tpu.memref_slice %arg7[%dma_start3A_295, %dma_start3A_303, %dma_start3A_304] : memref<2x2x512xf32, #tpu.memory_space<vmem>> -> memref<1x2x512xf32, #tpu.memory_space<vmem>>
        %dma_start3A_306 = tpu.memref_squeeze %dma_start3A_305 : memref<1x2x512xf32, #tpu.memory_space<vmem>> -> memref<2x512xf32, #tpu.memory_space<vmem>>
        %dma_start3A_307 = arith.constant 0 : i32
        %dma_start3A_308 = tpu.memref_slice %arg2[%select_n3A, %add3A_294, %dma_start3A_307] : memref<8x512x512xf32, #tpu.memory_space<hbm>> -> memref<1x2x512xf32, #tpu.memory_space<hbm>>
        %dma_start3A_309 = tpu.memref_squeeze %dma_start3A_308 : memref<1x2x512xf32, #tpu.memory_space<hbm>> -> memref<2x512xf32, #tpu.memory_space<hbm>>
        tpu.enqueue_dma source(%dma_start3A_309 : memref<2x512xf32, #tpu.memory_space<hbm>>) target(%dma_start3A_306 : memref<2x512xf32, #tpu.memory_space<vmem>>) target_semaphore(%arg12 : memref<!tpu.dma_semaphore, #tpu.memory_space<semaphore_mem>>)
        %dma_start3A_310 = arith.constant 1 : i32
        %dma_start3A_311 = arith.constant 0 : i32
        %dma_start3A_312 = arith.constant 0 : i32
        %dma_start3A_313 = tpu.memref_slice %arg8[%dma_start3A_310, %dma_start3A_311, %dma_start3A_312] : memref<2x2x512xi32, #tpu.memory_space<vmem>> -> memref<1x2x512xi32, #tpu.memory_space<vmem>>
        %dma_start3A_314 = tpu.memref_squeeze %dma_start3A_313 : memref<1x2x512xi32, #tpu.memory_space<vmem>> -> memref<2x512xi32, #tpu.memory_space<vmem>>
        %dma_start3A_315 = arith.constant 0 : i32
        %dma_start3A_316 = tpu.memref_slice %arg3[%select_n3A, %add3A_294, %dma_start3A_315] : memref<8x512x512xi32, #tpu.memory_space<hbm>> -> memref<1x2x512xi32, #tpu.memory_space<hbm>>
        %dma_start3A_317 = tpu.memref_squeeze %dma_start3A_316 : memref<1x2x512xi32, #tpu.memory_space<hbm>> -> memref<2x512xi32, #tpu.memory_space<hbm>>
        %dma_start3A_318 = arith.constant 0 : i32
        %dma_start3A_319 = arith.constant 0 : i32
        %dma_start3A_320 = tpu.memref_slice %arg8[%dma_start3A_310, %dma_start3A_318, %dma_start3A_319] : memref<2x2x512xi32, #tpu.memory_space<vmem>> -> memref<1x2x512xi32, #tpu.memory_space<vmem>>
        %dma_start3A_321 = tpu.memref_squeeze %dma_start3A_320 : memref<1x2x512xi32, #tpu.memory_space<vmem>> -> memref<2x512xi32, #tpu.memory_space<vmem>>
        %dma_start3A_322 = arith.constant 0 : i32
        %dma_start3A_323 = tpu.memref_slice %arg3[%select_n3A, %add3A_294, %dma_start3A_322] : memref<8x512x512xi32, #tpu.memory_space<hbm>> -> memref<1x2x512xi32, #tpu.memory_space<hbm>>
        %dma_start3A_324 = tpu.memref_squeeze %dma_start3A_323 : memref<1x2x512xi32, #tpu.memory_space<hbm>> -> memref<2x512xi32, #tpu.memory_space<hbm>>
        tpu.enqueue_dma source(%dma_start3A_324 : memref<2x512xi32, #tpu.memory_space<hbm>>) target(%dma_start3A_321 : memref<2x512xi32, #tpu.memory_space<vmem>>) target_semaphore(%arg14 : memref<!tpu.dma_semaphore, #tpu.memory_space<semaphore_mem>>)
      } else {
      }
    }
    %scan3A_101 = arith.constant 32 : i32
    %add3A_102 = arith.constant 124 : i32
    %add3A_103 = arith.addi %mul3A_32, %add3A_102 : i32
    %dma_wait3A = arith.constant 0 : i32
    %dma_wait3A_104 = arith.constant 0 : i32
    %dma_wait3A_105 = arith.constant 0 : i32
    %dma_wait3A_106 = arith.constant 0 : i32
    %dma_wait3A_107 = tpu.memref_slice %arg9[%dma_wait3A, %dma_wait3A_104, %dma_wait3A_105, %dma_wait3A_106] : memref<2x16x2x512xf32, #tpu.memory_space<vmem>> -> memref<1x16x2x512xf32, #tpu.memory_space<vmem>>
    %dma_wait3A_108 = tpu.memref_squeeze %dma_wait3A_107 : memref<1x16x2x512xf32, #tpu.memory_space<vmem>> -> memref<16x2x512xf32, #tpu.memory_space<vmem>>
    %dma_wait3A_109 = arith.constant 0 : i32
    %dma_wait3A_110 = arith.constant 0 : i32
    %dma_wait3A_111 = tpu.memref_slice %arg5[%select_n3A, %dma_wait3A_109, %add3A_103, %dma_wait3A_110] : memref<8x16x512x512xf32, #tpu.memory_space<hbm>> -> memref<1x16x2x512xf32, #tpu.memory_space<hbm>>
    %dma_wait3A_112 = tpu.memref_squeeze %dma_wait3A_111 : memref<1x16x2x512xf32, #tpu.memory_space<hbm>> -> memref<16x2x512xf32, #tpu.memory_space<hbm>>
    %dma_wait3A_113 = arith.constant 0 : i32
    %dma_wait3A_114 = arith.constant 0 : i32
    %dma_wait3A_115 = tpu.memref_slice %arg5[%select_n3A, %dma_wait3A_113, %add3A_103, %dma_wait3A_114] : memref<8x16x512x512xf32, #tpu.memory_space<hbm>> -> memref<1x16x2x512xf32, #tpu.memory_space<hbm>>
    %dma_wait3A_116 = tpu.memref_squeeze %dma_wait3A_115 : memref<1x16x2x512xf32, #tpu.memory_space<hbm>> -> memref<16x2x512xf32, #tpu.memory_space<hbm>>
    %dma_wait3A_117 = arith.constant 0 : i32
    %dma_wait3A_118 = arith.constant 0 : i32
    %dma_wait3A_119 = arith.constant 0 : i32
    %dma_wait3A_120 = tpu.memref_slice %arg9[%dma_wait3A, %dma_wait3A_117, %dma_wait3A_118, %dma_wait3A_119] : memref<2x16x2x512xf32, #tpu.memory_space<vmem>> -> memref<1x16x2x512xf32, #tpu.memory_space<vmem>>
    %dma_wait3A_121 = tpu.memref_squeeze %dma_wait3A_120 : memref<1x16x2x512xf32, #tpu.memory_space<vmem>> -> memref<16x2x512xf32, #tpu.memory_space<vmem>>
    tpu.wait_dma2 semaphore(%arg15 : memref<!tpu.dma_semaphore, #tpu.memory_space<semaphore_mem>>) src(%dma_wait3A_121 : memref<16x2x512xf32, #tpu.memory_space<vmem>>) dst(%dma_wait3A_116 : memref<16x2x512xf32, #tpu.memory_space<hbm>>)
    %add3A_122 = arith.constant 126 : i32
    %add3A_123 = arith.addi %mul3A_32, %add3A_122 : i32
    %dma_wait3A_124 = arith.constant 1 : i32
    %dma_wait3A_125 = arith.constant 0 : i32
    %dma_wait3A_126 = arith.constant 0 : i32
    %dma_wait3A_127 = arith.constant 0 : i32
    %dma_wait3A_128 = tpu.memref_slice %arg9[%dma_wait3A_124, %dma_wait3A_125, %dma_wait3A_126, %dma_wait3A_127] : memref<2x16x2x512xf32, #tpu.memory_space<vmem>> -> memref<1x16x2x512xf32, #tpu.memory_space<vmem>>
    %dma_wait3A_129 = tpu.memref_squeeze %dma_wait3A_128 : memref<1x16x2x512xf32, #tpu.memory_space<vmem>> -> memref<16x2x512xf32, #tpu.memory_space<vmem>>
    %dma_wait3A_130 = arith.constant 0 : i32
    %dma_wait3A_131 = arith.constant 0 : i32
    %dma_wait3A_132 = tpu.memref_slice %arg5[%select_n3A, %dma_wait3A_130, %add3A_123, %dma_wait3A_131] : memref<8x16x512x512xf32, #tpu.memory_space<hbm>> -> memref<1x16x2x512xf32, #tpu.memory_space<hbm>>
    %dma_wait3A_133 = tpu.memref_squeeze %dma_wait3A_132 : memref<1x16x2x512xf32, #tpu.memory_space<hbm>> -> memref<16x2x512xf32, #tpu.memory_space<hbm>>
    %dma_wait3A_134 = arith.constant 0 : i32
    %dma_wait3A_135 = arith.constant 0 : i32
    %dma_wait3A_136 = tpu.memref_slice %arg5[%select_n3A, %dma_wait3A_134, %add3A_123, %dma_wait3A_135] : memref<8x16x512x512xf32, #tpu.memory_space<hbm>> -> memref<1x16x2x512xf32, #tpu.memory_space<hbm>>
    %dma_wait3A_137 = tpu.memref_squeeze %dma_wait3A_136 : memref<1x16x2x512xf32, #tpu.memory_space<hbm>> -> memref<16x2x512xf32, #tpu.memory_space<hbm>>
    %dma_wait3A_138 = arith.constant 0 : i32
    %dma_wait3A_139 = arith.constant 0 : i32
    %dma_wait3A_140 = arith.constant 0 : i32
    %dma_wait3A_141 = tpu.memref_slice %arg9[%dma_wait3A_124, %dma_wait3A_138, %dma_wait3A_139, %dma_wait3A_140] : memref<2x16x2x512xf32, #tpu.memory_space<vmem>> -> memref<1x16x2x512xf32, #tpu.memory_space<vmem>>
    %dma_wait3A_142 = tpu.memref_squeeze %dma_wait3A_141 : memref<1x16x2x512xf32, #tpu.memory_space<vmem>> -> memref<16x2x512xf32, #tpu.memory_space<vmem>>
    tpu.wait_dma2 semaphore(%arg16 : memref<!tpu.dma_semaphore, #tpu.memory_space<semaphore_mem>>) src(%dma_wait3A_142 : memref<16x2x512xf32, #tpu.memory_space<vmem>>) dst(%dma_wait3A_137 : memref<16x2x512xf32, #tpu.memory_space<hbm>>)
    return
  }
}

</mosaic_0001>

<sc_bundles>
// kernel: kernel.3.cloned.1.call-start
scs
__scs_entry_jumppad:
0x0: {  	(pc) =	sbr.rel $0x88, $3  }
0x1: {  	(tag) =	ssettag $0x0;
	lr =	simm.s32 $0x1  }
0x2: {  	[smem:$0x3F9E] =	sst lr;
	_ =	strace $0xD0000000  }
0x3: {  	_ = 	snop  }
0x4: {  	_ = 	snop  }
0x5: {  	_ = 	snop  }
0x6: {  	_ = 	snop  }
0x7: {  	_ = 	snop  }
__scs_overlays_trampoline_lowered:
0x8: {  	[smem:$0x3FAD] =	sst s0  }
0x9: {  	[smem:$0x3FAE] =	sst s1  }
0xa: {  	[smem:$0x3FAF] =	sst s2  }
0xb: {  	[smem:$0x3FB0] =	sst s3  }
0xc: {  	[smem:$0x3FB1] =	sst s4  }
0xd: {  	[smem:$0x3FB2] =	sst s5  }
0xe: {  	[smem:$0x3FB3] =	sst s6  }
0xf: {  	[smem:$0x3FB4] =	sst s7  }
0x10: {  	[smem:$0x3FB5] =	sst s8  }
0x11: {  	[smem:$0x3FB6] =	sst s9;
	s0 =	simm.s32 @!p0 $0x0  }
0x12: {  	s1 =	sld [smem:$0x3F9C];
	s0 =	simm.s32 @p0 $0x1  }
0x13: {  	[smem:$0x3FB7] =	sst s0;
	s0 =	simm.s32 @!p1 $0x0  }
0x14: {  	s2 =	sld [smem:$0x3F9B];
	s0 =	simm.s32 @p1 $0x1  }
0x15: {  	[smem:$0x3FB8] =	sst s0;
	s0 =	simm.s32 @!p2 $0x0  }
0x16: {  	s3 =	sld [smem:$0x3FDB];
	s0 =	simm.s32 @p2 $0x1  }
0x17: {  	s4 =	simm.s32 $0x1BF5;
	[smem:$0x3FBA] =	sst s0  }
0x18: {  	s0 =	sld [smem:$0x3F9D];
	_ =	swait.ge [sflag:s4], $0x0  }
0x19: {  	s7 =	sld [smem:$0x3F9E]  }
0x1a: {  	s8 =	sadd.s32 $0xFFFFE003, lr  }
0x1b: {  	s9 =	sadd.s32 $0xFFFFFEF7, lr;
	s5 =	simm.s32 $0xFFFFFFFF;
	p2 =	slt.u32 s8, $0xFFFFF086  }
0x1c: {  	p1 =	slt.u32 s9, $0xF7A;
	s5 =	simm.s32 @!p2 $0x0  }
0x1d: {  	s5 =	simm.s32 @p1 $0x1;
	p0 =	seq.s32 s7, s2  }
0x1e: {  	s7 =	smul.u32 @!p0 $0xF7A, s2;
	p2 =	seq.s32 @!p0 s5, $0x0  }
0x1f: {  	s9 =	smul.u32 $0xF7A, s1;
	s8 =	simm.s32 @!p0 $0x1BF5;
	p2 =	por !p2, p0  }
0x20: {  	[sflag:s8] =	ssyncset.s32 @!p0 $0xFFFFF086;
	s6 =	sadd.s32 @!p0 s3, s7;
	s7 =	simm.s32 @!p0 $0x108  }
0x21: {  	s3 =	sadd.s32 s3, s9;
	s6 =	sadd.s32 @!p0 $0x88, s6;
	s7 =	simm.s32 @p2 $0x1082  }
0x22: {  	[simem:s7], [sflag:s8] =	dma.local @!p0 [hbm:s6], $0xF7A  }
0x23: {  	s9 =	sor.u32 $0xD0000000, s2;
	s6 =	simm.s32 $0x108;
	_ =	swait.ge @!p0 [sflag:s8], $0x0  }
0x24: {  	s3 =	sadd.s32 $0x88, s3;
	s6 =	simm.s32 @!p1 $0x1082;
	[sflag:s4] =	ssyncset.s32 $0xFFFFF086  }
0x25: {  	[simem:s6], [sflag:s4] =	dma.local [hbm:s3], $0xF7A  }
0x26: {  	[smem:$0x3F9E] =	sst s1;
	(tag) =	ssettag s2;
	_ =	strace s9  }
0x27: {  	s1 =	sld [smem:$0x3FAE]  }
0x28: {  	s2 =	sld [smem:$0x3FAF]  }
0x29: {  	s4 =	sld [smem:$0x3FB1]  }
0x2a: {  	p0 =	seq.s32 s5, $0x0;
	s5 =	sld [smem:$0x3FB2]  }
0x2b: {  	s6 =	sld [smem:$0x3FB3]  }
0x2c: {  	s7 =	sld [smem:$0x3FB4]  }
0x2d: {  	s3 =	simm.s32 $0x108;
	s8 =	sld [smem:$0x3FB5]  }
0x2e: {  	s3 =	simm.s32 @!p0 $0x1082;
	s9 =	sld [smem:$0x3FB6]  }
0x2f: {  	lr =	sadd.s32 s0, s3;
	s0 =	sld [smem:$0x3FAD]  }
0x30: {  	s3 =	sld [smem:$0x3FB0]  }
0x31: {  	[smem:$0x3FB9] =	sst s10  }
0x32: {  	s10 =	sld [smem:$0x3FB7];
	_ =	sdelay $0x3  }
0x33: {  	p0 =	seq.s32 s10, $0x1;
	s10 =	sld [smem:$0x3FB9];
	_ =	sdelay $0x3  }
0x34: {  	[smem:$0x3FB9] =	sst s10  }
0x35: {  	s10 =	sld [smem:$0x3FB8];
	_ =	sdelay $0x3  }
0x36: {  	p1 =	seq.s32 s10, $0x1;
	s10 =	sld [smem:$0x3FB9];
	_ =	sdelay $0x3  }
0x37: {  	[smem:$0x3FB9] =	sst s10  }
0x38: {  	s10 =	sld [smem:$0x3FBA]  }
0x39: {  	_ = 	snop;
	(pc) =	sbr.ind lr, $3  }
0x3a: {  	_ = 	snop  }
0x3b: {  	_ = 	snop  }
0x3c: {  	p2 =	seq.s32 s10, $0x1;
	s10 =	sld [smem:$0x3FB9]  }
0x3d: {  	_ =	shalt  }
0x3e: {  	_ =	shalt  }
0x3f: {  	_ =	shalt  }
0x40: {  	_ =	shalt  }
0x41: {  	_ =	shalt  }
0x42: {  	_ =	shalt  }
0x43: {  	_ =	shalt  }
0x44: {  	_ =	shalt  }
0x45: {  	_ =	shalt  }
0x46: {  	_ =	shalt  }
0x47: {  	_ =	shalt  }
0x48: {  	_ =	shalt  }
0x49: {  	_ =	shalt  }
0x4a: {  	_ =	shalt  }
0x4b: {  	_ =	shalt  }
0x4c: {  	_ =	shalt  }
0x4d: {  	_ =	shalt  }
0x4e: {  	_ =	shalt  }
0x4f: {  	_ =	shalt  }
0x50: {  	_ =	shalt  }
0x51: {  	_ =	shalt  }
0x52: {  	_ =	shalt  }
0x53: {  	_ =	shalt  }
0x54: {  	_ =	shalt  }
0x55: {  	_ =	shalt  }
0x56: {  	_ =	shalt  }
0x57: {  	_ =	shalt  }
0x58: {  	_ =	shalt  }
0x59: {  	_ =	shalt  }
0x5a: {  	_ =	shalt  }
0x5b: {  	_ =	shalt  }
0x5c: {  	_ =	shalt  }
0x5d: {  	_ =	shalt  }
0x5e: {  	_ =	shalt  }
0x5f: {  	_ =	shalt  }
0x60: {  	_ =	shalt  }
0x61: {  	_ =	shalt  }
0x62: {  	_ =	shalt  }
0x63: {  	_ =	shalt  }
0x64: {  	_ =	shalt  }
0x65: {  	_ =	shalt  }
0x66: {  	_ =	shalt  }
0x67: {  	_ =	shalt  }
0x68: {  	_ =	shalt  }
0x69: {  	_ =	shalt  }
0x6a: {  	_ =	shalt  }
0x6b: {  	_ =	shalt  }
0x6c: {  	_ =	shalt  }
0x6d: {  	_ =	shalt  }
0x6e: {  	_ =	shalt  }
0x6f: {  	_ =	shalt  }
0x70: {  	_ =	shalt  }
0x71: {  	_ =	shalt  }
0x72: {  	_ =	shalt  }
0x73: {  	_ =	shalt  }
0x74: {  	_ =	shalt  }
0x75: {  	_ =	shalt  }
0x76: {  	_ =	shalt  }
0x77: {  	_ =	shalt  }
0x78: {  	_ =	shalt  }
0x79: {  	_ =	shalt  }
0x7a: {  	_ =	shalt  }
0x7b: {  	_ =	shalt  }
0x7c: {  	_ =	shalt  }
0x7d: {  	_ =	shalt  }
0x7e: {  	_ =	shalt  }
0x7f: {  	_ =	shalt  }
0x80: {  	_ =	shalt  }
0x81: {  	_ =	shalt  }
0x82: {  	_ =	shalt  }
0x83: {  	_ =	shalt  }
0x84: {  	_ =	shalt  }
0x85: {  	_ =	shalt  }
0x86: {  	_ =	shalt  }
0x87: {  	_ =	shalt  }
.Lfunc_end0:
.L_simem_size_0:
called_computation_lowered:
.L_overlay_start_0:
0x88: {  	s2 =	sld [smem:$0x3FD9]  }
0x89: {  	s3 =	sld [smem:$0x3FFE];
	_ =	sdelay $0x1  }
0x8a: {  	s1 =	srdreg.scid  }
0x8b: {  	s0 =	sand.u32 $0x1, s1  }
0x8c: {  	s17 =	sshll.u32 s0, $0xA;
	s2 =	sadd.s32 s3, s2  }
0x8d: {  	s2 =	sadd.s32 s2, s17  }
0x8e: {  	[smem:$0x3FC5] =	sst s2  }
0x8f: {  	_ = 	snop  }
0x90: {  	s2 =	sld [smem:$0x3FC9]  }
0x91: {  	s18 =	sld [smem:$0x3FC8]  }
0x92: {  	s4 =	sld [smem:$0x3FD0];
	(tm) =	ssettm $0x1  }
0x93: {  	s5 =	sld [smem:$0x3FFB];
	_ =	sdelay $0x3  }
0x94: {  	_ =	strace s5  }
0x95: {  	s5 =	sld [smem:$0x3FFC];
	_ =	sdelay $0x3  }
0x96: {  	_ =	strace s5  }
0x97: {  	s5 =	sld [smem:$0x3FFD];
	_ =	sdelay $0x3  }
0x98: {  	_ =	strace s5  }
0x99: {  	_ =	strace $0x8FFFFFFF  }
0x9a: {  	s19 =	sld [smem:$0x3FDB];
	_ =	sdelay $0x1  }
0x9b: {  	s6 =	simm.s32 $_scs_section_size  }
0x9c: {  	s7 =	simm.s32 $_size__tile_overlayer_lowered;
	s8 =	simm.s32 $_tile_overlayer_lowered  }
0x9d: {  	s22 =	simm.s32 $0x1BFF;
	s21 =	sshll.u32 s8, $0x1;
	s5 =	sadd.s32 s6, s19  }
0x9e: {  	s9 =	simm.s32 $0x0;
	s20 =	sshll.u32 s7, $0x1;
	s7 =	sadd.s32 s21, s5  }
0x9f: {  	[timem:s9], [sflag:s22] =	dma.local [hbm:s7], s20  }
0xa0: {  	_ =	swait.ge [sflag:s22], s20  }
0xa1: {  	s6 =	ssub.s32 $0x0, s20;
	[sflag:s22] =	ssyncset.done $0x0  }
0xa2: {  	[sflag:s22] =	ssyncadd.s32 s6;
	_ =	sdelay $0x1  }
0xa3: {  	s23 =	simm.s32 $0x1B8B  }
0xa4: {  	_ =	swait.ge [sflag:s23], $0x1  }
0xa5: {  	[sflag:s23] =	ssyncset.done $0x0  }
0xa6: {  	s25 =	simm.s32 $0x1B8E;
	s24 =	sld [smem:$0x3FFE];
	[sflag:s23] =	ssyncadd.s32 $0xFFFFFFFF  }
0xa7: {  	s26 =	simm.s32 $execute0_lowered;
	[smem:$0x3FD2] =	sst s25  }
0xa8: {  	s7 =	sshll.u32 s26, $0x1;
	_ =	strace $0x80000046;
	[dreg:$0x1] =	wrdreg $0xFFFFFFFF  }
0xa9: {  	s28 =	simm.s32 $_size_execute0_lowered;
	s5 =	sadd.s32 s5, s7;
	[dreg:$0x0] =	wrdreg $0x0  }
0xaa: {  	s7 =	sshll.u32 s28, $0x1;
	[dreg:$0x2] =	wrdreg s5  }
0xab: {  	[dreg:$0x3] =	wrdreg s7  }
0xac: {  	[dreg:$0x4] =	wrdreg $0xC0  }
0xad: {  	_ =	task [dreg:s9], $0x5FFFF  }
0xae: {  	[dreg:$0x1] =	wrdreg $0xFFFFFFFF  }
0xaf: {  	[dreg:$0x0] =	wrdreg $0x60  }
0xb0: {  	[dreg:$0x2] =	wrdreg s2  }
0xb1: {  	[dreg:$0x3] =	wrdreg s18  }
0xb2: {  	[dreg:$0x4] =	wrdreg s24  }
0xb3: {  	[dreg:$0x5] =	wrdreg s4  }
0xb4: {  	[dreg:$0x6] =	wrdreg $0x9  }
0xb5: {  	_ =	task.clear_ibuf [dreg:s9], $0x7FFFF;
	_ =	strace $0x90000046  }
0xb6: {  	s29 =	simm.s32 $0x9;
	_ =	strace $0x80000048  }
0xb7: {  	_ =	swait.ge [sflag:s29], $0x1  }
0xb8: {  	[sflag:s29] =	ssyncadd.s32 $0xFFFFFFFF  }
0xb9: {  	_ =	strace $0x90000048  }
0xba: {  	_ =	sfence  }
0xbb: {  	s30 =	sld [smem:$0x0];
	_ =	sdelay $0x2  }
0xbc: {  	s31 =	sshll.u32 s1, $0xD;
	s1 =	sshrl.u32 s1, $0x2  }
0xbd: {  	s3 =	sand.u32 $0x4000, s31;
	s1 =	sadd.s32 s1, s30  }
0xbe: {  	s0 =	sor.u32 s3, s0;
	s1 =	sshll.u32 s1, $0x11  }
0xbf: {  	s0 =	sor.u32 s1, s0  }
0xc0: {  	s0 =	sadd.s32 $0x8F2B, s0  }
0xc1: {  	[sflag:s0] =	ssyncadd.remote.s32 $0x1  }
0xc2: {  	_ =	sfence.sel $0xFFFF  }
0xc3: {  	[dreg:$0x0] =	wrdreg $0xFFFFFFFF;
	(pc) =	sbr.abs _section_cstart, $3  }
0xc4: {  	[dreg:$0x1] =	wrdreg $0xFFFFFFFF  }
0xc5: {  	_ =	task.clear_ibuf [dreg:s9], $0x2FFFF;
	_ =	strace $0x9FFFFFFF  }
0xc6: {  	(tm) =	ssettm $0x7FFFFFFF  }
0xc7: {  	_ =	shalt  }
tec
execute0_lowered:
.L_overlay_start_1:
0x0: {  	(tag) =	ssettag $0x1  }
0x1: {  	s5 =	rddreg [dreg:$0x0]  }
0x2: {  	s6 =	rddreg [dreg:$0x1]  }
0x3: {  	s0 =	rddreg [dreg:$0x2];
	s3 =	stileid.u32;
	s28 =	simm.s32 $0x0  }
0x4: {  	s1 =	srdreg.scid;
	s31 =	simm.s32 $0x2010;
	s13 =	simm.s32 $0x4020  }
0x5: {  	s20 =	simm.s32 $0x8040;
	s10 =	simm.s32 $0xE070;
	s2 =	sshll.u32 s3, $0x1  }
0x6: {  	[smem:$0x7FF] =	sst s28;
	s1 =	sand.u32 $0x1, s1;
	s3 =	sshrl.u32 s3, $0x1  }
0x7: {  	s0 =	sadd.s32 $0x400, s0;
	s2 =	sand.u32 $0x2, s2;
	_ =	strace $0x80000047  }
0x8: {  	s4 =	sshll.u32 s3, $0x12;
	[dreg:$0x1c] =	wrdreg s0;
	s30 =	sshll.u32 s3, $0x16  }
0x9: {  	s3 =	simm.s32 $0x100;
	s2 =	sor.u32 s1, s2;
	[dreg:$0x1a] =	wrdreg s4  }
0xa: {  	s1 =	ssub.s32 $0x2, s1;
	[smem:$0x7FC] =	sst s30;
	s7 =	sshll.u32 s2, $0x10  }
0xb: {  	s22 =	sshrl.u32 s1, $0x1;
	s23 =	sshll.u32 s2, $0x7;
	s2 =	simm.s32 $0x0  }
0xc: {  	[dreg:$0x1b] =	wrdreg s7;
	s4 =	sor.u32 s4, s7;
	s0 =	ssub.s32 s1, s22  }
0xd: {  	[dreg:$0x1d] =	wrdreg s23;
	s24 =	sshrl.u32 s4, $0x3;
	s0 =	smax.u32 s0, $0x1  }
.Ltmp0:
0xe: {  	s25 =	sadd.s32 s5, s24;
	[smem:$0x7FD] =	sst s0;
	(pc) =	sbr.rel .LBB2_1-.Ltmp0, $4  }
0xf: {  	s26 =	sadd.s32 s6, s24;
	s1 =	sor.u32 $0x20, s24;
	[dreg:$0x1e] =	wrdreg s25  }
0x10: {  	s22 =	simm.s32 $0xA050;
	[dreg:$0x1f] =	wrdreg s26;
	s29 =	sadd.s32 s5, s1  }
0x11: {  	s4 =	simm.s32 $0x400;
	s1 =	sadd.s32 s6, s1;
	[smem:$0x7FA] =	sst s29  }
0x12: {  	v0 =	vlaneseq.u32;
	s24 =	simm.s32 $0x6030;
	s25 =	simm.s32 $0xC060;
	[smem:$0x7FB] =	sst s1  }
.LBB2_12:
0x13: {  	s0 =	simm.s32 $0x6  }
0x14: {  	_ =	swait.ge [sflag:s0], $0x4000  }
0x15: {  	[sflag:s0] =	ssyncset.done $0x0  }
0x16: {  	s1 =	simm.s32 $0x7;
	[sflag:s0] =	ssyncadd.s32 $0xFFFFC000  }
0x17: {  	_ =	swait.ge [sflag:s1], $0x4000  }
0x18: {  	s2 =	sld [smem:$0x7F9]  }
0x19: {  	s30 =	sld [smem:$0x7FD];
	_ =	sdelay $0x1  }
0x1a: {  	s2 =	sadd.s32 $0x1, s2  }
0x1b: {  	p0 =	sne.s32 s2, s30  }
.Ltmp1:
0x1c: {  	_ = 	snop;
	(pc) =	sbr.rel @!p0 .LBB2_13-.Ltmp1, $3  }
0x1d: {  	_ =	sdelay $0x1  }
0x1e: {  	[sflag:s1] =	ssyncset.done $0x0  }
0x1f: {  	s13 =	simm.s32 $0x4020;
	[sflag:s1] =	ssyncadd.s32 $0xFFFFC000  }
.LBB2_1:
0x20: {  	s0 =	rddreg [dreg:$0x1c]  }
0x21: {  	s18 =	rddreg [dreg:$0x1e]  }
0x22: {  	[tilespmem:s28], [sflag:$0x1] =	stream.linear.gather [hbm4b:s0+s28], $0x10080, $0x38;
	[tilespmem:$0x19080] =	vst v63  }
0x23: {  	s1 =	simm.s32 $0x10080;
	s19 =	rddreg [dreg:$0x1f]  }
0x24: {  	[tilespmem:s1], [sflag:$0x2] =	stream.strided.gather [hbm4b:s18+s3], $0x400, s4, s3, $0x38;
	[tilespmem:$0x19080] =	vst v63  }
0x25: {  	s21 =	simm.s32 $0x10880;
	s23 =	sld [smem:$0x7FA]  }
0x26: {  	[tilespmem:s21], [sflag:$0x4] =	stream.strided.gather [hbm4b:s19+s3], $0x400, s4, s3, $0x38;
	[tilespmem:$0x19080] =	vst v63  }
0x27: {  	s26 =	simm.s32 $0x10480;
	s28 =	sld [smem:$0x7FB]  }
0x28: {  	[tilespmem:s26], [sflag:$0x3] =	stream.strided.gather [hbm4b:s23+s3], $0x400, s4, s3, $0x38;
	[tilespmem:$0x19080] =	vst v63  }
0x29: {  	[smem:$0x7F9] =	sst s2;
	s29 =	simm.s32 $0x10C80;
	s30 =	simm.s32 $0x1  }
0x2a: {  	[tilespmem:s29], [sflag:$0x5] =	stream.strided.gather [hbm4b:s28+s3], $0x400, s4, s3, $0x38;
	[tilespmem:$0x19080] =	vst v63  }
0x2b: {  	_ =	swait.ge [sflag:s30], $0x10080  }
0x2c: {  	[sflag:s30] =	ssyncset.done $0x0  }
0x2d: {  	s5 =	simm.s32 $0x0;
	[sflag:s30] =	ssyncadd.s32 $0xFFFEFF80  }
.LBB2_2:
0x2e: {  	p0 =	seq.s32 s5, $0x0  }
0x2f: {  	[smem:$0x7EA] =	sst s5;
	s0 =	simm.s32 @!p0 $0x6  }
0x30: {  	_ =	swait.ge @!p0 [sflag:s0], $0x4000  }
0x31: {  	[sflag:s0] =	ssyncset.done @!p0 $0x0  }
0x32: {  	s3 =	simm.s32 $0x2;
	[sflag:s0] =	ssyncadd.s32 @!p0 $0xFFFFC000  }
0x33: {  	_ =	swait.ge [sflag:s3], $0x400  }
0x34: {  	[sflag:s3] =	ssyncset.done $0x0  }
0x35: {  	s15 =	simm.s32 $0x0;
	s4 =	simm.s32 $0x4;
	[sflag:s3] =	ssyncadd.s32 $0xFFFFFC00  }
0x36: {  	s14 =	sand.u32 $0x40, s15;
	_ =	swait.ge [sflag:s4], $0x400  }
0x37: {  	s12 =	sand.u32 $0x300, s15;
	s11 =	sor.u32 $0x30, s14;
	[sflag:s4] =	ssyncset.done $0x0  }
0x38: {  	s5 =	sor.u32 s12, s11;
	[sflag:s4] =	ssyncadd.s32 $0xFFFFFC00  }
0x39: {  	v1 =	vld [tilespmem:s5+$0x10880];
	_ =	sdelay $0x3  }
0x3a: {  	s29 =	sor.u32 $0x10, s14  }
0x3b: {  	s1 =	sor.u32 s12, s29;
	v1 =	vshll.u32 v1, $0x4  }
0x3c: {  	v2 =	vld [tilespmem:s1+$0x10880];
	v11 =	vor.u32 v0, v1;
	_ =	sdelay $0x3  }
0x3d: {  	s23 =	sor.u32 $0x20, s14;
	v1 =	vld [tilespmem:s5+$0x10080]  }
0x3e: {  	s2 =	sor.u32 s12, s23;
	v2 =	vshll.u32 v2, $0x4;
	v3 =	vld.idx.msk [tilespmem:v11+s15+$0x0], $0xffff  }
0x3f: {  	v4 =	vld [tilespmem:s2+$0x10880];
	v6 =	vor.u32 v0, v2  }
0x40: {  	s3 =	sor.u32 s14, s12  }
0x41: {  	v2 =	vld [tilespmem:s3+$0x10880]  }
0x42: {  	v10 =	vadd.f32 v1, v1  }
0x43: {  	v1 =	vld [tilespmem:s1+$0x10080];
	v5 =	vshll.u32 v3, $0x10  }
0x44: {  	v4 =	vshll.u32 v4, $0x4;
	v9 =	vld.idx.msk [tilespmem:v6+s15+$0x0], $0xffff;
	v3 =	vand.u32 $0xFFFF0000, v3;
	v5 =	vadd.f32 v5, v10  }
0x45: {  	s4 =	sor.u32 $0x11480, s12;
	v7 =	vor.u32 v0, v4;
	v3 =	vadd.f32 v3, v10  }
0x46: {  	s6 =	sor.u32 s11, s4;
	v2 =	vshll.u32 v2, $0x4;
	[tilespmem:s5+$0x11080] =	vst v5  }
0x47: {  	v15 =	vor.u32 v0, v2;
	[tilespmem:s6+$0x0] =	vst v3  }
0x48: {  	v8 =	vadd.f32 v1, v1;
	v1 =	vld.idx.msk [tilespmem:v11+s31+$0x0], $0xffff  }
0x49: {  	v2 =	vld [tilespmem:s2+$0x10080];
	v3 =	vshll.u32 v9, $0x10  }
0x4a: {  	v4 =	vld.idx.msk [tilespmem:v7+s15+$0x0], $0xffff;
	v5 =	vand.u32 $0xFFFF0000, v9;
	v3 =	vadd.f32 v3, v8  }
0x4b: {  	v12 =	vld [tilespmem:s3+$0x10080];
	v5 =	vadd.f32 v5, v8  }
0x4c: {  	s7 =	sor.u32 s29, s4;
	v13 =	vld.idx.msk [tilespmem:v15+s15+$0x0], $0xffff;
	[tilespmem:s1+$0x11080] =	vst v3  }
0x4d: {  	[tilespmem:s7+$0x0] =	vst v5;
	v3 =	vshll.u32 v1, $0x10  }
0x4e: {  	s8 =	sor.u32 $0x11880, s12;
	v9 =	vadd.f32 v2, v2;
	v2 =	vld.idx.msk [tilespmem:v6+s31+$0x0], $0xffff;
	v1 =	vand.u32 $0xFFFF0000, v1;
	v3 =	vadd.f32 v3, v10  }
0x4f: {  	s9 =	sor.u32 $0x11C80, s12;
	s16 =	sor.u32 s11, s8;
	v5 =	vshll.u32 v4, $0x10;
	v1 =	vadd.f32 v1, v10  }
0x50: {  	s17 =	sor.u32 s11, s9;
	v14 =	vadd.f32 v12, v12;
	v4 =	vand.u32 $0xFFFF0000, v4;
	v5 =	vadd.f32 v5, v9;
	[tilespmem:s16+$0x0] =	vst v3  }
0x51: {  	v4 =	vadd.f32 v4, v9;
	v3 =	vshll.u32 v13, $0x10;
	[tilespmem:s17+$0x0] =	vst v1  }
0x52: {  	s18 =	sor.u32 s23, s4;
	[tilespmem:s2+$0x11080] =	vst v5;
	v1 =	vand.u32 $0xFFFF0000, v13;
	v3 =	vadd.f32 v3, v14;
	v5 =	vld.idx.msk [tilespmem:v11+s13+$0x0], $0xffff  }
0x53: {  	[tilespmem:s18+$0x0] =	vst v4;
	v4 =	vshll.u32 v2, $0x10;
	v1 =	vadd.f32 v1, v14  }
0x54: {  	s19 =	sor.u32 s14, s4;
	v2 =	vand.u32 $0xFFFF0000, v2;
	v4 =	vadd.f32 v4, v8;
	[tilespmem:s3+$0x11080] =	vst v3;
	v3 =	vld.idx.msk [tilespmem:v7+s31+$0x0], $0xffff  }
0x55: {  	s21 =	sor.u32 s29, s8;
	[tilespmem:s19+$0x0] =	vst v1;
	v1 =	vadd.f32 v2, v8  }
0x56: {  	s26 =	sor.u32 s29, s9;
	[tilespmem:s21+$0x0] =	vst v4;
	v2 =	vld.idx.msk [tilespmem:v15+s31+$0x0], $0xffff  }
0x57: {  	[tilespmem:s26+$0x0] =	vst v1;
	v1 =	vshll.u32 v5, $0x10  }
0x58: {  	s28 =	sor.u32 $0x12080, s12;
	v4 =	vld.idx.msk [tilespmem:v6+s13+$0x0], $0xffff;
	v5 =	vand.u32 $0xFFFF0000, v5;
	v1 =	vadd.f32 v1, v10  }
0x59: {  	s30 =	sor.u32 $0x12480, s12;
	s31 =	sor.u32 s11, s28;
	v12 =	vshll.u32 v3, $0x10;
	v5 =	vadd.f32 v5, v10  }
0x5a: {  	s3 =	sor.u32 s11, s30;
	v3 =	vand.u32 $0xFFFF0000, v3;
	v12 =	vadd.f32 v12, v9;
	[tilespmem:s31+$0x0] =	vst v1  }
0x5b: {  	s6 =	sor.u32 s23, s8;
	v1 =	vadd.f32 v3, v9;
	v3 =	vshll.u32 v2, $0x10;
	[tilespmem:s3+$0x0] =	vst v5  }
0x5c: {  	s7 =	sor.u32 s23, s9;
	v2 =	vand.u32 $0xFFFF0000, v2;
	v3 =	vadd.f32 v3, v14;
	[tilespmem:s6+$0x0] =	vst v12;
	v5 =	vld.idx.msk [tilespmem:v11+s24+$0x0], $0xffff  }
0x5d: {  	s0 =	sor.u32 s14, s8;
	v2 =	vadd.f32 v2, v14;
	[tilespmem:s7+$0x0] =	vst v1;
	v1 =	vshll.u32 v4, $0x10  }
0x5e: {  	s1 =	sor.u32 s14, s9;
	v4 =	vand.u32 $0xFFFF0000, v4;
	[tilespmem:s0+$0x0] =	vst v3;
	v3 =	vld.idx.msk [tilespmem:v7+s13+$0x0], $0xffff;
	v1 =	vadd.f32 v1, v8  }
0x5f: {  	s8 =	sor.u32 s29, s28;
	[tilespmem:s1+$0x0] =	vst v2;
	v2 =	vadd.f32 v4, v8  }
0x60: {  	s9 =	sor.u32 s29, s30;
	v4 =	vld.idx.msk [tilespmem:v15+s13+$0x0], $0xffff;
	[tilespmem:s8+$0x0] =	vst v1  }
0x61: {  	[tilespmem:s9+$0x0] =	vst v2;
	v1 =	vshll.u32 v5, $0x10  }
0x62: {  	s3 =	sor.u32 $0x12880, s12;
	v2 =	vld.idx.msk [tilespmem:v6+s24+$0x0], $0xffff;
	v5 =	vand.u32 $0xFFFF0000, v5;
	v1 =	vadd.f32 v1, v10  }
0x63: {  	s2 =	sor.u32 $0x12C80, s12;
	s16 =	sor.u32 s11, s3;
	v12 =	vshll.u32 v3, $0x10;
	v5 =	vadd.f32 v5, v10  }
0x64: {  	s17 =	sor.u32 s11, s2;
	v3 =	vand.u32 $0xFFFF0000, v3;
	v12 =	vadd.f32 v12, v9;
	[tilespmem:s16+$0x0] =	vst v1  }
0x65: {  	s18 =	sor.u32 s23, s28;
	v1 =	vadd.f32 v3, v9;
	v3 =	vshll.u32 v4, $0x10;
	[tilespmem:s17+$0x0] =	vst v5  }
0x66: {  	s19 =	sor.u32 s23, s30;
	v4 =	vand.u32 $0xFFFF0000, v4;
	v3 =	vadd.f32 v3, v14;
	[tilespmem:s18+$0x0] =	vst v12;
	v5 =	vld.idx.msk [tilespmem:v11+s20+$0x0], $0xffff  }
0x67: {  	s21 =	sor.u32 s14, s28;
	v4 =	vadd.f32 v4, v14;
	[tilespmem:s19+$0x0] =	vst v1;
	v1 =	vshll.u32 v2, $0x10  }
0x68: {  	s26 =	sor.u32 s14, s30;
	v2 =	vand.u32 $0xFFFF0000, v2;
	[tilespmem:s21+$0x0] =	vst v3;
	v3 =	vld.idx.msk [tilespmem:v7+s24+$0x0], $0xffff;
	v1 =	vadd.f32 v1, v8  }
0x69: {  	s30 =	simm.s32 $0x40;
	s28 =	sor.u32 s29, s3;
	v2 =	vadd.f32 v2, v8;
	[tilespmem:s26+$0x0] =	vst v4  }
0x6a: {  	s5 =	simm.s32 $0x80;
	s31 =	sor.u32 s29, s2;
	s21 =	sand.u32 $0x40, s30;
	v4 =	vld.idx.msk [tilespmem:v15+s24+$0x0], $0xffff;
	[tilespmem:s28+$0x0] =	vst v1  }
0x6b: {  	s30 =	sor.u32 $0x30, s21;
	[tilespmem:s31+$0x0] =	vst v2;
	s31 =	sand.u32 $0x300, s5;
	v1 =	vshll.u32 v5, $0x10  }
0x6c: {  	s7 =	sor.u32 $0x13080, s12;
	v2 =	vld.idx.msk [tilespmem:v6+s20+$0x0], $0xffff;
	v5 =	vand.u32 $0xFFFF0000, v5;
	s0 =	sor.u32 s31, s30;
	v1 =	vadd.f32 v1, v10  }
0x6d: {  	s6 =	sor.u32 s11, s7;
	s1 =	sor.u32 $0x13480, s12;
	v12 =	vshll.u32 v3, $0x10;
	v5 =	vadd.f32 v5, v10;
	v13 =	vld [tilespmem:s0+$0x10880]  }
0x6e: {  	s8 =	sor.u32 s11, s1;
	v3 =	vand.u32 $0xFFFF0000, v3;
	v12 =	vadd.f32 v12, v9;
	[tilespmem:s6+$0x0] =	vst v1  }
0x6f: {  	s9 =	sor.u32 s23, s3;
	s26 =	sor.u32 $0x10, s21;
	v1 =	vadd.f32 v3, v9;
	v3 =	vshll.u32 v4, $0x10;
	[tilespmem:s8+$0x0] =	vst v5  }
0x70: {  	s4 =	sor.u32 s31, s26;
	s6 =	sor.u32 s23, s2;
	v4 =	vand.u32 $0xFFFF0000, v4;
	v3 =	vadd.f32 v3, v14;
	[tilespmem:s9+$0x0] =	vst v12;
	v5 =	vld.idx.msk [tilespmem:v11+s22+$0x0], $0xffff  }
0x71: {  	s3 =	sor.u32 s14, s3;
	s28 =	sor.u32 $0x20, s21;
	v4 =	vadd.f32 v4, v14;
	v12 =	vld [tilespmem:s4+$0x10880];
	[tilespmem:s6+$0x0] =	vst v1;
	v1 =	vshll.u32 v2, $0x10  }
0x72: {  	s5 =	sor.u32 s31, s28;
	s2 =	sor.u32 s14, s2;
	v2 =	vand.u32 $0xFFFF0000, v2;
	[tilespmem:s3+$0x0] =	vst v3;
	v3 =	vld.idx.msk [tilespmem:v7+s20+$0x0], $0xffff;
	v1 =	vadd.f32 v1, v8;
	v13 =	vshll.u32 v13, $0x4  }
0x73: {  	s17 =	sor.u32 s29, s7;
	v2 =	vadd.f32 v2, v8;
	[tilespmem:s2+$0x0] =	vst v4;
	v4 =	vld [tilespmem:s5+$0x10880];
	v17 =	vor.u32 v0, v13  }
0x74: {  	s18 =	sor.u32 s29, s1;
	s6 =	sor.u32 s21, s31;
	v13 =	vld.idx.msk [tilespmem:v15+s20+$0x0], $0xffff;
	[tilespmem:s17+$0x0] =	vst v1  }
0x75: {  	v1 =	vld [tilespmem:s6+$0x10880];
	[tilespmem:s18+$0x0] =	vst v2;
	v2 =	vshll.u32 v5, $0x10  }
0x76: {  	s2 =	sor.u32 $0x13880, s12;
	v12 =	vshll.u32 v12, $0x4;
	v18 =	vld.idx.msk [tilespmem:v6+s22+$0x0], $0xffff;
	v5 =	vand.u32 $0xFFFF0000, v5;
	v2 =	vadd.f32 v2, v10  }
0x77: {  	s3 =	sor.u32 $0x13C80, s12;
	s8 =	sor.u32 s11, s2;
	v16 =	vor.u32 v0, v12;
	v12 =	vld [tilespmem:s0+$0x10080];
	v19 =	vshll.u32 v3, $0x10;
	v5 =	vadd.f32 v5, v10  }
0x78: {  	s19 =	sor.u32 s11, s3;
	v3 =	vand.u32 $0xFFFF0000, v3;
	v19 =	vadd.f32 v19, v9;
	v4 =	vshll.u32 v4, $0x4;
	v20 =	vld.idx.msk [tilespmem:v17+s15+$0x0], $0xffff;
	[tilespmem:s8+$0x0] =	vst v2  }
0x79: {  	s9 =	sor.u32 s23, s7;
	v2 =	vadd.f32 v3, v9;
	v21 =	vshll.u32 v13, $0x10;
	v3 =	vor.u32 v0, v4;
	[tilespmem:s19+$0x0] =	vst v5  }
0x7a: {  	s17 =	sor.u32 s23, s1;
	v4 =	vand.u32 $0xFFFF0000, v13;
	v1 =	vshll.u32 v1, $0x4;
	v5 =	vadd.f32 v21, v14;
	[tilespmem:s9+$0x0] =	vst v19;
	v13 =	vld.idx.msk [tilespmem:v11+s25+$0x0], $0xffff  }
0x7b: {  	s7 =	sor.u32 s14, s7;
	v19 =	vld [tilespmem:s4+$0x10080];
	v4 =	vadd.f32 v4, v14;
	v1 =	vor.u32 v0, v1;
	[tilespmem:s17+$0x0] =	vst v2;
	v2 =	vshll.u32 v18, $0x10  }
0x7c: {  	s1 =	sor.u32 s14, s1;
	v21 =	vld.idx.msk [tilespmem:v16+s15+$0x0], $0xffff;
	[tilespmem:s7+$0x0] =	vst v5;
	v5 =	vand.u32 $0xFFFF0000, v18;
	v18 =	vadd.f32 v12, v12;
	v2 =	vadd.f32 v2, v8  }
0x7d: {  	s18 =	sor.u32 s29, s2;
	v12 =	vld [tilespmem:s5+$0x10080];
	[tilespmem:s1+$0x0] =	vst v4;
	v4 =	vshll.u32 v20, $0x10;
	v5 =	vadd.f32 v5, v8  }
0x7e: {  	s19 =	sor.u32 s29, s3;
	v20 =	vand.u32 $0xFFFF0000, v20;
	v22 =	vld.idx.msk [tilespmem:v3+s15+$0x0], $0xffff;
	v4 =	vadd.f32 v4, v18;
	[tilespmem:s18+$0x0] =	vst v2  }
0x7f: {  	s8 =	sor.u32 $0x11480, s31;
	v2 =	vld [tilespmem:s6+$0x10080];
	v20 =	vadd.f32 v20, v18;
	[tilespmem:s19+$0x0] =	vst v5;
	v23 =	vshll.u32 v13, $0x10  }
0x80: {  	s7 =	sor.u32 s30, s8;
	v5 =	vadd.f32 v19, v19;
	v19 =	vld.idx.msk [tilespmem:v1+s15+$0x0], $0xffff;
	[tilespmem:s0+$0x11080] =	vst v4;
	s0 =	sor.u32 $0x14080, s12;
	v4 =	vand.u32 $0xFFFF0000, v13;
	v13 =	vadd.f32 v23, v10  }
0x81: {  	s1 =	sor.u32 $0x14480, s12;
	v23 =	vshll.u32 v21, $0x10;
	[tilespmem:s7+$0x0] =	vst v20;
	s9 =	sor.u32 s11, s0;
	v20 =	vadd.f32 v4, v10  }
0x82: {  	s16 =	simm.s32 $0x2010;
	s17 =	sor.u32 s11, s1;
	v4 =	vadd.f32 v12, v12;
	v12 =	vld.idx.msk [tilespmem:v7+s22+$0x0], $0xffff;
	v21 =	vand.u32 $0xFFFF0000, v21;
	v23 =	vadd.f32 v23, v5;
	[tilespmem:s9+$0x0] =	vst v13  }
0x83: {  	v24 =	vld.idx.msk [tilespmem:v17+s16+$0x0], $0xffff;
	v21 =	vadd.f32 v21, v5;
	v13 =	vshll.u32 v22, $0x10;
	[tilespmem:s17+$0x0] =	vst v20  }
0x84: {  	s18 =	sor.u32 s26, s8;
	v2 =	vadd.f32 v2, v2;
	v20 =	vand.u32 $0xFFFF0000, v22;
	[tilespmem:s4+$0x11080] =	vst v23;
	v13 =	vadd.f32 v13, v4  }
0x85: {  	v22 =	vshll.u32 v19, $0x10;
	v20 =	vadd.f32 v20, v4;
	[tilespmem:s18+$0x0] =	vst v21  }
0x86: {  	s19 =	sor.u32 s28, s8;
	v19 =	vand.u32 $0xFFFF0000, v19;
	v11 =	vld.idx.msk [tilespmem:v11+s10+$0x0], $0xffff;
	v21 =	vadd.f32 v22, v2;
	[tilespmem:s5+$0x11080] =	vst v13  }
0x87: {  	v19 =	vadd.f32 v19, v2;
	v13 =	vshll.u32 v12, $0x10;
	[tilespmem:s19+$0x0] =	vst v20  }
0x88: {  	s5 =	sor.u32 s21, s8;
	v13 =	vadd.f32 v13, v9;
	[tilespmem:s6+$0x11080] =	vst v21;
	v20 =	vshll.u32 v24, $0x10  }
0x89: {  	s7 =	sor.u32 s23, s2;
	s4 =	sor.u32 $0x11880, s31;
	v22 =	vld.idx.msk [tilespmem:v16+s16+$0x0], $0xffff;
	[tilespmem:s5+$0x0] =	vst v19;
	v19 =	vand.u32 $0xFFFF0000, v24;
	v20 =	vadd.f32 v20, v18  }
0x8a: {  	s8 =	sor.u32 s30, s4;
	s6 =	sor.u32 $0x11C80, s31;
	v19 =	vadd.f32 v19, v18;
	[tilespmem:s7+$0x0] =	vst v13  }
0x8b: {  	v21 =	vld.idx.msk [tilespmem:v3+s16+$0x0], $0xffff;
	s9 =	sor.u32 s30, s6;
	v13 =	vshll.u32 v11, $0x10;
	[tilespmem:s8+$0x0] =	vst v20  }
0x8c: {  	v23 =	vld.idx.msk [tilespmem:v1+s16+$0x0], $0xffff;
	s16 =	sor.u32 $0x14880, s12;
	v13 =	vadd.f32 v13, v10;
	[tilespmem:s9+$0x0] =	vst v19  }
0x8d: {  	v11 =	vand.u32 $0xFFFF0000, v11;
	s10 =	sor.u32 s11, s16;
	[smem:$0x7EB] =	sst s12  }
0x8e: {  	v20 =	vshll.u32 v22, $0x10;
	s9 =	sor.u32 $0x14C80, s12;
	v10 =	vadd.f32 v11, v10;
	[tilespmem:s10+$0x0] =	vst v13  }
0x8f: {  	v11 =	vand.u32 $0xFFFF0000, v22;
	v19 =	vadd.f32 v20, v5;
	[smem:$0x7EC] =	sst s11;
	s11 =	sor.u32 s11, s9  }
0x90: {  	s12 =	sor.u32 s26, s4;
	v11 =	vadd.f32 v11, v5;
	v20 =	vshll.u32 v21, $0x10;
	v13 =	vld.idx.msk [tilespmem:v17+s13+$0x0], $0xffff;
	[tilespmem:s11+$0x0] =	vst v10  }
0x91: {  	s17 =	sor.u32 s26, s6;
	v10 =	vand.u32 $0xFFFF0000, v21;
	[tilespmem:s12+$0x0] =	vst v19;
	v19 =	vadd.f32 v20, v4;
	v20 =	vld.idx.msk [tilespmem:v15+s22+$0x0], $0xffff  }
0x92: {  	s18 =	sor.u32 s28, s4;
	v21 =	vshll.u32 v23, $0x10;
	v10 =	vadd.f32 v10, v4;
	[tilespmem:s17+$0x0] =	vst v11  }
0x93: {  	s19 =	sor.u32 s28, s6;
	v11 =	vand.u32 $0xFFFF0000, v23;
	v21 =	vadd.f32 v21, v2;
	[tilespmem:s18+$0x0] =	vst v19  }
0x94: {  	v12 =	vand.u32 $0xFFFF0000, v12;
	s4 =	sor.u32 s21, s4;
	v11 =	vadd.f32 v11, v2;
	v19 =	vld.idx.msk [tilespmem:v16+s13+$0x0], $0xffff;
	[tilespmem:s19+$0x0] =	vst v10  }
0x95: {  	s7 =	sor.u32 s21, s6;
	v10 =	vadd.f32 v12, v9;
	[tilespmem:s4+$0x0] =	vst v21;
	v12 =	vshll.u32 v13, $0x10  }
0x96: {  	s8 =	sor.u32 s23, s3;
	s10 =	sor.u32 $0x12080, s31;
	v21 =	vld.idx.msk [tilespmem:v3+s13+$0x0], $0xffff;
	[tilespmem:s7+$0x0] =	vst v11;
	v11 =	vand.u32 $0xFFFF0000, v13;
	v13 =	vshll.u32 v20, $0x10;
	v12 =	vadd.f32 v12, v18  }
0x97: {  	s12 =	sor.u32 s30, s10;
	[tilespmem:s8+$0x0] =	vst v10;
	v10 =	vand.u32 $0xFFFF0000, v20;
	v20 =	vld.idx.msk [tilespmem:v1+s13+$0x0], $0xffff;
	v13 =	vadd.f32 v13, v14  }
0x98: {  	s2 =	sor.u32 s14, s2;
	s11 =	sor.u32 $0x12480, s31;
	v11 =	vadd.f32 v11, v18;
	[tilespmem:s12+$0x0] =	vst v12  }
0x99: {  	s17 =	sor.u32 s30, s11;
	v10 =	vadd.f32 v10, v14;
	v12 =	vshll.u32 v19, $0x10;
	[tilespmem:s2+$0x0] =	vst v13  }
0x9a: {  	s3 =	sor.u32 s14, s3;
	v19 =	vand.u32 $0xFFFF0000, v19;
	[tilespmem:s17+$0x0] =	vst v11;
	v11 =	vld.idx.msk [tilespmem:v6+s25+$0x0], $0xffff;
	v12 =	vadd.f32 v12, v5  }
0x9b: {  	s18 =	sor.u32 s26, s10;
	v13 =	vadd.f32 v19, v5;
	v22 =	vshll.u32 v21, $0x10;
	[tilespmem:s3+$0x0] =	vst v10;
	v19 =	vld.idx.msk [tilespmem:v17+s24+$0x0], $0xffff  }
0x9c: {  	s19 =	sor.u32 s26, s11;
	v10 =	vand.u32 $0xFFFF0000, v21;
	v21 =	vshll.u32 v20, $0x10;
	[tilespmem:s18+$0x0] =	vst v12;
	v12 =	vadd.f32 v22, v4  }
0x9d: {  	s4 =	sor.u32 s28, s10;
	v21 =	vadd.f32 v21, v2;
	[tilespmem:s19+$0x0] =	vst v13  }
0x9e: {  	s8 =	sor.u32 s21, s10;
	v10 =	vadd.f32 v10, v4;
	v20 =	vand.u32 $0xFFFF0000, v20;
	v13 =	vld.idx.msk [tilespmem:v7+s25+$0x0], $0xffff;
	[tilespmem:s4+$0x0] =	vst v12  }
0x9f: {  	s7 =	sor.u32 s28, s11;
	v20 =	vadd.f32 v20, v2;
	v22 =	vld.idx.msk [tilespmem:v16+s24+$0x0], $0xffff;
	[tilespmem:s8+$0x0] =	vst v21;
	v12 =	vshll.u32 v11, $0x10  }
0xa0: {  	s10 =	sor.u32 s21, s11;
	[tilespmem:s7+$0x0] =	vst v10;
	v10 =	vadd.f32 v12, v8;
	v12 =	vshll.u32 v19, $0x10  }
0xa1: {  	s11 =	sor.u32 s29, s0;
	s3 =	sor.u32 $0x12880, s31;
	[tilespmem:s10+$0x0] =	vst v20;
	v21 =	vld.idx.msk [tilespmem:v3+s24+$0x0], $0xffff;
	v19 =	vand.u32 $0xFFFF0000, v19;
	v12 =	vadd.f32 v12, v18  }
0xa2: {  	s12 =	sor.u32 s30, s3;
	s4 =	sor.u32 $0x12C80, s31;
	v11 =	vand.u32 $0xFFFF0000, v11;
	v19 =	vadd.f32 v19, v18;
	[tilespmem:s11+$0x0] =	vst v10  }
0xa3: {  	s17 =	sor.u32 s30, s4;
	v20 =	vld.idx.msk [tilespmem:v1+s24+$0x0], $0xffff;
	v10 =	vadd.f32 v11, v8;
	v11 =	vshll.u32 v13, $0x10;
	[tilespmem:s12+$0x0] =	vst v12  }
0xa4: {  	s18 =	sor.u32 s29, s1;
	v11 =	vadd.f32 v11, v9;
	v12 =	vshll.u32 v22, $0x10;
	[tilespmem:s17+$0x0] =	vst v19  }
0xa5: {  	s19 =	sor.u32 s23, s0;
	v19 =	vand.u32 $0xFFFF0000, v22;
	v12 =	vadd.f32 v12, v5;
	[tilespmem:s18+$0x0] =	vst v10  }
0xa6: {  	s6 =	sor.u32 s26, s3;
	v10 =	vadd.f32 v19, v5;
	v19 =	vld.idx.msk [tilespmem:v17+s20+$0x0], $0xffff;
	v22 =	vshll.u32 v21, $0x10;
	[tilespmem:s19+$0x0] =	vst v11  }
0xa7: {  	s7 =	sor.u32 s26, s4;
	v11 =	vand.u32 $0xFFFF0000, v21;
	[tilespmem:s6+$0x0] =	vst v12;
	v12 =	vadd.f32 v22, v4  }
0xa8: {  	s8 =	sor.u32 s28, s3;
	v21 =	vld.idx.msk [tilespmem:v15+s25+$0x0], $0xffff;
	v11 =	vadd.f32 v11, v4;
	v22 =	vshll.u32 v20, $0x10;
	[tilespmem:s7+$0x0] =	vst v10  }
0xa9: {  	s10 =	sor.u32 s28, s4;
	s11 =	simm.s32 $0x80;
	v10 =	vand.u32 $0xFFFF0000, v20;
	v20 =	vadd.f32 v22, v2;
	[tilespmem:s8+$0x0] =	vst v12  }
0xaa: {  	s3 =	sor.u32 s21, s3;
	s18 =	sand.u32 $0x40, s11;
	s6 =	simm.s32 $0x100;
	v12 =	vand.u32 $0xFFFF0000, v13;
	v10 =	vadd.f32 v10, v2;
	v13 =	vld.idx.msk [tilespmem:v16+s20+$0x0], $0xffff;
	[tilespmem:s10+$0x0] =	vst v11  }
0xab: {  	s12 =	sor.u32 s21, s4;
	s19 =	sor.u32 $0x30, s18;
	s11 =	sand.u32 $0x300, s6;
	v11 =	vadd.f32 v12, v9;
	[tilespmem:s3+$0x0] =	vst v20;
	v12 =	vshll.u32 v19, $0x10  }
0xac: {  	s2 =	sor.u32 $0x13080, s31;
	s17 =	sor.u32 s23, s1;
	s8 =	sor.u32 s11, s19;
	v20 =	vld.idx.msk [tilespmem:v3+s20+$0x0], $0xffff;
	[tilespmem:s12+$0x0] =	vst v10;
	v10 =	vand.u32 $0xFFFF0000, v19;
	v12 =	vadd.f32 v12, v18  }
0xad: {  	s3 =	sor.u32 s30, s2;
	v19 =	vshll.u32 v21, $0x10;
	s12 =	sor.u32 $0x13480, s31;
	v10 =	vadd.f32 v10, v18;
	[tilespmem:s17+$0x0] =	vst v11;
	v11 =	vld [tilespmem:s8+$0x10880]  }
0xae: {  	v21 =	vand.u32 $0xFFFF0000, v21;
	v19 =	vadd.f32 v19, v14;
	v22 =	vld.idx.msk [tilespmem:v1+s20+$0x0], $0xffff;
	s7 =	sor.u32 s30, s12;
	[tilespmem:s3+$0x0] =	vst v12  }
0xaf: {  	s0 =	sor.u32 s14, s0;
	v12 =	vadd.f32 v21, v14;
	v21 =	vshll.u32 v13, $0x10;
	[tilespmem:s7+$0x0] =	vst v10  }
0xb0: {  	s1 =	sor.u32 s14, s1;
	[tilespmem:s0+$0x0] =	vst v19;
	v10 =	vand.u32 $0xFFFF0000, v13;
	v13 =	vadd.f32 v21, v5;
	v21 =	vld.idx.msk [tilespmem:v17+s22+$0x0], $0xffff  }
0xb1: {  	s10 =	sor.u32 s26, s2;
	s17 =	sor.u32 $0x10, s18;
	v10 =	vadd.f32 v10, v5;
	v23 =	vshll.u32 v20, $0x10;
	[tilespmem:s1+$0x0] =	vst v12;
	s1 =	simm.s32 $0xE070  }
0xb2: {  	s4 =	sor.u32 s26, s12;
	s5 =	sor.u32 s11, s17;
	v12 =	vld.idx.msk [tilespmem:v6+s1+$0x0], $0xffff;
	[tilespmem:s10+$0x0] =	vst v13;
	v6 =	vand.u32 $0xFFFF0000, v20;
	v13 =	vadd.f32 v23, v4  }
0xb3: {  	s3 =	sor.u32 $0x20, s18;
	v19 =	vld [tilespmem:s5+$0x10880];
	v11 =	vshll.u32 v11, $0x4;
	s10 =	sor.u32 s28, s2;
	v23 =	vshll.u32 v22, $0x10;
	[tilespmem:s4+$0x0] =	vst v10;
	v20 =	vadd.f32 v6, v4  }
0xb4: {  	s7 =	sor.u32 s11, s3;
	v6 =	vor.u32 v0, v11;
	v11 =	vld.idx.msk [tilespmem:v7+s1+$0x0], $0xffff;
	v7 =	vand.u32 $0xFFFF0000, v22;
	s1 =	sor.u32 s28, s12;
	[tilespmem:s10+$0x0] =	vst v13;
	v13 =	vadd.f32 v23, v2  }
0xb5: {  	s2 =	sor.u32 s21, s2;
	v10 =	vld [tilespmem:s7+$0x10880];
	v7 =	vadd.f32 v7, v2;
	[tilespmem:s1+$0x0] =	vst v20;
	v22 =	vshll.u32 v21, $0x10  }
0xb6: {  	s4 =	sor.u32 s21, s12;
	s10 =	sor.u32 s18, s11;
	[tilespmem:s2+$0x0] =	vst v13;
	s2 =	sor.u32 $0x13880, s31;
	v21 =	vand.u32 $0xFFFF0000, v21;
	v22 =	vadd.f32 v22, v18  }
0xb7: {  	v20 =	vld [tilespmem:s10+$0x10880];
	v23 =	vshll.u32 v12, $0x10;
	[tilespmem:s4+$0x0] =	vst v7;
	s4 =	sor.u32 $0x13C80, s31;
	v21 =	vadd.f32 v21, v18;
	s12 =	sor.u32 s30, s2  }
0xb8: {  	v19 =	vshll.u32 v19, $0x4;
	v13 =	vld.idx.msk [tilespmem:v16+s22+$0x0], $0xffff;
	s1 =	sor.u32 s30, s4;
	[tilespmem:s12+$0x0] =	vst v22;
	v22 =	vadd.f32 v23, v8  }
0xb9: {  	v7 =	vor.u32 v0, v19;
	v19 =	vld [tilespmem:s8+$0x10080];
	v12 =	vand.u32 $0xFFFF0000, v12;
	s12 =	sor.u32 s29, s16;
	[tilespmem:s1+$0x0] =	vst v21  }
0xba: {  	v10 =	vshll.u32 v10, $0x4;
	v23 =	vld.idx.msk [tilespmem:v6+s15+$0x0], $0xffff;
	v8 =	vadd.f32 v12, v8;
	v21 =	vshll.u32 v11, $0x10;
	[tilespmem:s12+$0x0] =	vst v22  }
0xbb: {  	v12 =	vor.u32 v0, v10;
	v10 =	vand.u32 $0xFFFF0000, v11;
	s1 =	sor.u32 s29, s9;
	v11 =	vadd.f32 v21, v9;
	v21 =	vld.idx.msk [tilespmem:v17+s25+$0x0], $0xffff;
	[smem:$0x7ED] =	sst s29  }
0xbc: {  	v20 =	vshll.u32 v20, $0x4;
	s12 =	sor.u32 s23, s16;
	[tilespmem:s1+$0x0] =	vst v8  }
0xbd: {  	v10 =	vadd.f32 v10, v9;
	v22 =	vld [tilespmem:s5+$0x10080];
	v8 =	vor.u32 v0, v20;
	v20 =	vshll.u32 v13, $0x10;
	[tilespmem:s12+$0x0] =	vst v11  }
0xbe: {  	v9 =	vadd.f32 v19, v19;
	v56 =	vld.idx.msk [tilespmem:v7+s15+$0x0], $0xffff;
	v11 =	vand.u32 $0xFFFF0000, v13;
	v13 =	vadd.f32 v20, v5;
	[smem:$0x7EE] =	sst s23;
	s23 =	sor.u32 s23, s9  }
0xbf: {  	s29 =	sor.u32 s26, s2;
	v19 =	vshll.u32 v23, $0x10;
	v11 =	vadd.f32 v11, v5;
	[tilespmem:s23+$0x0] =	vst v10;
	v10 =	vld [tilespmem:s7+$0x10080]  }
0xc0: {  	s1 =	sor.u32 s26, s4;
	v20 =	vld.idx.msk [tilespmem:v12+s15+$0x0], $0xffff;
	v19 =	vadd.f32 v19, v9;
	[tilespmem:s29+$0x0] =	vst v13;
	v13 =	vand.u32 $0xFFFF0000, v23  }
0xc1: {  	s12 =	sor.u32 $0x11480, s11;
	v23 =	vld [tilespmem:s10+$0x10080];
	v25 =	vshll.u32 v21, $0x10;
	[tilespmem:s1+$0x0] =	vst v11;
	v11 =	vadd.f32 v13, v9  }
0xc2: {  	v21 =	vand.u32 $0xFFFF0000, v21;
	[tilespmem:s8+$0x11080] =	vst v19;
	s8 =	sor.u32 s19, s12;
	s1 =	sor.u32 $0x14080, s31;
	v13 =	vadd.f32 v22, v22;
	v19 =	vld.idx.msk [tilespmem:v8+s15+$0x0], $0xffff;
	v22 =	vadd.f32 v25, v18  }
0xc3: {  	s0 =	sor.u32 $0x14480, s31;
	v21 =	vadd.f32 v21, v18;
	v57 =	vshll.u32 v56, $0x10;
	s15 =	sor.u32 s30, s1;
	[tilespmem:s8+$0x0] =	vst v11  }
0xc4: {  	s23 =	sor.u32 s30, s0;
	s8 =	simm.s32 $0x2010;
	[tilespmem:s15+$0x0] =	vst v22;
	v11 =	vadd.f32 v10, v10;
	v22 =	vld.idx.msk [tilespmem:v3+s22+$0x0], $0xffff;
	v10 =	vand.u32 $0xFFFF0000, v56;
	v58 =	vadd.f32 v57, v13  }
0xc5: {  	v59 =	vld.idx.msk [tilespmem:v6+s8+$0x0], $0xffff;
	[tilespmem:s23+$0x0] =	vst v21;
	v21 =	vshll.u32 v20, $0x10;
	v26 =	vadd.f32 v10, v13  }
0xc6: {  	s29 =	sor.u32 s17, s12;
	v10 =	vadd.f32 v23, v23;
	v20 =	vand.u32 $0xFFFF0000, v20;
	[tilespmem:s5+$0x11080] =	vst v58;
	v21 =	vadd.f32 v21, v11  }
0xc7: {  	s15 =	simm.s32 $0xE070;
	v20 =	vadd.f32 v20, v11;
	[tilespmem:s29+$0x0] =	vst v26;
	v23 =	vshll.u32 v19, $0x10  }
0xc8: {  	v17 =	vld.idx.msk [tilespmem:v17+s15+$0x0], $0xffff;
	v19 =	vand.u32 $0xFFFF0000, v19;
	[tilespmem:s7+$0x11080] =	vst v21;
	v21 =	vadd.f32 v23, v10;
	s7 =	sor.u32 s3, s12  }
0xc9: {  	v19 =	vadd.f32 v19, v10;
	[tilespmem:s7+$0x0] =	vst v20;
	v20 =	vshll.u32 v22, $0x10  }
0xca: {  	s12 =	sor.u32 s18, s12;
	v20 =	vadd.f32 v20, v4;
	[tilespmem:s10+$0x11080] =	vst v21;
	v21 =	vshll.u32 v59, $0x10  }
0xcb: {  	s23 =	sor.u32 s28, s2;
	s5 =	sor.u32 $0x11880, s11;
	v23 =	vld.idx.msk [tilespmem:v7+s8+$0x0], $0xffff;
	[tilespmem:s12+$0x0] =	vst v19;
	v19 =	vand.u32 $0xFFFF0000, v59;
	v21 =	vadd.f32 v21, v9  }
0xcc: {  	s10 =	sor.u32 $0x11C80, s11;
	s12 =	sor.u32 s19, s5;
	[tilespmem:s23+$0x0] =	vst v20;
	v19 =	vadd.f32 v19, v9  }
0xcd: {  	v60 =	vld.idx.msk [tilespmem:v12+s8+$0x0], $0xffff;
	v20 =	vshll.u32 v17, $0x10;
	s23 =	sor.u32 s19, s10;
	[tilespmem:s12+$0x0] =	vst v21  }
0xce: {  	s29 =	simm.s32 $0x2010;
	s7 =	sor.u32 $0x14880, s31;
	v20 =	vadd.f32 v20, v18;
	[tilespmem:s23+$0x0] =	vst v19  }
0xcf: {  	v17 =	vand.u32 $0xFFFF0000, v17;
	v21 =	vld.idx.msk [tilespmem:v8+s29+$0x0], $0xffff;
	s29 =	sor.u32 s30, s7;
	[smem:$0x7EF] =	sst s31  }
0xd0: {  	s8 =	sor.u32 $0x14C80, s31;
	v17 =	vadd.f32 v17, v18;
	v19 =	vshll.u32 v23, $0x10;
	[tilespmem:s29+$0x0] =	vst v20  }
0xd1: {  	v18 =	vand.u32 $0xFFFF0000, v23;
	v19 =	vadd.f32 v19, v13;
	s31 =	sor.u32 s30, s8;
	[smem:$0x7F0] =	sst s30  }
0xd2: {  	s23 =	sor.u32 s17, s5;
	v20 =	vshll.u32 v60, $0x10;
	[tilespmem:s31+$0x0] =	vst v17;
	v17 =	vadd.f32 v18, v13;
	v18 =	vld.idx.msk [tilespmem:v6+s13+$0x0], $0xffff  }
0xd3: {  	s29 =	sor.u32 s17, s10;
	v20 =	vadd.f32 v20, v11;
	[tilespmem:s23+$0x0] =	vst v19;
	v19 =	vand.u32 $0xFFFF0000, v60  }
0xd4: {  	s30 =	sor.u32 s3, s5;
	v23 =	vshll.u32 v21, $0x10;
	v19 =	vadd.f32 v19, v11;
	[tilespmem:s29+$0x0] =	vst v17;
	v17 =	vld.idx.msk [tilespmem:v1+s22+$0x0], $0xffff  }
0xd5: {  	s31 =	sor.u32 s3, s10;
	[tilespmem:s30+$0x0] =	vst v20;
	v20 =	vand.u32 $0xFFFF0000, v21;
	v21 =	vadd.f32 v23, v10  }
0xd6: {  	s5 =	sor.u32 s18, s5;
	v20 =	vadd.f32 v20, v10;
	[tilespmem:s31+$0x0] =	vst v19;
	v19 =	vand.u32 $0xFFFF0000, v22;
	v22 =	vld.idx.msk [tilespmem:v7+s13+$0x0], $0xffff  }
0xd7: {  	s12 =	sor.u32 s18, s10;
	[tilespmem:s5+$0x0] =	vst v21;
	v19 =	vadd.f32 v19, v4;
	v21 =	vshll.u32 v18, $0x10  }
0xd8: {  	s23 =	sor.u32 $0x12080, s11;
	s22 =	sor.u32 s28, s4;
	[tilespmem:s12+$0x0] =	vst v20;
	v20 =	vld.idx.msk [tilespmem:v12+s13+$0x0], $0xffff;
	v18 =	vand.u32 $0xFFFF0000, v18;
	v21 =	vadd.f32 v21, v9  }
0xd9: {  	s30 =	sor.u32 s19, s23;
	s29 =	sor.u32 $0x12480, s11;
	[tilespmem:s22+$0x0] =	vst v19;
	v18 =	vadd.f32 v18, v9;
	v19 =	vshll.u32 v17, $0x10  }
0xda: {  	s31 =	sor.u32 s19, s29;
	v17 =	vand.u32 $0xFFFF0000, v17;
	[tilespmem:s30+$0x0] =	vst v21;
	v19 =	vadd.f32 v19, v2;
	v21 =	vld.idx.msk [tilespmem:v8+s13+$0x0], $0xffff  }
0xdb: {  	s2 =	sor.u32 s21, s2;
	v17 =	vadd.f32 v17, v2;
	[tilespmem:s31+$0x0] =	vst v18;
	v18 =	vshll.u32 v22, $0x10  }
0xdc: {  	s4 =	sor.u32 s21, s4;
	v22 =	vand.u32 $0xFFFF0000, v22;
	[tilespmem:s2+$0x0] =	vst v19;
	v19 =	vld.idx.msk [tilespmem:v16+s25+$0x0], $0xffff;
	v18 =	vadd.f32 v18, v13  }
0xdd: {  	s12 =	sor.u32 s17, s23;
	v23 =	vshll.u32 v20, $0x10;
	[tilespmem:s4+$0x0] =	vst v17;
	v17 =	vadd.f32 v22, v13;
	v22 =	vld.idx.msk [tilespmem:v6+s24+$0x0], $0xffff  }
0xde: {  	s13 =	sor.u32 s17, s29;
	[tilespmem:s12+$0x0] =	vst v18;
	v18 =	vand.u32 $0xFFFF0000, v20;
	v20 =	vadd.f32 v23, v11  }
0xdf: {  	v15 =	vld.idx.msk [tilespmem:v15+s15+$0x0], $0xffff;
	s15 =	sor.u32 s3, s23;
	[tilespmem:s13+$0x0] =	vst v17;
	v17 =	vadd.f32 v18, v11;
	v18 =	vshll.u32 v21, $0x10  }
0xe0: {  	s22 =	sor.u32 s3, s29;
	v21 =	vand.u32 $0xFFFF0000, v21;
	[tilespmem:s15+$0x0] =	vst v20;
	v18 =	vadd.f32 v18, v10  }
0xe1: {  	s23 =	sor.u32 s18, s23;
	v21 =	vadd.f32 v21, v10;
	[tilespmem:s22+$0x0] =	vst v17;
	v17 =	vshll.u32 v19, $0x10  }
0xe2: {  	s29 =	sor.u32 s18, s29;
	v17 =	vadd.f32 v17, v5;
	[tilespmem:s23+$0x0] =	vst v18;
	v18 =	vshll.u32 v22, $0x10  }
0xe3: {  	s30 =	sor.u32 s26, s1;
	s4 =	sor.u32 $0x12880, s11;
	v20 =	vld.idx.msk [tilespmem:v3+s25+$0x0], $0xffff;
	[tilespmem:s29+$0x0] =	vst v21;
	v21 =	vand.u32 $0xFFFF0000, v22;
	v18 =	vadd.f32 v18, v9  }
0xe4: {  	s2 =	sor.u32 $0x12C80, s11;
	s31 =	sor.u32 s19, s4;
	[tilespmem:s30+$0x0] =	vst v17;
	v17 =	vadd.f32 v21, v9  }
0xe5: {  	s10 =	sor.u32 s19, s2;
	v23 =	vld.idx.msk [tilespmem:v7+s24+$0x0], $0xffff;
	[tilespmem:s31+$0x0] =	vst v18  }
0xe6: {  	v62 =	vld.idx.msk [tilespmem:v1+s25+$0x0], $0xffff;
	s13 =	sor.u32 s14, s16;
	[tilespmem:s10+$0x0] =	vst v17  }
0xe7: {  	v19 =	vand.u32 $0xFFFF0000, v19;
	v61 =	vld.idx.msk [tilespmem:v12+s24+$0x0], $0xffff;
	[dreg:$0xb] =	wrdreg s13  }
0xe8: {  	v19 =	vadd.f32 v19, v5;
	v21 =	vshll.u32 v20, $0x10;
	[smem:$0x7F1] =	sst s14;
	s14 =	sor.u32 s14, s9  }
0xe9: {  	s15 =	sor.u32 s26, s0;
	v22 =	vshll.u32 v15, $0x10;
	v18 =	vand.u32 $0xFFFF0000, v15;
	v17 =	vadd.f32 v21, v4;
	[dreg:$0xa] =	wrdreg s14  }
0xea: {  	s22 =	sor.u32 s21, s1;
	s1 =	sor.u32 s28, s1;
	v15 =	vadd.f32 v22, v14;
	v14 =	vadd.f32 v18, v14;
	v18 =	vshll.u32 v23, $0x10;
	[tilespmem:s15+$0x0] =	vst v19  }
0xeb: {  	s16 =	sor.u32 s21, s7;
	v18 =	vadd.f32 v18, v13;
	v19 =	vand.u32 $0xFFFF0000, v20;
	v20 =	vand.u32 $0xFFFF0000, v23;
	[tilespmem:s1+$0x0] =	vst v17  }
0xec: {  	v22 =	vld.idx.msk [tilespmem:v8+s24+$0x0], $0xffff;
	s24 =	sor.u32 s17, s4;
	v17 =	vadd.f32 v20, v13;
	[dreg:$0xc] =	wrdreg s16  }
0xed: {  	s29 =	sor.u32 s17, s2;
	[tilespmem:s24+$0x0] =	vst v18  }
0xee: {  	v20 =	vshll.u32 v61, $0x10;
	[tilespmem:s29+$0x0] =	vst v17  }
0xef: {  	v63 =	vadd.f32 v20, v11;
	v21 =	vld.idx.msk [tilespmem:v6+s20+$0x0], $0xffff;
	[smem:$0x7F2] =	sst s21  }
0xf0: {  	s30 =	sor.u32 s3, s4;
	v23 =	vand.u32 $0xFFFF0000, v61;
	[smem:$0x7F3] =	sst s26  }
0xf1: {  	s5 =	sor.u32 s26, s7;
	s12 =	simm.s32 $0xE070;
	v23 =	vadd.f32 v23, v11;
	[tilespmem:s30+$0x0] =	vst v63  }
0xf2: {  	s7 =	sor.u32 s28, s7;
	s31 =	sor.u32 s3, s2;
	v18 =	vshll.u32 v62, $0x10;
	v17 =	vand.u32 $0xFFFF0000, v62;
	[smem:$0x7F4] =	sst s28  }
0xf3: {  	s25 =	sor.u32 s28, s0;
	s23 =	sor.u32 s21, s0;
	s0 =	sor.u32 s18, s4;
	v20 =	vadd.f32 v18, v2;
	v18 =	vadd.f32 v17, v2;
	v17 =	vld.idx.msk [tilespmem:v16+s12+$0x0], $0xffff;
	v16 =	vshll.u32 v22, $0x10;
	[tilespmem:s31+$0x0] =	vst v23  }
0xf4: {  	s9 =	sor.u32 s18, s2;
	s2 =	simm.s32 $0x8;
	v23 =	vadd.f32 v16, v10;
	v16 =	vld.idx.msk [tilespmem:v7+s20+$0x0], $0xffff;
	[smem:$0x7F5] =	sst s19  }
0xf5: {  	s14 =	sor.u32 s26, s8;
	s1 =	sor.u32 s28, s8;
	[smem:$0x7F6] =	sst s18  }
0xf6: {  	s4 =	simm.s32 $0xC0;
	s15 =	smov.u32 s19;
	v22 =	vand.u32 $0xFFFF0000, v22;
	[smem:$0x7F7] =	sst s17  }
0xf7: {  	v19 =	vadd.f32 v19, v4;
	s16 =	smov.u32 s3;
	s21 =	sor.u32 s21, s8;
	v22 =	vadd.f32 v22, v10;
	[smem:$0x7F8] =	sst s3  }
.LBB2_3:
0xf8: {  	_ = 	snop  }
0xf9: {  	[tilespmem:s0+$0x0] =	vst v23  }
0xfa: {  	s26 =	sand.u32 $0x40, s4;
	s6 =	sadd.s32 $0x80, s6;
	v23 =	vld.idx.msk [tilespmem:v12+s20+$0x0], $0xffff;
	[tilespmem:s25+$0x0] =	vst v19  }
0xfb: {  	s29 =	sand.u32 $0x300, s6;
	s28 =	sor.u32 $0x30, s26;
	[tilespmem:s9+$0x0] =	vst v22;
	v24 =	vshll.u32 v21, $0x10  }
0xfc: {  	s0 =	sor.u32 $0x13080, s11;
	s31 =	sor.u32 $0x20, s26;
	s12 =	sor.u32 s29, s28;
	v25 =	vld.idx.msk [tilespmem:v8+s20+$0x0], $0xffff;
	[tilespmem:s22+$0x0] =	vst v20;
	v21 =	vand.u32 $0xFFFF0000, v21;
	v22 =	vadd.f32 v24, v9  }
0xfd: {  	v30 =	vshll.u32 v17, $0x10;
	s9 =	sor.u32 $0x13480, s11;
	s8 =	sor.u32 s15, s0;
	v17 =	vand.u32 $0xFFFF0000, v17;
	s13 =	sor.u32 s29, s31;
	v19 =	vld [tilespmem:s12+$0x10880];
	[tilespmem:s23+$0x0] =	vst v18;
	v21 =	vadd.f32 v21, v9  }
0xfe: {  	s3 =	simm.s32 $0xE070;
	s30 =	sor.u32 $0x10, s26;
	s10 =	sor.u32 s15, s9;
	v18 =	vld [tilespmem:s13+$0x10880];
	v24 =	vadd.f32 v30, v5;
	[tilespmem:s8+$0x0] =	vst v22;
	v22 =	vadd.f32 v17, v5;
	v5 =	vmovc v13;
	v13 =	vshll.u32 v16, $0x10  }
0xff: {  	s8 =	sor.u32 s29, s30;
	v16 =	vand.u32 $0xFFFF0000, v16;
	[tilespmem:s10+$0x0] =	vst v21;
	v21 =	vld.idx.msk [tilespmem:v3+s3+$0x0], $0xffff;
	v3 =	vmov v12;
	v12 =	vadd.f32 v13, v5  }
0x100: {  	s25 =	sor.u32 s17, s0;
	v17 =	vshll.u32 v23, $0x10;
	v13 =	vadd.f32 v16, v5;
	s3 =	simm.s32 $0xA050;
	v20 =	vld [tilespmem:s8+$0x10880]  }
0x101: {  	s24 =	sor.u32 s26, s29;
	s20 =	sor.u32 s17, s9;
	v23 =	vand.u32 $0xFFFF0000, v23;
	v16 =	vld.idx.msk [tilespmem:v6+s3+$0x0], $0xffff;
	[tilespmem:s25+$0x0] =	vst v12;
	v12 =	vadd.f32 v17, v11  }
0x102: {  	v26 =	vld [tilespmem:s24+$0x10880];
	s10 =	sor.u32 s18, s0;
	s0 =	sor.u32 s16, s0;
	v23 =	vadd.f32 v23, v11;
	v17 =	vshll.u32 v19, $0x4;
	v19 =	vshll.u32 v25, $0x10;
	[tilespmem:s20+$0x0] =	vst v13  }
0x103: {  	s19 =	sor.u32 s18, s9;
	s9 =	sor.u32 s16, s9;
	v25 =	vand.u32 $0xFFFF0000, v25;
	v19 =	vadd.f32 v19, v10;
	v13 =	vld [tilespmem:s8+$0x10080];
	[tilespmem:s0+$0x0] =	vst v12  }
0x104: {  	v17 =	vor.u32 v0, v17;
	v25 =	vadd.f32 v25, v10;
	v27 =	vld [tilespmem:s13+$0x10080];
	[tilespmem:s9+$0x0] =	vst v23  }
0x105: {  	v12 =	vshll.u32 v21, $0x10;
	v23 =	vld [tilespmem:s24+$0x10080];
	v20 =	vshll.u32 v20, $0x4;
	[tilespmem:s10+$0x0] =	vst v19  }
0x106: {  	v19 =	vshll.u32 v16, $0x10;
	v28 =	vadd.f32 v12, v4;
	v12 =	vshll.u32 v18, $0x4;
	[tilespmem:s19+$0x0] =	vst v25;
	v18 =	vld.idx.msk [tilespmem:v7+s3+$0x0], $0xffff  }
0x107: {  	s9 =	sor.u32 $0x13880, s11;
	v31 =	vand.u32 $0xFFFF0000, v16;
	v16 =	vor.u32 v0, v20;
	v20 =	vld [tilespmem:s12+$0x10080];
	s19 =	sor.u32 $0x13C80, s11;
	[tilespmem:s5+$0x0] =	vst v24;
	v19 =	vadd.f32 v19, v9  }
0x108: {  	v26 =	vshll.u32 v26, $0x4;
	s0 =	simm.s32 $0x0;
	s25 =	sor.u32 s15, s9;
	v29 =	vld.idx.msk [tilespmem:v3+s3+$0x0], $0xffff;
	v25 =	vadd.f32 v31, v9;
	s10 =	sor.u32 s18, s19;
	[tilespmem:s14+$0x0] =	vst v22  }
0x109: {  	v32 =	vor.u32 v0, v26;
	v21 =	vand.u32 $0xFFFF0000, v21;
	s20 =	sor.u32 s15, s19;
	v33 =	vld.idx.msk [tilespmem:v17+s0+$0x0], $0xffff;
	[dreg:$0x14] =	wrdreg s10;
	[tilespmem:s25+$0x0] =	vst v19  }
0x10a: {  	v21 =	vadd.f32 v21, v4;
	v12 =	vor.u32 v0, v12;
	v22 =	vld.idx.msk [tilespmem:v8+s3+$0x0], $0xffff;
	s10 =	sor.u32 s16, s19;
	s25 =	sor.u32 s17, s19;
	s19 =	simm.s32 $0xC060;
	[tilespmem:s20+$0x0] =	vst v25  }
0x10b: {  	s14 =	rddreg [dreg:$0xb];
	[tilespmem:s7+$0x0] =	vst v28;
	v27 =	vadd.f32 v27, v27;
	v19 =	vadd.f32 v23, v23;
	v23 =	vld.idx.msk [tilespmem:v6+s19+$0x0], $0xffff  }
0x10c: {  	v4 =	vmov v11;
	[tilespmem:s14+$0x0] =	vst v15;
	v34 =	vld.idx.msk [tilespmem:v16+s0+$0x0], $0xffff;
	v35 =	vshll.u32 v18, $0x10  }
0x10d: {  	s23 =	sor.u32 s18, s9;
	s7 =	rddreg [dreg:$0xa];
	[tilespmem:s1+$0x0] =	vst v21;
	v18 =	vand.u32 $0xFFFF0000, v18;
	v20 =	vadd.f32 v20, v20;
	v11 =	vmovc v27;
	v27 =	vadd.f32 v35, v5  }
0x10e: {  	[dreg:$0x11] =	wrdreg s23;
	s23 =	sor.u32 s17, s9;
	v13 =	vadd.f32 v13, v13;
	v15 =	vld.idx.msk [tilespmem:v32+s0+$0x0], $0xffff;
	[tilespmem:s7+$0x0] =	vst v14;
	v18 =	vadd.f32 v18, v5;
	v36 =	vshll.u32 v33, $0x10  }
0x10f: {  	s5 =	sor.u32 s16, s9;
	s9 =	smov.u32 s21;
	[dreg:$0x19] =	wrdreg s10;
	v38 =	vshll.u32 v29, $0x10;
	v14 =	vand.u32 $0xFFFF0000, v33;
	v37 =	vadd.f32 v36, v20;
	[tilespmem:s23+$0x0] =	vst v27  }
0x110: {  	s3 =	simm.s32 $0xE070;
	s10 =	sor.u32 $0x11480, s29;
	s20 =	rddreg [dreg:$0xc];
	v21 =	vld.idx.msk [tilespmem:v12+s0+$0x0], $0xffff;
	v14 =	vadd.f32 v14, v20;
	[tilespmem:s25+$0x0] =	vst v18;
	v18 =	vand.u32 $0xFFFF0000, v29;
	v40 =	vshll.u32 v23, $0x10  }
0x111: {  	s14 =	sor.u32 $0x14080, s11;
	s21 =	sor.u32 s28, s10;
	s22 =	smov.u32 s20;
	[tilespmem:s12+$0x11080] =	vst v37;
	v23 =	vand.u32 $0xFFFF0000, v23;
	v30 =	vshll.u32 v34, $0x10;
	v29 =	vadd.f32 v40, v9  }
0x112: {  	v39 =	vld.idx.msk [tilespmem:v1+s3+$0x0], $0xffff;
	[dreg:$0xb] =	wrdreg s22;
	s22 =	sor.u32 s15, s14;
	s0 =	simm.s32 $0x2010;
	[tilespmem:s21+$0x0] =	vst v14;
	v14 =	vadd.f32 v23, v9;
	v23 =	vadd.f32 v30, v13  }
0x113: {  	v25 =	vand.u32 $0xFFFF0000, v34;
	s21 =	sor.u32 $0x14480, s11;
	v31 =	vld.idx.msk [tilespmem:v17+s0+$0x0], $0xffff;
	[tilespmem:s22+$0x0] =	vst v29  }
0x114: {  	v44 =	vshll.u32 v15, $0x10;
	v42 =	vld.idx.msk [tilespmem:v7+s19+$0x0], $0xffff;
	v25 =	vadd.f32 v25, v13;
	s25 =	sor.u32 s15, s21;
	[tilespmem:s8+$0x11080] =	vst v23  }
0x115: {  	s20 =	sor.u32 s30, s10;
	v41 =	vshll.u32 v22, $0x10;
	v43 =	vshll.u32 v21, $0x10;
	v29 =	vadd.f32 v44, v19;
	[tilespmem:s25+$0x0] =	vst v14  }
0x116: {  	v1 =	vmovc v8;
	v8 =	vmovc v32;
	v22 =	vand.u32 $0xFFFF0000, v22;
	v15 =	vand.u32 $0xFFFF0000, v15;
	v14 =	vadd.f32 v43, v11;
	[tilespmem:s20+$0x0] =	vst v25  }
0x117: {  	v22 =	vadd.f32 v22, v10;
	v15 =	vadd.f32 v15, v19;
	v21 =	vand.u32 $0xFFFF0000, v21;
	v23 =	vld.idx.msk [tilespmem:v6+s3+$0x0], $0xffff;
	[tilespmem:s24+$0x11080] =	vst v29  }
0x118: {  	s1 =	sor.u32 s26, s10;
	v27 =	vadd.f32 v38, v4;
	v21 =	vadd.f32 v21, v11;
	v46 =	vld.idx.msk [tilespmem:v16+s0+$0x0], $0xffff;
	[tilespmem:s13+$0x11080] =	vst v14  }
0x119: {  	[dreg:$0xa] =	wrdreg s9;
	s9 =	sor.u32 s18, s14;
	s7 =	sor.u32 s31, s10;
	v45 =	vshll.u32 v39, $0x10;
	v28 =	vand.u32 $0xFFFF0000, v39;
	v32 =	vadd.f32 v18, v4;
	[tilespmem:s1+$0x0] =	vst v15  }
0x11a: {  	s12 =	sor.u32 s17, s14;
	s10 =	sor.u32 s18, s21;
	s23 =	sor.u32 s17, s21;
	v6 =	vmovc v17;
	v14 =	vshll.u32 v42, $0x10;
	v15 =	vadd.f32 v45, v2;
	[tilespmem:s7+$0x0] =	vst v21;
	v48 =	vshll.u32 v31, $0x10  }
0x11b: {  	[dreg:$0x18] =	wrdreg s23;
	s8 =	sor.u32 s16, s14;
	v18 =	vadd.f32 v14, v5;
	s7 =	sor.u32 $0x11880, s29;
	v14 =	vand.u32 $0xFFFF0000, v31;
	v47 =	vld.idx.msk [tilespmem:v12+s0+$0x0], $0xffff;
	v26 =	vadd.f32 v48, v20  }
0x11c: {  	s25 =	sor.u32 s16, s21;
	s20 =	sor.u32 $0x11C80, s29;
	v21 =	vadd.f32 v41, v10;
	v29 =	vld.idx.msk [tilespmem:v8+s0+$0x0], $0xffff;
	s21 =	sor.u32 s28, s7;
	v31 =	vadd.f32 v14, v20;
	[tilespmem:s5+$0x0] =	vst v27;
	v14 =	vshll.u32 v23, $0x10  }
0x11d: {  	s22 =	sor.u32 s28, s20;
	s3 =	sor.u32 $0x14880, s11;
	s11 =	sor.u32 $0x14C80, s11;
	[tilespmem:s21+$0x0] =	vst v26;
	v23 =	vand.u32 $0xFFFF0000, v23;
	v50 =	vshll.u32 v46, $0x10;
	v49 =	vadd.f32 v14, v9  }
0x11e: {  	s23 =	sor.u32 s15, s3;
	v14 =	vadd.f32 v28, v2;
	v2 =	vmovc v10;
	[tilespmem:s22+$0x0] =	vst v31;
	v10 =	vmov v19;
	v19 =	vadd.f32 v50, v13;
	s22 =	smov.u32 s6;
	s6 =	simm.s32 $0x4020  }
0x11f: {  	s24 =	sor.u32 s26, s20;
	s15 =	sor.u32 s15, s11;
	s14 =	sor.u32 s30, s7;
	v51 =	vand.u32 $0xFFFF0000, v46;
	v23 =	vadd.f32 v23, v9;
	v52 =	vld.idx.msk [tilespmem:v6+s6+$0x0], $0xffff;
	[tilespmem:s23+$0x0] =	vst v49  }
0x120: {  	s1 =	sor.u32 s16, s11;
	s13 =	sor.u32 s26, s7;
	s0 =	sor.u32 s31, s7;
	v9 =	vmov v20;
	v20 =	vadd.f32 v51, v13;
	v53 =	vshll.u32 v47, $0x10;
	[tilespmem:s14+$0x0] =	vst v19  }
0x121: {  	s5 =	sor.u32 s17, s3;
	s7 =	sor.u32 s16, s3;
	s21 =	sor.u32 s30, s20;
	v54 =	vshll.u32 v29, $0x10;
	[tilespmem:s15+$0x0] =	vst v23;
	v19 =	vadd.f32 v53, v11  }
0x122: {  	s16 =	smov.u32 s31;
	s20 =	sor.u32 s31, s20;
	v24 =	vand.u32 $0xFFFF0000, v47;
	s23 =	sor.u32 s18, s3;
	[tilespmem:s21+$0x0] =	vst v20;
	v20 =	vadd.f32 v54, v10  }
0x123: {  	v55 =	vand.u32 $0xFFFF0000, v29;
	s14 =	sor.u32 s17, s11;
	s17 =	smov.u32 s30;
	[dreg:$0xc] =	wrdreg s23;
	v23 =	vadd.f32 v24, v11;
	[tilespmem:s0+$0x0] =	vst v19  }
0x124: {  	v56 =	vadd.f32 v55, v10;
	s23 =	sor.u32 s18, s11;
	s18 =	smov.u32 s26;
	s11 =	smov.u32 s29;
	v57 =	vld.idx.msk [tilespmem:v16+s6+$0x0], $0xffff;
	[tilespmem:s13+$0x0] =	vst v20  }
0x125: {  	s15 =	smov.u32 s28;
	s21 =	rddreg [dreg:$0x19];
	s28 =	sor.u32 $0x12080, s11;
	[tilespmem:s20+$0x0] =	vst v23  }
0x126: {  	s29 =	sor.u32 $0x12480, s11;
	s3 =	sor.u32 s18, s28;
	s31 =	sor.u32 s15, s28;
	v20 =	vshll.u32 v52, $0x10;
	[tilespmem:s24+$0x0] =	vst v56  }
0x127: {  	s0 =	sor.u32 s16, s28;
	v23 =	vand.u32 $0xFFFF0000, v52;
	s24 =	sor.u32 s17, s28;
	s28 =	rddreg [dreg:$0x11];
	v19 =	vld.idx.msk [tilespmem:v12+s6+$0x0], $0xffff;
	v20 =	vadd.f32 v20, v9;
	[tilespmem:s21+$0x0] =	vst v32  }
0x128: {  	s30 =	sor.u32 s15, s29;
	v24 =	vld.idx.msk [tilespmem:v8+s6+$0x0], $0xffff;
	v23 =	vadd.f32 v23, v9;
	[tilespmem:s28+$0x0] =	vst v21  }
0x129: {  	s13 =	sor.u32 s16, s29;
	s6 =	smov.u32 s22;
	s22 =	smov.u32 s9;
	[tilespmem:s31+$0x0] =	vst v20;
	v58 =	vshll.u32 v57, $0x10  }
0x12a: {  	s9 =	sor.u32 s18, s29;
	v25 =	vand.u32 $0xFFFF0000, v57;
	s31 =	sor.u32 s17, s29;
	s29 =	rddreg [dreg:$0x14];
	[tilespmem:s30+$0x0] =	vst v23;
	v23 =	vadd.f32 v58, v13  }
0x12b: {  	s26 =	simm.s32 $0x6030;
	v20 =	vld.idx.msk [tilespmem:v3+s19+$0x0], $0xffff;
	v25 =	vadd.f32 v25, v13;
	[tilespmem:s29+$0x0] =	vst v22  }
0x12c: {  	v59 =	vld.idx.msk [tilespmem:v6+s26+$0x0], $0xffff;
	v21 =	vshll.u32 v19, $0x10;
	[tilespmem:s24+$0x0] =	vst v23  }
0x12d: {  	v22 =	vld.idx.msk [tilespmem:v1+s19+$0x0], $0xffff;
	v19 =	vand.u32 $0xFFFF0000, v19;
	v21 =	vadd.f32 v21, v11;
	[tilespmem:s31+$0x0] =	vst v25  }
0x12e: {  	v23 =	vshll.u32 v24, $0x10;
	v19 =	vadd.f32 v19, v11;
	v25 =	vld.idx.msk [tilespmem:v16+s26+$0x0], $0xffff;
	[tilespmem:s12+$0x0] =	vst v18  }
0x12f: {  	v24 =	vand.u32 $0xFFFF0000, v24;
	v23 =	vadd.f32 v23, v10;
	[tilespmem:s0+$0x0] =	vst v21  }
0x130: {  	v17 =	vand.u32 $0xFFFF0000, v42;
	s30 =	sor.u32 $0x12880, s11;
	v24 =	vadd.f32 v24, v10;
	[tilespmem:s13+$0x0] =	vst v19  }
0x131: {  	s2 =	sadd.s32 $0x4, s2;
	v17 =	vadd.f32 v17, v5;
	s19 =	sor.u32 s15, s30;
	s20 =	sor.u32 s17, s30;
	v21 =	vshll.u32 v20, $0x10;
	[tilespmem:s3+$0x0] =	vst v23;
	v19 =	vand.u32 $0xFFFF0000, v20;
	v23 =	vld.idx.msk [tilespmem:v12+s26+$0x0], $0xffff  }
0x132: {  	s0 =	sor.u32 s18, s30;
	s3 =	sor.u32 s16, s30;
	s30 =	rddreg [dreg:$0x18];
	v60 =	vadd.f32 v21, v4;
	v20 =	vshll.u32 v59, $0x10;
	[tilespmem:s9+$0x0] =	vst v24;
	v21 =	vand.u32 $0xFFFF0000, v59  }
0x133: {  	p0 =	slt.u32 s2, $0x1C;
	v61 =	vshll.u32 v22, $0x10;
	v22 =	vand.u32 $0xFFFF0000, v22;
	[tilespmem:s30+$0x0] =	vst v17;
	v20 =	vadd.f32 v20, v9  }
0x134: {  	s21 =	smov.u32 s23;
	s23 =	smov.u32 s10;
	s31 =	sor.u32 $0x12C80, s11;
	v24 =	vld.idx.msk [tilespmem:v8+s26+$0x0], $0xffff;
	v21 =	vadd.f32 v21, v9;
	v18 =	vadd.f32 v22, v2;
	[tilespmem:s8+$0x0] =	vst v60;
	v22 =	vshll.u32 v25, $0x10  }
0x135: {  	s24 =	sor.u32 s15, s31;
	s28 =	sor.u32 s17, s31;
	s10 =	sor.u32 s16, s31;
	[tilespmem:s19+$0x0] =	vst v20;
	v25 =	vand.u32 $0xFFFF0000, v25;
	v22 =	vadd.f32 v22, v13  }
.Ltmp2:
0x136: {  	s9 =	sor.u32 s18, s31;
	s31 =	simm.s32 $0xE070;
	[tilespmem:s24+$0x0] =	vst v21;
	v25 =	vadd.f32 v25, v13;
	v62 =	vshll.u32 v23, $0x10;
	(pc) =	sbr.rel @p0 .LBB2_3-.Ltmp2, $4  }
0x137: {  	v17 =	vld.idx.msk [tilespmem:v7+s31+$0x0], $0xffff;
	v23 =	vand.u32 $0xFFFF0000, v23;
	[tilespmem:s20+$0x0] =	vst v22;
	v26 =	vadd.f32 v62, v11  }
0x138: {  	s29 =	simm.s32 $0x8040;
	v19 =	vadd.f32 v19, v4;
	v63 =	vadd.f32 v23, v11;
	[tilespmem:s28+$0x0] =	vst v25  }
0x139: {  	v20 =	vadd.f32 v61, v2;
	v21 =	vld.idx.msk [tilespmem:v6+s29+$0x0], $0xffff;
	v22 =	vshll.u32 v24, $0x10;
	v24 =	vand.u32 $0xFFFF0000, v24;
	s20 =	simm.s32 $0x8040;
	[tilespmem:s3+$0x0] =	vst v26  }
0x13a: {  	s4 =	sadd.s32 $0x40, s4;
	v7 =	vmov v16;
	v23 =	vadd.f32 v22, v10;
	v22 =	vadd.f32 v24, v10;
	v16 =	vld.idx.msk [tilespmem:v16+s20+$0x0], $0xffff;
	[tilespmem:s10+$0x0] =	vst v63  }
0x13b: {  	_ =	sdelay $0x2  }
0x13c: {  	[tilespmem:s0+$0x0] =	vst v23;
	v23 =	vshll.u32 v21, $0x10  }
0x13d: {  	s13 =	sor.u32 $0x13080, s11;
	[tilespmem:s9+$0x0] =	vst v22;
	v22 =	vld.idx.msk [tilespmem:v12+s20+$0x0], $0xffff;
	v21 =	vand.u32 $0xFFFF0000, v21;
	v23 =	vadd.f32 v23, v9  }
0x13e: {  	[tilespmem:s25+$0x0] =	vst v19;
	s2 =	sor.u32 $0x13480, s11;
	s3 =	sor.u32 s15, s13;
	v19 =	vadd.f32 v21, v9  }
0x13f: {  	s19 =	sor.u32 s15, s2;
	v21 =	vld.idx.msk [tilespmem:v8+s20+$0x0], $0xffff;
	[tilespmem:s3+$0x0] =	vst v23  }
0x140: {  	[tilespmem:s19+$0x0] =	vst v19;
	v19 =	vshll.u32 v16, $0x10  }
0x141: {  	[tilespmem:s22+$0x0] =	vst v20;
	s28 =	simm.s32 $0xA050;
	v16 =	vand.u32 $0xFFFF0000, v16;
	v19 =	vadd.f32 v19, v13  }
0x142: {  	[tilespmem:s23+$0x0] =	vst v18;
	s22 =	sor.u32 s17, s13;
	v20 =	vshll.u32 v22, $0x10;
	v16 =	vadd.f32 v16, v13;
	v18 =	vld.idx.msk [tilespmem:v6+s28+$0x0], $0xffff  }
0x143: {  	s23 =	sor.u32 s17, s2;
	v20 =	vadd.f32 v20, v11;
	[tilespmem:s22+$0x0] =	vst v19;
	v19 =	vand.u32 $0xFFFF0000, v22  }
0x144: {  	s24 =	sor.u32 s16, s13;
	[tilespmem:s23+$0x0] =	vst v16;
	v16 =	vadd.f32 v19, v11;
	v19 =	vshll.u32 v21, $0x10  }
0x145: {  	s25 =	sor.u32 s16, s2;
	[tilespmem:s24+$0x0] =	vst v20;
	v20 =	vand.u32 $0xFFFF0000, v21;
	v19 =	vadd.f32 v19, v10;
	v21 =	vld.idx.msk [tilespmem:v7+s28+$0x0], $0xffff  }
0x146: {  	s0 =	sor.u32 s18, s13;
	v20 =	vadd.f32 v20, v10;
	[tilespmem:s25+$0x0] =	vst v16;
	v16 =	vshll.u32 v17, $0x10  }
0x147: {  	s2 =	sor.u32 s18, s2;
	v16 =	vadd.f32 v16, v5;
	[tilespmem:s0+$0x0] =	vst v19;
	v19 =	vshll.u32 v18, $0x10;
	v22 =	vld.idx.msk [tilespmem:v12+s28+$0x0], $0xffff  }
0x148: {  	s4 =	sor.u32 $0x13880, s11;
	s19 =	simm.s32 $0xE070;
	v18 =	vand.u32 $0xFFFF0000, v18;
	[tilespmem:s2+$0x0] =	vst v20;
	v19 =	vadd.f32 v19, v9  }
0x149: {  	s6 =	sor.u32 $0x13C80, s11;
	s8 =	sor.u32 s15, s4;
	v3 =	vld.idx.msk [tilespmem:v3+s19+$0x0], $0xffff;
	v17 =	vand.u32 $0xFFFF0000, v17;
	[tilespmem:s5+$0x0] =	vst v16;
	v16 =	vadd.f32 v18, v9  }
0x14a: {  	s9 =	sor.u32 s15, s6;
	v5 =	vadd.f32 v17, v5;
	[tilespmem:s8+$0x0] =	vst v19;
	v17 =	vshll.u32 v21, $0x10  }
0x14b: {  	v18 =	vand.u32 $0xFFFF0000, v21;
	[tilespmem:s9+$0x0] =	vst v16;
	v16 =	vld.idx.msk [tilespmem:v8+s28+$0x0], $0xffff;
	v17 =	vadd.f32 v17, v13  }
0x14c: {  	s10 =	sor.u32 s17, s4;
	s25 =	simm.s32 $0xC060;
	[tilespmem:s14+$0x0] =	vst v5;
	v5 =	vadd.f32 v18, v13;
	v18 =	vshll.u32 v22, $0x10  }
0x14d: {  	s12 =	sor.u32 s17, s6;
	v19 =	vand.u32 $0xFFFF0000, v22;
	[tilespmem:s10+$0x0] =	vst v17;
	v17 =	vld.idx.msk [tilespmem:v6+s25+$0x0], $0xffff;
	v18 =	vadd.f32 v18, v11  }
0x14e: {  	s13 =	sor.u32 s16, s4;
	v20 =	vshll.u32 v3, $0x10;
	[tilespmem:s12+$0x0] =	vst v5;
	v5 =	vadd.f32 v19, v11  }
0x14f: {  	v3 =	vand.u32 $0xFFFF0000, v3;
	s14 =	sor.u32 s16, s6;
	v19 =	vadd.f32 v20, v4;
	[tilespmem:s13+$0x0] =	vst v18;
	v18 =	vld.idx.msk [tilespmem:v7+s25+$0x0], $0xffff  }
0x150: {  	v3 =	vadd.f32 v3, v4;
	[tilespmem:s14+$0x0] =	vst v5;
	v4 =	vshll.u32 v16, $0x10  }
0x151: {  	[tilespmem:s7+$0x0] =	vst v19;
	v5 =	vand.u32 $0xFFFF0000, v16;
	v4 =	vadd.f32 v4, v10;
	v16 =	vld.idx.msk [tilespmem:v12+s25+$0x0], $0xffff  }
0x152: {  	s0 =	sor.u32 s18, s4;
	[tilespmem:s1+$0x0] =	vst v3;
	v5 =	vadd.f32 v5, v10;
	v3 =	vshll.u32 v17, $0x10  }
0x153: {  	s22 =	sor.u32 s18, s6;
	s23 =	sor.u32 $0x14080, s11;
	v17 =	vand.u32 $0xFFFF0000, v17;
	v3 =	vadd.f32 v3, v9;
	[tilespmem:s0+$0x0] =	vst v4  }
0x154: {  	s24 =	sor.u32 $0x14480, s11;
	s3 =	sor.u32 s15, s23;
	v4 =	vadd.f32 v17, v9;
	[tilespmem:s22+$0x0] =	vst v5;
	v5 =	vshll.u32 v18, $0x10  }
0x155: {  	s4 =	sor.u32 s15, s24;
	[tilespmem:s3+$0x0] =	vst v3;
	v3 =	vand.u32 $0xFFFF0000, v18;
	v5 =	vadd.f32 v5, v13;
	v17 =	vld.idx.msk [tilespmem:v8+s25+$0x0], $0xffff  }
0x156: {  	s5 =	sor.u32 s17, s23;
	[tilespmem:s4+$0x0] =	vst v4;
	v3 =	vadd.f32 v3, v13;
	v4 =	vshll.u32 v16, $0x10  }
0x157: {  	s6 =	sor.u32 s17, s24;
	[tilespmem:s5+$0x0] =	vst v5;
	v5 =	vld.idx.msk [tilespmem:v6+s19+$0x0], $0xffff;
	v6 =	vand.u32 $0xFFFF0000, v16;
	v4 =	vadd.f32 v4, v11  }
0x158: {  	s7 =	sor.u32 s16, s23;
	[tilespmem:s6+$0x0] =	vst v3;
	v3 =	vadd.f32 v6, v11  }
0x159: {  	s8 =	sor.u32 s16, s24;
	[tilespmem:s7+$0x0] =	vst v4  }
0x15a: {  	v4 =	vld.idx.msk [tilespmem:v7+s19+$0x0], $0xffff;
	[tilespmem:s8+$0x0] =	vst v3;
	v3 =	vshll.u32 v17, $0x10  }
0x15b: {  	s1 =	rddreg [dreg:$0xb];
	v3 =	vadd.f32 v3, v10  }
0x15c: {  	s9 =	sor.u32 s18, s23;
	v6 =	vand.u32 $0xFFFF0000, v17;
	v7 =	vld.idx.msk [tilespmem:v12+s19+$0x0], $0xffff;
	[tilespmem:s1+$0x0] =	vst v15  }
0x15d: {  	v6 =	vadd.f32 v6, v10;
	v12 =	vshll.u32 v5, $0x10;
	s1 =	rddreg [dreg:$0xa];
	[tilespmem:s9+$0x0] =	vst v3  }
0x15e: {  	s10 =	sor.u32 $0x14880, s11;
	s0 =	sor.u32 s18, s24;
	v3 =	vand.u32 $0xFFFF0000, v5;
	v5 =	vadd.f32 v12, v9;
	[tilespmem:s1+$0x0] =	vst v14  }
0x15f: {  	v1 =	vld.idx.msk [tilespmem:v1+s19+$0x0], $0xffff;
	s12 =	sor.u32 $0x14C80, s11;
	s13 =	sor.u32 s15, s10;
	[tilespmem:s0+$0x0] =	vst v6;
	v3 =	vadd.f32 v3, v9;
	v6 =	vshll.u32 v4, $0x10  }
0x160: {  	s14 =	sor.u32 s15, s12;
	v4 =	vand.u32 $0xFFFF0000, v4;
	[tilespmem:s13+$0x0] =	vst v5;
	v5 =	vadd.f32 v6, v13  }
0x161: {  	s15 =	sor.u32 s17, s10;
	v6 =	vld.idx.msk [tilespmem:v8+s19+$0x0], $0xffff;
	[tilespmem:s14+$0x0] =	vst v3;
	v3 =	vadd.f32 v4, v13;
	v4 =	vshll.u32 v7, $0x10  }
0x162: {  	s17 =	sor.u32 s17, s12;
	v7 =	vand.u32 $0xFFFF0000, v7;
	v4 =	vadd.f32 v4, v11;
	[tilespmem:s15+$0x0] =	vst v5  }
0x163: {  	s22 =	sor.u32 s16, s10;
	[tilespmem:s17+$0x0] =	vst v3;
	v3 =	vadd.f32 v7, v11  }
0x164: {  	s23 =	sor.u32 s16, s12;
	v5 =	vshll.u32 v1, $0x10;
	[tilespmem:s22+$0x0] =	vst v4  }
0x165: {  	p0 =	por $0x0, $0x0;
	s0 =	simm.s32 $0x1;
	v1 =	vand.u32 $0xFFFF0000, v1;
	v5 =	vadd.f32 v5, v2;
	[tilespmem:s23+$0x0] =	vst v3  }
0x166: {  	s0 =	simm.s32 @!p0 $0x0;
	v1 =	vadd.f32 v1, v2;
	v2 =	vshll.u32 v6, $0x10;
	s3 =	rddreg [dreg:$0xc]  }
0x167: {  	s0 =	sshll.u32 s0, $0x6;
	v3 =	vand.u32 $0xFFFF0000, v6;
	v2 =	vadd.f32 v2, v10;
	[tilespmem:s3+$0x0] =	vst v5  }
0x168: {  	s1 =	sor.u32 s18, s10;
	s0 =	sadd.s32 $0x0, s0;
	[tilespmem:s21+$0x0] =	vst v1;
	v1 =	vadd.f32 v3, v10  }
0x169: {  	s2 =	sor.u32 s18, s12;
	s24 =	sadd.s32 $0x30, s0;
	[tilespmem:s1+$0x0] =	vst v2  }
0x16a: {  	s1 =	sor.u32 $0x80, s24;
	[tilespmem:s2+$0x0] =	vst v1  }
0x16b: {  	v1 =	vld [tilespmem:s1+$0x10880];
	_ =	sdelay $0x1  }
0x16c: {  	s3 =	sadd.s32 $0x10, s0  }
0x16d: {  	s2 =	sor.u32 $0x80, s3  }
0x16e: {  	s4 =	sadd.s32 $0x20, s0;
	v2 =	vld [tilespmem:s2+$0x10880]  }
0x16f: {  	s3 =	sor.u32 $0x80, s4;
	v1 =	vshll.u32 v1, $0x4  }
0x170: {  	v3 =	vld [tilespmem:s3+$0x10880];
	v10 =	vor.u32 v0, v1;
	_ =	sdelay $0x2  }
0x171: {  	v1 =	vshll.u32 v2, $0x4  }
0x172: {  	s14 =	simm.s32 $0x0;
	v7 =	vor.u32 v0, v1;
	v1 =	vld [tilespmem:s1+$0x10080]  }
0x173: {  	v2 =	vshll.u32 v3, $0x4;
	v3 =	vld.idx.msk [tilespmem:v10+s14+$0x0], $0xffff;
	_ =	sdelay $0x3  }
0x174: {  	v9 =	vadd.f32 v1, v1  }
0x175: {  	v6 =	vshll.u32 v3, $0x10  }
0x176: {  	v6 =	vadd.f32 v6, v9;
	_ =	sdelay $0x1  }
0x177: {  	s9 =	sld [smem:$0x7EB];
	v5 =	vor.u32 v0, v2;
	v2 =	vld [tilespmem:s2+$0x10080];
	[tilespmem:s1+$0x11080] =	vst v6  }
0x178: {  	v11 =	vld.idx.msk [tilespmem:v7+s14+$0x0], $0xffff;
	s10 =	sld [smem:$0x7EC]  }
0x179: {  	v1 =	vld [tilespmem:s3+$0x10080];
	v3 =	vand.u32 $0xFFFF0000, v3  }
0x17a: {  	s0 =	sor.u32 $0x80, s0;
	s4 =	sadd.s32 $0x11500, s9;
	v3 =	vadd.f32 v3, v9  }
0x17b: {  	v4 =	vld [tilespmem:s0+$0x10880];
	s5 =	sor.u32 s10, s4  }
0x17c: {  	v8 =	vadd.f32 v2, v2;
	[tilespmem:s5+$0x0] =	vst v3  }
0x17d: {  	v12 =	vld.idx.msk [tilespmem:v5+s14+$0x0], $0xffff;
	v2 =	vshll.u32 v11, $0x10;
	s13 =	sld [smem:$0x7ED]  }
0x17e: {  	v2 =	vadd.f32 v2, v8;
	v6 =	vadd.f32 v1, v1;
	v1 =	vand.u32 $0xFFFF0000, v11  }
0x17f: {  	v1 =	vadd.f32 v1, v8  }
0x180: {  	s31 =	simm.s32 $0x2010;
	v4 =	vshll.u32 v4, $0x4;
	[tilespmem:s2+$0x11080] =	vst v2;
	s6 =	sor.u32 s13, s4  }
0x181: {  	v13 =	vor.u32 v0, v4;
	v3 =	vld.idx.msk [tilespmem:v10+s31+$0x0], $0xffff;
	[tilespmem:s6+$0x0] =	vst v1  }
0x182: {  	v11 =	vshll.u32 v12, $0x10;
	s12 =	sld [smem:$0x7EE]  }
0x183: {  	v12 =	vand.u32 $0xFFFF0000, v12;
	v11 =	vadd.f32 v11, v6  }
0x184: {  	v2 =	vadd.f32 v12, v6  }
0x185: {  	v4 =	vld [tilespmem:s0+$0x10080];
	[tilespmem:s3+$0x11080] =	vst v11;
	s7 =	sor.u32 s12, s4  }
0x186: {  	v14 =	vld.idx.msk [tilespmem:v13+s14+$0x0], $0xffff;
	[tilespmem:s7+$0x0] =	vst v2;
	v2 =	vshll.u32 v3, $0x10  }
0x187: {  	s8 =	sadd.s32 $0x11900, s9;
	v3 =	vand.u32 $0xFFFF0000, v3;
	v2 =	vadd.f32 v2, v9  }
0x188: {  	s11 =	sadd.s32 $0x11D00, s9;
	s15 =	sor.u32 s10, s8;
	v1 =	vld.idx.msk [tilespmem:v7+s31+$0x0], $0xffff;
	v3 =	vadd.f32 v3, v9  }
0x189: {  	s16 =	sor.u32 s10, s11;
	[tilespmem:s15+$0x0] =	vst v2  }
0x18a: {  	v11 =	vadd.f32 v4, v4;
	v4 =	vld.idx.msk [tilespmem:v5+s31+$0x0], $0xffff;
	[tilespmem:s16+$0x0] =	vst v3  }
0x18b: {  	v12 =	vshll.u32 v14, $0x10;
	s15 =	sld [smem:$0x7F1]  }
0x18c: {  	v14 =	vand.u32 $0xFFFF0000, v14;
	v12 =	vadd.f32 v12, v11  }
0x18d: {  	s23 =	simm.s32 $0x4020;
	v2 =	vadd.f32 v14, v11;
	v14 =	vshll.u32 v1, $0x10  }
0x18e: {  	v1 =	vand.u32 $0xFFFF0000, v1;
	v3 =	vadd.f32 v14, v8;
	[tilespmem:s0+$0x11080] =	vst v12;
	v12 =	vld.idx.msk [tilespmem:v10+s23+$0x0], $0xffff;
	s17 =	sor.u32 s15, s4  }
0x18f: {  	s18 =	sor.u32 s13, s8;
	v1 =	vadd.f32 v1, v8;
	[tilespmem:s17+$0x0] =	vst v2;
	v2 =	vshll.u32 v4, $0x10  }
0x190: {  	s21 =	sor.u32 s13, s11;
	[tilespmem:s18+$0x0] =	vst v3;
	v4 =	vand.u32 $0xFFFF0000, v4;
	v14 =	vld.idx.msk [tilespmem:v13+s31+$0x0], $0xffff;
	v2 =	vadd.f32 v2, v6  }
0x191: {  	s22 =	sor.u32 s12, s8;
	[tilespmem:s21+$0x0] =	vst v1;
	v3 =	vadd.f32 v4, v6  }
0x192: {  	s24 =	sor.u32 s12, s11;
	v1 =	vld.idx.msk [tilespmem:v7+s23+$0x0], $0xffff;
	[tilespmem:s22+$0x0] =	vst v2  }
0x193: {  	v2 =	vshll.u32 v12, $0x10;
	[tilespmem:s24+$0x0] =	vst v3  }
0x194: {  	s3 =	sadd.s32 $0x12100, s9;
	v4 =	vand.u32 $0xFFFF0000, v12;
	v2 =	vadd.f32 v2, v9;
	v3 =	vld.idx.msk [tilespmem:v5+s23+$0x0], $0xffff  }
0x195: {  	s5 =	sadd.s32 $0x12500, s9;
	s6 =	sor.u32 s10, s3;
	v4 =	vadd.f32 v4, v9;
	v12 =	vshll.u32 v14, $0x10  }
0x196: {  	s7 =	sor.u32 s10, s5;
	v14 =	vand.u32 $0xFFFF0000, v14;
	[tilespmem:s6+$0x0] =	vst v2;
	v12 =	vadd.f32 v12, v11  }
0x197: {  	s1 =	sor.u32 s15, s8;
	v2 =	vadd.f32 v14, v11;
	v14 =	vshll.u32 v1, $0x10;
	[tilespmem:s7+$0x0] =	vst v4  }
0x198: {  	s2 =	sor.u32 s15, s11;
	v1 =	vand.u32 $0xFFFF0000, v1;
	v4 =	vadd.f32 v14, v8;
	[tilespmem:s1+$0x0] =	vst v12;
	v12 =	vld.idx.msk [tilespmem:v10+s26+$0x0], $0xffff  }
0x199: {  	s8 =	sor.u32 s13, s3;
	v1 =	vadd.f32 v1, v8;
	[tilespmem:s2+$0x0] =	vst v2;
	v2 =	vshll.u32 v3, $0x10  }
0x19a: {  	s11 =	sor.u32 s13, s5;
	v3 =	vand.u32 $0xFFFF0000, v3;
	[tilespmem:s8+$0x0] =	vst v4;
	v14 =	vld.idx.msk [tilespmem:v13+s23+$0x0], $0xffff;
	v2 =	vadd.f32 v2, v6  }
0x19b: {  	s16 =	sor.u32 s12, s3;
	v3 =	vadd.f32 v3, v6;
	[tilespmem:s11+$0x0] =	vst v1  }
0x19c: {  	s17 =	sor.u32 s12, s5;
	v1 =	vld.idx.msk [tilespmem:v7+s26+$0x0], $0xffff;
	[tilespmem:s16+$0x0] =	vst v2  }
0x19d: {  	[tilespmem:s17+$0x0] =	vst v3;
	v2 =	vshll.u32 v12, $0x10  }
0x19e: {  	s18 =	sadd.s32 $0x12900, s9;
	v4 =	vand.u32 $0xFFFF0000, v12;
	v3 =	vld.idx.msk [tilespmem:v5+s26+$0x0], $0xffff;
	v2 =	vadd.f32 v2, v9  }
0x19f: {  	s21 =	sadd.s32 $0x12D00, s9;
	s22 =	sor.u32 s10, s18;
	v4 =	vadd.f32 v4, v9;
	v12 =	vshll.u32 v14, $0x10  }
0x1a0: {  	s24 =	sor.u32 s10, s21;
	v14 =	vand.u32 $0xFFFF0000, v14;
	v12 =	vadd.f32 v12, v11;
	[tilespmem:s22+$0x0] =	vst v2  }
0x1a1: {  	s0 =	sor.u32 s15, s3;
	v2 =	vadd.f32 v14, v11;
	v14 =	vshll.u32 v1, $0x10;
	[tilespmem:s24+$0x0] =	vst v4  }
0x1a2: {  	s3 =	sor.u32 s15, s5;
	v1 =	vand.u32 $0xFFFF0000, v1;
	v4 =	vadd.f32 v14, v8;
	[tilespmem:s0+$0x0] =	vst v12;
	v12 =	vld.idx.msk [tilespmem:v10+s20+$0x0], $0xffff  }
0x1a3: {  	p0 =	por !p0, !p0;
	s5 =	sor.u32 s13, s18;
	s1 =	simm.s32 $0x1;
	v1 =	vadd.f32 v1, v8;
	[tilespmem:s3+$0x0] =	vst v2;
	v2 =	vshll.u32 v3, $0x10  }
0x1a4: {  	s6 =	sor.u32 s13, s21;
	s1 =	simm.s32 @!p0 $0x0;
	v3 =	vand.u32 $0xFFFF0000, v3;
	[tilespmem:s5+$0x0] =	vst v4;
	v14 =	vld.idx.msk [tilespmem:v13+s26+$0x0], $0xffff;
	v2 =	vadd.f32 v2, v6  }
0x1a5: {  	s7 =	sor.u32 s12, s18;
	s1 =	sshll.u32 s1, $0x6;
	v3 =	vadd.f32 v3, v6;
	[tilespmem:s6+$0x0] =	vst v1  }
0x1a6: {  	s8 =	sor.u32 s12, s21;
	s6 =	sadd.s32 $0x80, s1;
	v1 =	vld.idx.msk [tilespmem:v7+s20+$0x0], $0xffff;
	[tilespmem:s7+$0x0] =	vst v2  }
0x1a7: {  	s11 =	sadd.s32 $0x30, s6;
	[tilespmem:s8+$0x0] =	vst v3;
	v2 =	vshll.u32 v12, $0x10  }
0x1a8: {  	s1 =	sadd.s32 $0x13100, s9;
	s0 =	sor.u32 $0x80, s11;
	v4 =	vand.u32 $0xFFFF0000, v12;
	v3 =	vld.idx.msk [tilespmem:v5+s20+$0x0], $0xffff;
	v2 =	vadd.f32 v2, v9  }
0x1a9: {  	s16 =	sor.u32 s10, s1;
	s8 =	sadd.s32 $0x13500, s9;
	v15 =	vld [tilespmem:s0+$0x10880];
	v4 =	vadd.f32 v4, v9;
	v12 =	vshll.u32 v14, $0x10  }
0x1aa: {  	s17 =	sor.u32 s10, s8;
	v14 =	vand.u32 $0xFFFF0000, v14;
	v12 =	vadd.f32 v12, v11;
	[tilespmem:s16+$0x0] =	vst v2  }
0x1ab: {  	s2 =	sor.u32 s15, s18;
	s18 =	sadd.s32 $0x10, s6;
	v2 =	vadd.f32 v14, v11;
	v14 =	vshll.u32 v1, $0x10;
	[tilespmem:s17+$0x0] =	vst v4  }
0x1ac: {  	s21 =	sor.u32 s15, s21;
	s5 =	sor.u32 $0x80, s18;
	v1 =	vand.u32 $0xFFFF0000, v1;
	v4 =	vadd.f32 v14, v8;
	[tilespmem:s2+$0x0] =	vst v12;
	v12 =	vld.idx.msk [tilespmem:v10+s28+$0x0], $0xffff  }
0x1ad: {  	s24 =	sor.u32 s13, s1;
	v1 =	vadd.f32 v1, v8;
	[tilespmem:s21+$0x0] =	vst v2;
	v2 =	vld [tilespmem:s5+$0x10880];
	v14 =	vshll.u32 v3, $0x10  }
0x1ae: {  	s4 =	sor.u32 s13, s8;
	v3 =	vand.u32 $0xFFFF0000, v3;
	[tilespmem:s24+$0x0] =	vst v4;
	v4 =	vadd.f32 v14, v6;
	v14 =	vshll.u32 v15, $0x4  }
0x1af: {  	s11 =	sor.u32 s12, s1;
	v18 =	vld.idx.msk [tilespmem:v13+s20+$0x0], $0xffff;
	v3 =	vadd.f32 v3, v6;
	[tilespmem:s4+$0x0] =	vst v1;
	v17 =	vor.u32 v0, v14  }
0x1b0: {  	s16 =	sor.u32 s12, s8;
	[tilespmem:s11+$0x0] =	vst v4  }
0x1b1: {  	[tilespmem:s16+$0x0] =	vst v3;
	v3 =	vld.idx.msk [tilespmem:v7+s28+$0x0], $0xffff  }
0x1b2: {  	v4 =	vshll.u32 v12, $0x10;
	v2 =	vshll.u32 v2, $0x4;
	v14 =	vld.idx.msk [tilespmem:v5+s28+$0x0], $0xffff  }
0x1b3: {  	s4 =	sadd.s32 $0x13900, s9;
	v12 =	vand.u32 $0xFFFF0000, v12;
	v4 =	vadd.f32 v4, v9;
	v16 =	vor.u32 v0, v2;
	v2 =	vld [tilespmem:s0+$0x10080]  }
0x1b4: {  	s22 =	sadd.s32 $0x20, s6;
	s2 =	sadd.s32 $0x13D00, s9;
	s17 =	sor.u32 s10, s4;
	v12 =	vadd.f32 v12, v9;
	v19 =	vshll.u32 v18, $0x10;
	v20 =	vld.idx.msk [tilespmem:v17+s14+$0x0], $0xffff  }
0x1b5: {  	s7 =	sor.u32 $0x80, s22;
	s18 =	sor.u32 s10, s2;
	[tilespmem:s17+$0x0] =	vst v4;
	v4 =	vand.u32 $0xFFFF0000, v18;
	v18 =	vadd.f32 v19, v11  }
0x1b6: {  	s1 =	sor.u32 s15, s1;
	v15 =	vld [tilespmem:s7+$0x10880];
	[tilespmem:s18+$0x0] =	vst v12;
	v4 =	vadd.f32 v4, v11;
	v19 =	vshll.u32 v3, $0x10  }
0x1b7: {  	s21 =	sor.u32 s15, s8;
	v12 =	vld.idx.msk [tilespmem:v10+s25+$0x0], $0xffff;
	[tilespmem:s1+$0x0] =	vst v18;
	v3 =	vand.u32 $0xFFFF0000, v3;
	v19 =	vadd.f32 v19, v8  }
0x1b8: {  	s22 =	sor.u32 s13, s4;
	[tilespmem:s21+$0x0] =	vst v4;
	v4 =	vshll.u32 v14, $0x10;
	v18 =	vadd.f32 v2, v2;
	v2 =	vadd.f32 v3, v8  }
0x1b9: {  	s24 =	sor.u32 s13, s2;
	v4 =	vadd.f32 v4, v6;
	v23 =	vshll.u32 v20, $0x10;
	[tilespmem:s22+$0x0] =	vst v19  }
0x1ba: {  	s8 =	sor.u32 s12, s4;
	v23 =	vadd.f32 v23, v18;
	[tilespmem:s24+$0x0] =	vst v2  }
0x1bb: {  	s6 =	sor.u32 $0x80, s6;
	v21 =	vld [tilespmem:s5+$0x10080];
	s18 =	sld [smem:$0x7EF];
	[tilespmem:s8+$0x0] =	vst v4  }
0x1bc: {  	v1 =	vld [tilespmem:s6+$0x10880];
	v15 =	vshll.u32 v15, $0x4;
	v24 =	vshll.u32 v12, $0x10;
	[tilespmem:s0+$0x11080] =	vst v23  }
0x1bd: {  	v15 =	vor.u32 v0, v15;
	s1 =	sadd.s32 $0x14100, s9;
	v22 =	vld.idx.msk [tilespmem:v16+s14+$0x0], $0xffff;
	v12 =	vand.u32 $0xFFFF0000, v12;
	v23 =	vadd.f32 v24, v9;
	s17 =	sld [smem:$0x7F0]  }
0x1be: {  	s16 =	sor.u32 s10, s1;
	v20 =	vand.u32 $0xFFFF0000, v20;
	s0 =	sadd.s32 $0x14500, s9;
	v12 =	vadd.f32 v12, v9  }
0x1bf: {  	v20 =	vadd.f32 v20, v18;
	s21 =	sor.u32 s10, s0;
	s3 =	sadd.s32 $0x11500, s18;
	[tilespmem:s16+$0x0] =	vst v23  }
0x1c0: {  	[tilespmem:s21+$0x0] =	vst v12;
	s11 =	sor.u32 s17, s3  }
0x1c1: {  	v1 =	vshll.u32 v1, $0x4;
	v3 =	vld [tilespmem:s7+$0x10080];
	v4 =	vadd.f32 v21, v21;
	[tilespmem:s11+$0x0] =	vst v20  }
0x1c2: {  	v1 =	vor.u32 v0, v1;
	v19 =	vld.idx.msk [tilespmem:v15+s14+$0x0], $0xffff;
	v24 =	vshll.u32 v22, $0x10;
	s21 =	sld [smem:$0x7F3]  }
0x1c3: {  	v20 =	vand.u32 $0xFFFF0000, v22;
	v22 =	vadd.f32 v24, v4  }
0x1c4: {  	v20 =	vadd.f32 v20, v4  }
0x1c5: {  	[tilespmem:s5+$0x11080] =	vst v22;
	s22 =	sor.u32 s21, s3  }
0x1c6: {  	v2 =	vld [tilespmem:s6+$0x10080];
	v3 =	vadd.f32 v3, v3;
	[tilespmem:s22+$0x0] =	vst v20  }
0x1c7: {  	v21 =	vld.idx.msk [tilespmem:v1+s14+$0x0], $0xffff;
	v23 =	vshll.u32 v19, $0x10;
	s22 =	sld [smem:$0x7F4]  }
0x1c8: {  	v12 =	vand.u32 $0xFFFF0000, v19;
	v19 =	vadd.f32 v23, v3  }
0x1c9: {  	v12 =	vadd.f32 v12, v3;
	v10 =	vld.idx.msk [tilespmem:v10+s19+$0x0], $0xffff  }
0x1ca: {  	v24 =	vld.idx.msk [tilespmem:v17+s31+$0x0], $0xffff;
	[tilespmem:s7+$0x11080] =	vst v19;
	s24 =	sor.u32 s22, s3  }
0x1cb: {  	v14 =	vand.u32 $0xFFFF0000, v14;
	v2 =	vadd.f32 v2, v2;
	[tilespmem:s24+$0x0] =	vst v12  }
0x1cc: {  	v22 =	vshll.u32 v21, $0x10;
	v20 =	vand.u32 $0xFFFF0000, v21;
	v12 =	vadd.f32 v14, v6;
	s16 =	sld [smem:$0x7F2]  }
0x1cd: {  	s8 =	sor.u32 s12, s2;
	v21 =	vadd.f32 v22, v2;
	v19 =	vadd.f32 v20, v2;
	v20 =	vld.idx.msk [tilespmem:v16+s31+$0x0], $0xffff  }
0x1ce: {  	[tilespmem:s8+$0x0] =	vst v12;
	v12 =	vshll.u32 v10, $0x10  }
0x1cf: {  	v14 =	vshll.u32 v24, $0x10;
	[tilespmem:s6+$0x11080] =	vst v21;
	v21 =	vld.idx.msk [tilespmem:v15+s31+$0x0], $0xffff;
	s6 =	sadd.s32 $0x14900, s9;
	v12 =	vadd.f32 v12, v9;
	s3 =	sor.u32 s16, s3  }
0x1d0: {  	v14 =	vadd.f32 v14, v18;
	s8 =	sor.u32 s10, s6;
	[tilespmem:s3+$0x0] =	vst v19;
	s3 =	sadd.s32 $0x11900, s18;
	v19 =	vand.u32 $0xFFFF0000, v24  }
0x1d1: {  	s7 =	sadd.s32 $0x11D00, s18;
	v10 =	vand.u32 $0xFFFF0000, v10;
	[tilespmem:s8+$0x0] =	vst v12;
	s11 =	sor.u32 s17, s3;
	v19 =	vadd.f32 v19, v18;
	v22 =	vld.idx.msk [tilespmem:v1+s31+$0x0], $0xffff  }
0x1d2: {  	s24 =	sor.u32 s17, s7;
	s9 =	sadd.s32 $0x14D00, s9;
	v9 =	vadd.f32 v10, v9;
	[tilespmem:s11+$0x0] =	vst v14;
	v14 =	vshll.u32 v20, $0x10  }
0x1d3: {  	v10 =	vld.idx.msk [tilespmem:v13+s28+$0x0], $0xffff;
	s11 =	sor.u32 s10, s9;
	[tilespmem:s24+$0x0] =	vst v19;
	v19 =	vand.u32 $0xFFFF0000, v20;
	v14 =	vadd.f32 v14, v4  }
0x1d4: {  	s24 =	sor.u32 s21, s3;
	v20 =	vshll.u32 v21, $0x10;
	[tilespmem:s11+$0x0] =	vst v9;
	v12 =	vadd.f32 v19, v4;
	v19 =	vld.idx.msk [tilespmem:v17+s23+$0x0], $0xffff  }
0x1d5: {  	s10 =	sor.u32 s21, s7;
	v9 =	vand.u32 $0xFFFF0000, v21;
	[tilespmem:s24+$0x0] =	vst v14;
	v14 =	vadd.f32 v20, v3  }
0x1d6: {  	s11 =	sor.u32 s22, s3;
	v9 =	vadd.f32 v9, v3;
	v20 =	vshll.u32 v22, $0x10;
	[tilespmem:s10+$0x0] =	vst v12  }
0x1d7: {  	s24 =	sor.u32 s22, s7;
	v12 =	vld.idx.msk [tilespmem:v7+s25+$0x0], $0xffff;
	v21 =	vand.u32 $0xFFFF0000, v22;
	v20 =	vadd.f32 v20, v2;
	[tilespmem:s11+$0x0] =	vst v14  }
0x1d8: {  	s3 =	sor.u32 s16, s3;
	v14 =	vshll.u32 v10, $0x10;
	v21 =	vadd.f32 v21, v2;
	v22 =	vld.idx.msk [tilespmem:v16+s23+$0x0], $0xffff;
	[tilespmem:s24+$0x0] =	vst v9  }
0x1d9: {  	s10 =	sor.u32 s16, s7;
	v9 =	vadd.f32 v14, v11;
	[tilespmem:s3+$0x0] =	vst v20;
	v14 =	vshll.u32 v19, $0x10  }
0x1da: {  	s11 =	sor.u32 s15, s4;
	s4 =	sadd.s32 $0x12100, s18;
	v10 =	vand.u32 $0xFFFF0000, v10;
	v20 =	vld.idx.msk [tilespmem:v15+s23+$0x0], $0xffff;
	[tilespmem:s10+$0x0] =	vst v21;
	v14 =	vadd.f32 v14, v18  }
0x1db: {  	s24 =	sor.u32 s17, s4;
	v19 =	vand.u32 $0xFFFF0000, v19;
	[tilespmem:s11+$0x0] =	vst v9;
	v9 =	vadd.f32 v10, v11  }
0x1dc: {  	s2 =	sor.u32 s15, s2;
	s5 =	sadd.s32 $0x12500, s18;
	v19 =	vadd.f32 v19, v18;
	v10 =	vshll.u32 v12, $0x10;
	v21 =	vld.idx.msk [tilespmem:v1+s23+$0x0], $0xffff;
	[tilespmem:s24+$0x0] =	vst v14  }
0x1dd: {  	s7 =	sor.u32 s17, s5;
	v10 =	vadd.f32 v10, v8;
	v14 =	vshll.u32 v22, $0x10;
	[tilespmem:s2+$0x0] =	vst v9  }
0x1de: {  	s8 =	sor.u32 s13, s1;
	[tilespmem:s7+$0x0] =	vst v19;
	v19 =	vand.u32 $0xFFFF0000, v22;
	v14 =	vadd.f32 v14, v4  }
0x1df: {  	s10 =	sor.u32 s21, s4;
	v9 =	vadd.f32 v19, v4;
	v19 =	vld.idx.msk [tilespmem:v17+s26+$0x0], $0xffff;
	v22 =	vshll.u32 v20, $0x10;
	[tilespmem:s8+$0x0] =	vst v10  }
0x1e0: {  	s11 =	sor.u32 s21, s5;
	v10 =	vand.u32 $0xFFFF0000, v20;
	[tilespmem:s10+$0x0] =	vst v14;
	v14 =	vadd.f32 v22, v3  }
0x1e1: {  	s24 =	sor.u32 s22, s4;
	v20 =	vld.idx.msk [tilespmem:v5+s25+$0x0], $0xffff;
	v10 =	vadd.f32 v10, v3;
	v22 =	vshll.u32 v21, $0x10;
	[tilespmem:s11+$0x0] =	vst v9  }
0x1e2: {  	s7 =	sor.u32 s22, s5;
	v9 =	vand.u32 $0xFFFF0000, v21;
	v21 =	vadd.f32 v22, v2;
	[tilespmem:s24+$0x0] =	vst v14  }
0x1e3: {  	v12 =	vand.u32 $0xFFFF0000, v12;
	s8 =	sor.u32 s16, s4;
	v9 =	vadd.f32 v9, v2;
	v14 =	vld.idx.msk [tilespmem:v16+s26+$0x0], $0xffff;
	[tilespmem:s7+$0x0] =	vst v10  }
0x1e4: {  	s10 =	sor.u32 s16, s5;
	v10 =	vadd.f32 v12, v8;
	[tilespmem:s8+$0x0] =	vst v21;
	v12 =	vshll.u32 v19, $0x10  }
0x1e5: {  	s3 =	sadd.s32 $0x12900, s18;
	s11 =	sor.u32 s13, s0;
	v21 =	vld.idx.msk [tilespmem:v15+s26+$0x0], $0xffff;
	[tilespmem:s10+$0x0] =	vst v9;
	v9 =	vand.u32 $0xFFFF0000, v19;
	v12 =	vadd.f32 v12, v18  }
0x1e6: {  	s4 =	sadd.s32 $0x12D00, s18;
	s24 =	sor.u32 s17, s3;
	v19 =	vshll.u32 v20, $0x10;
	[tilespmem:s11+$0x0] =	vst v10;
	v9 =	vadd.f32 v9, v18  }
0x1e7: {  	s5 =	sor.u32 s17, s4;
	v10 =	vand.u32 $0xFFFF0000, v20;
	v19 =	vadd.f32 v19, v6;
	v20 =	vld.idx.msk [tilespmem:v1+s26+$0x0], $0xffff;
	[tilespmem:s24+$0x0] =	vst v12  }
0x1e8: {  	s7 =	sor.u32 s12, s1;
	v10 =	vadd.f32 v10, v6;
	v12 =	vshll.u32 v14, $0x10;
	[tilespmem:s5+$0x0] =	vst v9  }
0x1e9: {  	s8 =	sor.u32 s12, s0;
	v14 =	vand.u32 $0xFFFF0000, v14;
	v9 =	vld.idx.msk [tilespmem:v13+s25+$0x0], $0xffff;
	v12 =	vadd.f32 v12, v4;
	[tilespmem:s7+$0x0] =	vst v19  }
0x1ea: {  	s10 =	sor.u32 s21, s3;
	v14 =	vadd.f32 v14, v4;
	v19 =	vld.idx.msk [tilespmem:v17+s20+$0x0], $0xffff;
	v22 =	vshll.u32 v21, $0x10;
	[tilespmem:s8+$0x0] =	vst v10  }
0x1eb: {  	p0 =	por !p0, !p0;
	s11 =	sor.u32 s21, s4;
	s5 =	simm.s32 $0x1;
	v10 =	vand.u32 $0xFFFF0000, v21;
	[tilespmem:s10+$0x0] =	vst v12;
	v12 =	vadd.f32 v22, v3  }
0x1ec: {  	s24 =	sor.u32 s22, s3;
	s5 =	simm.s32 @!p0 $0x0;
	v10 =	vadd.f32 v10, v3;
	v21 =	vshll.u32 v20, $0x10;
	[tilespmem:s11+$0x0] =	vst v14  }
0x1ed: {  	v7 =	vld.idx.msk [tilespmem:v7+s19+$0x0], $0xffff;
	s8 =	sor.u32 s22, s4;
	s5 =	sshll.u32 s5, $0x6;
	v14 =	vand.u32 $0xFFFF0000, v20;
	v20 =	vadd.f32 v21, v2;
	[tilespmem:s24+$0x0] =	vst v12  }
0x1ee: {  	s3 =	sor.u32 s16, s3;
	s2 =	sadd.s32 $0x100, s5;
	v14 =	vadd.f32 v14, v2;
	v21 =	vld.idx.msk [tilespmem:v16+s20+$0x0], $0xffff;
	v12 =	vshll.u32 v9, $0x10;
	[tilespmem:s8+$0x0] =	vst v10  }
0x1ef: {  	s4 =	sor.u32 s16, s4;
	s10 =	sadd.s32 $0x30, s2;
	v10 =	vadd.f32 v12, v11;
	[tilespmem:s3+$0x0] =	vst v20;
	v12 =	vshll.u32 v19, $0x10  }
0x1f0: {  	s11 =	sor.u32 s15, s1;
	s1 =	sor.u32 $0x80, s10;
	v9 =	vand.u32 $0xFFFF0000, v9;
	v20 =	vld.idx.msk [tilespmem:v15+s20+$0x0], $0xffff;
	[tilespmem:s4+$0x0] =	vst v14;
	s4 =	sadd.s32 $0x13100, s18;
	v12 =	vadd.f32 v12, v18  }
0x1f1: {  	v9 =	vadd.f32 v9, v11;
	v14 =	vand.u32 $0xFFFF0000, v19;
	s24 =	sor.u32 s17, s4;
	[tilespmem:s11+$0x0] =	vst v10;
	v10 =	vld [tilespmem:s1+$0x10880]  }
0x1f2: {  	s0 =	sor.u32 s15, s0;
	s8 =	sadd.s32 $0x10, s2;
	s3 =	sadd.s32 $0x13500, s18;
	v19 =	vshll.u32 v7, $0x10;
	v14 =	vadd.f32 v14, v18;
	v22 =	vld.idx.msk [tilespmem:v1+s20+$0x0], $0xffff;
	[tilespmem:s24+$0x0] =	vst v12  }
0x1f3: {  	s8 =	sor.u32 $0x80, s8;
	s7 =	sor.u32 s17, s3;
	v12 =	vadd.f32 v19, v8;
	v19 =	vshll.u32 v21, $0x10;
	[tilespmem:s0+$0x0] =	vst v9  }
0x1f4: {  	s10 =	sor.u32 s13, s6;
	v9 =	vld [tilespmem:s8+$0x10880];
	[tilespmem:s7+$0x0] =	vst v14;
	v14 =	vand.u32 $0xFFFF0000, v21;
	v19 =	vadd.f32 v19, v4  }
0x1f5: {  	s11 =	sadd.s32 $0x20, s2;
	s24 =	sor.u32 s21, s4;
	v21 =	vld.idx.msk [tilespmem:v17+s28+$0x0], $0xffff;
	v14 =	vadd.f32 v14, v4;
	v23 =	vshll.u32 v20, $0x10;
	[tilespmem:s10+$0x0] =	vst v12  }
0x1f6: {  	s5 =	sor.u32 s21, s3;
	s11 =	sor.u32 $0x80, s11;
	v12 =	vld.idx.msk [tilespmem:v5+s19+$0x0], $0xffff;
	v5 =	vand.u32 $0xFFFF0000, v20;
	[tilespmem:s24+$0x0] =	vst v19;
	v19 =	vadd.f32 v23, v3;
	v10 =	vshll.u32 v10, $0x4  }
0x1f7: {  	s10 =	sor.u32 $0x80, s2;
	v20 =	vld [tilespmem:s11+$0x10880];
	s24 =	sor.u32 s22, s4;
	v23 =	vadd.f32 v5, v3;
	v24 =	vshll.u32 v22, $0x10;
	[tilespmem:s5+$0x0] =	vst v14;
	v5 =	vor.u32 v0, v10  }
0x1f8: {  	s5 =	sor.u32 s22, s3;
	v14 =	vand.u32 $0xFFFF0000, v22;
	v10 =	vld [tilespmem:s10+$0x10880];
	v22 =	vadd.f32 v24, v2;
	[tilespmem:s24+$0x0] =	vst v19  }
0x1f9: {  	s7 =	sor.u32 s16, s4;
	v14 =	vadd.f32 v14, v2;
	v19 =	vld.idx.msk [tilespmem:v16+s28+$0x0], $0xffff;
	v9 =	vshll.u32 v9, $0x4;
	v24 =	vand.u32 $0xFFFF0000, v7;
	[tilespmem:s5+$0x0] =	vst v23  }
0x1fa: {  	s24 =	sor.u32 s16, s3;
	v7 =	vor.u32 v0, v9;
	v9 =	vld [tilespmem:s1+$0x10080];
	v8 =	vadd.f32 v24, v8;
	v23 =	vshll.u32 v21, $0x10;
	[tilespmem:s7+$0x0] =	vst v22  }
0x1fb: {  	s7 =	sadd.s32 $0x13900, s18;
	v22 =	vld.idx.msk [tilespmem:v15+s28+$0x0], $0xffff;
	v21 =	vand.u32 $0xFFFF0000, v21;
	v23 =	vadd.f32 v23, v18;
	[tilespmem:s24+$0x0] =	vst v14;
	s24 =	sor.u32 s13, s9  }
0x1fc: {  	s5 =	sadd.s32 $0x13D00, s18;
	s3 =	sor.u32 s17, s7;
	v21 =	vadd.f32 v21, v18;
	v14 =	vshll.u32 v12, $0x10;
	v12 =	vand.u32 $0xFFFF0000, v12;
	[tilespmem:s24+$0x0] =	vst v8;
	v24 =	vld.idx.msk [tilespmem:v5+s14+$0x0], $0xffff  }
0x1fd: {  	v20 =	vshll.u32 v20, $0x4;
	s4 =	sor.u32 s17, s5;
	v12 =	vadd.f32 v12, v6;
	[tilespmem:s3+$0x0] =	vst v23;
	v23 =	vadd.f32 v14, v6  }
0x1fe: {  	v14 =	vor.u32 v0, v20;
	s3 =	sor.u32 s12, s6;
	v6 =	vshll.u32 v10, $0x4;
	v8 =	vshll.u32 v19, $0x10;
	[tilespmem:s4+$0x0] =	vst v21  }
0x1ff: {  	v19 =	vand.u32 $0xFFFF0000, v19;
	s4 =	sor.u32 s12, s9;
	v6 =	vor.u32 v0, v6;
	v21 =	vadd.f32 v8, v4;
	[tilespmem:s3+$0x0] =	vst v23  }
0x200: {  	v20 =	vld [tilespmem:s8+$0x10080];
	s12 =	sor.u32 s21, s7;
	v8 =	vadd.f32 v9, v9;
	v9 =	vadd.f32 v19, v4;
	[tilespmem:s4+$0x0] =	vst v12;
	v12 =	vshll.u32 v22, $0x10  }
0x201: {  	s13 =	sor.u32 s21, s5;
	v19 =	vld [tilespmem:s11+$0x10080];
	[tilespmem:s12+$0x0] =	vst v21;
	v12 =	vadd.f32 v12, v3;
	v25 =	vshll.u32 v24, $0x10  }
0x202: {  	s24 =	sor.u32 s22, s7;
	v10 =	vld.idx.msk [tilespmem:v17+s25+$0x0], $0xffff;
	[tilespmem:s13+$0x0] =	vst v9;
	v25 =	vadd.f32 v25, v8  }
0x203: {  	v23 =	vld.idx.msk [tilespmem:v7+s14+$0x0], $0xffff;
	[tilespmem:s24+$0x0] =	vst v12  }
0x204: {  	v21 =	vld.idx.msk [tilespmem:v14+s14+$0x0], $0xffff;
	[tilespmem:s1+$0x11080] =	vst v25  }
0x205: {  	s4 =	simm.s32 $0x100;
	v12 =	vadd.f32 v20, v20;
	v20 =	vld.idx.msk [tilespmem:v6+s14+$0x0], $0xffff;
	s14 =	sld [smem:$0x7F5]  }
0x206: {  	s2 =	sand.u32 $0x300, s4;
	v24 =	vand.u32 $0xFFFF0000, v24  }
0x207: {  	s3 =	sadd.s32 $0x11500, s2;
	v24 =	vadd.f32 v24, v8;
	v26 =	vshll.u32 v10, $0x10  }
0x208: {  	s0 =	sadd.s32 $0x14100, s18;
	v10 =	vand.u32 $0xFFFF0000, v10;
	v25 =	vadd.f32 v26, v18;
	s12 =	sor.u32 s14, s3  }
0x209: {  	s13 =	sor.u32 s17, s0;
	v26 =	vshll.u32 v23, $0x10;
	s1 =	sadd.s32 $0x14500, s18;
	[tilespmem:s12+$0x0] =	vst v24;
	v24 =	vadd.f32 v10, v18  }
0x20a: {  	s24 =	sor.u32 s17, s1;
	[tilespmem:s13+$0x0] =	vst v25;
	v10 =	vadd.f32 v19, v19;
	v19 =	vand.u32 $0xFFFF0000, v23;
	v23 =	vadd.f32 v26, v12  }
0x20b: {  	[tilespmem:s24+$0x0] =	vst v24  }
0x20c: {  	[tilespmem:s8+$0x11080] =	vst v23  }
0x20d: {  	s24 =	sld [smem:$0x7F7];
	_ =	sdelay $0x1  }
0x20e: {  	v19 =	vadd.f32 v19, v12  }
0x20f: {  	s12 =	sor.u32 s24, s3  }
0x210: {  	v9 =	vld [tilespmem:s10+$0x10080];
	[tilespmem:s12+$0x0] =	vst v19  }
0x211: {  	v24 =	vshll.u32 v21, $0x10;
	s30 =	sld [smem:$0x7F8]  }
0x212: {  	v21 =	vand.u32 $0xFFFF0000, v21;
	v23 =	vadd.f32 v24, v10  }
0x213: {  	v21 =	vadd.f32 v21, v10  }
0x214: {  	v25 =	vld.idx.msk [tilespmem:v5+s31+$0x0], $0xffff;
	[tilespmem:s11+$0x11080] =	vst v23;
	s13 =	sor.u32 s30, s3  }
0x215: {  	v9 =	vadd.f32 v9, v9;
	[tilespmem:s13+$0x0] =	vst v21  }
0x216: {  	v24 =	vshll.u32 v20, $0x10;
	v17 =	vld.idx.msk [tilespmem:v17+s19+$0x0], $0xffff;
	s29 =	sld [smem:$0x7F6]  }
0x217: {  	v19 =	vand.u32 $0xFFFF0000, v20;
	v20 =	vadd.f32 v24, v9  }
0x218: {  	v22 =	vand.u32 $0xFFFF0000, v22;
	v19 =	vadd.f32 v19, v9;
	v23 =	vld.idx.msk [tilespmem:v7+s31+$0x0], $0xffff  }
0x219: {  	v21 =	vadd.f32 v22, v3;
	[tilespmem:s10+$0x11080] =	vst v20;
	v20 =	vshll.u32 v25, $0x10;
	s3 =	sor.u32 s29, s3  }
0x21a: {  	s11 =	sor.u32 s22, s5;
	v22 =	vld.idx.msk [tilespmem:v14+s31+$0x0], $0xffff;
	v20 =	vadd.f32 v20, v8;
	[tilespmem:s3+$0x0] =	vst v19;
	s3 =	sadd.s32 $0x11900, s2;
	v19 =	vand.u32 $0xFFFF0000, v25  }
0x21b: {  	s10 =	sadd.s32 $0x11D00, s2;
	[tilespmem:s11+$0x0] =	vst v21;
	v21 =	vshll.u32 v17, $0x10;
	s12 =	sor.u32 s14, s3;
	v19 =	vadd.f32 v19, v8  }
0x21c: {  	s8 =	sadd.s32 $0x14900, s18;
	s13 =	sor.u32 s14, s10;
	v17 =	vand.u32 $0xFFFF0000, v17;
	v24 =	vld.idx.msk [tilespmem:v6+s31+$0x0], $0xffff;
	[tilespmem:s12+$0x0] =	vst v20;
	v20 =	vadd.f32 v21, v18  }
0x21d: {  	s11 =	sadd.s32 $0x14D00, s18;
	s18 =	sor.u32 s17, s8;
	v17 =	vadd.f32 v17, v18;
	v21 =	vshll.u32 v23, $0x10;
	[tilespmem:s13+$0x0] =	vst v19  }
0x21e: {  	v18 =	vld.idx.msk [tilespmem:v1+s28+$0x0], $0xffff;
	v19 =	vand.u32 $0xFFFF0000, v23;
	v21 =	vadd.f32 v21, v12;
	s13 =	sor.u32 s17, s11;
	[tilespmem:s18+$0x0] =	vst v20  }
0x21f: {  	s17 =	sor.u32 s24, s3;
	v23 =	vshll.u32 v22, $0x10;
	v19 =	vadd.f32 v19, v12;
	v20 =	vld.idx.msk [tilespmem:v5+s23+$0x0], $0xffff;
	[tilespmem:s13+$0x0] =	vst v17  }
0x220: {  	s18 =	sor.u32 s24, s10;
	v17 =	vand.u32 $0xFFFF0000, v22;
	[tilespmem:s17+$0x0] =	vst v21;
	v21 =	vadd.f32 v23, v10  }
0x221: {  	s28 =	sor.u32 s30, s3;
	v17 =	vadd.f32 v17, v10;
	v22 =	vshll.u32 v24, $0x10;
	[tilespmem:s18+$0x0] =	vst v19  }
0x222: {  	s17 =	sor.u32 s30, s10;
	v19 =	vld.idx.msk [tilespmem:v16+s25+$0x0], $0xffff;
	v23 =	vand.u32 $0xFFFF0000, v24;
	v22 =	vadd.f32 v22, v9;
	[tilespmem:s28+$0x0] =	vst v21  }
0x223: {  	s3 =	sor.u32 s29, s3;
	v21 =	vshll.u32 v18, $0x10;
	v23 =	vadd.f32 v23, v9;
	v24 =	vld.idx.msk [tilespmem:v7+s23+$0x0], $0xffff;
	[tilespmem:s17+$0x0] =	vst v17  }
0x224: {  	s10 =	sor.u32 s29, s10;
	v17 =	vadd.f32 v21, v2;
	[tilespmem:s3+$0x0] =	vst v22;
	v21 =	vshll.u32 v20, $0x10  }
0x225: {  	s18 =	sor.u32 s16, s7;
	s7 =	sadd.s32 $0x12100, s2;
	v22 =	vld.idx.msk [tilespmem:v14+s23+$0x0], $0xffff;
	v20 =	vand.u32 $0xFFFF0000, v20;
	[tilespmem:s10+$0x0] =	vst v23;
	v21 =	vadd.f32 v21, v8  }
0x226: {  	v18 =	vand.u32 $0xFFFF0000, v18;
	s28 =	sor.u32 s14, s7;
	s10 =	sadd.s32 $0x12500, s2;
	v20 =	vadd.f32 v20, v8;
	[tilespmem:s18+$0x0] =	vst v17  }
0x227: {  	v17 =	vadd.f32 v18, v2;
	v18 =	vshll.u32 v19, $0x10;
	v23 =	vld.idx.msk [tilespmem:v6+s23+$0x0], $0xffff;
	s13 =	sor.u32 s14, s10;
	[tilespmem:s28+$0x0] =	vst v21  }
0x228: {  	v13 =	vld.idx.msk [tilespmem:v13+s19+$0x0], $0xffff;
	s5 =	sor.u32 s16, s5;
	v18 =	vadd.f32 v18, v4;
	v21 =	vshll.u32 v24, $0x10;
	[tilespmem:s13+$0x0] =	vst v20;
	v20 =	vand.u32 $0xFFFF0000, v24  }
0x229: {  	s17 =	sor.u32 s21, s0;
	[tilespmem:s5+$0x0] =	vst v17;
	v21 =	vadd.f32 v21, v12;
	v17 =	vadd.f32 v20, v12;
	v20 =	vld.idx.msk [tilespmem:v5+s26+$0x0], $0xffff  }
0x22a: {  	s18 =	sor.u32 s24, s7;
	v24 =	vshll.u32 v22, $0x10;
	[tilespmem:s17+$0x0] =	vst v18;
	v18 =	vand.u32 $0xFFFF0000, v22;
	v22 =	vld.idx.msk [tilespmem:v15+s25+$0x0], $0xffff  }
0x22b: {  	s23 =	sor.u32 s24, s10;
	[tilespmem:s18+$0x0] =	vst v21;
	v21 =	vadd.f32 v24, v10  }
0x22c: {  	v19 =	vand.u32 $0xFFFF0000, v19;
	s28 =	sor.u32 s30, s7;
	v18 =	vadd.f32 v18, v10;
	v24 =	vshll.u32 v23, $0x10;
	[tilespmem:s23+$0x0] =	vst v17  }
0x22d: {  	p0 =	por !p0, !p0;
	s12 =	sor.u32 s30, s10;
	v19 =	vadd.f32 v19, v4;
	v25 =	vld.idx.msk [tilespmem:v1+s25+$0x0], $0xffff;
	v17 =	vand.u32 $0xFFFF0000, v23;
	v23 =	vadd.f32 v24, v9;
	[tilespmem:s28+$0x0] =	vst v21  }
0x22e: {  	s31 =	simm.s32 $0x80;
	s3 =	sadd.s32 $0x12900, s2;
	s13 =	sor.u32 s29, s7;
	v17 =	vadd.f32 v17, v9;
	v21 =	vld.idx.msk [tilespmem:v7+s26+$0x0], $0xffff;
	v24 =	vand.u32 $0xFFFF0000, v13;
	[tilespmem:s12+$0x0] =	vst v18;
	v18 =	vshll.u32 v13, $0x10  }
0x22f: {  	s5 =	sor.u32 s16, s0;
	s0 =	sor.u32 s22, s0;
	s17 =	sor.u32 s29, s10;
	[tilespmem:s13+$0x0] =	vst v23;
	v23 =	vshll.u32 v20, $0x10;
	v26 =	vld.idx.msk [tilespmem:v14+s26+$0x0], $0xffff;
	v13 =	vadd.f32 v18, v11;
	v18 =	vshll.u32 v22, $0x10  }
0x230: {  	s7 =	sor.u32 s15, s6;
	s6 =	smov.u32 s14;
	s18 =	sor.u32 s21, s1;
	[tilespmem:s17+$0x0] =	vst v17;
	v17 =	vand.u32 $0xFFFF0000, v20;
	v20 =	vadd.f32 v23, v8;
	v18 =	vadd.f32 v18, v3  }
0x231: {  	s10 =	simm.s32 $0x8;
	s25 =	sor.u32 s14, s3;
	s23 =	sor.u32 s15, s9;
	[tilespmem:s18+$0x0] =	vst v19;
	v23 =	vadd.f32 v17, v8;
	v17 =	vadd.f32 v24, v11;
	v11 =	vand.u32 $0xFFFF0000, v22  }
0x232: {  	s15 =	sor.u32 s16, s1;
	s1 =	sor.u32 s22, s1;
	s9 =	sor.u32 s16, s8;
	v19 =	vshll.u32 v25, $0x10;
	v27 =	vld.idx.msk [tilespmem:v6+s26+$0x0], $0xffff;
	[tilespmem:s25+$0x0] =	vst v20;
	v11 =	vadd.f32 v11, v3  }
0x233: {  	s18 =	sor.u32 s30, s3;
	s12 =	sor.u32 s29, s3;
	s13 =	sadd.s32 $0x12D00, s2;
	v19 =	vadd.f32 v19, v2;
	v20 =	vshll.u32 v21, $0x10;
	[tilespmem:s0+$0x0] =	vst v18  }
0x234: {  	s28 =	sor.u32 s14, s13;
	s17 =	sor.u32 s21, s8;
	s14 =	sor.u32 s22, s8;
	v21 =	vand.u32 $0xFFFF0000, v21;
	v20 =	vadd.f32 v20, v12;
	[tilespmem:s1+$0x0] =	vst v11;
	v11 =	vand.u32 $0xFFFF0000, v26  }
0x235: {  	s26 =	sor.u32 s16, s11;
	s16 =	sor.u32 s21, s11;
	v22 =	vand.u32 $0xFFFF0000, v25;
	s25 =	sor.u32 s24, s3;
	v18 =	vld.idx.msk [tilespmem:v16+s19+$0x0], $0xffff;
	[tilespmem:s28+$0x0] =	vst v23;
	v21 =	vadd.f32 v21, v12;
	v23 =	vshll.u32 v26, $0x10  }
0x236: {  	s11 =	sor.u32 s22, s11;
	s22 =	simm.s32 $0xA050;
	v16 =	vadd.f32 v22, v2;
	s28 =	sor.u32 s24, s13;
	[tilespmem:s25+$0x0] =	vst v20;
	v20 =	vld.idx.msk [tilespmem:v5+s20+$0x0], $0xffff;
	v22 =	vadd.f32 v23, v10  }
0x237: {  	s0 =	sor.u32 s29, s13;
	s13 =	sor.u32 s30, s13;
	v15 =	vld.idx.msk [tilespmem:v15+s19+$0x0], $0xffff;
	s25 =	simm.s32 $0xC060;
	[tilespmem:s28+$0x0] =	vst v21;
	v21 =	vadd.f32 v11, v10;
	v24 =	vshll.u32 v27, $0x10;
	v23 =	vand.u32 $0xFFFF0000, v27;
	v11 =	vmovc v14  }
.LBB2_5:
0x238: {  	s3 =	simm.s32 $0x1  }
0x239: {  	v24 =	vadd.f32 v24, v9;
	s3 =	simm.s32 @!p0 $0x0;
	[tilespmem:s18+$0x0] =	vst v22  }
0x23a: {  	v23 =	vadd.f32 v23, v9;
	v25 =	vld.idx.msk [tilespmem:v7+s20+$0x0], $0xffff;
	s4 =	sadd.s32 $0x80, s4;
	s3 =	sshll.u32 s3, $0x6;
	[tilespmem:s13+$0x0] =	vst v21  }
0x23b: {  	v22 =	vshll.u32 v18, $0x10;
	v18 =	vand.u32 $0xFFFF0000, v18;
	[tilespmem:s12+$0x0] =	vst v24;
	s3 =	sadd.s32 s3, s4  }
0x23c: {  	s18 =	sadd.s32 $0x13500, s2;
	v21 =	vadd.f32 v22, v4;
	v18 =	vadd.f32 v18, v4;
	v14 =	vld.idx.msk [tilespmem:v14+s20+$0x0], $0xffff;
	[tilespmem:s0+$0x0] =	vst v23;
	v22 =	vshll.u32 v20, $0x10;
	s19 =	sadd.s32 $0x30, s3  }
0x23d: {  	v4 =	vmov v12;
	s0 =	sadd.s32 $0x13100, s2;
	s8 =	sadd.s32 $0x10, s3;
	v12 =	vand.u32 $0xFFFF0000, v20;
	v20 =	vadd.f32 v22, v8;
	s13 =	sor.u32 $0x80, s19;
	v22 =	vld.idx.msk [tilespmem:v6+s20+$0x0], $0xffff;
	[tilespmem:s5+$0x0] =	vst v19  }
0x23e: {  	s21 =	sadd.s32 $0x20, s3;
	s20 =	sor.u32 s6, s0;
	v12 =	vadd.f32 v12, v8;
	v19 =	vshll.u32 v15, $0x10;
	v15 =	vand.u32 $0xFFFF0000, v15;
	s8 =	sor.u32 $0x80, s8;
	v23 =	vld [tilespmem:s13+$0x10880];
	[tilespmem:s15+$0x0] =	vst v16  }
0x23f: {  	s19 =	sor.u32 s6, s18;
	s12 =	sor.u32 $0x80, s21;
	v19 =	vadd.f32 v19, v3;
	[tilespmem:s20+$0x0] =	vst v20;
	v20 =	vadd.f32 v15, v3;
	v3 =	vmovc v10;
	v10 =	vld [tilespmem:s8+$0x10880];
	v15 =	vshll.u32 v25, $0x10  }
0x240: {  	v24 =	vand.u32 $0xFFFF0000, v25;
	s20 =	sor.u32 $0x80, s3;
	v25 =	vld [tilespmem:s12+$0x10880];
	[tilespmem:s19+$0x0] =	vst v12;
	v12 =	vadd.f32 v15, v4  }
0x241: {  	s1 =	sor.u32 s24, s0;
	[tilespmem:s17+$0x0] =	vst v21;
	v15 =	vadd.f32 v24, v4;
	v16 =	vshll.u32 v14, $0x10;
	v21 =	vld [tilespmem:s20+$0x10880]  }
0x242: {  	s21 =	sor.u32 s24, s18;
	v14 =	vand.u32 $0xFFFF0000, v14;
	v24 =	vld.idx.msk [tilespmem:v5+s22+$0x0], $0xffff;
	[tilespmem:s1+$0x0] =	vst v12;
	v12 =	vadd.f32 v16, v3  }
0x243: {  	s3 =	sor.u32 s29, s0;
	s0 =	sor.u32 s30, s0;
	v14 =	vadd.f32 v14, v3;
	v26 =	vld [tilespmem:s8+$0x10080];
	[tilespmem:s21+$0x0] =	vst v15  }
0x244: {  	s5 =	sor.u32 s29, s18;
	s18 =	sor.u32 s30, s18;
	v27 =	vld [tilespmem:s12+$0x10080];
	v16 =	vshll.u32 v23, $0x4;
	v23 =	vshll.u32 v22, $0x10;
	v22 =	vand.u32 $0xFFFF0000, v22;
	[tilespmem:s0+$0x0] =	vst v12  }
0x245: {  	v10 =	vshll.u32 v10, $0x4;
	v16 =	vor.u32 v0, v16;
	v23 =	vadd.f32 v23, v9;
	[tilespmem:s18+$0x0] =	vst v14  }
0x246: {  	v15 =	vor.u32 v0, v10;
	v10 =	vadd.f32 v22, v9;
	v22 =	vld.idx.msk [tilespmem:v7+s22+$0x0], $0xffff;
	[tilespmem:s16+$0x0] =	vst v18  }
0x247: {  	v28 =	vld [tilespmem:s20+$0x10080];
	[tilespmem:s3+$0x0] =	vst v23  }
0x248: {  	v12 =	vshll.u32 v25, $0x4;
	v21 =	vshll.u32 v21, $0x4;
	v14 =	vshll.u32 v24, $0x10;
	v23 =	vld.idx.msk [tilespmem:v11+s22+$0x0], $0xffff;
	[tilespmem:s14+$0x0] =	vst v19  }
0x249: {  	s1 =	simm.s32 $0x0;
	v25 =	vld [tilespmem:s13+$0x10080];
	s3 =	sadd.s32 $0x13900, s2;
	v21 =	vor.u32 v0, v21;
	[tilespmem:s5+$0x0] =	vst v10;
	v10 =	vand.u32 $0xFFFF0000, v24;
	v24 =	vadd.f32 v14, v8  }
0x24a: {  	v14 =	vor.u32 v0, v12;
	s5 =	sadd.s32 $0x13D00, s2;
	s21 =	sor.u32 s6, s3;
	[tilespmem:s11+$0x0] =	vst v20;
	v29 =	vadd.f32 v10, v8;
	v18 =	vld.idx.msk [tilespmem:v16+s1+$0x0], $0xffff  }
0x24b: {  	s19 =	sor.u32 s6, s5;
	v19 =	vld.idx.msk [tilespmem:v6+s22+$0x0], $0xffff;
	[tilespmem:s21+$0x0] =	vst v24  }
0x24c: {  	s31 =	sadd.s32 $0x40, s31;
	s0 =	simm.s32 $0xE070;
	v12 =	vadd.f32 v26, v26;
	v10 =	vadd.f32 v27, v27;
	v26 =	vld.idx.msk [tilespmem:v15+s1+$0x0], $0xffff;
	[tilespmem:s19+$0x0] =	vst v29;
	v54 =	vshll.u32 v22, $0x10  }
0x24d: {  	s18 =	sor.u32 s29, s3;
	s17 =	sor.u32 s29, s5;
	s16 =	sor.u32 s30, s5;
	[tilespmem:s7+$0x0] =	vst v13;
	v24 =	vadd.f32 v28, v28;
	v22 =	vand.u32 $0xFFFF0000, v22;
	v27 =	vld.idx.msk [tilespmem:v5+s25+$0x0], $0xffff;
	v28 =	vadd.f32 v54, v4  }
0x24e: {  	s22 =	smov.u32 s9;
	[dreg:$0x15] =	wrdreg s17;
	s17 =	sor.u32 s24, s3;
	v25 =	vadd.f32 v25, v25;
	v55 =	vshll.u32 v23, $0x10;
	v13 =	vld.idx.msk [tilespmem:v21+s1+$0x0], $0xffff;
	v22 =	vadd.f32 v22, v4;
	[tilespmem:s23+$0x0] =	vst v17  }
0x24f: {  	s21 =	sor.u32 s24, s5;
	s3 =	sor.u32 s30, s3;
	[dreg:$0x17] =	wrdreg s22;
	v20 =	vld.idx.msk [tilespmem:v14+s1+$0x0], $0xffff;
	v56 =	vadd.f32 v55, v3;
	[tilespmem:s17+$0x0] =	vst v28;
	v17 =	vshll.u32 v18, $0x10  }
0x250: {  	s22 =	sand.u32 $0x40, s31;
	s25 =	smov.u32 s26;
	s23 =	sand.u32 $0x300, s4;
	v18 =	vand.u32 $0xFFFF0000, v18;
	[tilespmem:s21+$0x0] =	vst v22;
	v17 =	vadd.f32 v17, v25  }
0x251: {  	v23 =	vand.u32 $0xFFFF0000, v23;
	[dreg:$0xf] =	wrdreg s25;
	v57 =	vld.idx.msk [tilespmem:v1+s0+$0x0], $0xffff;
	s5 =	sadd.s32 $0x11500, s23;
	s25 =	sor.u32 $0x30, s22;
	[tilespmem:s3+$0x0] =	vst v56;
	v30 =	vshll.u32 v26, $0x10;
	v18 =	vadd.f32 v18, v25  }
0x252: {  	v1 =	vmovc v6;
	v6 =	vmovc v21;
	s17 =	simm.s32 $0xC060;
	s14 =	sor.u32 s25, s5;
	v21 =	vand.u32 $0xFFFF0000, v26;
	v26 =	vshll.u32 v27, $0x10;
	v58 =	vadd.f32 v30, v12;
	[tilespmem:s13+$0x11080] =	vst v17  }
0x253: {  	s9 =	sadd.s32 $0x14100, s2;
	v23 =	vadd.f32 v23, v3;
	v22 =	vld.idx.msk [tilespmem:v7+s17+$0x0], $0xffff;
	v17 =	vand.u32 $0xFFFF0000, v27;
	v26 =	vadd.f32 v26, v8;
	[tilespmem:s14+$0x0] =	vst v18  }
0x254: {  	s28 =	simm.s32 $0x2010;
	s15 =	sor.u32 s6, s9;
	s3 =	sadd.s32 $0x14500, s2;
	v21 =	vadd.f32 v21, v12;
	v27 =	vshll.u32 v20, $0x10;
	v17 =	vadd.f32 v17, v8;
	[tilespmem:s8+$0x11080] =	vst v58  }
0x255: {  	s7 =	sor.u32 $0x10, s22;
	s19 =	sor.u32 s6, s3;
	v20 =	vand.u32 $0xFFFF0000, v20;
	v18 =	vshll.u32 v13, $0x10;
	v13 =	vand.u32 $0xFFFF0000, v13;
	v59 =	vld.idx.msk [tilespmem:v16+s28+$0x0], $0xffff;
	[tilespmem:s15+$0x0] =	vst v26  }
0x256: {  	s0 =	simm.s32 $0xE070;
	s14 =	sor.u32 s7, s5;
	v20 =	vadd.f32 v20, v10;
	v26 =	vadd.f32 v27, v10;
	v27 =	vshll.u32 v19, $0x10;
	[tilespmem:s19+$0x0] =	vst v17  }
0x257: {  	s26 =	sor.u32 $0x20, s22;
	[tilespmem:s14+$0x0] =	vst v21;
	v17 =	vadd.f32 v18, v24;
	v18 =	vadd.f32 v13, v24;
	v13 =	vand.u32 $0xFFFF0000, v19;
	v19 =	vld.idx.msk [tilespmem:v5+s0+$0x0], $0xffff  }
0x258: {  	s11 =	sor.u32 s22, s5;
	s1 =	sor.u32 s26, s5;
	v21 =	vadd.f32 v27, v9;
	v27 =	vadd.f32 v13, v9;
	v13 =	vshll.u32 v22, $0x10;
	[tilespmem:s12+$0x11080] =	vst v26  }
0x259: {  	s13 =	sor.u32 s24, s3;
	s5 =	sor.u32 s29, s9;
	s8 =	sor.u32 s30, s3;
	v28 =	vld.idx.msk [tilespmem:v15+s28+$0x0], $0xffff;
	v5 =	vmov v16;
	v16 =	vand.u32 $0xFFFF0000, v22;
	v22 =	vadd.f32 v13, v4;
	[tilespmem:s1+$0x0] =	vst v20  }
0x25a: {  	s15 =	sor.u32 s29, s3;
	s3 =	sadd.s32 $0x11D00, s23;
	s19 =	sor.u32 s30, s9;
	v13 =	vshll.u32 v57, $0x10;
	v20 =	vand.u32 $0xFFFF0000, v57;
	[tilespmem:s20+$0x11080] =	vst v17;
	v60 =	vshll.u32 v59, $0x10  }
0x25b: {  	s0 =	smov.u32 s29;
	s29 =	smov.u32 s30;
	s1 =	sadd.s32 $0x11900, s23;
	v26 =	vld.idx.msk [tilespmem:v14+s28+$0x0], $0xffff;
	v17 =	vadd.f32 v20, v2;
	[tilespmem:s11+$0x0] =	vst v18;
	v18 =	vand.u32 $0xFFFF0000, v59;
	v20 =	vadd.f32 v60, v25  }
0x25c: {  	v13 =	vadd.f32 v13, v2;
	s12 =	sor.u32 s22, s1;
	s14 =	sor.u32 s25, s1;
	[tilespmem:s16+$0x0] =	vst v23;
	s16 =	sor.u32 s25, s3;
	v18 =	vadd.f32 v18, v25;
	v23 =	vshll.u32 v19, $0x10  }
0x25d: {  	v2 =	vmovc v9;
	v9 =	vmov v24;
	s11 =	sadd.s32 $0x14900, s2;
	s2 =	sadd.s32 $0x14D00, s2;
	s30 =	sor.u32 s26, s1;
	v24 =	vld.idx.msk [tilespmem:v6+s28+$0x0], $0xffff;
	v19 =	vand.u32 $0xFFFF0000, v19;
	[tilespmem:s14+$0x0] =	vst v20;
	v23 =	vadd.f32 v23, v8  }
0x25e: {  	v61 =	vshll.u32 v28, $0x10;
	v20 =	vld.idx.msk [tilespmem:v11+s17+$0x0], $0xffff;
	s14 =	sor.u32 s7, s1;
	s17 =	sor.u32 s6, s11;
	s1 =	simm.s32 $0x4020;
	[tilespmem:s16+$0x0] =	vst v18;
	v18 =	vadd.f32 v19, v8  }
0x25f: {  	v28 =	vand.u32 $0xFFFF0000, v28;
	s6 =	sor.u32 s6, s2;
	v19 =	vadd.f32 v61, v12;
	v62 =	vld.idx.msk [tilespmem:v5+s1+$0x0], $0xffff;
	[tilespmem:s17+$0x0] =	vst v23  }
0x260: {  	v8 =	vmov v25;
	v25 =	vadd.f32 v28, v12;
	v23 =	vshll.u32 v26, $0x10;
	[tilespmem:s6+$0x0] =	vst v18  }
0x261: {  	s28 =	sor.u32 s7, s3;
	[tilespmem:s14+$0x0] =	vst v19;
	v18 =	vadd.f32 v23, v10  }
0x262: {  	v26 =	vand.u32 $0xFFFF0000, v26;
	[tilespmem:s28+$0x0] =	vst v25  }
0x263: {  	s21 =	sor.u32 s24, s9;
	v19 =	vadd.f32 v26, v10;
	v23 =	vshll.u32 v24, $0x10;
	[tilespmem:s30+$0x0] =	vst v18  }
0x264: {  	s20 =	sor.u32 s22, s3;
	s3 =	sor.u32 s26, s3;
	s9 =	sor.u32 s0, s11;
	v24 =	vand.u32 $0xFFFF0000, v24;
	v23 =	vadd.f32 v23, v9;
	v25 =	vld.idx.msk [tilespmem:v15+s1+$0x0], $0xffff;
	[tilespmem:s21+$0x0] =	vst v22  }
0x265: {  	s0 =	sor.u32 s0, s2;
	s16 =	sor.u32 s24, s2;
	s17 =	sor.u32 s24, s11;
	v24 =	vadd.f32 v24, v9;
	v18 =	vshll.u32 v20, $0x10;
	[tilespmem:s3+$0x0] =	vst v19  }
0x266: {  	s14 =	sor.u32 s29, s11;
	s11 =	sor.u32 s29, s2;
	s2 =	smov.u32 s23;
	v19 =	vand.u32 $0xFFFF0000, v20;
	v26 =	vadd.f32 v18, v3;
	[tilespmem:s12+$0x0] =	vst v23;
	v18 =	vld.idx.msk [tilespmem:v14+s1+$0x0], $0xffff;
	v20 =	vshll.u32 v62, $0x10  }
0x267: {  	s24 =	smov.u32 s7;
	s7 =	smov.u32 s25;
	v23 =	vadd.f32 v19, v3;
	[tilespmem:s20+$0x0] =	vst v24;
	s20 =	sadd.s32 $0x12100, s2;
	v19 =	vand.u32 $0xFFFF0000, v62;
	v20 =	vadd.f32 v20, v8  }
0x268: {  	s23 =	sadd.s32 $0x12500, s2;
	v24 =	vld.idx.msk [tilespmem:v6+s1+$0x0], $0xffff;
	s1 =	sor.u32 s7, s20;
	v19 =	vadd.f32 v19, v8;
	[tilespmem:s18+$0x0] =	vst v21  }
0x269: {  	s30 =	smov.u32 s26;
	s26 =	smov.u32 s0;
	s0 =	sor.u32 s7, s23;
	[tilespmem:s1+$0x0] =	vst v20;
	v20 =	vshll.u32 v25, $0x10  }
0x26a: {  	s29 =	smov.u32 s22;
	s22 =	rddreg [dreg:$0x15];
	v21 =	vand.u32 $0xFFFF0000, v25;
	[tilespmem:s0+$0x0] =	vst v19;
	v19 =	vadd.f32 v20, v12  }
0x26b: {  	s28 =	simm.s32 $0x6030;
	s6 =	sor.u32 s24, s20;
	[tilespmem:s22+$0x0] =	vst v27;
	v20 =	vadd.f32 v21, v12;
	v25 =	vshll.u32 v18, $0x10  }
0x26c: {  	s1 =	sor.u32 s24, s23;
	v21 =	vld.idx.msk [tilespmem:v5+s28+$0x0], $0xffff;
	[tilespmem:s6+$0x0] =	vst v19;
	v19 =	vadd.f32 v25, v10  }
0x26d: {  	v16 =	vadd.f32 v16, v4;
	s25 =	simm.s32 $0xC060;
	s3 =	sor.u32 s30, s20;
	v18 =	vand.u32 $0xFFFF0000, v18;
	[tilespmem:s1+$0x0] =	vst v20  }
0x26e: {  	v27 =	vld.idx.msk [tilespmem:v1+s25+$0x0], $0xffff;
	v18 =	vadd.f32 v18, v10;
	v22 =	vshll.u32 v24, $0x10;
	v24 =	vand.u32 $0xFFFF0000, v24;
	[tilespmem:s3+$0x0] =	vst v19  }
0x26f: {  	s12 =	sor.u32 s29, s20;
	s20 =	sor.u32 s30, s23;
	v20 =	vadd.f32 v22, v9;
	v22 =	vadd.f32 v24, v9;
	v24 =	vld.idx.msk [tilespmem:v15+s28+$0x0], $0xffff;
	[tilespmem:s13+$0x0] =	vst v16  }
0x270: {  	[tilespmem:s20+$0x0] =	vst v18  }
0x271: {  	s18 =	sor.u32 s29, s23;
	[tilespmem:s12+$0x0] =	vst v20;
	v25 =	vld.idx.msk [tilespmem:v14+s28+$0x0], $0xffff;
	v18 =	vshll.u32 v21, $0x10  }
0x272: {  	s10 =	sadd.s32 $0x4, s10;
	s6 =	smov.u32 s7;
	s3 =	sadd.s32 $0x12900, s2;
	[tilespmem:s18+$0x0] =	vst v22;
	v18 =	vadd.f32 v18, v8  }
0x273: {  	p1 =	slt.u32 s10, $0x1C;
	s1 =	simm.s32 $0xE070;
	s23 =	sor.u32 s6, s3;
	v19 =	vand.u32 $0xFFFF0000, v21;
	[tilespmem:s19+$0x0] =	vst v26;
	v63 =	vld.idx.msk [tilespmem:v6+s28+$0x0], $0xffff  }
.Ltmp3:
0x274: {  	v20 =	vshll.u32 v27, $0x10;
	s20 =	sadd.s32 $0x12D00, s2;
	v21 =	vadd.f32 v19, v8;
	[tilespmem:s23+$0x0] =	vst v18;
	v18 =	vld.idx.msk [tilespmem:v7+s1+$0x0], $0xffff;
	v7 =	vmovc v15;
	v15 =	vshll.u32 v24, $0x10;
	(pc) =	sbr.rel @p1 .LBB2_5-.Ltmp3, $4  }
0x275: {  	s21 =	sor.u32 s24, s3;
	s0 =	sor.u32 s29, s20;
	s22 =	sor.u32 s6, s20;
	v19 =	vadd.f32 v20, v2;
	[tilespmem:s8+$0x0] =	vst v23;
	v20 =	vand.u32 $0xFFFF0000, v24;
	v15 =	vadd.f32 v15, v12  }
0x276: {  	v22 =	vand.u32 $0xFFFF0000, v27;
	s13 =	sor.u32 s30, s20;
	s23 =	sor.u32 s24, s20;
	s20 =	simm.s32 $0x8040;
	[tilespmem:s22+$0x0] =	vst v21;
	v27 =	vadd.f32 v20, v12;
	v21 =	vshll.u32 v25, $0x10  }
0x277: {  	p0 =	por !p0, !p0;
	s7 =	rddreg [dreg:$0x17];
	s12 =	sor.u32 s29, s3;
	v16 =	vadd.f32 v22, v2;
	v20 =	vld.idx.msk [tilespmem:v5+s20+$0x0], $0xffff;
	v24 =	vand.u32 $0xFFFF0000, v25;
	[tilespmem:s21+$0x0] =	vst v15;
	v22 =	vadd.f32 v21, v10  }
0x278: {  	s18 =	sor.u32 s30, s3;
	s22 =	simm.s32 $0xA050;
	v21 =	vadd.f32 v24, v10;
	v15 =	vld.idx.msk [tilespmem:v11+s1+$0x0], $0xffff;
	v11 =	vmovc v14;
	v24 =	vshll.u32 v63, $0x10;
	v23 =	vand.u32 $0xFFFF0000, v63;
	[tilespmem:s23+$0x0] =	vst v27;
	s23 =	rddreg [dreg:$0xf]  }
0x279: {  	_ =	sdelay $0x3  }
0x27a: {  	[tilespmem:s18+$0x0] =	vst v22;
	v22 =	vadd.f32 v24, v9;
	v56 =	vld.idx.msk [tilespmem:v7+s20+$0x0], $0xffff  }
0x27b: {  	[tilespmem:s13+$0x0] =	vst v21;
	v21 =	vadd.f32 v23, v9  }
0x27c: {  	[tilespmem:s12+$0x0] =	vst v22;
	v14 =	vld.idx.msk [tilespmem:v14+s20+$0x0], $0xffff;
	v22 =	vshll.u32 v20, $0x10  }
0x27d: {  	s13 =	sadd.s32 $0x13100, s2;
	[tilespmem:s0+$0x0] =	vst v21;
	v20 =	vand.u32 $0xFFFF0000, v20;
	v21 =	vadd.f32 v22, v8  }
0x27e: {  	s3 =	sadd.s32 $0x13500, s2;
	[tilespmem:s5+$0x0] =	vst v19;
	s4 =	sor.u32 s6, s13;
	v19 =	vadd.f32 v20, v8  }
0x27f: {  	s18 =	sor.u32 s6, s3;
	v20 =	vld.idx.msk [tilespmem:v6+s20+$0x0], $0xffff;
	[tilespmem:s4+$0x0] =	vst v21;
	v21 =	vshll.u32 v56, $0x10  }
0x280: {  	[tilespmem:s18+$0x0] =	vst v19;
	v19 =	vand.u32 $0xFFFF0000, v56;
	v21 =	vadd.f32 v21, v12  }
0x281: {  	[tilespmem:s15+$0x0] =	vst v16;
	s19 =	sor.u32 s24, s13;
	v16 =	vadd.f32 v19, v12;
	v19 =	vshll.u32 v14, $0x10  }
0x282: {  	s21 =	sor.u32 s24, s3;
	v14 =	vand.u32 $0xFFFF0000, v14;
	[tilespmem:s19+$0x0] =	vst v21;
	v21 =	vld.idx.msk [tilespmem:v5+s22+$0x0], $0xffff;
	v19 =	vadd.f32 v19, v10  }
0x283: {  	s1 =	sor.u32 s30, s13;
	v22 =	vshll.u32 v18, $0x10;
	v14 =	vadd.f32 v14, v10;
	[tilespmem:s21+$0x0] =	vst v16  }
0x284: {  	s5 =	sor.u32 s30, s3;
	v16 =	vadd.f32 v22, v4;
	[tilespmem:s1+$0x0] =	vst v19;
	v19 =	vshll.u32 v20, $0x10;
	v22 =	vld.idx.msk [tilespmem:v7+s22+$0x0], $0xffff  }
0x285: {  	[tilespmem:s5+$0x0] =	vst v14;
	v14 =	vand.u32 $0xFFFF0000, v20;
	v19 =	vadd.f32 v19, v9  }
0x286: {  	s0 =	sor.u32 s29, s13;
	[tilespmem:s17+$0x0] =	vst v16;
	v16 =	vand.u32 $0xFFFF0000, v18;
	v14 =	vadd.f32 v14, v9;
	v18 =	vld.idx.msk [tilespmem:v11+s22+$0x0], $0xffff  }
0x287: {  	s3 =	sor.u32 s29, s3;
	v4 =	vadd.f32 v16, v4;
	[tilespmem:s0+$0x0] =	vst v19;
	v16 =	vshll.u32 v21, $0x10  }
0x288: {  	s8 =	sadd.s32 $0x13900, s2;
	[tilespmem:s3+$0x0] =	vst v14;
	v14 =	vand.u32 $0xFFFF0000, v21;
	v16 =	vadd.f32 v16, v8  }
0x289: {  	s10 =	sadd.s32 $0x13D00, s2;
	s12 =	sor.u32 s6, s8;
	[tilespmem:s16+$0x0] =	vst v4;
	v4 =	vadd.f32 v14, v8;
	v14 =	vshll.u32 v22, $0x10  }
0x28a: {  	s13 =	sor.u32 s6, s10;
	v19 =	vand.u32 $0xFFFF0000, v22;
	[tilespmem:s12+$0x0] =	vst v16;
	v16 =	vld.idx.msk [tilespmem:v6+s22+$0x0], $0xffff;
	v14 =	vadd.f32 v14, v12  }
0x28b: {  	s15 =	sor.u32 s24, s8;
	v19 =	vadd.f32 v19, v12;
	[tilespmem:s13+$0x0] =	vst v4;
	v4 =	vshll.u32 v18, $0x10  }
0x28c: {  	s16 =	sor.u32 s24, s10;
	v18 =	vand.u32 $0xFFFF0000, v18;
	[tilespmem:s15+$0x0] =	vst v14;
	v14 =	vld.idx.msk [tilespmem:v5+s25+$0x0], $0xffff;
	v4 =	vadd.f32 v4, v10  }
0x28d: {  	v20 =	vshll.u32 v15, $0x10;
	s17 =	sor.u32 s30, s8;
	v18 =	vadd.f32 v18, v10;
	[tilespmem:s16+$0x0] =	vst v19  }
0x28e: {  	s18 =	sor.u32 s30, s10;
	v15 =	vand.u32 $0xFFFF0000, v15;
	v19 =	vadd.f32 v20, v3;
	[tilespmem:s17+$0x0] =	vst v4;
	v4 =	vld.idx.msk [tilespmem:v7+s25+$0x0], $0xffff  }
0x28f: {  	v3 =	vadd.f32 v15, v3;
	[tilespmem:s18+$0x0] =	vst v18;
	v15 =	vshll.u32 v16, $0x10  }
0x290: {  	[tilespmem:s14+$0x0] =	vst v19;
	v16 =	vand.u32 $0xFFFF0000, v16;
	v15 =	vadd.f32 v15, v9;
	v18 =	vld.idx.msk [tilespmem:v11+s25+$0x0], $0xffff  }
0x291: {  	s0 =	sor.u32 s29, s8;
	[tilespmem:s11+$0x0] =	vst v3;
	v16 =	vadd.f32 v16, v9;
	v3 =	vshll.u32 v14, $0x10  }
0x292: {  	s19 =	sadd.s32 $0x14100, s2;
	s3 =	sor.u32 s29, s10;
	v14 =	vand.u32 $0xFFFF0000, v14;
	v3 =	vadd.f32 v3, v8;
	[tilespmem:s0+$0x0] =	vst v15  }
0x293: {  	s21 =	sadd.s32 $0x14500, s2;
	s1 =	sor.u32 s6, s19;
	v14 =	vadd.f32 v14, v8;
	[tilespmem:s3+$0x0] =	vst v16;
	v15 =	vshll.u32 v4, $0x10  }
0x294: {  	s5 =	sor.u32 s6, s21;
	[tilespmem:s1+$0x0] =	vst v3;
	v3 =	vand.u32 $0xFFFF0000, v4;
	v4 =	vadd.f32 v15, v12;
	v15 =	vld.idx.msk [tilespmem:v6+s25+$0x0], $0xffff  }
0x295: {  	s8 =	sor.u32 s24, s19;
	s11 =	simm.s32 $0xE070;
	[tilespmem:s5+$0x0] =	vst v14;
	v3 =	vadd.f32 v3, v12;
	v14 =	vshll.u32 v18, $0x10  }
0x296: {  	s10 =	sor.u32 s24, s21;
	[tilespmem:s8+$0x0] =	vst v4;
	v4 =	vld.idx.msk [tilespmem:v5+s11+$0x0], $0xffff;
	v5 =	vand.u32 $0xFFFF0000, v18;
	v14 =	vadd.f32 v14, v10  }
0x297: {  	s12 =	sor.u32 s30, s19;
	[tilespmem:s10+$0x0] =	vst v3;
	v3 =	vadd.f32 v5, v10  }
0x298: {  	s13 =	sor.u32 s30, s21;
	[tilespmem:s12+$0x0] =	vst v14;
	v5 =	vld.idx.msk [tilespmem:v7+s11+$0x0], $0xffff  }
0x299: {  	[tilespmem:s13+$0x0] =	vst v3;
	v3 =	vshll.u32 v15, $0x10  }
0x29a: {  	[tilespmem:s7+$0x0] =	vst v13;
	v7 =	vand.u32 $0xFFFF0000, v15;
	v3 =	vadd.f32 v3, v9;
	v11 =	vld.idx.msk [tilespmem:v11+s11+$0x0], $0xffff  }
0x29b: {  	[tilespmem:s23+$0x0] =	vst v17;
	s14 =	sor.u32 s29, s19;
	v7 =	vadd.f32 v7, v9;
	v13 =	vshll.u32 v4, $0x10  }
0x29c: {  	s15 =	sadd.s32 $0x14900, s2;
	v1 =	vld.idx.msk [tilespmem:v1+s11+$0x0], $0xffff;
	s0 =	sor.u32 s29, s21;
	[tilespmem:s14+$0x0] =	vst v3;
	v3 =	vand.u32 $0xFFFF0000, v4;
	v4 =	vadd.f32 v13, v8  }
0x29d: {  	s16 =	sadd.s32 $0x14D00, s2;
	s17 =	sor.u32 s6, s15;
	[tilespmem:s0+$0x0] =	vst v7;
	v3 =	vadd.f32 v3, v8;
	v7 =	vshll.u32 v5, $0x10  }
0x29e: {  	s18 =	sor.u32 s6, s16;
	[tilespmem:s17+$0x0] =	vst v4;
	v4 =	vand.u32 $0xFFFF0000, v5;
	v5 =	vadd.f32 v7, v12  }
0x29f: {  	s19 =	sor.u32 s24, s15;
	[tilespmem:s18+$0x0] =	vst v3;
	v3 =	vadd.f32 v4, v12;
	v4 =	vshll.u32 v11, $0x10  }
0x2a0: {  	s21 =	sor.u32 s24, s16;
	v7 =	vand.u32 $0xFFFF0000, v11;
	v4 =	vadd.f32 v4, v10;
	[tilespmem:s19+$0x0] =	vst v5  }
0x2a1: {  	s23 =	sor.u32 s30, s15;
	v5 =	vshll.u32 v1, $0x10;
	v7 =	vadd.f32 v7, v10;
	[tilespmem:s21+$0x0] =	vst v3  }
0x2a2: {  	s24 =	sor.u32 s30, s16;
	v6 =	vld.idx.msk [tilespmem:v6+s11+$0x0], $0xffff;
	v3 =	vadd.f32 v5, v2;
	[tilespmem:s23+$0x0] =	vst v4  }
0x2a3: {  	s6 =	sld [smem:$0x7EA];
	[tilespmem:s24+$0x0] =	vst v7  }
0x2a4: {  	[tilespmem:s9+$0x0] =	vst v3  }
0x2a5: {  	s9 =	sld [smem:$0x7FC]  }
0x2a6: {  	v1 =	vand.u32 $0xFFFF0000, v1;
	s30 =	sshll.u32 s6, $0xB;
	s1 =	sshll.u32 s6, $0x9  }
0x2a7: {  	v1 =	vadd.f32 v1, v2;
	v2 =	vshll.u32 v6, $0x10;
	s8 =	rddreg [dreg:$0x1b];
	s0 =	sand.u32 $0xF000, s30;
	s7 =	sand.u32 $0x200, s1  }
0x2a8: {  	v3 =	vand.u32 $0xFFFF0000, v6;
	v2 =	vadd.f32 v2, v9;
	s0 =	sor.u32 s8, s0;
	s4 =	sor.u32 s9, s7  }
0x2a9: {  	s2 =	simm.s32 $0x100;
	s3 =	sor.u32 s29, s15;
	[tilespmem:s26+$0x0] =	vst v1;
	v1 =	vadd.f32 v3, v9;
	s0 =	sor.u32 s0, s4  }
0x2aa: {  	s11 =	rddreg [dreg:$0x3];
	[tilespmem:s3+$0x0] =	vst v2;
	s1 =	sor.u32 s29, s16;
	s10 =	sshrl.u32 s0, $0x3  }
0x2ab: {  	s12 =	simm.s32 $0x11080;
	s3 =	simm.s32 $0x400;
	[tilespmem:s1+$0x0] =	vst v1;
	s0 =	sadd.s32 s11, s10  }
0x2ac: {  	[hbm4b:s0+s2] =	stream.strided.scatter [tilespmem:s12], [sflag:$0x6], $0x400, s3, s2, $0x38;
	[tilespmem:$0x19080] =	vst v63  }
0x2ad: {  	s14 =	simm.s32 $0x11480;
	s13 =	sadd.s32 $0x8000, s0  }
0x2ae: {  	[hbm4b:s13+s2] =	stream.strided.scatter [tilespmem:s14], [sflag:$0x6], $0x400, s3, s2, $0x38;
	[tilespmem:$0x19080] =	vst v63  }
0x2af: {  	s16 =	simm.s32 $0x11880;
	s15 =	sadd.s32 $0x10000, s0  }
0x2b0: {  	[hbm4b:s15+s2] =	stream.strided.scatter [tilespmem:s16], [sflag:$0x6], $0x400, s3, s2, $0x38;
	[tilespmem:$0x19080] =	vst v63  }
0x2b1: {  	s18 =	simm.s32 $0x11C80;
	s17 =	sadd.s32 $0x18000, s0  }
0x2b2: {  	[hbm4b:s17+s2] =	stream.strided.scatter [tilespmem:s18], [sflag:$0x6], $0x400, s3, s2, $0x38;
	[tilespmem:$0x19080] =	vst v63  }
0x2b3: {  	s21 =	simm.s32 $0x12080;
	s19 =	sadd.s32 $0x20000, s0  }
0x2b4: {  	[hbm4b:s19+s2] =	stream.strided.scatter [tilespmem:s21], [sflag:$0x6], $0x400, s3, s2, $0x38;
	[tilespmem:$0x19080] =	vst v63  }
0x2b5: {  	s24 =	simm.s32 $0x12480;
	s23 =	sadd.s32 $0x28000, s0  }
0x2b6: {  	[hbm4b:s23+s2] =	stream.strided.scatter [tilespmem:s24], [sflag:$0x6], $0x400, s3, s2, $0x38;
	[tilespmem:$0x19080] =	vst v63  }
0x2b7: {  	s30 =	simm.s32 $0x12880;
	s26 =	sadd.s32 $0x30000, s0  }
0x2b8: {  	[hbm4b:s26+s2] =	stream.strided.scatter [tilespmem:s30], [sflag:$0x6], $0x400, s3, s2, $0x38;
	[tilespmem:$0x19080] =	vst v63  }
0x2b9: {  	s5 =	simm.s32 $0x12C80;
	s4 =	sadd.s32 $0x38000, s0  }
0x2ba: {  	[hbm4b:s4+s2] =	stream.strided.scatter [tilespmem:s5], [sflag:$0x6], $0x400, s3, s2, $0x38;
	[tilespmem:$0x19080] =	vst v63  }
0x2bb: {  	s8 =	simm.s32 $0x13080;
	s7 =	sadd.s32 $0x40000, s0  }
0x2bc: {  	[hbm4b:s7+s2] =	stream.strided.scatter [tilespmem:s8], [sflag:$0x6], $0x400, s3, s2, $0x38;
	[tilespmem:$0x19080] =	vst v63  }
0x2bd: {  	[smem:$0x7E9] =	sst s10;
	s10 =	simm.s32 $0x13480;
	s9 =	sadd.s32 $0x48000, s0  }
0x2be: {  	[hbm4b:s9+s2] =	stream.strided.scatter [tilespmem:s10], [sflag:$0x6], $0x400, s3, s2, $0x38;
	[tilespmem:$0x19080] =	vst v63  }
0x2bf: {  	s11 =	sadd.s32 $0x50000, s0;
	s12 =	simm.s32 $0x13880  }
0x2c0: {  	[hbm4b:s11+s2] =	stream.strided.scatter [tilespmem:s12], [sflag:$0x6], $0x400, s3, s2, $0x38;
	[tilespmem:$0x19080] =	vst v63  }
0x2c1: {  	s13 =	sadd.s32 $0x58000, s0;
	s14 =	simm.s32 $0x13C80  }
0x2c2: {  	[hbm4b:s13+s2] =	stream.strided.scatter [tilespmem:s14], [sflag:$0x6], $0x400, s3, s2, $0x38;
	[tilespmem:$0x19080] =	vst v63  }
0x2c3: {  	s15 =	sadd.s32 $0x60000, s0;
	s16 =	simm.s32 $0x14080  }
0x2c4: {  	[hbm4b:s15+s2] =	stream.strided.scatter [tilespmem:s16], [sflag:$0x6], $0x400, s3, s2, $0x38;
	[tilespmem:$0x19080] =	vst v63  }
0x2c5: {  	s17 =	sadd.s32 $0x68000, s0;
	s18 =	simm.s32 $0x14480  }
0x2c6: {  	[hbm4b:s17+s2] =	stream.strided.scatter [tilespmem:s18], [sflag:$0x6], $0x400, s3, s2, $0x38;
	[tilespmem:$0x19080] =	vst v63  }
0x2c7: {  	s19 =	sadd.s32 $0x70000, s0;
	s21 =	simm.s32 $0x14880  }
0x2c8: {  	[hbm4b:s19+s2] =	stream.strided.scatter [tilespmem:s21], [sflag:$0x6], $0x400, s3, s2, $0x38;
	[tilespmem:$0x19080] =	vst v63  }
0x2c9: {  	p0 =	seq.s32 s6, $0x1F;
	s0 =	sadd.s32 $0x78000, s0;
	s23 =	simm.s32 $0x14C80  }
0x2ca: {  	[hbm4b:s0+s2] =	stream.strided.scatter [tilespmem:s23], [sflag:$0x6], $0x400, s3, s2, $0x38;
	[tilespmem:$0x19080] =	vst v63  }
0x2cb: {  	s0 =	sshll.u32 @!p0 s6, $0x2  }
0x2cc: {  	s1 =	rddreg [dreg:$0x1d];
	s0 =	sadd.s32 @!p0 $0x4, s0  }
0x2cd: {  	s1 =	sadd.s32 @!p0 s1, s0  }
0x2ce: {  	s1 =	sshll.u32 @!p0 s1, $0x9  }
0x2cf: {  	s2 =	rddreg [dreg:$0x1a];
	s0 =	sshll.u32 @!p0 s0, $0x7;
	s1 =	sand.u32 @!p0 $0x7F000, s1  }
0x2d0: {  	s0 =	sand.u32 @!p0 $0x200, s0;
	s1 =	sadd.s32 @!p0 s2, s1  }
0x2d1: {  	s0 =	sor.u32 @!p0 s0, s1  }
0x2d2: {  	s4 =	simm.s32 @!p0 $0x10080;
	s1 =	rddreg [dreg:$0x0];
	s0 =	sshrl.u32 @!p0 s0, $0x3  }
0x2d3: {  	s3 =	simm.s32 @!p0 $0x400;
	s2 =	simm.s32 @!p0 $0x100;
	s1 =	sadd.s32 @!p0 s1, s0  }
0x2d4: {  	[tilespmem:s4], [sflag:$0x2] =	stream.strided.gather @!p0 [hbm4b:s1+s2], $0x400, s3, s2, $0x38;
	[tilespmem:$0x19080] =	vst v63  }
0x2d5: {  	p1 =	seq.s32 @!p0 s6, $0x0;
	s1 =	rddreg [dreg:$0x1]  }
0x2d6: {  	p1 =	por p0, !p1;
	s0 =	sadd.s32 @!p0 s1, s0;
	s1 =	simm.s32 @!p0 $0x10880  }
0x2d7: {  	[tilespmem:s1], [sflag:$0x4] =	stream.strided.gather @!p0 [hbm4b:s0+s2], $0x400, s3, s2, $0x38;
	[tilespmem:$0x19080] =	vst v63  }
0x2d8: {  	s0 =	simm.s32 @p1 $0x7  }
0x2d9: {  	_ =	swait.ge @p1 [sflag:s0], $0x4000  }
0x2da: {  	[sflag:s0] =	ssyncset.done @p1 $0x0  }
0x2db: {  	s24 =	simm.s32 $0x3;
	[sflag:s0] =	ssyncadd.s32 @p1 $0xFFFFC000  }
0x2dc: {  	_ =	swait.ge [sflag:s24], $0x400  }
0x2dd: {  	[sflag:s24] =	ssyncset.done $0x0  }
0x2de: {  	s30 =	simm.s32 $0x0;
	s26 =	simm.s32 $0x5;
	[sflag:s24] =	ssyncadd.s32 $0xFFFFFC00  }
0x2df: {  	s18 =	sand.u32 $0x40, s30;
	_ =	swait.ge [sflag:s26], $0x400  }
0x2e0: {  	s10 =	sand.u32 $0x300, s30;
	s9 =	sor.u32 $0x30, s18;
	[sflag:s26] =	ssyncset.done $0x0  }
0x2e1: {  	s1 =	sor.u32 s9, s10;
	[sflag:s26] =	ssyncadd.s32 $0xFFFFFC00  }
0x2e2: {  	v1 =	vld [tilespmem:s1+$0x10C80];
	_ =	sdelay $0x3  }
0x2e3: {  	s13 =	sor.u32 $0x10, s18  }
0x2e4: {  	s2 =	sor.u32 s13, s10;
	v1 =	vshll.u32 v1, $0x4  }
0x2e5: {  	v2 =	vld [tilespmem:s2+$0x10C80];
	v11 =	vor.u32 v0, v1;
	_ =	sdelay $0x3  }
0x2e6: {  	s12 =	sor.u32 $0x20, s18;
	v1 =	vld [tilespmem:s1+$0x10480]  }
0x2e7: {  	s3 =	sor.u32 s12, s10;
	v2 =	vshll.u32 v2, $0x4;
	v3 =	vld.idx.msk [tilespmem:v11+s30+$0x0], $0xffff  }
0x2e8: {  	v4 =	vld [tilespmem:s3+$0x10C80];
	v6 =	vor.u32 v0, v2  }
0x2e9: {  	s5 =	sor.u32 s18, s10  }
0x2ea: {  	v2 =	vld [tilespmem:s5+$0x10C80]  }
0x2eb: {  	v10 =	vadd.f32 v1, v1  }
0x2ec: {  	v1 =	vld [tilespmem:s2+$0x10480];
	v5 =	vshll.u32 v3, $0x10  }
0x2ed: {  	s6 =	sor.u32 $0x15080, s10;
	v4 =	vshll.u32 v4, $0x4;
	v9 =	vld.idx.msk [tilespmem:v6+s30+$0x0], $0xffff;
	v3 =	vand.u32 $0xFFFF0000, v3;
	v5 =	vadd.f32 v5, v10  }
0x2ee: {  	s7 =	sor.u32 $0x15480, s10;
	s8 =	sor.u32 s9, s6;
	v7 =	vor.u32 v0, v4;
	v3 =	vadd.f32 v3, v10  }
0x2ef: {  	s11 =	sor.u32 s9, s7;
	v2 =	vshll.u32 v2, $0x4;
	[tilespmem:s8+$0x0] =	vst v5  }
0x2f0: {  	s29 =	simm.s32 $0x2010;
	v15 =	vor.u32 v0, v2;
	[tilespmem:s11+$0x0] =	vst v3  }
0x2f1: {  	v8 =	vadd.f32 v1, v1;
	v1 =	vld.idx.msk [tilespmem:v11+s29+$0x0], $0xffff  }
0x2f2: {  	v2 =	vld [tilespmem:s3+$0x10480];
	v3 =	vshll.u32 v9, $0x10  }
0x2f3: {  	v4 =	vld.idx.msk [tilespmem:v7+s30+$0x0], $0xffff;
	v5 =	vand.u32 $0xFFFF0000, v9;
	v3 =	vadd.f32 v3, v8  }
0x2f4: {  	s14 =	sor.u32 s13, s6;
	v12 =	vld [tilespmem:s5+$0x10480];
	v5 =	vadd.f32 v5, v8  }
0x2f5: {  	s16 =	sor.u32 s13, s7;
	v13 =	vld.idx.msk [tilespmem:v15+s30+$0x0], $0xffff;
	[tilespmem:s14+$0x0] =	vst v3  }
0x2f6: {  	[tilespmem:s16+$0x0] =	vst v5;
	v3 =	vshll.u32 v1, $0x10  }
0x2f7: {  	s17 =	sor.u32 $0x15880, s10;
	v9 =	vadd.f32 v2, v2;
	v2 =	vld.idx.msk [tilespmem:v6+s29+$0x0], $0xffff;
	v1 =	vand.u32 $0xFFFF0000, v1;
	v3 =	vadd.f32 v3, v10  }
0x2f8: {  	s19 =	sor.u32 $0x15C80, s10;
	s21 =	sor.u32 s9, s17;
	v5 =	vshll.u32 v4, $0x10;
	v1 =	vadd.f32 v1, v10  }
0x2f9: {  	s23 =	sor.u32 s9, s19;
	v14 =	vadd.f32 v12, v12;
	v4 =	vand.u32 $0xFFFF0000, v4;
	v5 =	vadd.f32 v5, v9;
	[tilespmem:s21+$0x0] =	vst v3  }
0x2fa: {  	s24 =	sor.u32 s12, s6;
	s14 =	simm.s32 $0x4020;
	v4 =	vadd.f32 v4, v9;
	v3 =	vshll.u32 v13, $0x10;
	[tilespmem:s23+$0x0] =	vst v1  }
0x2fb: {  	s26 =	sor.u32 s12, s7;
	[tilespmem:s24+$0x0] =	vst v5;
	v1 =	vand.u32 $0xFFFF0000, v13;
	v3 =	vadd.f32 v3, v14;
	v5 =	vld.idx.msk [tilespmem:v11+s14+$0x0], $0xffff  }
0x2fc: {  	s1 =	sor.u32 s18, s6;
	[tilespmem:s26+$0x0] =	vst v4;
	v4 =	vshll.u32 v2, $0x10;
	v1 =	vadd.f32 v1, v14  }
0x2fd: {  	s3 =	sor.u32 s18, s7;
	v2 =	vand.u32 $0xFFFF0000, v2;
	v4 =	vadd.f32 v4, v8;
	[tilespmem:s1+$0x0] =	vst v3;
	v3 =	vld.idx.msk [tilespmem:v7+s29+$0x0], $0xffff  }
0x2fe: {  	s4 =	sor.u32 s13, s17;
	[tilespmem:s3+$0x0] =	vst v1;
	v1 =	vadd.f32 v2, v8  }
0x2ff: {  	s5 =	sor.u32 s13, s19;
	[tilespmem:s4+$0x0] =	vst v4;
	v2 =	vld.idx.msk [tilespmem:v15+s29+$0x0], $0xffff  }
0x300: {  	[tilespmem:s5+$0x0] =	vst v1;
	v1 =	vshll.u32 v5, $0x10  }
0x301: {  	s4 =	sor.u32 $0x16080, s10;
	v4 =	vld.idx.msk [tilespmem:v6+s14+$0x0], $0xffff;
	v5 =	vand.u32 $0xFFFF0000, v5;
	v1 =	vadd.f32 v1, v10  }
0x302: {  	s6 =	sor.u32 s9, s4;
	s5 =	sor.u32 $0x16480, s10;
	v12 =	vshll.u32 v3, $0x10;
	v5 =	vadd.f32 v5, v10  }
0x303: {  	s7 =	sor.u32 s9, s5;
	v3 =	vand.u32 $0xFFFF0000, v3;
	v12 =	vadd.f32 v12, v9;
	[tilespmem:s6+$0x0] =	vst v1  }
0x304: {  	s8 =	sor.u32 s12, s17;
	v1 =	vadd.f32 v3, v9;
	v3 =	vshll.u32 v2, $0x10;
	[tilespmem:s7+$0x0] =	vst v5  }
0x305: {  	s11 =	sor.u32 s12, s19;
	v2 =	vand.u32 $0xFFFF0000, v2;
	v3 =	vadd.f32 v3, v14;
	[tilespmem:s8+$0x0] =	vst v12;
	v5 =	vld.idx.msk [tilespmem:v11+s28+$0x0], $0xffff  }
0x306: {  	s0 =	sor.u32 s18, s17;
	v2 =	vadd.f32 v2, v14;
	[tilespmem:s11+$0x0] =	vst v1;
	v1 =	vshll.u32 v4, $0x10  }
0x307: {  	s16 =	sor.u32 s18, s19;
	v4 =	vand.u32 $0xFFFF0000, v4;
	[tilespmem:s0+$0x0] =	vst v3;
	v3 =	vld.idx.msk [tilespmem:v7+s14+$0x0], $0xffff;
	v1 =	vadd.f32 v1, v8  }
0x308: {  	s17 =	sor.u32 s13, s4;
	[tilespmem:s16+$0x0] =	vst v2;
	v2 =	vadd.f32 v4, v8  }
0x309: {  	s19 =	sor.u32 s13, s5;
	v4 =	vld.idx.msk [tilespmem:v15+s14+$0x0], $0xffff;
	[tilespmem:s17+$0x0] =	vst v1  }
0x30a: {  	[tilespmem:s19+$0x0] =	vst v2;
	v1 =	vshll.u32 v5, $0x10  }
0x30b: {  	s3 =	sor.u32 $0x16880, s10;
	v2 =	vld.idx.msk [tilespmem:v6+s28+$0x0], $0xffff;
	v5 =	vand.u32 $0xFFFF0000, v5;
	v1 =	vadd.f32 v1, v10  }
0x30c: {  	s1 =	sor.u32 $0x16C80, s10;
	s21 =	sor.u32 s9, s3;
	v12 =	vshll.u32 v3, $0x10;
	v5 =	vadd.f32 v5, v10  }
0x30d: {  	s23 =	sor.u32 s9, s1;
	v3 =	vand.u32 $0xFFFF0000, v3;
	v12 =	vadd.f32 v12, v9;
	[tilespmem:s21+$0x0] =	vst v1  }
0x30e: {  	s24 =	sor.u32 s12, s4;
	v1 =	vadd.f32 v3, v9;
	v3 =	vshll.u32 v4, $0x10;
	[tilespmem:s23+$0x0] =	vst v5  }
0x30f: {  	s26 =	sor.u32 s12, s5;
	v4 =	vand.u32 $0xFFFF0000, v4;
	v3 =	vadd.f32 v3, v14;
	[tilespmem:s24+$0x0] =	vst v12;
	v5 =	vld.idx.msk [tilespmem:v11+s20+$0x0], $0xffff  }
0x310: {  	s4 =	sor.u32 s18, s4;
	v4 =	vadd.f32 v4, v14;
	[tilespmem:s26+$0x0] =	vst v1;
	v1 =	vshll.u32 v2, $0x10  }
0x311: {  	s5 =	sor.u32 s18, s5;
	v2 =	vand.u32 $0xFFFF0000, v2;
	[tilespmem:s4+$0x0] =	vst v3;
	v3 =	vld.idx.msk [tilespmem:v7+s28+$0x0], $0xffff;
	v1 =	vadd.f32 v1, v8  }
0x312: {  	s6 =	sor.u32 s13, s3;
	s7 =	simm.s32 $0x40;
	v2 =	vadd.f32 v2, v8;
	[tilespmem:s5+$0x0] =	vst v4  }
0x313: {  	s8 =	sor.u32 s13, s1;
	s11 =	simm.s32 $0x80;
	s19 =	sand.u32 $0x40, s7;
	v4 =	vld.idx.msk [tilespmem:v15+s28+$0x0], $0xffff;
	[tilespmem:s6+$0x0] =	vst v1  }
0x314: {  	s24 =	sand.u32 $0x300, s11;
	s23 =	sor.u32 $0x30, s19;
	[tilespmem:s8+$0x0] =	vst v2;
	v1 =	vshll.u32 v5, $0x10  }
0x315: {  	s2 =	sor.u32 $0x17080, s10;
	s4 =	sor.u32 s23, s24;
	v2 =	vld.idx.msk [tilespmem:v6+s20+$0x0], $0xffff;
	v5 =	vand.u32 $0xFFFF0000, v5;
	v1 =	vadd.f32 v1, v10  }
0x316: {  	s0 =	sor.u32 $0x17480, s10;
	s16 =	sor.u32 s9, s2;
	v13 =	vld [tilespmem:s4+$0x10C80];
	v12 =	vshll.u32 v3, $0x10;
	v5 =	vadd.f32 v5, v10  }
0x317: {  	s17 =	sor.u32 s9, s0;
	v3 =	vand.u32 $0xFFFF0000, v3;
	v12 =	vadd.f32 v12, v9;
	[tilespmem:s16+$0x0] =	vst v1  }
0x318: {  	s21 =	sor.u32 $0x10, s19;
	s26 =	sor.u32 s12, s3;
	v1 =	vadd.f32 v3, v9;
	v3 =	vshll.u32 v4, $0x10;
	[tilespmem:s17+$0x0] =	vst v5  }
0x319: {  	s7 =	sor.u32 s12, s1;
	s6 =	sor.u32 s21, s24;
	v4 =	vand.u32 $0xFFFF0000, v4;
	v3 =	vadd.f32 v3, v14;
	[tilespmem:s26+$0x0] =	vst v12;
	v5 =	vld.idx.msk [tilespmem:v11+s22+$0x0], $0xffff  }
0x31a: {  	s3 =	sor.u32 s18, s3;
	v4 =	vadd.f32 v4, v14;
	s26 =	sor.u32 $0x20, s19;
	v12 =	vld [tilespmem:s6+$0x10C80];
	[tilespmem:s7+$0x0] =	vst v1;
	v1 =	vshll.u32 v2, $0x10  }
0x31b: {  	s1 =	sor.u32 s18, s1;
	v13 =	vshll.u32 v13, $0x4;
	v2 =	vand.u32 $0xFFFF0000, v2;
	[tilespmem:s3+$0x0] =	vst v3;
	v3 =	vld.idx.msk [tilespmem:v7+s20+$0x0], $0xffff;
	s3 =	sor.u32 s26, s24;
	v1 =	vadd.f32 v1, v8  }
0x31c: {  	s8 =	sor.u32 s13, s2;
	v17 =	vor.u32 v0, v13;
	v2 =	vadd.f32 v2, v8;
	[tilespmem:s1+$0x0] =	vst v4;
	v4 =	vld [tilespmem:s3+$0x10C80]  }
0x31d: {  	s11 =	sor.u32 s13, s0;
	s5 =	sor.u32 s19, s24;
	v13 =	vld.idx.msk [tilespmem:v15+s20+$0x0], $0xffff;
	[tilespmem:s8+$0x0] =	vst v1  }
0x31e: {  	v1 =	vld [tilespmem:s5+$0x10C80];
	[tilespmem:s11+$0x0] =	vst v2;
	v2 =	vshll.u32 v5, $0x10  }
0x31f: {  	s1 =	sor.u32 $0x17880, s10;
	v12 =	vshll.u32 v12, $0x4;
	v18 =	vld.idx.msk [tilespmem:v6+s22+$0x0], $0xffff;
	v5 =	vand.u32 $0xFFFF0000, v5;
	v2 =	vadd.f32 v2, v10  }
0x320: {  	s16 =	sor.u32 s9, s1;
	v16 =	vor.u32 v0, v12;
	v12 =	vld [tilespmem:s4+$0x10480];
	s4 =	sor.u32 $0x17C80, s10;
	v19 =	vshll.u32 v3, $0x10;
	v5 =	vadd.f32 v5, v10  }
0x321: {  	v20 =	vld.idx.msk [tilespmem:v17+s30+$0x0], $0xffff;
	v3 =	vand.u32 $0xFFFF0000, v3;
	s17 =	sor.u32 s9, s4;
	v19 =	vadd.f32 v19, v9;
	v4 =	vshll.u32 v4, $0x4;
	[tilespmem:s16+$0x0] =	vst v2  }
0x322: {  	s8 =	sor.u32 s12, s2;
	v2 =	vadd.f32 v3, v9;
	v21 =	vshll.u32 v13, $0x10;
	v3 =	vor.u32 v0, v4;
	[tilespmem:s17+$0x0] =	vst v5  }
0x323: {  	s11 =	sor.u32 s12, s0;
	v4 =	vand.u32 $0xFFFF0000, v13;
	v1 =	vshll.u32 v1, $0x4;
	v5 =	vadd.f32 v21, v14;
	[tilespmem:s8+$0x0] =	vst v19;
	v13 =	vld.idx.msk [tilespmem:v11+s25+$0x0], $0xffff  }
0x324: {  	s2 =	sor.u32 s18, s2;
	v19 =	vld [tilespmem:s6+$0x10480];
	v4 =	vadd.f32 v4, v14;
	v1 =	vor.u32 v0, v1;
	[tilespmem:s11+$0x0] =	vst v2;
	v2 =	vshll.u32 v18, $0x10  }
0x325: {  	s0 =	sor.u32 s18, s0;
	v21 =	vld.idx.msk [tilespmem:v16+s30+$0x0], $0xffff;
	[tilespmem:s2+$0x0] =	vst v5;
	v5 =	vand.u32 $0xFFFF0000, v18;
	v18 =	vadd.f32 v12, v12;
	v2 =	vadd.f32 v2, v8  }
0x326: {  	s16 =	sor.u32 s13, s1;
	v12 =	vld [tilespmem:s3+$0x10480];
	[tilespmem:s0+$0x0] =	vst v4;
	v4 =	vshll.u32 v20, $0x10;
	v5 =	vadd.f32 v5, v8  }
0x327: {  	s17 =	sor.u32 s13, s4;
	s3 =	sor.u32 $0x15080, s24;
	v20 =	vand.u32 $0xFFFF0000, v20;
	v22 =	vld.idx.msk [tilespmem:v3+s30+$0x0], $0xffff;
	v4 =	vadd.f32 v4, v18;
	[tilespmem:s16+$0x0] =	vst v2  }
0x328: {  	s6 =	sor.u32 s23, s3;
	v2 =	vld [tilespmem:s5+$0x10480];
	s5 =	sor.u32 $0x15480, s24;
	v20 =	vadd.f32 v20, v18;
	[tilespmem:s17+$0x0] =	vst v5;
	v23 =	vshll.u32 v13, $0x10  }
0x329: {  	s0 =	sor.u32 $0x18080, s10;
	v5 =	vadd.f32 v19, v19;
	v19 =	vld.idx.msk [tilespmem:v1+s30+$0x0], $0xffff;
	s7 =	sor.u32 s23, s5;
	[tilespmem:s6+$0x0] =	vst v4;
	v4 =	vand.u32 $0xFFFF0000, v13;
	v13 =	vadd.f32 v23, v10  }
0x32a: {  	s2 =	sor.u32 $0x18480, s10;
	s8 =	sor.u32 s9, s0;
	v23 =	vshll.u32 v21, $0x10;
	[tilespmem:s7+$0x0] =	vst v20;
	v20 =	vadd.f32 v4, v10  }
0x32b: {  	s11 =	sor.u32 s9, s2;
	v4 =	vadd.f32 v12, v12;
	v12 =	vld.idx.msk [tilespmem:v7+s22+$0x0], $0xffff;
	v21 =	vand.u32 $0xFFFF0000, v21;
	v23 =	vadd.f32 v23, v5;
	[tilespmem:s8+$0x0] =	vst v13  }
0x32c: {  	s16 =	sor.u32 s21, s3;
	v57 =	vld.idx.msk [tilespmem:v17+s29+$0x0], $0xffff;
	v21 =	vadd.f32 v21, v5;
	v13 =	vshll.u32 v22, $0x10;
	[tilespmem:s11+$0x0] =	vst v20  }
0x32d: {  	s17 =	sor.u32 s21, s5;
	v2 =	vadd.f32 v2, v2;
	v20 =	vand.u32 $0xFFFF0000, v22;
	[tilespmem:s16+$0x0] =	vst v23;
	v13 =	vadd.f32 v13, v4  }
0x32e: {  	s15 =	simm.s32 $0xE070;
	s8 =	sor.u32 s26, s3;
	v22 =	vshll.u32 v19, $0x10;
	v20 =	vadd.f32 v20, v4;
	[tilespmem:s17+$0x0] =	vst v21  }
0x32f: {  	v19 =	vand.u32 $0xFFFF0000, v19;
	s11 =	sor.u32 s26, s5;
	v11 =	vld.idx.msk [tilespmem:v11+s15+$0x0], $0xffff;
	v21 =	vadd.f32 v22, v2;
	[tilespmem:s8+$0x0] =	vst v13  }
0x330: {  	s3 =	sor.u32 s19, s3;
	v19 =	vadd.f32 v19, v2;
	v13 =	vshll.u32 v12, $0x10;
	[tilespmem:s11+$0x0] =	vst v20  }
0x331: {  	s5 =	sor.u32 s19, s5;
	v13 =	vadd.f32 v13, v9;
	[tilespmem:s3+$0x0] =	vst v21;
	v20 =	vshll.u32 v57, $0x10  }
0x332: {  	s16 =	sor.u32 s12, s1;
	v22 =	vld.idx.msk [tilespmem:v16+s29+$0x0], $0xffff;
	[tilespmem:s5+$0x0] =	vst v19;
	s5 =	sor.u32 $0x15880, s24;
	v19 =	vand.u32 $0xFFFF0000, v57;
	v20 =	vadd.f32 v20, v18  }
0x333: {  	s6 =	sor.u32 $0x15C80, s24;
	s17 =	sor.u32 s23, s5;
	v19 =	vadd.f32 v19, v18;
	[tilespmem:s16+$0x0] =	vst v13  }
0x334: {  	s8 =	sor.u32 s23, s6;
	v21 =	vld.idx.msk [tilespmem:v3+s29+$0x0], $0xffff;
	v13 =	vshll.u32 v11, $0x10;
	[tilespmem:s17+$0x0] =	vst v20  }
0x335: {  	s3 =	sor.u32 $0x18880, s10;
	v13 =	vadd.f32 v13, v10;
	[tilespmem:s8+$0x0] =	vst v19  }
0x336: {  	v23 =	vld.idx.msk [tilespmem:v1+s29+$0x0], $0xffff;
	v11 =	vand.u32 $0xFFFF0000, v11;
	s8 =	sor.u32 $0x18C80, s10;
	[smem:$0x7DB] =	sst s10;
	s10 =	sor.u32 s9, s3  }
0x337: {  	v20 =	vshll.u32 v22, $0x10;
	v10 =	vadd.f32 v11, v10;
	[tilespmem:s10+$0x0] =	vst v13  }
0x338: {  	v11 =	vand.u32 $0xFFFF0000, v22;
	v19 =	vadd.f32 v20, v5;
	s11 =	sor.u32 s9, s8;
	[smem:$0x7DC] =	sst s9  }
0x339: {  	s16 =	sor.u32 s21, s5;
	v11 =	vadd.f32 v11, v5;
	v20 =	vshll.u32 v21, $0x10;
	v13 =	vld.idx.msk [tilespmem:v17+s14+$0x0], $0xffff;
	[tilespmem:s11+$0x0] =	vst v10  }
0x33a: {  	s17 =	sor.u32 s21, s6;
	v10 =	vand.u32 $0xFFFF0000, v21;
	[tilespmem:s16+$0x0] =	vst v19;
	v19 =	vadd.f32 v20, v4;
	v20 =	vld.idx.msk [tilespmem:v15+s22+$0x0], $0xffff  }
0x33b: {  	s10 =	sor.u32 s26, s5;
	v21 =	vshll.u32 v23, $0x10;
	v10 =	vadd.f32 v10, v4;
	[tilespmem:s17+$0x0] =	vst v11  }
0x33c: {  	s11 =	sor.u32 s26, s6;
	v11 =	vand.u32 $0xFFFF0000, v23;
	v21 =	vadd.f32 v21, v2;
	[tilespmem:s10+$0x0] =	vst v19  }
0x33d: {  	v12 =	vand.u32 $0xFFFF0000, v12;
	s5 =	sor.u32 s19, s5;
	v11 =	vadd.f32 v11, v2;
	v19 =	vld.idx.msk [tilespmem:v16+s14+$0x0], $0xffff;
	[tilespmem:s11+$0x0] =	vst v10  }
0x33e: {  	s6 =	sor.u32 s19, s6;
	v10 =	vadd.f32 v12, v9;
	[tilespmem:s5+$0x0] =	vst v21;
	v12 =	vshll.u32 v13, $0x10  }
0x33f: {  	s16 =	sor.u32 s12, s4;
	v21 =	vld.idx.msk [tilespmem:v3+s14+$0x0], $0xffff;
	[tilespmem:s6+$0x0] =	vst v11;
	s6 =	sor.u32 $0x16080, s24;
	v11 =	vand.u32 $0xFFFF0000, v13;
	v13 =	vshll.u32 v20, $0x10;
	v12 =	vadd.f32 v12, v18  }
0x340: {  	s17 =	sor.u32 s23, s6;
	[tilespmem:s16+$0x0] =	vst v10;
	v10 =	vand.u32 $0xFFFF0000, v20;
	v20 =	vld.idx.msk [tilespmem:v1+s14+$0x0], $0xffff;
	v13 =	vadd.f32 v13, v14  }
0x341: {  	s7 =	sor.u32 $0x16480, s24;
	s1 =	sor.u32 s18, s1;
	v11 =	vadd.f32 v11, v18;
	[tilespmem:s17+$0x0] =	vst v12  }
0x342: {  	s9 =	sor.u32 s23, s7;
	v10 =	vadd.f32 v10, v14;
	v12 =	vshll.u32 v19, $0x10;
	[tilespmem:s1+$0x0] =	vst v13  }
0x343: {  	s4 =	sor.u32 s18, s4;
	v19 =	vand.u32 $0xFFFF0000, v19;
	[tilespmem:s9+$0x0] =	vst v11;
	v11 =	vld.idx.msk [tilespmem:v6+s25+$0x0], $0xffff;
	v12 =	vadd.f32 v12, v5  }
0x344: {  	s10 =	sor.u32 s21, s6;
	v13 =	vadd.f32 v19, v5;
	v22 =	vshll.u32 v21, $0x10;
	[tilespmem:s4+$0x0] =	vst v10;
	v19 =	vld.idx.msk [tilespmem:v17+s28+$0x0], $0xffff  }
0x345: {  	s11 =	sor.u32 s21, s7;
	v10 =	vand.u32 $0xFFFF0000, v21;
	v21 =	vshll.u32 v20, $0x10;
	[tilespmem:s10+$0x0] =	vst v12;
	v12 =	vadd.f32 v22, v4  }
0x346: {  	s16 =	sor.u32 s26, s6;
	v21 =	vadd.f32 v21, v2;
	[tilespmem:s11+$0x0] =	vst v13  }
0x347: {  	s5 =	sor.u32 s19, s6;
	v10 =	vadd.f32 v10, v4;
	v20 =	vand.u32 $0xFFFF0000, v20;
	v13 =	vld.idx.msk [tilespmem:v7+s25+$0x0], $0xffff;
	[tilespmem:s16+$0x0] =	vst v12  }
0x348: {  	s17 =	sor.u32 s26, s7;
	v20 =	vadd.f32 v20, v2;
	v22 =	vld.idx.msk [tilespmem:v16+s28+$0x0], $0xffff;
	[tilespmem:s5+$0x0] =	vst v21;
	v12 =	vshll.u32 v11, $0x10  }
0x349: {  	s6 =	sor.u32 s19, s7;
	[tilespmem:s17+$0x0] =	vst v10;
	v10 =	vadd.f32 v12, v8;
	v12 =	vshll.u32 v19, $0x10  }
0x34a: {  	s7 =	sor.u32 s13, s0;
	s4 =	sor.u32 $0x16880, s24;
	[tilespmem:s6+$0x0] =	vst v20;
	v21 =	vld.idx.msk [tilespmem:v3+s28+$0x0], $0xffff;
	v19 =	vand.u32 $0xFFFF0000, v19;
	v12 =	vadd.f32 v12, v18  }
0x34b: {  	s9 =	sor.u32 s23, s4;
	s5 =	sor.u32 $0x16C80, s24;
	v11 =	vand.u32 $0xFFFF0000, v11;
	v19 =	vadd.f32 v19, v18;
	[tilespmem:s7+$0x0] =	vst v10  }
0x34c: {  	s10 =	sor.u32 s23, s5;
	v20 =	vld.idx.msk [tilespmem:v1+s28+$0x0], $0xffff;
	v10 =	vadd.f32 v11, v8;
	v11 =	vshll.u32 v13, $0x10;
	[tilespmem:s9+$0x0] =	vst v12  }
0x34d: {  	s11 =	sor.u32 s13, s2;
	v11 =	vadd.f32 v11, v9;
	v12 =	vshll.u32 v22, $0x10;
	[tilespmem:s10+$0x0] =	vst v19  }
0x34e: {  	s16 =	sor.u32 s12, s0;
	v19 =	vand.u32 $0xFFFF0000, v22;
	v12 =	vadd.f32 v12, v5;
	[tilespmem:s11+$0x0] =	vst v10  }
0x34f: {  	s17 =	sor.u32 s21, s4;
	v10 =	vadd.f32 v19, v5;
	v19 =	vld.idx.msk [tilespmem:v17+s20+$0x0], $0xffff;
	v22 =	vshll.u32 v21, $0x10;
	[tilespmem:s16+$0x0] =	vst v11  }
0x350: {  	s7 =	sor.u32 s21, s5;
	v11 =	vand.u32 $0xFFFF0000, v21;
	[tilespmem:s17+$0x0] =	vst v12;
	v12 =	vadd.f32 v22, v4  }
0x351: {  	s9 =	sor.u32 s26, s4;
	v21 =	vld.idx.msk [tilespmem:v15+s25+$0x0], $0xffff;
	v11 =	vadd.f32 v11, v4;
	v22 =	vshll.u32 v20, $0x10;
	[tilespmem:s7+$0x0] =	vst v10  }
0x352: {  	s10 =	sor.u32 s26, s5;
	s11 =	simm.s32 $0x80;
	v10 =	vand.u32 $0xFFFF0000, v20;
	v20 =	vadd.f32 v22, v2;
	[tilespmem:s9+$0x0] =	vst v12  }
0x353: {  	s31 =	simm.s32 $0x100;
	s4 =	sor.u32 s19, s4;
	s1 =	sand.u32 $0x40, s11;
	v12 =	vand.u32 $0xFFFF0000, v13;
	v10 =	vadd.f32 v10, v2;
	v13 =	vld.idx.msk [tilespmem:v16+s20+$0x0], $0xffff;
	[tilespmem:s10+$0x0] =	vst v11  }
0x354: {  	s5 =	sor.u32 s19, s5;
	s11 =	sand.u32 $0x300, s31;
	s17 =	sor.u32 $0x30, s1;
	v11 =	vadd.f32 v12, v9;
	[tilespmem:s4+$0x0] =	vst v20;
	v12 =	vshll.u32 v19, $0x10  }
0x355: {  	s16 =	sor.u32 s12, s2;
	s9 =	sor.u32 $0x17080, s24;
	v20 =	vld.idx.msk [tilespmem:v3+s20+$0x0], $0xffff;
	[tilespmem:s5+$0x0] =	vst v10;
	v10 =	vand.u32 $0xFFFF0000, v19;
	s5 =	sor.u32 s17, s11;
	v12 =	vadd.f32 v12, v18  }
0x356: {  	s10 =	sor.u32 $0x17480, s24;
	s6 =	sor.u32 s23, s9;
	v19 =	vshll.u32 v21, $0x10;
	v10 =	vadd.f32 v10, v18;
	[tilespmem:s16+$0x0] =	vst v11;
	v11 =	vld [tilespmem:s5+$0x10C80]  }
0x357: {  	v21 =	vand.u32 $0xFFFF0000, v21;
	s7 =	sor.u32 s23, s10;
	v19 =	vadd.f32 v19, v14;
	v22 =	vld.idx.msk [tilespmem:v1+s20+$0x0], $0xffff;
	[tilespmem:s6+$0x0] =	vst v12  }
0x358: {  	s16 =	sor.u32 $0x10, s1;
	s6 =	sor.u32 s18, s0;
	v12 =	vadd.f32 v21, v14;
	v21 =	vshll.u32 v13, $0x10;
	[tilespmem:s7+$0x0] =	vst v10  }
0x359: {  	s2 =	sor.u32 s18, s2;
	s0 =	sor.u32 s16, s11;
	v10 =	vand.u32 $0xFFFF0000, v13;
	v13 =	vadd.f32 v21, v5;
	[tilespmem:s6+$0x0] =	vst v19;
	v21 =	vld.idx.msk [tilespmem:v17+s22+$0x0], $0xffff  }
0x35a: {  	s7 =	sor.u32 s21, s9;
	v19 =	vld [tilespmem:s0+$0x10C80];
	v10 =	vadd.f32 v10, v5;
	v23 =	vshll.u32 v20, $0x10;
	[tilespmem:s2+$0x0] =	vst v12  }
0x35b: {  	v12 =	vld.idx.msk [tilespmem:v6+s15+$0x0], $0xffff;
	v6 =	vand.u32 $0xFFFF0000, v20;
	[tilespmem:s7+$0x0] =	vst v13;
	s7 =	sor.u32 s21, s10;
	v13 =	vadd.f32 v23, v4  }
0x35c: {  	s6 =	sor.u32 $0x20, s1;
	v11 =	vshll.u32 v11, $0x4;
	v20 =	vadd.f32 v6, v4;
	v23 =	vshll.u32 v22, $0x10;
	[tilespmem:s7+$0x0] =	vst v10;
	s7 =	sor.u32 s26, s9  }
0x35d: {  	s4 =	sor.u32 s26, s10;
	s2 =	sor.u32 s6, s11;
	v6 =	vor.u32 v0, v11;
	v11 =	vld.idx.msk [tilespmem:v7+s15+$0x0], $0xffff;
	v7 =	vand.u32 $0xFFFF0000, v22;
	[tilespmem:s7+$0x0] =	vst v13;
	v13 =	vadd.f32 v23, v2  }
0x35e: {  	v10 =	vld [tilespmem:s2+$0x10C80];
	s9 =	sor.u32 s19, s9;
	s7 =	sor.u32 s1, s11;
	v7 =	vadd.f32 v7, v2;
	[tilespmem:s4+$0x0] =	vst v20;
	v22 =	vshll.u32 v21, $0x10  }
0x35f: {  	s10 =	sor.u32 s19, s10;
	v20 =	vld [tilespmem:s7+$0x10C80];
	v19 =	vshll.u32 v19, $0x4;
	s4 =	sor.u32 $0x17880, s24;
	[tilespmem:s9+$0x0] =	vst v13;
	v21 =	vand.u32 $0xFFFF0000, v21;
	v22 =	vadd.f32 v22, v18  }
0x360: {  	v23 =	vshll.u32 v12, $0x10;
	[tilespmem:s10+$0x0] =	vst v7;
	v7 =	vor.u32 v0, v19;
	v19 =	vld [tilespmem:s5+$0x10480];
	s5 =	sor.u32 $0x17C80, s24;
	s10 =	sor.u32 s23, s4;
	v21 =	vadd.f32 v21, v18  }
0x361: {  	v13 =	vld.idx.msk [tilespmem:v16+s22+$0x0], $0xffff;
	v23 =	vadd.f32 v23, v8;
	[tilespmem:s10+$0x0] =	vst v22;
	s10 =	sor.u32 s23, s5  }
0x362: {  	v12 =	vand.u32 $0xFFFF0000, v12;
	[tilespmem:s10+$0x0] =	vst v21;
	s10 =	sor.u32 s13, s3  }
0x363: {  	v10 =	vshll.u32 v10, $0x4;
	v58 =	vld.idx.msk [tilespmem:v6+s30+$0x0], $0xffff;
	v21 =	vadd.f32 v12, v8;
	[tilespmem:s10+$0x0] =	vst v23  }
0x364: {  	v8 =	vshll.u32 v11, $0x10;
	v12 =	vor.u32 v0, v10;
	[smem:$0x7DD] =	sst s13;
	s13 =	sor.u32 s13, s8  }
0x365: {  	v10 =	vand.u32 $0xFFFF0000, v11;
	v11 =	vadd.f32 v8, v9;
	v8 =	vshll.u32 v20, $0x4;
	v20 =	vld.idx.msk [tilespmem:v17+s25+$0x0], $0xffff;
	[tilespmem:s13+$0x0] =	vst v21  }
0x366: {  	s10 =	sor.u32 s12, s3;
	v10 =	vadd.f32 v10, v9;
	v8 =	vor.u32 v0, v8;
	v22 =	vld [tilespmem:s0+$0x10480];
	v21 =	vshll.u32 v13, $0x10;
	[smem:$0x7DE] =	sst s12  }
0x367: {  	v9 =	vadd.f32 v19, v19;
	s13 =	sor.u32 s12, s8;
	[tilespmem:s10+$0x0] =	vst v11;
	v23 =	vld.idx.msk [tilespmem:v7+s30+$0x0], $0xffff;
	v11 =	vand.u32 $0xFFFF0000, v13;
	v13 =	vadd.f32 v21, v5  }
0x368: {  	v19 =	vld [tilespmem:s2+$0x10480];
	s2 =	sor.u32 s21, s4;
	[tilespmem:s13+$0x0] =	vst v10;
	v10 =	vshll.u32 v58, $0x10;
	v11 =	vadd.f32 v11, v5  }
0x369: {  	s9 =	sor.u32 $0x15080, s11;
	v24 =	vand.u32 $0xFFFF0000, v58;
	s10 =	sor.u32 s21, s5;
	v21 =	vld.idx.msk [tilespmem:v12+s30+$0x0], $0xffff;
	v10 =	vadd.f32 v10, v9;
	[tilespmem:s2+$0x0] =	vst v13  }
0x36a: {  	s12 =	sor.u32 s17, s9;
	v24 =	vadd.f32 v24, v9;
	v25 =	vld [tilespmem:s7+$0x10480];
	s7 =	sor.u32 $0x15480, s11;
	[tilespmem:s10+$0x0] =	vst v11;
	v11 =	vshll.u32 v20, $0x10  }
0x36b: {  	s13 =	sor.u32 s17, s7;
	s2 =	sor.u32 $0x18080, s24;
	v13 =	vadd.f32 v22, v22;
	v22 =	vld.idx.msk [tilespmem:v8+s30+$0x0], $0xffff;
	[tilespmem:s12+$0x0] =	vst v10;
	v10 =	vand.u32 $0xFFFF0000, v20;
	v11 =	vadd.f32 v11, v18  }
0x36c: {  	s0 =	sor.u32 $0x18480, s24;
	s30 =	sor.u32 s23, s2;
	v20 =	vshll.u32 v23, $0x10;
	[tilespmem:s13+$0x0] =	vst v24;
	v10 =	vadd.f32 v10, v18  }
0x36d: {  	s12 =	sor.u32 s23, s0;
	v23 =	vand.u32 $0xFFFF0000, v23;
	[tilespmem:s30+$0x0] =	vst v11;
	v11 =	vadd.f32 v19, v19;
	v19 =	vld.idx.msk [tilespmem:v3+s22+$0x0], $0xffff;
	v20 =	vadd.f32 v20, v13  }
0x36e: {  	v59 =	vshll.u32 v21, $0x10;
	s13 =	sor.u32 s16, s9;
	v26 =	vld.idx.msk [tilespmem:v6+s29+$0x0], $0xffff;
	v23 =	vadd.f32 v23, v13;
	[tilespmem:s12+$0x0] =	vst v10  }
0x36f: {  	s30 =	sor.u32 s16, s7;
	v10 =	vadd.f32 v25, v25;
	[tilespmem:s13+$0x0] =	vst v20;
	v20 =	vand.u32 $0xFFFF0000, v21;
	v21 =	vadd.f32 v59, v11  }
0x370: {  	s12 =	sor.u32 s6, s9;
	[tilespmem:s30+$0x0] =	vst v23;
	v23 =	vshll.u32 v22, $0x10;
	v20 =	vadd.f32 v20, v11  }
0x371: {  	v17 =	vld.idx.msk [tilespmem:v17+s15+$0x0], $0xffff;
	s13 =	sor.u32 s6, s7;
	[tilespmem:s12+$0x0] =	vst v21;
	v21 =	vand.u32 $0xFFFF0000, v22;
	v22 =	vadd.f32 v23, v10  }
0x372: {  	s9 =	sor.u32 s1, s9;
	[tilespmem:s13+$0x0] =	vst v20;
	v20 =	vshll.u32 v19, $0x10;
	v21 =	vadd.f32 v21, v10  }
0x373: {  	s7 =	sor.u32 s1, s7;
	v20 =	vadd.f32 v20, v4;
	[tilespmem:s9+$0x0] =	vst v22;
	v22 =	vshll.u32 v26, $0x10  }
0x374: {  	s10 =	sor.u32 $0x15880, s11;
	s30 =	sor.u32 s26, s4;
	v23 =	vld.idx.msk [tilespmem:v7+s29+$0x0], $0xffff;
	[tilespmem:s7+$0x0] =	vst v21;
	v21 =	vand.u32 $0xFFFF0000, v26;
	v22 =	vadd.f32 v22, v9  }
0x375: {  	s12 =	sor.u32 $0x15C80, s11;
	s9 =	sor.u32 s17, s10;
	[tilespmem:s30+$0x0] =	vst v20;
	v20 =	vadd.f32 v21, v9  }
0x376: {  	s13 =	sor.u32 s17, s12;
	v60 =	vld.idx.msk [tilespmem:v12+s29+$0x0], $0xffff;
	v21 =	vshll.u32 v17, $0x10;
	[tilespmem:s9+$0x0] =	vst v22  }
0x377: {  	s7 =	sor.u32 $0x18880, s24;
	v21 =	vadd.f32 v21, v18;
	[tilespmem:s13+$0x0] =	vst v20  }
0x378: {  	v17 =	vand.u32 $0xFFFF0000, v17;
	s30 =	sor.u32 s23, s7;
	v22 =	vld.idx.msk [tilespmem:v8+s29+$0x0], $0xffff;
	[smem:$0x7DF] =	sst s24  }
0x379: {  	v17 =	vadd.f32 v17, v18;
	s9 =	sor.u32 $0x18C80, s24;
	v20 =	vshll.u32 v23, $0x10;
	[tilespmem:s30+$0x0] =	vst v21  }
0x37a: {  	v18 =	vand.u32 $0xFFFF0000, v23;
	v20 =	vadd.f32 v20, v13;
	s24 =	sor.u32 s23, s9;
	[smem:$0x7E0] =	sst s23  }
0x37b: {  	v21 =	vshll.u32 v60, $0x10;
	s30 =	sor.u32 s16, s10;
	[tilespmem:s24+$0x0] =	vst v17;
	v17 =	vadd.f32 v18, v13;
	v18 =	vld.idx.msk [tilespmem:v6+s14+$0x0], $0xffff  }
0x37c: {  	v21 =	vadd.f32 v21, v11;
	s23 =	sor.u32 s16, s12;
	[tilespmem:s30+$0x0] =	vst v20;
	v20 =	vand.u32 $0xFFFF0000, v60  }
0x37d: {  	v23 =	vshll.u32 v22, $0x10;
	s24 =	sor.u32 s6, s10;
	v20 =	vadd.f32 v20, v11;
	[tilespmem:s23+$0x0] =	vst v17;
	v17 =	vld.idx.msk [tilespmem:v1+s22+$0x0], $0xffff  }
0x37e: {  	s30 =	sor.u32 s6, s12;
	[tilespmem:s24+$0x0] =	vst v21;
	v21 =	vand.u32 $0xFFFF0000, v22;
	v22 =	vadd.f32 v23, v10  }
0x37f: {  	v19 =	vand.u32 $0xFFFF0000, v19;
	s10 =	sor.u32 s1, s10;
	[tilespmem:s30+$0x0] =	vst v20;
	v20 =	vadd.f32 v21, v10;
	v21 =	vld.idx.msk [tilespmem:v7+s14+$0x0], $0xffff  }
0x380: {  	v19 =	vadd.f32 v19, v4;
	s12 =	sor.u32 s1, s12;
	[tilespmem:s10+$0x0] =	vst v22;
	v22 =	vshll.u32 v18, $0x10  }
0x381: {  	s13 =	sor.u32 s26, s5;
	[tilespmem:s12+$0x0] =	vst v20;
	v20 =	vld.idx.msk [tilespmem:v12+s14+$0x0], $0xffff;
	v18 =	vand.u32 $0xFFFF0000, v18;
	s12 =	sor.u32 $0x16080, s11;
	v22 =	vadd.f32 v22, v9  }
0x382: {  	[tilespmem:s13+$0x0] =	vst v19;
	s10 =	sor.u32 $0x16480, s11;
	v18 =	vadd.f32 v18, v9;
	s22 =	sor.u32 s17, s12;
	v19 =	vshll.u32 v17, $0x10  }
0x383: {  	s23 =	sor.u32 s17, s10;
	v17 =	vand.u32 $0xFFFF0000, v17;
	[tilespmem:s22+$0x0] =	vst v22;
	v19 =	vadd.f32 v19, v2;
	v22 =	vld.idx.msk [tilespmem:v8+s14+$0x0], $0xffff  }
0x384: {  	s4 =	sor.u32 s19, s4;
	v17 =	vadd.f32 v17, v2;
	[tilespmem:s23+$0x0] =	vst v18;
	v18 =	vshll.u32 v21, $0x10  }
0x385: {  	s24 =	sor.u32 s19, s5;
	v21 =	vand.u32 $0xFFFF0000, v21;
	[tilespmem:s4+$0x0] =	vst v19;
	v19 =	vld.idx.msk [tilespmem:v16+s25+$0x0], $0xffff;
	v18 =	vadd.f32 v18, v13  }
0x386: {  	s30 =	sor.u32 s16, s12;
	v23 =	vshll.u32 v20, $0x10;
	[tilespmem:s24+$0x0] =	vst v17;
	v17 =	vadd.f32 v21, v13;
	v21 =	vld.idx.msk [tilespmem:v6+s28+$0x0], $0xffff  }
0x387: {  	s5 =	sor.u32 s16, s10;
	[tilespmem:s30+$0x0] =	vst v18;
	v18 =	vand.u32 $0xFFFF0000, v20;
	v20 =	vadd.f32 v23, v11  }
0x388: {  	s13 =	sor.u32 s6, s12;
	[tilespmem:s5+$0x0] =	vst v17;
	v17 =	vadd.f32 v18, v11;
	v18 =	vshll.u32 v22, $0x10  }
0x389: {  	s14 =	sor.u32 s6, s10;
	v22 =	vand.u32 $0xFFFF0000, v22;
	[tilespmem:s13+$0x0] =	vst v20;
	v18 =	vadd.f32 v18, v10  }
0x38a: {  	s22 =	sor.u32 s1, s12;
	v22 =	vadd.f32 v22, v10;
	[tilespmem:s14+$0x0] =	vst v17;
	v17 =	vshll.u32 v19, $0x10  }
0x38b: {  	s23 =	sor.u32 s1, s10;
	v17 =	vadd.f32 v17, v5;
	[tilespmem:s22+$0x0] =	vst v18;
	v18 =	vshll.u32 v21, $0x10  }
0x38c: {  	s10 =	sor.u32 $0x16880, s11;
	s24 =	sor.u32 s21, s2;
	v20 =	vld.idx.msk [tilespmem:v3+s25+$0x0], $0xffff;
	v21 =	vand.u32 $0xFFFF0000, v21;
	[tilespmem:s23+$0x0] =	vst v22;
	v18 =	vadd.f32 v18, v9  }
0x38d: {  	v15 =	vld.idx.msk [tilespmem:v15+s15+$0x0], $0xffff;
	s4 =	sor.u32 $0x16C80, s11;
	s30 =	sor.u32 s17, s10;
	[tilespmem:s24+$0x0] =	vst v17;
	v17 =	vadd.f32 v21, v9  }
0x38e: {  	s12 =	sor.u32 s17, s4;
	v23 =	vld.idx.msk [tilespmem:v7+s28+$0x0], $0xffff;
	[tilespmem:s30+$0x0] =	vst v18  }
0x38f: {  	s3 =	sor.u32 s18, s3;
	v62 =	vld.idx.msk [tilespmem:v1+s25+$0x0], $0xffff;
	[tilespmem:s12+$0x0] =	vst v17  }
0x390: {  	v19 =	vand.u32 $0xFFFF0000, v19;
	v61 =	vld.idx.msk [tilespmem:v12+s28+$0x0], $0xffff;
	[dreg:$0x9] =	wrdreg s3  }
0x391: {  	s13 =	sor.u32 s18, s8;
	v19 =	vadd.f32 v19, v5;
	v21 =	vshll.u32 v20, $0x10;
	[smem:$0x7E1] =	sst s18  }
0x392: {  	s14 =	sor.u32 s21, s0;
	v22 =	vshll.u32 v15, $0x10;
	v18 =	vand.u32 $0xFFFF0000, v15;
	v17 =	vadd.f32 v21, v4;
	[dreg:$0x8] =	wrdreg s13  }
0x393: {  	s24 =	sor.u32 s19, s2;
	s2 =	sor.u32 s26, s2;
	v15 =	vadd.f32 v22, v14;
	v14 =	vadd.f32 v18, v14;
	v18 =	vshll.u32 v23, $0x10;
	[tilespmem:s14+$0x0] =	vst v19  }
0x394: {  	v18 =	vadd.f32 v18, v13;
	s18 =	sor.u32 s19, s7;
	v19 =	vand.u32 $0xFFFF0000, v20;
	v20 =	vand.u32 $0xFFFF0000, v23;
	[tilespmem:s2+$0x0] =	vst v17  }
0x395: {  	s22 =	sor.u32 s16, s10;
	v22 =	vld.idx.msk [tilespmem:v8+s28+$0x0], $0xffff;
	v17 =	vadd.f32 v20, v13;
	[dreg:$0xd] =	wrdreg s18  }
0x396: {  	s23 =	sor.u32 s16, s4;
	[tilespmem:s22+$0x0] =	vst v18  }
0x397: {  	[tilespmem:s23+$0x0] =	vst v17  }
0x398: {  	s25 =	sor.u32 s19, s9;
	v20 =	vshll.u32 v61, $0x10;
	v21 =	vld.idx.msk [tilespmem:v6+s20+$0x0], $0xffff;
	[smem:$0x7E2] =	sst s19  }
0x399: {  	v63 =	vadd.f32 v20, v11;
	[dreg:$0xe] =	wrdreg s25  }
0x39a: {  	v23 =	vand.u32 $0xFFFF0000, v61;
	s28 =	sor.u32 s6, s10;
	[smem:$0x7E3] =	sst s21  }
0x39b: {  	s29 =	sor.u32 s26, s0;
	s5 =	sor.u32 s21, s7;
	v23 =	vadd.f32 v23, v11;
	[tilespmem:s28+$0x0] =	vst v63  }
0x39c: {  	s8 =	smov.u32 s1;
	s30 =	sor.u32 s6, s4;
	v18 =	vshll.u32 v62, $0x10;
	v17 =	vand.u32 $0xFFFF0000, v62;
	[smem:$0x7E4] =	sst s26  }
0x39d: {  	s12 =	smov.u32 s6;
	s7 =	sor.u32 s26, s7;
	s13 =	smov.u32 s16;
	v20 =	vadd.f32 v18, v2;
	v18 =	vadd.f32 v17, v2;
	v17 =	vld.idx.msk [tilespmem:v16+s15+$0x0], $0xffff;
	v16 =	vshll.u32 v22, $0x10;
	[tilespmem:s30+$0x0] =	vst v23  }
0x39e: {  	s14 =	sor.u32 s19, s0;
	s0 =	sor.u32 s1, s10;
	v23 =	vadd.f32 v16, v10;
	v16 =	vld.idx.msk [tilespmem:v7+s20+$0x0], $0xffff;
	[smem:$0x7E5] =	sst s17  }
0x39f: {  	s10 =	sor.u32 s1, s4;
	s2 =	simm.s32 $0x8;
	[smem:$0x7E6] =	sst s1  }
0x3a0: {  	s4 =	simm.s32 $0xC0;
	s23 =	sor.u32 s21, s9;
	v22 =	vand.u32 $0xFFFF0000, v22;
	[smem:$0x7E7] =	sst s16  }
0x3a1: {  	v19 =	vadd.f32 v19, v4;
	s21 =	sor.u32 s26, s9;
	s15 =	smov.u32 s17;
	v22 =	vadd.f32 v22, v10;
	[smem:$0x7E8] =	sst s6  }
.LBB2_7:
0x3a2: {  	_ =	sdelay $0x1  }
0x3a3: {  	[tilespmem:s0+$0x0] =	vst v23  }
0x3a4: {  	s25 =	sand.u32 $0x40, s4;
	s31 =	sadd.s32 $0x80, s31;
	s9 =	sor.u32 $0x17080, s11;
	v23 =	vld.idx.msk [tilespmem:v12+s20+$0x0], $0xffff;
	[tilespmem:s29+$0x0] =	vst v19;
	v24 =	vshll.u32 v21, $0x10  }
0x3a5: {  	s28 =	sand.u32 $0x300, s31;
	s26 =	sor.u32 $0x30, s25;
	s16 =	sor.u32 s15, s9;
	[tilespmem:s10+$0x0] =	vst v22;
	v21 =	vand.u32 $0xFFFF0000, v21;
	v22 =	vadd.f32 v24, v9  }
0x3a6: {  	s30 =	sor.u32 $0x10, s25;
	s0 =	sor.u32 s26, s28;
	v25 =	vld.idx.msk [tilespmem:v8+s20+$0x0], $0xffff;
	s20 =	sor.u32 $0x17480, s11;
	[tilespmem:s24+$0x0] =	vst v20;
	v21 =	vadd.f32 v21, v9  }
0x3a7: {  	v30 =	vshll.u32 v17, $0x10;
	v17 =	vand.u32 $0xFFFF0000, v17;
	s19 =	sor.u32 s30, s28;
	v19 =	vld [tilespmem:s0+$0x10C80];
	s1 =	sor.u32 s15, s20;
	[tilespmem:s16+$0x0] =	vst v22  }
0x3a8: {  	[dreg:$0x5] =	wrdreg s31;
	s31 =	sor.u32 $0x20, s25;
	v20 =	vld [tilespmem:s19+$0x10C80];
	v24 =	vadd.f32 v30, v5;
	v22 =	vadd.f32 v17, v5;
	v5 =	vmovc v13;
	v13 =	vshll.u32 v16, $0x10;
	[tilespmem:s1+$0x0] =	vst v21;
	s1 =	simm.s32 $0xE070  }
0x3a9: {  	s22 =	sor.u32 s31, s28;
	v16 =	vand.u32 $0xFFFF0000, v16;
	v21 =	vld.idx.msk [tilespmem:v3+s1+$0x0], $0xffff;
	v3 =	vmov v12;
	v12 =	vadd.f32 v13, v5  }
0x3aa: {  	s17 =	sor.u32 s13, s9;
	[tilespmem:s14+$0x0] =	vst v18;
	v18 =	vld [tilespmem:s22+$0x10C80];
	v17 =	vshll.u32 v23, $0x10;
	v13 =	vadd.f32 v16, v5;
	s1 =	simm.s32 $0xA050  }
0x3ab: {  	s18 =	sor.u32 s25, s28;
	s6 =	sor.u32 s13, s20;
	v23 =	vand.u32 $0xFFFF0000, v23;
	v16 =	vld.idx.msk [tilespmem:v6+s1+$0x0], $0xffff;
	[tilespmem:s17+$0x0] =	vst v12;
	v12 =	vadd.f32 v17, v11  }
0x3ac: {  	s3 =	sor.u32 s8, s9;
	s9 =	sor.u32 s12, s9;
	v26 =	vld [tilespmem:s18+$0x10C80];
	v23 =	vadd.f32 v23, v11;
	v17 =	vshll.u32 v19, $0x4;
	v19 =	vshll.u32 v25, $0x10;
	[tilespmem:s6+$0x0] =	vst v13  }
0x3ad: {  	s10 =	sor.u32 s12, s20;
	v25 =	vand.u32 $0xFFFF0000, v25;
	v19 =	vadd.f32 v19, v10;
	v13 =	vld [tilespmem:s19+$0x10480];
	[tilespmem:s9+$0x0] =	vst v12  }
0x3ae: {  	v17 =	vor.u32 v0, v17;
	v25 =	vadd.f32 v25, v10;
	v27 =	vld [tilespmem:s22+$0x10480];
	[tilespmem:s10+$0x0] =	vst v23  }
0x3af: {  	s29 =	sor.u32 s8, s20;
	v20 =	vshll.u32 v20, $0x4;
	v12 =	vshll.u32 v21, $0x10;
	v23 =	vld [tilespmem:s18+$0x10480];
	[tilespmem:s3+$0x0] =	vst v19  }
0x3b0: {  	v19 =	vshll.u32 v16, $0x10;
	v28 =	vadd.f32 v12, v4;
	v12 =	vshll.u32 v18, $0x4;
	[tilespmem:s29+$0x0] =	vst v25;
	v18 =	vld.idx.msk [tilespmem:v7+s1+$0x0], $0xffff  }
0x3b1: {  	s14 =	sor.u32 $0x17880, s11;
	s18 =	sor.u32 $0x17C80, s11;
	v31 =	vand.u32 $0xFFFF0000, v16;
	v16 =	vor.u32 v0, v20;
	v20 =	vld [tilespmem:s0+$0x10480];
	[tilespmem:s5+$0x0] =	vst v24;
	v19 =	vadd.f32 v19, v9  }
0x3b2: {  	s20 =	simm.s32 $0x0;
	v26 =	vshll.u32 v26, $0x4;
	s19 =	sor.u32 s15, s14;
	s3 =	sor.u32 s8, s18;
	v29 =	vld.idx.msk [tilespmem:v3+s1+$0x0], $0xffff;
	v25 =	vadd.f32 v31, v9;
	[tilespmem:s23+$0x0] =	vst v22  }
0x3b3: {  	v32 =	vor.u32 v0, v26;
	v21 =	vand.u32 $0xFFFF0000, v21;
	[dreg:$0x12] =	wrdreg s3;
	s3 =	sor.u32 s15, s18;
	v33 =	vld.idx.msk [tilespmem:v17+s20+$0x0], $0xffff;
	[tilespmem:s19+$0x0] =	vst v19  }
0x3b4: {  	s9 =	rddreg [dreg:$0x9];
	s10 =	simm.s32 $0xC060;
	v21 =	vadd.f32 v21, v4;
	v12 =	vor.u32 v0, v12;
	v22 =	vld.idx.msk [tilespmem:v8+s1+$0x0], $0xffff;
	[tilespmem:s3+$0x0] =	vst v25  }
0x3b5: {  	s17 =	sor.u32 s8, s14;
	[tilespmem:s9+$0x0] =	vst v15;
	v27 =	vadd.f32 v27, v27;
	v19 =	vadd.f32 v23, v23;
	v23 =	vld.idx.msk [tilespmem:v6+s10+$0x0], $0xffff  }
0x3b6: {  	[dreg:$0x10] =	wrdreg s17;
	v4 =	vmov v11;
	[tilespmem:s7+$0x0] =	vst v28;
	v34 =	vld.idx.msk [tilespmem:v16+s20+$0x0], $0xffff;
	v35 =	vshll.u32 v18, $0x10  }
0x3b7: {  	s24 =	sor.u32 s13, s14;
	s17 =	sor.u32 $0x18080, s11;
	[tilespmem:s21+$0x0] =	vst v21;
	s19 =	rddreg [dreg:$0x8];
	v18 =	vand.u32 $0xFFFF0000, v18;
	v20 =	vadd.f32 v20, v20;
	v11 =	vmovc v27;
	v27 =	vadd.f32 v35, v5  }
0x3b8: {  	s6 =	sor.u32 s13, s18;
	s5 =	sor.u32 s12, s14;
	s14 =	rddreg [dreg:$0xd];
	v15 =	vld.idx.msk [tilespmem:v32+s20+$0x0], $0xffff;
	v13 =	vadd.f32 v13, v13;
	[tilespmem:s19+$0x0] =	vst v14;
	v18 =	vadd.f32 v18, v5;
	v36 =	vshll.u32 v33, $0x10  }
0x3b9: {  	s22 =	sor.u32 s12, s18;
	s16 =	smov.u32 s14;
	s23 =	sor.u32 $0x15080, s28;
	v38 =	vshll.u32 v29, $0x10;
	v14 =	vand.u32 $0xFFFF0000, v33;
	v37 =	vadd.f32 v36, v20;
	[tilespmem:s24+$0x0] =	vst v27  }
0x3ba: {  	s1 =	simm.s32 $0xE070;
	s14 =	sor.u32 $0x15480, s28;
	v21 =	vld.idx.msk [tilespmem:v12+s20+$0x0], $0xffff;
	s24 =	sor.u32 s26, s23;
	v14 =	vadd.f32 v14, v20;
	[tilespmem:s6+$0x0] =	vst v18;
	v18 =	vand.u32 $0xFFFF0000, v29;
	v40 =	vshll.u32 v23, $0x10  }
0x3bb: {  	[dreg:$0x9] =	wrdreg s16;
	s0 =	sor.u32 s26, s14;
	s18 =	sor.u32 s30, s23;
	[tilespmem:s24+$0x0] =	vst v37;
	v23 =	vand.u32 $0xFFFF0000, v23;
	v30 =	vshll.u32 v34, $0x10;
	v29 =	vadd.f32 v40, v9  }
0x3bc: {  	v39 =	vld.idx.msk [tilespmem:v1+s1+$0x0], $0xffff;
	s20 =	rddreg [dreg:$0xe];
	s6 =	sor.u32 s15, s17;
	[tilespmem:s0+$0x0] =	vst v14;
	v14 =	vadd.f32 v23, v9;
	v23 =	vadd.f32 v30, v13;
	s0 =	simm.s32 $0x2010  }
0x3bd: {  	s16 =	sor.u32 $0x18480, s11;
	s3 =	sor.u32 s25, s23;
	s21 =	smov.u32 s20;
	v25 =	vand.u32 $0xFFFF0000, v34;
	v31 =	vld.idx.msk [tilespmem:v17+s0+$0x0], $0xffff;
	[tilespmem:s6+$0x0] =	vst v29  }
0x3be: {  	v44 =	vshll.u32 v15, $0x10;
	[dreg:$0x8] =	wrdreg s21;
	s21 =	sor.u32 s31, s23;
	s23 =	sor.u32 s15, s16;
	v42 =	vld.idx.msk [tilespmem:v7+s10+$0x0], $0xffff;
	v25 =	vadd.f32 v25, v13;
	[tilespmem:s18+$0x0] =	vst v23  }
0x3bf: {  	v41 =	vshll.u32 v22, $0x10;
	s20 =	sor.u32 s30, s14;
	v43 =	vshll.u32 v21, $0x10;
	v29 =	vadd.f32 v44, v19;
	[tilespmem:s23+$0x0] =	vst v14  }
0x3c0: {  	v1 =	vmovc v8;
	v8 =	vmovc v32;
	v22 =	vand.u32 $0xFFFF0000, v22;
	v15 =	vand.u32 $0xFFFF0000, v15;
	v14 =	vadd.f32 v43, v11;
	[tilespmem:s20+$0x0] =	vst v25  }
0x3c1: {  	v22 =	vadd.f32 v22, v10;
	v15 =	vadd.f32 v15, v19;
	v21 =	vand.u32 $0xFFFF0000, v21;
	v23 =	vld.idx.msk [tilespmem:v6+s1+$0x0], $0xffff;
	[tilespmem:s3+$0x0] =	vst v29  }
0x3c2: {  	s7 =	sor.u32 s25, s14;
	v27 =	vadd.f32 v38, v4;
	v21 =	vadd.f32 v21, v11;
	v46 =	vld.idx.msk [tilespmem:v16+s0+$0x0], $0xffff;
	[tilespmem:s21+$0x0] =	vst v14  }
0x3c3: {  	v45 =	vshll.u32 v39, $0x10;
	v32 =	vadd.f32 v18, v4;
	v28 =	vand.u32 $0xFFFF0000, v39;
	s6 =	sor.u32 s31, s14;
	[tilespmem:s7+$0x0] =	vst v15  }
0x3c4: {  	s9 =	sor.u32 s13, s16;
	v6 =	vmovc v17;
	v14 =	vshll.u32 v42, $0x10;
	v15 =	vadd.f32 v45, v2;
	[tilespmem:s6+$0x0] =	vst v21;
	v48 =	vshll.u32 v31, $0x10  }
0x3c5: {  	s29 =	sor.u32 s12, s16;
	s19 =	sor.u32 s13, s17;
	s3 =	sor.u32 $0x15880, s28;
	v18 =	vadd.f32 v14, v5;
	v14 =	vand.u32 $0xFFFF0000, v31;
	v47 =	vld.idx.msk [tilespmem:v12+s0+$0x0], $0xffff;
	v26 =	vadd.f32 v48, v20  }
0x3c6: {  	s24 =	sor.u32 s8, s17;
	s7 =	sor.u32 $0x15C80, s28;
	v21 =	vadd.f32 v41, v10;
	v29 =	vld.idx.msk [tilespmem:v8+s0+$0x0], $0xffff;
	s6 =	sor.u32 s26, s3;
	v31 =	vadd.f32 v14, v20;
	[tilespmem:s5+$0x0] =	vst v27;
	v14 =	vshll.u32 v23, $0x10  }
0x3c7: {  	s18 =	sor.u32 s12, s17;
	s17 =	sor.u32 $0x18880, s11;
	s20 =	sor.u32 s26, s7;
	[tilespmem:s6+$0x0] =	vst v26;
	v23 =	vand.u32 $0xFFFF0000, v23;
	v50 =	vshll.u32 v46, $0x10;
	v49 =	vadd.f32 v14, v9  }
0x3c8: {  	s14 =	sor.u32 s8, s16;
	s23 =	sor.u32 s15, s17;
	s6 =	simm.s32 $0x4020;
	v14 =	vadd.f32 v28, v2;
	v2 =	vmovc v10;
	[tilespmem:s20+$0x0] =	vst v31;
	v10 =	vmov v19;
	v19 =	vadd.f32 v50, v13  }
0x3c9: {  	s11 =	sor.u32 $0x18C80, s11;
	s16 =	sor.u32 s25, s3;
	s21 =	sor.u32 s30, s3;
	v51 =	vand.u32 $0xFFFF0000, v46;
	v23 =	vadd.f32 v23, v9;
	v52 =	vld.idx.msk [tilespmem:v6+s6+$0x0], $0xffff;
	[tilespmem:s23+$0x0] =	vst v49  }
0x3ca: {  	s1 =	sor.u32 s25, s7;
	s5 =	sor.u32 s15, s11;
	s15 =	sor.u32 s8, s17;
	v9 =	vmov v20;
	v20 =	vadd.f32 v51, v13;
	v53 =	vshll.u32 v47, $0x10;
	[tilespmem:s21+$0x0] =	vst v19  }
0x3cb: {  	s3 =	sor.u32 s31, s3;
	s0 =	sor.u32 s30, s7;
	[dreg:$0xd] =	wrdreg s15;
	v54 =	vshll.u32 v29, $0x10;
	[tilespmem:s5+$0x0] =	vst v23;
	v19 =	vadd.f32 v53, v11  }
0x3cc: {  	s15 =	smov.u32 s26;
	s20 =	sor.u32 s31, s7;
	s7 =	sor.u32 s12, s17;
	v24 =	vand.u32 $0xFFFF0000, v47;
	[tilespmem:s0+$0x0] =	vst v20;
	v20 =	vadd.f32 v54, v10  }
0x3cd: {  	v55 =	vand.u32 $0xFFFF0000, v29;
	s23 =	sor.u32 s8, s11;
	s21 =	sor.u32 s12, s11;
	s8 =	smov.u32 s25;
	v23 =	vadd.f32 v24, v11;
	[tilespmem:s3+$0x0] =	vst v19  }
0x3ce: {  	v56 =	vadd.f32 v55, v10;
	[dreg:$0xe] =	wrdreg s23;
	s23 =	sor.u32 s13, s11;
	s11 =	smov.u32 s28;
	v57 =	vld.idx.msk [tilespmem:v16+s6+$0x0], $0xffff;
	[tilespmem:s16+$0x0] =	vst v20  }
0x3cf: {  	s12 =	smov.u32 s31;
	s5 =	sor.u32 s13, s17;
	s28 =	sor.u32 $0x16080, s11;
	[tilespmem:s20+$0x0] =	vst v23  }
0x3d0: {  	s13 =	smov.u32 s30;
	s0 =	sor.u32 s12, s28;
	v20 =	vshll.u32 v52, $0x10;
	[tilespmem:s1+$0x0] =	vst v56;
	s1 =	sor.u32 s8, s28;
	v19 =	vld.idx.msk [tilespmem:v12+s6+$0x0], $0xffff  }
0x3d1: {  	v23 =	vand.u32 $0xFFFF0000, v52;
	s20 =	sor.u32 s13, s28;
	v20 =	vadd.f32 v20, v9;
	v24 =	vld.idx.msk [tilespmem:v8+s6+$0x0], $0xffff;
	s6 =	sor.u32 s15, s28;
	[tilespmem:s22+$0x0] =	vst v32;
	s28 =	rddreg [dreg:$0x10]  }
0x3d2: {  	s30 =	sor.u32 $0x16480, s11;
	v23 =	vadd.f32 v23, v9;
	[tilespmem:s28+$0x0] =	vst v21  }
0x3d3: {  	s17 =	sor.u32 s8, s30;
	s22 =	sor.u32 s15, s30;
	[tilespmem:s6+$0x0] =	vst v20;
	v58 =	vshll.u32 v57, $0x10  }
0x3d4: {  	s26 =	sor.u32 s13, s30;
	s3 =	sor.u32 s12, s30;
	s30 =	rddreg [dreg:$0x12];
	v25 =	vand.u32 $0xFFFF0000, v57;
	[tilespmem:s22+$0x0] =	vst v23;
	v23 =	vadd.f32 v58, v13  }
0x3d5: {  	v20 =	vld.idx.msk [tilespmem:v3+s10+$0x0], $0xffff;
	[tilespmem:s30+$0x0] =	vst v22;
	v25 =	vadd.f32 v25, v13  }
0x3d6: {  	s25 =	simm.s32 $0x6030;
	v22 =	vld.idx.msk [tilespmem:v1+s10+$0x0], $0xffff;
	v21 =	vshll.u32 v19, $0x10;
	[tilespmem:s20+$0x0] =	vst v23  }
0x3d7: {  	v59 =	vld.idx.msk [tilespmem:v6+s25+$0x0], $0xffff;
	v19 =	vand.u32 $0xFFFF0000, v19;
	v21 =	vadd.f32 v21, v11;
	[tilespmem:s26+$0x0] =	vst v25  }
0x3d8: {  	v23 =	vshll.u32 v24, $0x10;
	v19 =	vadd.f32 v19, v11;
	v25 =	vld.idx.msk [tilespmem:v16+s25+$0x0], $0xffff;
	[tilespmem:s19+$0x0] =	vst v18  }
0x3d9: {  	v17 =	vand.u32 $0xFFFF0000, v42;
	v23 =	vadd.f32 v23, v10;
	[tilespmem:s0+$0x0] =	vst v21  }
0x3da: {  	v17 =	vadd.f32 v17, v5;
	v24 =	vand.u32 $0xFFFF0000, v24;
	[tilespmem:s3+$0x0] =	vst v19  }
0x3db: {  	v24 =	vadd.f32 v24, v10;
	v21 =	vshll.u32 v20, $0x10;
	[tilespmem:s1+$0x0] =	vst v23;
	v61 =	vshll.u32 v22, $0x10;
	v23 =	vld.idx.msk [tilespmem:v12+s25+$0x0], $0xffff  }
0x3dc: {  	[tilespmem:s9+$0x0] =	vst v17;
	v19 =	vand.u32 $0xFFFF0000, v20;
	v60 =	vadd.f32 v21, v4;
	v20 =	vshll.u32 v59, $0x10  }
0x3dd: {  	v22 =	vand.u32 $0xFFFF0000, v22;
	[tilespmem:s17+$0x0] =	vst v24;
	s3 =	sor.u32 $0x16880, s11;
	v21 =	vand.u32 $0xFFFF0000, v59;
	v20 =	vadd.f32 v20, v9  }
0x3de: {  	s2 =	sadd.s32 $0x4, s2;
	s6 =	sor.u32 $0x16C80, s11;
	v18 =	vadd.f32 v22, v2;
	v24 =	vld.idx.msk [tilespmem:v8+s25+$0x0], $0xffff;
	s17 =	sor.u32 s15, s3;
	v21 =	vadd.f32 v21, v9;
	[tilespmem:s18+$0x0] =	vst v60;
	v22 =	vshll.u32 v25, $0x10  }
0x3df: {  	p1 =	slt.u32 s2, $0x1C;
	s26 =	sor.u32 s15, s6;
	[tilespmem:s17+$0x0] =	vst v20;
	v25 =	vand.u32 $0xFFFF0000, v25;
	v22 =	vadd.f32 v22, v13  }
.Ltmp4:
0x3e0: {  	s30 =	simm.s32 $0xE070;
	s22 =	sor.u32 s13, s3;
	[tilespmem:s26+$0x0] =	vst v21;
	v25 =	vadd.f32 v25, v13;
	v62 =	vshll.u32 v23, $0x10;
	(pc) =	sbr.rel @p1 .LBB2_7-.Ltmp4, $4  }
0x3e1: {  	s28 =	sor.u32 s13, s6;
	v17 =	vld.idx.msk [tilespmem:v7+s30+$0x0], $0xffff;
	v23 =	vand.u32 $0xFFFF0000, v23;
	[tilespmem:s22+$0x0] =	vst v22;
	v26 =	vadd.f32 v62, v11  }
0x3e2: {  	s20 =	simm.s32 $0x8040;
	v19 =	vadd.f32 v19, v4;
	s1 =	sor.u32 s12, s3;
	v63 =	vadd.f32 v23, v11;
	[tilespmem:s28+$0x0] =	vst v25  }
0x3e3: {  	s0 =	sor.u32 s8, s3;
	s3 =	sor.u32 s12, s6;
	v20 =	vadd.f32 v61, v2;
	v21 =	vld.idx.msk [tilespmem:v6+s20+$0x0], $0xffff;
	v22 =	vshll.u32 v24, $0x10;
	v24 =	vand.u32 $0xFFFF0000, v24;
	[tilespmem:s1+$0x0] =	vst v26  }
0x3e4: {  	s4 =	sadd.s32 $0x40, s4;
	s31 =	rddreg [dreg:$0x5];
	s10 =	sor.u32 s8, s6;
	v7 =	vmov v16;
	v23 =	vadd.f32 v22, v10;
	v22 =	vadd.f32 v24, v10;
	v16 =	vld.idx.msk [tilespmem:v16+s20+$0x0], $0xffff;
	[tilespmem:s3+$0x0] =	vst v63  }
0x3e5: {  	_ =	sdelay $0x2  }
0x3e6: {  	[tilespmem:s0+$0x0] =	vst v23;
	v23 =	vshll.u32 v21, $0x10  }
0x3e7: {  	s4 =	sor.u32 $0x17080, s11;
	[tilespmem:s10+$0x0] =	vst v22;
	v22 =	vld.idx.msk [tilespmem:v12+s20+$0x0], $0xffff;
	v21 =	vand.u32 $0xFFFF0000, v21;
	v23 =	vadd.f32 v23, v9  }
0x3e8: {  	[tilespmem:s29+$0x0] =	vst v19;
	s1 =	sor.u32 $0x17480, s11;
	s2 =	sor.u32 s15, s4;
	v19 =	vadd.f32 v21, v9  }
0x3e9: {  	s6 =	sor.u32 s15, s1;
	v21 =	vld.idx.msk [tilespmem:v8+s20+$0x0], $0xffff;
	[tilespmem:s2+$0x0] =	vst v23  }
0x3ea: {  	[tilespmem:s6+$0x0] =	vst v19;
	v19 =	vshll.u32 v16, $0x10  }
0x3eb: {  	[tilespmem:s24+$0x0] =	vst v20;
	s30 =	simm.s32 $0xA050;
	v16 =	vand.u32 $0xFFFF0000, v16;
	v19 =	vadd.f32 v19, v13  }
0x3ec: {  	[tilespmem:s14+$0x0] =	vst v18;
	s9 =	sor.u32 s13, s4;
	v20 =	vshll.u32 v22, $0x10;
	v16 =	vadd.f32 v16, v13;
	v18 =	vld.idx.msk [tilespmem:v6+s30+$0x0], $0xffff  }
0x3ed: {  	s10 =	sor.u32 s13, s1;
	v20 =	vadd.f32 v20, v11;
	[tilespmem:s9+$0x0] =	vst v19;
	v19 =	vand.u32 $0xFFFF0000, v22  }
0x3ee: {  	s14 =	sor.u32 s12, s4;
	[tilespmem:s10+$0x0] =	vst v16;
	v16 =	vadd.f32 v19, v11;
	v19 =	vshll.u32 v21, $0x10  }
0x3ef: {  	s16 =	sor.u32 s12, s1;
	[tilespmem:s14+$0x0] =	vst v20;
	v20 =	vand.u32 $0xFFFF0000, v21;
	v19 =	vadd.f32 v19, v10;
	v21 =	vld.idx.msk [tilespmem:v7+s30+$0x0], $0xffff  }
0x3f0: {  	s0 =	sor.u32 s8, s4;
	v20 =	vadd.f32 v20, v10;
	[tilespmem:s16+$0x0] =	vst v16;
	v16 =	vshll.u32 v17, $0x10  }
0x3f1: {  	s1 =	sor.u32 s8, s1;
	v16 =	vadd.f32 v16, v5;
	[tilespmem:s0+$0x0] =	vst v19;
	v19 =	vshll.u32 v18, $0x10;
	v22 =	vld.idx.msk [tilespmem:v12+s30+$0x0], $0xffff  }
0x3f2: {  	s17 =	sor.u32 $0x17880, s11;
	s22 =	simm.s32 $0xE070;
	v18 =	vand.u32 $0xFFFF0000, v18;
	[tilespmem:s1+$0x0] =	vst v20;
	v19 =	vadd.f32 v19, v9  }
0x3f3: {  	s18 =	sor.u32 $0x17C80, s11;
	v3 =	vld.idx.msk [tilespmem:v3+s22+$0x0], $0xffff;
	s19 =	sor.u32 s15, s17;
	v17 =	vand.u32 $0xFFFF0000, v17;
	[tilespmem:s5+$0x0] =	vst v16;
	v16 =	vadd.f32 v18, v9  }
0x3f4: {  	s24 =	sor.u32 s15, s18;
	v5 =	vadd.f32 v17, v5;
	[tilespmem:s19+$0x0] =	vst v19;
	v17 =	vshll.u32 v21, $0x10  }
0x3f5: {  	v18 =	vand.u32 $0xFFFF0000, v21;
	[tilespmem:s24+$0x0] =	vst v16;
	v16 =	vld.idx.msk [tilespmem:v8+s30+$0x0], $0xffff;
	v17 =	vadd.f32 v17, v13  }
0x3f6: {  	s26 =	sor.u32 s13, s17;
	[tilespmem:s23+$0x0] =	vst v5;
	v5 =	vadd.f32 v18, v13;
	s24 =	simm.s32 $0xC060;
	v18 =	vshll.u32 v22, $0x10  }
0x3f7: {  	s3 =	sor.u32 s13, s18;
	v19 =	vand.u32 $0xFFFF0000, v22;
	[tilespmem:s26+$0x0] =	vst v17;
	v17 =	vld.idx.msk [tilespmem:v6+s24+$0x0], $0xffff;
	v18 =	vadd.f32 v18, v11  }
0x3f8: {  	s4 =	sor.u32 s12, s17;
	v20 =	vshll.u32 v3, $0x10;
	[tilespmem:s3+$0x0] =	vst v5;
	v5 =	vadd.f32 v19, v11  }
0x3f9: {  	v3 =	vand.u32 $0xFFFF0000, v3;
	s5 =	sor.u32 s12, s18;
	v19 =	vadd.f32 v20, v4;
	[tilespmem:s4+$0x0] =	vst v18;
	v18 =	vld.idx.msk [tilespmem:v7+s24+$0x0], $0xffff  }
0x3fa: {  	v3 =	vadd.f32 v3, v4;
	[tilespmem:s5+$0x0] =	vst v5;
	v4 =	vshll.u32 v16, $0x10  }
0x3fb: {  	[tilespmem:s7+$0x0] =	vst v19;
	v5 =	vand.u32 $0xFFFF0000, v16;
	v4 =	vadd.f32 v4, v10;
	v16 =	vld.idx.msk [tilespmem:v12+s24+$0x0], $0xffff  }
0x3fc: {  	s0 =	sor.u32 s8, s17;
	[tilespmem:s21+$0x0] =	vst v3;
	v5 =	vadd.f32 v5, v10;
	v3 =	vshll.u32 v17, $0x10  }
0x3fd: {  	s6 =	sor.u32 $0x18080, s11;
	s1 =	sor.u32 s8, s18;
	v17 =	vand.u32 $0xFFFF0000, v17;
	v3 =	vadd.f32 v3, v9;
	[tilespmem:s0+$0x0] =	vst v4  }
0x3fe: {  	s9 =	sor.u32 s15, s6;
	s7 =	sor.u32 $0x18480, s11;
	v4 =	vadd.f32 v17, v9;
	[tilespmem:s1+$0x0] =	vst v5;
	v5 =	vshll.u32 v18, $0x10  }
0x3ff: {  	s10 =	sor.u32 s15, s7;
	[tilespmem:s9+$0x0] =	vst v3;
	v3 =	vand.u32 $0xFFFF0000, v18;
	v5 =	vadd.f32 v5, v13;
	v17 =	vld.idx.msk [tilespmem:v8+s24+$0x0], $0xffff  }
0x400: {  	s14 =	sor.u32 s13, s6;
	[tilespmem:s10+$0x0] =	vst v4;
	v3 =	vadd.f32 v3, v13;
	v4 =	vshll.u32 v16, $0x10  }
0x401: {  	s16 =	sor.u32 s13, s7;
	[tilespmem:s14+$0x0] =	vst v5;
	v5 =	vld.idx.msk [tilespmem:v6+s22+$0x0], $0xffff;
	v6 =	vand.u32 $0xFFFF0000, v16;
	v4 =	vadd.f32 v4, v11  }
0x402: {  	s17 =	sor.u32 s12, s6;
	[tilespmem:s16+$0x0] =	vst v3;
	v3 =	vadd.f32 v6, v11  }
0x403: {  	s18 =	sor.u32 s12, s7;
	[tilespmem:s17+$0x0] =	vst v4  }
0x404: {  	v4 =	vld.idx.msk [tilespmem:v7+s22+$0x0], $0xffff;
	[tilespmem:s18+$0x0] =	vst v3;
	v3 =	vshll.u32 v17, $0x10  }
0x405: {  	s1 =	rddreg [dreg:$0x9];
	v3 =	vadd.f32 v3, v10  }
0x406: {  	s19 =	sor.u32 s8, s6;
	v6 =	vand.u32 $0xFFFF0000, v17;
	v7 =	vld.idx.msk [tilespmem:v12+s22+$0x0], $0xffff;
	[tilespmem:s1+$0x0] =	vst v15  }
0x407: {  	v6 =	vadd.f32 v6, v10;
	v12 =	vshll.u32 v5, $0x10;
	s1 =	rddreg [dreg:$0x8];
	[tilespmem:s19+$0x0] =	vst v3  }
0x408: {  	s21 =	sor.u32 $0x18880, s11;
	s0 =	sor.u32 s8, s7;
	v3 =	vand.u32 $0xFFFF0000, v5;
	v5 =	vadd.f32 v12, v9;
	[tilespmem:s1+$0x0] =	vst v14  }
0x409: {  	v1 =	vld.idx.msk [tilespmem:v1+s22+$0x0], $0xffff;
	s23 =	sor.u32 $0x18C80, s11;
	s26 =	sor.u32 s15, s21;
	[tilespmem:s0+$0x0] =	vst v6;
	v3 =	vadd.f32 v3, v9;
	v6 =	vshll.u32 v4, $0x10  }
0x40a: {  	s3 =	sor.u32 s15, s23;
	v4 =	vand.u32 $0xFFFF0000, v4;
	[tilespmem:s26+$0x0] =	vst v5;
	v5 =	vadd.f32 v6, v13  }
0x40b: {  	s4 =	sor.u32 s13, s21;
	[tilespmem:s3+$0x0] =	vst v3;
	v3 =	vadd.f32 v4, v13;
	v4 =	vshll.u32 v7, $0x10  }
0x40c: {  	v6 =	vld.idx.msk [tilespmem:v8+s22+$0x0], $0xffff;
	s3 =	sor.u32 s13, s23;
	v7 =	vand.u32 $0xFFFF0000, v7;
	v4 =	vadd.f32 v4, v11;
	[tilespmem:s4+$0x0] =	vst v5  }
0x40d: {  	s5 =	sor.u32 s12, s21;
	[tilespmem:s3+$0x0] =	vst v3;
	v3 =	vadd.f32 v7, v11  }
0x40e: {  	s6 =	sor.u32 s12, s23;
	v5 =	vshll.u32 v1, $0x10;
	[tilespmem:s5+$0x0] =	vst v4  }
0x40f: {  	v5 =	vadd.f32 v5, v2;
	[tilespmem:s6+$0x0] =	vst v3  }
0x410: {  	p1 =	por $0x0, $0x0;
	s0 =	simm.s32 $0x1;
	v1 =	vand.u32 $0xFFFF0000, v1;
	s3 =	rddreg [dreg:$0xd]  }
0x411: {  	s0 =	simm.s32 @!p1 $0x0;
	v1 =	vadd.f32 v1, v2;
	v2 =	vshll.u32 v6, $0x10;
	[tilespmem:s3+$0x0] =	vst v5  }
0x412: {  	s0 =	sshll.u32 s0, $0x6;
	v3 =	vand.u32 $0xFFFF0000, v6;
	v2 =	vadd.f32 v2, v10;
	s3 =	rddreg [dreg:$0xe]  }
0x413: {  	s1 =	sor.u32 s8, s21;
	s0 =	sadd.s32 $0x0, s0;
	[tilespmem:s3+$0x0] =	vst v1;
	v1 =	vadd.f32 v3, v10  }
0x414: {  	s2 =	sor.u32 s8, s23;
	s7 =	sadd.s32 $0x30, s0;
	[tilespmem:s1+$0x0] =	vst v2  }
0x415: {  	s1 =	sor.u32 $0x480, s7;
	[tilespmem:s2+$0x0] =	vst v1  }
0x416: {  	v1 =	vld [tilespmem:s1+$0x10880];
	_ =	sdelay $0x1  }
0x417: {  	s8 =	sadd.s32 $0x10, s0  }
0x418: {  	s2 =	sor.u32 $0x480, s8  }
0x419: {  	s9 =	sadd.s32 $0x20, s0;
	v2 =	vld [tilespmem:s2+$0x10880]  }
0x41a: {  	s3 =	sor.u32 $0x480, s9;
	v1 =	vshll.u32 v1, $0x4  }
0x41b: {  	v3 =	vld [tilespmem:s3+$0x10880];
	v10 =	vor.u32 v0, v1;
	_ =	sdelay $0x2  }
0x41c: {  	v1 =	vshll.u32 v2, $0x4  }
0x41d: {  	s28 =	simm.s32 $0x0;
	v7 =	vor.u32 v0, v1;
	v1 =	vld [tilespmem:s1+$0x10080]  }
0x41e: {  	v2 =	vshll.u32 v3, $0x4;
	v3 =	vld.idx.msk [tilespmem:v10+s28+$0x0], $0xffff;
	_ =	sdelay $0x2  }
0x41f: {  	s8 =	sld [smem:$0x7DB]  }
0x420: {  	s9 =	sld [smem:$0x7DC];
	v9 =	vadd.f32 v1, v1  }
0x421: {  	v5 =	vor.u32 v0, v2;
	v2 =	vld [tilespmem:s2+$0x10080];
	v6 =	vshll.u32 v3, $0x10  }
0x422: {  	s10 =	sadd.s32 $0x15100, s8;
	v11 =	vld.idx.msk [tilespmem:v7+s28+$0x0], $0xffff;
	v3 =	vand.u32 $0xFFFF0000, v3;
	v6 =	vadd.f32 v6, v9  }
0x423: {  	s13 =	sadd.s32 $0x15500, s8;
	s14 =	sor.u32 s9, s10;
	v3 =	vadd.f32 v3, v9  }
0x424: {  	s0 =	sor.u32 $0x480, s0;
	s15 =	sor.u32 s9, s13;
	[tilespmem:s14+$0x0] =	vst v6  }
0x425: {  	v4 =	vld [tilespmem:s0+$0x10880];
	[tilespmem:s15+$0x0] =	vst v3  }
0x426: {  	v1 =	vld [tilespmem:s3+$0x10080];
	v8 =	vadd.f32 v2, v2;
	s12 =	sld [smem:$0x7DD]  }
0x427: {  	v12 =	vld.idx.msk [tilespmem:v5+s28+$0x0], $0xffff;
	v2 =	vshll.u32 v11, $0x10  }
0x428: {  	v2 =	vadd.f32 v2, v8  }
0x429: {  	s16 =	sor.u32 s12, s10  }
0x42a: {  	s31 =	simm.s32 $0x2010;
	v4 =	vshll.u32 v4, $0x4;
	[tilespmem:s16+$0x0] =	vst v2  }
0x42b: {  	v13 =	vor.u32 v0, v4;
	v6 =	vadd.f32 v1, v1;
	v3 =	vld.idx.msk [tilespmem:v10+s31+$0x0], $0xffff;
	s11 =	sld [smem:$0x7DE]  }
0x42c: {  	v1 =	vand.u32 $0xFFFF0000, v11;
	v11 =	vshll.u32 v12, $0x10  }
0x42d: {  	v12 =	vand.u32 $0xFFFF0000, v12;
	v11 =	vadd.f32 v11, v6  }
0x42e: {  	v2 =	vadd.f32 v12, v6;
	s18 =	sor.u32 s11, s10  }
0x42f: {  	v4 =	vld [tilespmem:s0+$0x10080];
	v1 =	vadd.f32 v1, v8;
	s19 =	sor.u32 s11, s13;
	[tilespmem:s18+$0x0] =	vst v11  }
0x430: {  	v14 =	vld.idx.msk [tilespmem:v13+s28+$0x0], $0xffff;
	s17 =	sor.u32 s12, s13;
	[tilespmem:s19+$0x0] =	vst v2;
	v2 =	vshll.u32 v3, $0x10  }
0x431: {  	s21 =	sadd.s32 $0x15900, s8;
	[tilespmem:s17+$0x0] =	vst v1;
	v2 =	vadd.f32 v2, v9  }
0x432: {  	s4 =	sor.u32 s9, s21;
	v1 =	vld.idx.msk [tilespmem:v7+s31+$0x0], $0xffff  }
0x433: {  	[tilespmem:s4+$0x0] =	vst v2  }
0x434: {  	v11 =	vadd.f32 v4, v4;
	v3 =	vand.u32 $0xFFFF0000, v3;
	v4 =	vld.idx.msk [tilespmem:v5+s31+$0x0], $0xffff;
	s16 =	sld [smem:$0x7E1]  }
0x435: {  	s23 =	sadd.s32 $0x15D00, s8;
	v12 =	vshll.u32 v14, $0x10;
	v3 =	vadd.f32 v3, v9  }
0x436: {  	s26 =	sor.u32 s9, s23;
	v14 =	vand.u32 $0xFFFF0000, v14;
	v12 =	vadd.f32 v12, v11  }
0x437: {  	v2 =	vadd.f32 v14, v11;
	v14 =	vshll.u32 v1, $0x10;
	[tilespmem:s26+$0x0] =	vst v3;
	s1 =	sor.u32 s16, s10;
	s2 =	sor.u32 s16, s13;
	s13 =	simm.s32 $0x4020  }
0x438: {  	v1 =	vand.u32 $0xFFFF0000, v1;
	v3 =	vadd.f32 v14, v8;
	[tilespmem:s1+$0x0] =	vst v12;
	v12 =	vld.idx.msk [tilespmem:v10+s13+$0x0], $0xffff  }
0x439: {  	v1 =	vadd.f32 v1, v8;
	[tilespmem:s2+$0x0] =	vst v2;
	s2 =	sor.u32 s12, s21;
	v2 =	vshll.u32 v4, $0x10  }
0x43a: {  	s4 =	sor.u32 s12, s23;
	v4 =	vand.u32 $0xFFFF0000, v4;
	v14 =	vld.idx.msk [tilespmem:v13+s31+$0x0], $0xffff;
	[tilespmem:s2+$0x0] =	vst v3;
	v2 =	vadd.f32 v2, v6  }
0x43b: {  	s5 =	sor.u32 s11, s21;
	v3 =	vadd.f32 v4, v6;
	[tilespmem:s4+$0x0] =	vst v1  }
0x43c: {  	s6 =	sor.u32 s11, s23;
	v1 =	vld.idx.msk [tilespmem:v7+s13+$0x0], $0xffff;
	[tilespmem:s5+$0x0] =	vst v2  }
0x43d: {  	[tilespmem:s6+$0x0] =	vst v3;
	v2 =	vshll.u32 v12, $0x10  }
0x43e: {  	s7 =	sadd.s32 $0x16100, s8;
	v4 =	vand.u32 $0xFFFF0000, v12;
	v3 =	vld.idx.msk [tilespmem:v5+s13+$0x0], $0xffff;
	v2 =	vadd.f32 v2, v9  }
0x43f: {  	s14 =	sor.u32 s9, s7;
	s10 =	sadd.s32 $0x16500, s8;
	v4 =	vadd.f32 v4, v9;
	v12 =	vshll.u32 v14, $0x10  }
0x440: {  	s15 =	sor.u32 s9, s10;
	v14 =	vand.u32 $0xFFFF0000, v14;
	v12 =	vadd.f32 v12, v11;
	[tilespmem:s14+$0x0] =	vst v2  }
0x441: {  	s0 =	sor.u32 s16, s21;
	v2 =	vadd.f32 v14, v11;
	v14 =	vshll.u32 v1, $0x10;
	[tilespmem:s15+$0x0] =	vst v4  }
0x442: {  	s3 =	sor.u32 s16, s23;
	v1 =	vand.u32 $0xFFFF0000, v1;
	[tilespmem:s0+$0x0] =	vst v12;
	v4 =	vadd.f32 v14, v8;
	v12 =	vld.idx.msk [tilespmem:v10+s25+$0x0], $0xffff  }
0x443: {  	s17 =	sor.u32 s12, s7;
	v1 =	vadd.f32 v1, v8;
	[tilespmem:s3+$0x0] =	vst v2;
	v2 =	vshll.u32 v3, $0x10  }
0x444: {  	s18 =	sor.u32 s12, s10;
	v3 =	vand.u32 $0xFFFF0000, v3;
	v14 =	vld.idx.msk [tilespmem:v13+s13+$0x0], $0xffff;
	[tilespmem:s17+$0x0] =	vst v4;
	v2 =	vadd.f32 v2, v6  }
0x445: {  	s19 =	sor.u32 s11, s7;
	v3 =	vadd.f32 v3, v6;
	[tilespmem:s18+$0x0] =	vst v1  }
0x446: {  	s21 =	sor.u32 s11, s10;
	v1 =	vld.idx.msk [tilespmem:v7+s25+$0x0], $0xffff;
	[tilespmem:s19+$0x0] =	vst v2  }
0x447: {  	[tilespmem:s21+$0x0] =	vst v3;
	v2 =	vshll.u32 v12, $0x10  }
0x448: {  	s23 =	sadd.s32 $0x16900, s8;
	v4 =	vand.u32 $0xFFFF0000, v12;
	v3 =	vld.idx.msk [tilespmem:v5+s25+$0x0], $0xffff;
	v2 =	vadd.f32 v2, v9  }
0x449: {  	s26 =	sadd.s32 $0x16D00, s8;
	s5 =	sor.u32 s9, s23;
	v4 =	vadd.f32 v4, v9;
	v12 =	vshll.u32 v14, $0x10  }
0x44a: {  	s6 =	sor.u32 s9, s26;
	v14 =	vand.u32 $0xFFFF0000, v14;
	v12 =	vadd.f32 v12, v11;
	[tilespmem:s5+$0x0] =	vst v2  }
0x44b: {  	s1 =	sor.u32 s16, s7;
	v2 =	vadd.f32 v14, v11;
	v14 =	vshll.u32 v1, $0x10;
	[tilespmem:s6+$0x0] =	vst v4  }
0x44c: {  	s7 =	sor.u32 s16, s10;
	v1 =	vand.u32 $0xFFFF0000, v1;
	[tilespmem:s1+$0x0] =	vst v12;
	v4 =	vadd.f32 v14, v8;
	v12 =	vld.idx.msk [tilespmem:v10+s20+$0x0], $0xffff  }
0x44d: {  	s10 =	sor.u32 s12, s23;
	v1 =	vadd.f32 v1, v8;
	[tilespmem:s7+$0x0] =	vst v2;
	v2 =	vshll.u32 v3, $0x10  }
0x44e: {  	s14 =	sor.u32 s12, s26;
	v3 =	vand.u32 $0xFFFF0000, v3;
	v14 =	vld.idx.msk [tilespmem:v13+s25+$0x0], $0xffff;
	[tilespmem:s10+$0x0] =	vst v4;
	v2 =	vadd.f32 v2, v6  }
0x44f: {  	p1 =	por !p1, !p1;
	s15 =	sor.u32 s11, s23;
	s1 =	simm.s32 $0x1;
	v3 =	vadd.f32 v3, v6;
	[tilespmem:s14+$0x0] =	vst v1  }
0x450: {  	s17 =	sor.u32 s11, s26;
	s1 =	simm.s32 @!p1 $0x0;
	v1 =	vld.idx.msk [tilespmem:v7+s20+$0x0], $0xffff;
	[tilespmem:s15+$0x0] =	vst v2  }
0x451: {  	s1 =	sshll.u32 s1, $0x6;
	[tilespmem:s17+$0x0] =	vst v3;
	v2 =	vshll.u32 v12, $0x10  }
0x452: {  	s0 =	sadd.s32 $0x17100, s8;
	s1 =	sadd.s32 $0x80, s1;
	v4 =	vand.u32 $0xFFFF0000, v12;
	v3 =	vld.idx.msk [tilespmem:v5+s20+$0x0], $0xffff;
	v2 =	vadd.f32 v2, v9  }
0x453: {  	s2 =	sadd.s32 $0x17500, s8;
	s19 =	sor.u32 s9, s0;
	s18 =	sadd.s32 $0x30, s1;
	v4 =	vadd.f32 v4, v9;
	v12 =	vshll.u32 v14, $0x10  }
0x454: {  	s21 =	sor.u32 s9, s2;
	s6 =	sor.u32 $0x480, s18;
	v14 =	vand.u32 $0xFFFF0000, v14;
	v12 =	vadd.f32 v12, v11;
	[tilespmem:s19+$0x0] =	vst v2  }
0x455: {  	s3 =	sor.u32 s16, s23;
	s23 =	sadd.s32 $0x10, s1;
	v15 =	vld [tilespmem:s6+$0x10880];
	v2 =	vadd.f32 v14, v11;
	v14 =	vshll.u32 v1, $0x10;
	[tilespmem:s21+$0x0] =	vst v4  }
0x456: {  	s4 =	sor.u32 s16, s26;
	s26 =	sor.u32 $0x480, s23;
	v1 =	vand.u32 $0xFFFF0000, v1;
	[tilespmem:s3+$0x0] =	vst v12;
	v4 =	vadd.f32 v14, v8;
	v12 =	vld.idx.msk [tilespmem:v10+s30+$0x0], $0xffff  }
0x457: {  	s10 =	sor.u32 s12, s0;
	v1 =	vadd.f32 v1, v8;
	[tilespmem:s4+$0x0] =	vst v2;
	v2 =	vld [tilespmem:s26+$0x10880];
	v14 =	vshll.u32 v3, $0x10  }
0x458: {  	s15 =	sor.u32 s12, s2;
	v3 =	vand.u32 $0xFFFF0000, v3;
	[tilespmem:s10+$0x0] =	vst v4;
	v4 =	vadd.f32 v14, v6  }
0x459: {  	s17 =	sor.u32 s11, s0;
	v18 =	vld.idx.msk [tilespmem:v13+s20+$0x0], $0xffff;
	v3 =	vadd.f32 v3, v6;
	[tilespmem:s15+$0x0] =	vst v1  }
0x45a: {  	s18 =	sor.u32 s11, s2;
	[tilespmem:s17+$0x0] =	vst v4  }
0x45b: {  	v14 =	vshll.u32 v15, $0x4;
	[tilespmem:s18+$0x0] =	vst v3;
	v3 =	vld.idx.msk [tilespmem:v7+s30+$0x0], $0xffff  }
0x45c: {  	v17 =	vor.u32 v0, v14;
	v4 =	vshll.u32 v12, $0x10;
	v2 =	vshll.u32 v2, $0x4  }
0x45d: {  	s5 =	sadd.s32 $0x17900, s8;
	v12 =	vand.u32 $0xFFFF0000, v12;
	v4 =	vadd.f32 v4, v9;
	v16 =	vor.u32 v0, v2;
	v2 =	vld [tilespmem:s6+$0x10080]  }
0x45e: {  	s19 =	sor.u32 s9, s5;
	s4 =	sadd.s32 $0x17D00, s8;
	v12 =	vadd.f32 v12, v9;
	v19 =	vshll.u32 v18, $0x10  }
0x45f: {  	v21 =	vld [tilespmem:s26+$0x10080];
	s21 =	sor.u32 s9, s4;
	[tilespmem:s19+$0x0] =	vst v4;
	v4 =	vand.u32 $0xFFFF0000, v18;
	v18 =	vadd.f32 v19, v11  }
0x460: {  	s7 =	sadd.s32 $0x20, s1;
	s0 =	sor.u32 s16, s0;
	v14 =	vld.idx.msk [tilespmem:v5+s30+$0x0], $0xffff;
	[tilespmem:s21+$0x0] =	vst v12;
	v4 =	vadd.f32 v4, v11;
	v19 =	vshll.u32 v3, $0x10  }
0x461: {  	s14 =	sor.u32 $0x480, s7;
	s2 =	sor.u32 s16, s2;
	v20 =	vld.idx.msk [tilespmem:v17+s28+$0x0], $0xffff;
	[tilespmem:s0+$0x0] =	vst v18;
	v3 =	vand.u32 $0xFFFF0000, v3;
	v19 =	vadd.f32 v19, v8  }
0x462: {  	s23 =	sor.u32 s12, s5;
	v15 =	vld [tilespmem:s14+$0x10880];
	[tilespmem:s2+$0x0] =	vst v4;
	v18 =	vadd.f32 v2, v2;
	v2 =	vadd.f32 v3, v8  }
0x463: {  	s26 =	sor.u32 s12, s4;
	v12 =	vld.idx.msk [tilespmem:v10+s24+$0x0], $0xffff;
	[tilespmem:s23+$0x0] =	vst v19  }
0x464: {  	s15 =	sld [smem:$0x7DF];
	[tilespmem:s26+$0x0] =	vst v2  }
0x465: {  	s1 =	sor.u32 $0x480, s1;
	v4 =	vshll.u32 v14, $0x10;
	s17 =	sld [smem:$0x7E0]  }
0x466: {  	v1 =	vld [tilespmem:s1+$0x10880];
	v4 =	vadd.f32 v4, v6;
	v23 =	vshll.u32 v20, $0x10  }
0x467: {  	v15 =	vshll.u32 v15, $0x4;
	s6 =	sor.u32 s11, s5;
	v22 =	vld.idx.msk [tilespmem:v16+s28+$0x0], $0xffff;
	v20 =	vand.u32 $0xFFFF0000, v20;
	v23 =	vadd.f32 v23, v18;
	s3 =	sadd.s32 $0x15100, s15  }
0x468: {  	v15 =	vor.u32 v0, v15;
	v2 =	vld [tilespmem:s1+$0x10080];
	v20 =	vadd.f32 v20, v18;
	[tilespmem:s6+$0x0] =	vst v4;
	v24 =	vshll.u32 v12, $0x10;
	s1 =	sadd.s32 $0x15500, s15;
	s7 =	sor.u32 s17, s3  }
0x469: {  	s2 =	sadd.s32 $0x18100, s8;
	s10 =	sor.u32 s17, s1;
	[tilespmem:s7+$0x0] =	vst v23;
	v23 =	vadd.f32 v24, v9  }
0x46a: {  	v3 =	vld [tilespmem:s14+$0x10080];
	s14 =	sor.u32 s9, s2;
	[tilespmem:s10+$0x0] =	vst v20  }
0x46b: {  	[tilespmem:s14+$0x0] =	vst v23  }
0x46c: {  	v1 =	vshll.u32 v1, $0x4;
	v4 =	vadd.f32 v21, v21;
	v12 =	vand.u32 $0xFFFF0000, v12;
	s19 =	sld [smem:$0x7E3]  }
0x46d: {  	v1 =	vor.u32 v0, v1;
	s0 =	sadd.s32 $0x18500, s8;
	v19 =	vld.idx.msk [tilespmem:v15+s28+$0x0], $0xffff;
	v12 =	vadd.f32 v12, v9;
	v24 =	vshll.u32 v22, $0x10  }
0x46e: {  	s18 =	sor.u32 s9, s0;
	v20 =	vand.u32 $0xFFFF0000, v22;
	v22 =	vadd.f32 v24, v4  }
0x46f: {  	[tilespmem:s18+$0x0] =	vst v12;
	s21 =	sor.u32 s19, s3  }
0x470: {  	[tilespmem:s21+$0x0] =	vst v22  }
0x471: {  	v3 =	vadd.f32 v3, v3;
	s21 =	sld [smem:$0x7E4]  }
0x472: {  	v21 =	vld.idx.msk [tilespmem:v1+s28+$0x0], $0xffff;
	v23 =	vshll.u32 v19, $0x10;
	v20 =	vadd.f32 v20, v4  }
0x473: {  	v12 =	vand.u32 $0xFFFF0000, v19;
	v19 =	vadd.f32 v23, v3;
	s23 =	sor.u32 s19, s1  }
0x474: {  	v10 =	vld.idx.msk [tilespmem:v10+s22+$0x0], $0xffff;
	[tilespmem:s23+$0x0] =	vst v20;
	s26 =	sor.u32 s21, s3  }
0x475: {  	v24 =	vld.idx.msk [tilespmem:v17+s31+$0x0], $0xffff;
	v12 =	vadd.f32 v12, v3;
	[tilespmem:s26+$0x0] =	vst v19  }
0x476: {  	v14 =	vand.u32 $0xFFFF0000, v14;
	v2 =	vadd.f32 v2, v2;
	s10 =	sor.u32 s21, s1;
	s18 =	sld [smem:$0x7E2]  }
0x477: {  	v22 =	vshll.u32 v21, $0x10;
	v20 =	vand.u32 $0xFFFF0000, v21;
	[tilespmem:s10+$0x0] =	vst v12;
	v12 =	vadd.f32 v14, v6  }
0x478: {  	s14 =	sor.u32 s11, s4;
	v21 =	vadd.f32 v22, v2;
	v19 =	vadd.f32 v20, v2;
	v20 =	vld.idx.msk [tilespmem:v16+s31+$0x0], $0xffff  }
0x479: {  	[tilespmem:s14+$0x0] =	vst v12;
	v12 =	vshll.u32 v10, $0x10;
	s3 =	sor.u32 s18, s3  }
0x47a: {  	s6 =	sadd.s32 $0x18900, s8;
	v14 =	vshll.u32 v24, $0x10;
	s1 =	sor.u32 s18, s1;
	v12 =	vadd.f32 v12, v9;
	[tilespmem:s3+$0x0] =	vst v21;
	v21 =	vld.idx.msk [tilespmem:v15+s31+$0x0], $0xffff  }
0x47b: {  	s10 =	sor.u32 s9, s6;
	v14 =	vadd.f32 v14, v18;
	[tilespmem:s1+$0x0] =	vst v19;
	s1 =	sadd.s32 $0x15900, s15;
	v19 =	vand.u32 $0xFFFF0000, v24  }
0x47c: {  	s7 =	sadd.s32 $0x15D00, s15;
	v10 =	vand.u32 $0xFFFF0000, v10;
	[tilespmem:s10+$0x0] =	vst v12;
	s23 =	sor.u32 s17, s1;
	v19 =	vadd.f32 v19, v18;
	v22 =	vld.idx.msk [tilespmem:v1+s31+$0x0], $0xffff  }
0x47d: {  	s26 =	sor.u32 s17, s7;
	v9 =	vadd.f32 v10, v9;
	s3 =	sadd.s32 $0x18D00, s8;
	[tilespmem:s23+$0x0] =	vst v14;
	v14 =	vshll.u32 v20, $0x10  }
0x47e: {  	v10 =	vld.idx.msk [tilespmem:v13+s30+$0x0], $0xffff;
	s14 =	sor.u32 s9, s3;
	[tilespmem:s26+$0x0] =	vst v19;
	v19 =	vand.u32 $0xFFFF0000, v20;
	v14 =	vadd.f32 v14, v4  }
0x47f: {  	[tilespmem:s14+$0x0] =	vst v9;
	s23 =	sor.u32 s19, s1;
	v12 =	vadd.f32 v19, v4;
	v19 =	vld.idx.msk [tilespmem:v17+s13+$0x0], $0xffff;
	v20 =	vshll.u32 v21, $0x10  }
0x480: {  	s26 =	sor.u32 s19, s7;
	v9 =	vand.u32 $0xFFFF0000, v21;
	[tilespmem:s23+$0x0] =	vst v14;
	v14 =	vadd.f32 v20, v3  }
0x481: {  	s10 =	sor.u32 s21, s1;
	v9 =	vadd.f32 v9, v3;
	v20 =	vshll.u32 v22, $0x10;
	[tilespmem:s26+$0x0] =	vst v12  }
0x482: {  	s14 =	sor.u32 s21, s7;
	v12 =	vld.idx.msk [tilespmem:v7+s24+$0x0], $0xffff;
	v21 =	vand.u32 $0xFFFF0000, v22;
	v20 =	vadd.f32 v20, v2;
	[tilespmem:s10+$0x0] =	vst v14  }
0x483: {  	s1 =	sor.u32 s18, s1;
	v14 =	vshll.u32 v10, $0x10;
	v21 =	vadd.f32 v21, v2;
	v22 =	vld.idx.msk [tilespmem:v16+s13+$0x0], $0xffff;
	[tilespmem:s14+$0x0] =	vst v9  }
0x484: {  	s7 =	sor.u32 s18, s7;
	v9 =	vadd.f32 v14, v11;
	[tilespmem:s1+$0x0] =	vst v20;
	v14 =	vshll.u32 v19, $0x10  }
0x485: {  	s23 =	sor.u32 s16, s5;
	s5 =	sadd.s32 $0x16100, s15;
	v10 =	vand.u32 $0xFFFF0000, v10;
	v20 =	vld.idx.msk [tilespmem:v15+s13+$0x0], $0xffff;
	[tilespmem:s7+$0x0] =	vst v21;
	v14 =	vadd.f32 v14, v18  }
0x486: {  	s26 =	sor.u32 s17, s5;
	v19 =	vand.u32 $0xFFFF0000, v19;
	[tilespmem:s23+$0x0] =	vst v9;
	v9 =	vadd.f32 v10, v11  }
0x487: {  	s4 =	sor.u32 s16, s4;
	s7 =	sadd.s32 $0x16500, s15;
	v19 =	vadd.f32 v19, v18;
	v10 =	vshll.u32 v12, $0x10;
	v21 =	vld.idx.msk [tilespmem:v1+s13+$0x0], $0xffff;
	[tilespmem:s26+$0x0] =	vst v14  }
0x488: {  	s8 =	sor.u32 s17, s7;
	v10 =	vadd.f32 v10, v8;
	v14 =	vshll.u32 v22, $0x10;
	[tilespmem:s4+$0x0] =	vst v9  }
0x489: {  	s9 =	sor.u32 s12, s2;
	[tilespmem:s8+$0x0] =	vst v19;
	v19 =	vand.u32 $0xFFFF0000, v22;
	v14 =	vadd.f32 v14, v4  }
0x48a: {  	s10 =	sor.u32 s19, s5;
	v9 =	vadd.f32 v19, v4;
	v19 =	vld.idx.msk [tilespmem:v17+s25+$0x0], $0xffff;
	v22 =	vshll.u32 v20, $0x10;
	[tilespmem:s9+$0x0] =	vst v10  }
0x48b: {  	s14 =	sor.u32 s19, s7;
	v10 =	vand.u32 $0xFFFF0000, v20;
	[tilespmem:s10+$0x0] =	vst v14;
	v14 =	vadd.f32 v22, v3  }
0x48c: {  	s23 =	sor.u32 s21, s5;
	v20 =	vld.idx.msk [tilespmem:v5+s24+$0x0], $0xffff;
	v10 =	vadd.f32 v10, v3;
	v22 =	vshll.u32 v21, $0x10;
	[tilespmem:s14+$0x0] =	vst v9  }
0x48d: {  	s26 =	sor.u32 s21, s7;
	v9 =	vand.u32 $0xFFFF0000, v21;
	v21 =	vadd.f32 v22, v2;
	[tilespmem:s23+$0x0] =	vst v14  }
0x48e: {  	s5 =	sor.u32 s18, s5;
	v12 =	vand.u32 $0xFFFF0000, v12;
	v9 =	vadd.f32 v9, v2;
	v14 =	vld.idx.msk [tilespmem:v16+s25+$0x0], $0xffff;
	[tilespmem:s26+$0x0] =	vst v10  }
0x48f: {  	s7 =	sor.u32 s18, s7;
	v10 =	vadd.f32 v12, v8;
	[tilespmem:s5+$0x0] =	vst v21;
	v12 =	vshll.u32 v19, $0x10  }
0x490: {  	s1 =	sadd.s32 $0x16900, s15;
	s8 =	sor.u32 s12, s0;
	v21 =	vld.idx.msk [tilespmem:v15+s25+$0x0], $0xffff;
	[tilespmem:s7+$0x0] =	vst v9;
	v9 =	vand.u32 $0xFFFF0000, v19;
	v12 =	vadd.f32 v12, v18  }
0x491: {  	s9 =	sor.u32 s17, s1;
	s5 =	sadd.s32 $0x16D00, s15;
	v19 =	vshll.u32 v20, $0x10;
	[tilespmem:s8+$0x0] =	vst v10;
	v9 =	vadd.f32 v9, v18  }
0x492: {  	v10 =	vand.u32 $0xFFFF0000, v20;
	s10 =	sor.u32 s17, s5;
	v19 =	vadd.f32 v19, v6;
	v20 =	vld.idx.msk [tilespmem:v1+s25+$0x0], $0xffff;
	[tilespmem:s9+$0x0] =	vst v12  }
0x493: {  	s14 =	sor.u32 s11, s2;
	v10 =	vadd.f32 v10, v6;
	v12 =	vshll.u32 v14, $0x10;
	[tilespmem:s10+$0x0] =	vst v9  }
0x494: {  	s23 =	sor.u32 s11, s0;
	v14 =	vand.u32 $0xFFFF0000, v14;
	v9 =	vld.idx.msk [tilespmem:v13+s24+$0x0], $0xffff;
	v12 =	vadd.f32 v12, v4;
	[tilespmem:s14+$0x0] =	vst v19  }
0x495: {  	s26 =	sor.u32 s19, s1;
	v14 =	vadd.f32 v14, v4;
	v19 =	vld.idx.msk [tilespmem:v17+s20+$0x0], $0xffff;
	v22 =	vshll.u32 v21, $0x10;
	[tilespmem:s23+$0x0] =	vst v10  }
0x496: {  	s8 =	sor.u32 s19, s5;
	v10 =	vand.u32 $0xFFFF0000, v21;
	[tilespmem:s26+$0x0] =	vst v12;
	v12 =	vadd.f32 v22, v3  }
0x497: {  	p1 =	por !p1, !p1;
	s7 =	simm.s32 $0x1;
	s9 =	sor.u32 s21, s1;
	v10 =	vadd.f32 v10, v3;
	v21 =	vshll.u32 v20, $0x10;
	[tilespmem:s8+$0x0] =	vst v14  }
0x498: {  	s7 =	simm.s32 @!p1 $0x0;
	s10 =	sor.u32 s21, s5;
	v14 =	vand.u32 $0xFFFF0000, v20;
	v20 =	vadd.f32 v21, v2;
	[tilespmem:s9+$0x0] =	vst v12  }
0x499: {  	v7 =	vld.idx.msk [tilespmem:v7+s22+$0x0], $0xffff;
	s7 =	sshll.u32 s7, $0x6;
	s1 =	sor.u32 s18, s1;
	v14 =	vadd.f32 v14, v2;
	v12 =	vshll.u32 v9, $0x10;
	[tilespmem:s10+$0x0] =	vst v10  }
0x49a: {  	s7 =	sadd.s32 $0x100, s7;
	s14 =	sor.u32 s18, s5;
	v21 =	vld.idx.msk [tilespmem:v16+s20+$0x0], $0xffff;
	v10 =	vadd.f32 v12, v11;
	[tilespmem:s1+$0x0] =	vst v20;
	v12 =	vshll.u32 v19, $0x10  }
0x49b: {  	s2 =	sor.u32 s16, s2;
	s5 =	sadd.s32 $0x17100, s15;
	s23 =	sadd.s32 $0x30, s7;
	v9 =	vand.u32 $0xFFFF0000, v9;
	[tilespmem:s14+$0x0] =	vst v14;
	v12 =	vadd.f32 v12, v18  }
0x49c: {  	s4 =	sor.u32 $0x480, s23;
	s26 =	sor.u32 s17, s5;
	v20 =	vld.idx.msk [tilespmem:v15+s20+$0x0], $0xffff;
	v9 =	vadd.f32 v9, v11;
	v14 =	vand.u32 $0xFFFF0000, v19;
	[tilespmem:s2+$0x0] =	vst v10  }
0x49d: {  	s0 =	sor.u32 s16, s0;
	s9 =	sadd.s32 $0x10, s7;
	s1 =	sadd.s32 $0x17500, s15;
	v14 =	vadd.f32 v14, v18;
	v10 =	vld [tilespmem:s4+$0x10880];
	[tilespmem:s26+$0x0] =	vst v12  }
0x49e: {  	v19 =	vshll.u32 v7, $0x10;
	s8 =	sor.u32 s17, s1;
	v22 =	vld.idx.msk [tilespmem:v1+s20+$0x0], $0xffff;
	s2 =	sor.u32 $0x480, s9;
	[tilespmem:s0+$0x0] =	vst v9  }
0x49f: {  	v12 =	vadd.f32 v19, v8;
	v19 =	vshll.u32 v21, $0x10;
	v9 =	vld [tilespmem:s2+$0x10880];
	[tilespmem:s8+$0x0] =	vst v14  }
0x4a0: {  	s10 =	sor.u32 s12, s6;
	s14 =	sadd.s32 $0x20, s7;
	v14 =	vand.u32 $0xFFFF0000, v21;
	v19 =	vadd.f32 v19, v4;
	v21 =	vld.idx.msk [tilespmem:v17+s30+$0x0], $0xffff  }
0x4a1: {  	s23 =	sor.u32 s19, s5;
	s8 =	sor.u32 $0x480, s14;
	v14 =	vadd.f32 v14, v4;
	v23 =	vshll.u32 v20, $0x10;
	[tilespmem:s10+$0x0] =	vst v12;
	v12 =	vld.idx.msk [tilespmem:v5+s22+$0x0], $0xffff  }
0x4a2: {  	s26 =	sor.u32 s19, s1;
	v5 =	vand.u32 $0xFFFF0000, v20;
	v20 =	vld [tilespmem:s8+$0x10880];
	[tilespmem:s23+$0x0] =	vst v19;
	v19 =	vadd.f32 v23, v3  }
0x4a3: {  	s14 =	sor.u32 s21, s5;
	v23 =	vadd.f32 v5, v3;
	v10 =	vshll.u32 v10, $0x4;
	v24 =	vshll.u32 v22, $0x10;
	[tilespmem:s26+$0x0] =	vst v14  }
0x4a4: {  	s23 =	sor.u32 s21, s1;
	v14 =	vand.u32 $0xFFFF0000, v22;
	v5 =	vor.u32 v0, v10;
	v22 =	vadd.f32 v24, v2;
	[tilespmem:s14+$0x0] =	vst v19;
	v19 =	vld.idx.msk [tilespmem:v16+s30+$0x0], $0xffff  }
0x4a5: {  	s5 =	sor.u32 s18, s5;
	v14 =	vadd.f32 v14, v2;
	v9 =	vshll.u32 v9, $0x4;
	v24 =	vand.u32 $0xFFFF0000, v7;
	[tilespmem:s23+$0x0] =	vst v23  }
0x4a6: {  	s0 =	sor.u32 $0x480, s7;
	s1 =	sor.u32 s18, s1;
	v7 =	vor.u32 v0, v9;
	v9 =	vld [tilespmem:s4+$0x10080];
	v8 =	vadd.f32 v24, v8;
	v23 =	vshll.u32 v21, $0x10;
	[tilespmem:s5+$0x0] =	vst v22  }
0x4a7: {  	s9 =	sor.u32 s12, s3;
	s7 =	sadd.s32 $0x17900, s15;
	v10 =	vld [tilespmem:s0+$0x10880];
	v21 =	vand.u32 $0xFFFF0000, v21;
	v20 =	vshll.u32 v20, $0x4;
	v23 =	vadd.f32 v23, v18;
	[tilespmem:s1+$0x0] =	vst v14  }
0x4a8: {  	s26 =	sor.u32 s17, s7;
	v22 =	vld.idx.msk [tilespmem:v15+s30+$0x0], $0xffff;
	s5 =	sadd.s32 $0x17D00, s15;
	v21 =	vadd.f32 v21, v18;
	v14 =	vshll.u32 v12, $0x10;
	v12 =	vand.u32 $0xFFFF0000, v12;
	[tilespmem:s9+$0x0] =	vst v8  }
0x4a9: {  	s4 =	sor.u32 s17, s5;
	v12 =	vadd.f32 v12, v6;
	v24 =	vld.idx.msk [tilespmem:v5+s28+$0x0], $0xffff;
	[tilespmem:s26+$0x0] =	vst v23;
	v23 =	vadd.f32 v14, v6;
	v8 =	vshll.u32 v19, $0x10  }
0x4aa: {  	s10 =	sor.u32 s11, s6;
	v14 =	vor.u32 v0, v20;
	v20 =	vld [tilespmem:s2+$0x10080];
	v19 =	vand.u32 $0xFFFF0000, v19;
	[tilespmem:s4+$0x0] =	vst v21;
	v21 =	vadd.f32 v8, v4  }
0x4ab: {  	s11 =	sor.u32 s11, s3;
	v8 =	vadd.f32 v9, v9;
	v9 =	vadd.f32 v19, v4;
	v19 =	vld [tilespmem:s8+$0x10080];
	[tilespmem:s10+$0x0] =	vst v23  }
0x4ac: {  	v6 =	vshll.u32 v10, $0x4;
	s26 =	simm.s32 $0x100;
	v10 =	vld.idx.msk [tilespmem:v17+s24+$0x0], $0xffff;
	[tilespmem:s11+$0x0] =	vst v12  }
0x4ad: {  	s14 =	sor.u32 s19, s7;
	v23 =	vld.idx.msk [tilespmem:v7+s28+$0x0], $0xffff;
	[dreg:$0x6] =	wrdreg s26  }
0x4ae: {  	s23 =	sor.u32 s19, s5;
	[tilespmem:s14+$0x0] =	vst v21  }
0x4af: {  	[tilespmem:s23+$0x0] =	vst v9  }
0x4b0: {  	s12 =	simm.s32 $0x100;
	v12 =	vshll.u32 v22, $0x10;
	s14 =	sld [smem:$0x7E5]  }
0x4b1: {  	s2 =	sand.u32 $0x300, s12;
	v12 =	vadd.f32 v12, v3;
	v25 =	vshll.u32 v24, $0x10  }
0x4b2: {  	s4 =	sor.u32 s21, s7;
	s9 =	sadd.s32 $0x15100, s2;
	v24 =	vand.u32 $0xFFFF0000, v24;
	v25 =	vadd.f32 v25, v8  }
0x4b3: {  	s10 =	sadd.s32 $0x15500, s2;
	v24 =	vadd.f32 v24, v8;
	[tilespmem:s4+$0x0] =	vst v12;
	v26 =	vshll.u32 v10, $0x10;
	s11 =	sor.u32 s14, s9  }
0x4b4: {  	v9 =	vld [tilespmem:s0+$0x10080];
	s0 =	sadd.s32 $0x18100, s15;
	s12 =	sor.u32 s14, s10;
	[tilespmem:s11+$0x0] =	vst v25;
	v25 =	vadd.f32 v26, v18  }
0x4b5: {  	s23 =	sor.u32 s17, s0;
	[tilespmem:s12+$0x0] =	vst v24  }
0x4b6: {  	[tilespmem:s23+$0x0] =	vst v25  }
0x4b7: {  	v12 =	vadd.f32 v20, v20;
	v10 =	vand.u32 $0xFFFF0000, v10;
	s29 =	sld [smem:$0x7E7]  }
0x4b8: {  	v6 =	vor.u32 v0, v6;
	s8 =	sadd.s32 $0x18500, s15;
	v21 =	vld.idx.msk [tilespmem:v14+s28+$0x0], $0xffff;
	v26 =	vshll.u32 v23, $0x10;
	v24 =	vadd.f32 v10, v18  }
0x4b9: {  	s26 =	sor.u32 s17, s8;
	v10 =	vadd.f32 v19, v19;
	v19 =	vand.u32 $0xFFFF0000, v23;
	v23 =	vadd.f32 v26, v12  }
0x4ba: {  	[tilespmem:s26+$0x0] =	vst v24;
	s4 =	sor.u32 s29, s9  }
0x4bb: {  	[tilespmem:s4+$0x0] =	vst v23  }
0x4bc: {  	s26 =	sld [smem:$0x7E8]  }
0x4bd: {  	v20 =	vld.idx.msk [tilespmem:v6+s28+$0x0], $0xffff;
	v25 =	vshll.u32 v21, $0x10;
	v19 =	vadd.f32 v19, v12  }
0x4be: {  	v24 =	vadd.f32 v25, v10;
	s12 =	sor.u32 s29, s10  }
0x4bf: {  	[tilespmem:s12+$0x0] =	vst v19;
	s23 =	sor.u32 s26, s9  }
0x4c0: {  	v26 =	vld.idx.msk [tilespmem:v5+s31+$0x0], $0xffff;
	[tilespmem:s23+$0x0] =	vst v24  }
0x4c1: {  	v9 =	vadd.f32 v9, v9;
	v21 =	vand.u32 $0xFFFF0000, v21;
	s23 =	sld [smem:$0x7E6]  }
0x4c2: {  	v21 =	vadd.f32 v21, v10;
	v17 =	vld.idx.msk [tilespmem:v17+s22+$0x0], $0xffff;
	v23 =	vshll.u32 v20, $0x10  }
0x4c3: {  	v19 =	vand.u32 $0xFFFF0000, v20;
	v20 =	vadd.f32 v23, v9;
	s4 =	sor.u32 s26, s10  }
0x4c4: {  	v22 =	vand.u32 $0xFFFF0000, v22;
	v19 =	vadd.f32 v19, v9;
	v23 =	vld.idx.msk [tilespmem:v7+s31+$0x0], $0xffff;
	[tilespmem:s4+$0x0] =	vst v21;
	s9 =	sor.u32 s23, s9  }
0x4c5: {  	v21 =	vadd.f32 v22, v3;
	s11 =	sor.u32 s23, s10;
	[tilespmem:s9+$0x0] =	vst v20;
	v20 =	vshll.u32 v26, $0x10  }
0x4c6: {  	s1 =	sadd.s32 $0x15900, s2;
	s12 =	sor.u32 s21, s5;
	v22 =	vld.idx.msk [tilespmem:v14+s31+$0x0], $0xffff;
	[tilespmem:s11+$0x0] =	vst v19;
	v19 =	vand.u32 $0xFFFF0000, v26;
	v20 =	vadd.f32 v20, v8  }
0x4c7: {  	s4 =	sor.u32 s14, s1;
	[tilespmem:s12+$0x0] =	vst v21;
	v21 =	vshll.u32 v17, $0x10;
	s11 =	sadd.s32 $0x15D00, s2;
	v19 =	vadd.f32 v19, v8  }
0x4c8: {  	v17 =	vand.u32 $0xFFFF0000, v17;
	s10 =	sadd.s32 $0x18900, s15;
	v24 =	vld.idx.msk [tilespmem:v6+s31+$0x0], $0xffff;
	s12 =	sor.u32 s14, s11;
	[tilespmem:s4+$0x0] =	vst v20;
	v20 =	vadd.f32 v21, v18  }
0x4c9: {  	s15 =	sadd.s32 $0x18D00, s15;
	v17 =	vadd.f32 v17, v18;
	v21 =	vshll.u32 v23, $0x10;
	s4 =	sor.u32 s17, s10;
	[tilespmem:s12+$0x0] =	vst v19  }
0x4ca: {  	v18 =	vld.idx.msk [tilespmem:v1+s30+$0x0], $0xffff;
	v19 =	vand.u32 $0xFFFF0000, v23;
	v21 =	vadd.f32 v21, v12;
	s12 =	sor.u32 s17, s15;
	[tilespmem:s4+$0x0] =	vst v20  }
0x4cb: {  	s17 =	sor.u32 s29, s1;
	v23 =	vshll.u32 v22, $0x10;
	v19 =	vadd.f32 v19, v12;
	v20 =	vld.idx.msk [tilespmem:v5+s13+$0x0], $0xffff;
	[tilespmem:s12+$0x0] =	vst v17  }
0x4cc: {  	s4 =	sor.u32 s29, s11;
	v17 =	vand.u32 $0xFFFF0000, v22;
	[tilespmem:s17+$0x0] =	vst v21;
	v21 =	vadd.f32 v23, v10  }
0x4cd: {  	s17 =	sor.u32 s26, s1;
	v17 =	vadd.f32 v17, v10;
	v22 =	vshll.u32 v24, $0x10;
	[tilespmem:s4+$0x0] =	vst v19  }
0x4ce: {  	v19 =	vld.idx.msk [tilespmem:v16+s24+$0x0], $0xffff;
	s4 =	sor.u32 s26, s11;
	v23 =	vand.u32 $0xFFFF0000, v24;
	v22 =	vadd.f32 v22, v9;
	[tilespmem:s17+$0x0] =	vst v21  }
0x4cf: {  	s1 =	sor.u32 s23, s1;
	v21 =	vshll.u32 v18, $0x10;
	v23 =	vadd.f32 v23, v9;
	v24 =	vld.idx.msk [tilespmem:v7+s13+$0x0], $0xffff;
	[tilespmem:s4+$0x0] =	vst v17  }
0x4d0: {  	s12 =	sor.u32 s23, s11;
	v17 =	vadd.f32 v21, v2;
	[tilespmem:s1+$0x0] =	vst v22;
	v21 =	vshll.u32 v20, $0x10  }
0x4d1: {  	s17 =	sor.u32 s18, s7;
	s7 =	sadd.s32 $0x16100, s2;
	v18 =	vand.u32 $0xFFFF0000, v18;
	v22 =	vld.idx.msk [tilespmem:v14+s13+$0x0], $0xffff;
	[tilespmem:s12+$0x0] =	vst v23;
	v21 =	vadd.f32 v21, v8  }
0x4d2: {  	s4 =	sor.u32 s14, s7;
	v20 =	vand.u32 $0xFFFF0000, v20;
	[tilespmem:s17+$0x0] =	vst v17;
	v17 =	vadd.f32 v18, v2  }
0x4d3: {  	s5 =	sor.u32 s18, s5;
	s9 =	sadd.s32 $0x16500, s2;
	v20 =	vadd.f32 v20, v8;
	v18 =	vshll.u32 v19, $0x10;
	v23 =	vld.idx.msk [tilespmem:v6+s13+$0x0], $0xffff;
	[tilespmem:s4+$0x0] =	vst v21  }
0x4d4: {  	s11 =	sor.u32 s14, s9;
	v18 =	vadd.f32 v18, v4;
	v21 =	vshll.u32 v24, $0x10;
	[tilespmem:s5+$0x0] =	vst v17  }
0x4d5: {  	s12 =	sor.u32 s19, s0;
	[tilespmem:s11+$0x0] =	vst v20;
	v20 =	vand.u32 $0xFFFF0000, v24;
	v21 =	vadd.f32 v21, v12  }
0x4d6: {  	v13 =	vld.idx.msk [tilespmem:v13+s22+$0x0], $0xffff;
	s13 =	sor.u32 s29, s7;
	v17 =	vadd.f32 v20, v12;
	v24 =	vshll.u32 v22, $0x10;
	[tilespmem:s12+$0x0] =	vst v18  }
0x4d7: {  	s17 =	sor.u32 s29, s9;
	v20 =	vld.idx.msk [tilespmem:v5+s25+$0x0], $0xffff;
	v18 =	vand.u32 $0xFFFF0000, v22;
	[tilespmem:s13+$0x0] =	vst v21;
	v21 =	vadd.f32 v24, v10  }
0x4d8: {  	s4 =	sor.u32 s26, s7;
	v22 =	vld.idx.msk [tilespmem:v15+s24+$0x0], $0xffff;
	v18 =	vadd.f32 v18, v10;
	v24 =	vshll.u32 v23, $0x10;
	[tilespmem:s17+$0x0] =	vst v17  }
0x4d9: {  	s11 =	sor.u32 s26, s9;
	v17 =	vand.u32 $0xFFFF0000, v23;
	v23 =	vadd.f32 v24, v9;
	[tilespmem:s4+$0x0] =	vst v21  }
0x4da: {  	v19 =	vand.u32 $0xFFFF0000, v19;
	s12 =	sor.u32 s23, s7;
	[tilespmem:s11+$0x0] =	vst v18  }
0x4db: {  	p1 =	por !p1, !p1;
	s3 =	sor.u32 s16, s3;
	v19 =	vadd.f32 v19, v4;
	v25 =	vld.idx.msk [tilespmem:v1+s24+$0x0], $0xffff;
	[tilespmem:s12+$0x0] =	vst v23  }
0x4dc: {  	s31 =	simm.s32 $0x2010;
	s30 =	sor.u32 s16, s6;
	v17 =	vadd.f32 v17, v9;
	v21 =	vld.idx.msk [tilespmem:v7+s25+$0x0], $0xffff;
	v24 =	vand.u32 $0xFFFF0000, v13;
	v18 =	vshll.u32 v13, $0x10;
	[dreg:$0x7] =	wrdreg s3  }
0x4dd: {  	s16 =	sadd.s32 $0x16D00, s2;
	s6 =	sor.u32 s21, s8;
	s13 =	sor.u32 s23, s9;
	v23 =	vshll.u32 v20, $0x10;
	v13 =	vadd.f32 v18, v11;
	v18 =	vshll.u32 v22, $0x10;
	v26 =	vld.idx.msk [tilespmem:v14+s25+$0x0], $0xffff  }
0x4de: {  	s1 =	sadd.s32 $0x16900, s2;
	s5 =	sor.u32 s18, s0;
	s17 =	sor.u32 s19, s8;
	v18 =	vadd.f32 v18, v3;
	[tilespmem:s13+$0x0] =	vst v17;
	v17 =	vand.u32 $0xFFFF0000, v20;
	v20 =	vadd.f32 v23, v8  }
0x4df: {  	s0 =	sor.u32 s21, s0;
	s7 =	smov.u32 s14;
	s24 =	sor.u32 s14, s1;
	[tilespmem:s17+$0x0] =	vst v19;
	v23 =	vadd.f32 v17, v8;
	v17 =	vadd.f32 v24, v11;
	v11 =	vand.u32 $0xFFFF0000, v22  }
0x4e0: {  	s9 =	simm.s32 $0x8;
	s4 =	sor.u32 s14, s16;
	s14 =	sor.u32 s19, s10;
	v27 =	vld.idx.msk [tilespmem:v6+s25+$0x0], $0xffff;
	[tilespmem:s0+$0x0] =	vst v18;
	v11 =	vadd.f32 v11, v3  }
0x4e1: {  	s11 =	sor.u32 s21, s10;
	s12 =	sor.u32 s18, s8;
	s8 =	sor.u32 s18, s15;
	v19 =	vshll.u32 v25, $0x10;
	v22 =	vand.u32 $0xFFFF0000, v25;
	[tilespmem:s24+$0x0] =	vst v20;
	v20 =	vshll.u32 v21, $0x10  }
0x4e2: {  	s3 =	sor.u32 s18, s10;
	s10 =	sor.u32 s21, s15;
	s13 =	sor.u32 s19, s15;
	v21 =	vand.u32 $0xFFFF0000, v21;
	v20 =	vadd.f32 v20, v12;
	[tilespmem:s6+$0x0] =	vst v11;
	v11 =	vand.u32 $0xFFFF0000, v26  }
0x4e3: {  	s15 =	sor.u32 s23, s1;
	v19 =	vadd.f32 v19, v2;
	v18 =	vld.idx.msk [tilespmem:v16+s22+$0x0], $0xffff;
	s0 =	sor.u32 s23, s16;
	s24 =	sor.u32 s29, s1;
	[tilespmem:s4+$0x0] =	vst v23;
	v21 =	vadd.f32 v21, v12;
	v23 =	vshll.u32 v26, $0x10  }
0x4e4: {  	s25 =	sor.u32 s29, s16;
	s16 =	sor.u32 s26, s16;
	v16 =	vadd.f32 v22, v2;
	s4 =	simm.s32 $0x80;
	[tilespmem:s24+$0x0] =	vst v20;
	v20 =	vld.idx.msk [tilespmem:v5+s20+$0x0], $0xffff;
	v22 =	vadd.f32 v23, v10  }
0x4e5: {  	s20 =	sor.u32 s26, s1;
	v15 =	vld.idx.msk [tilespmem:v15+s22+$0x0], $0xffff;
	s22 =	simm.s32 $0xA050;
	[tilespmem:s25+$0x0] =	vst v21;
	v21 =	vadd.f32 v11, v10;
	v24 =	vshll.u32 v27, $0x10;
	v23 =	vand.u32 $0xFFFF0000, v27;
	s25 =	simm.s32 $0xC060;
	v11 =	vmovc v14  }
.LBB2_9:
0x4e6: {  	s1 =	simm.s32 $0x1  }
0x4e7: {  	v24 =	vadd.f32 v24, v9;
	s6 =	simm.s32 $0x8040;
	s1 =	simm.s32 @!p1 $0x0;
	[tilespmem:s20+$0x0] =	vst v22;
	s20 =	rddreg [dreg:$0x6]  }
0x4e8: {  	v23 =	vadd.f32 v23, v9;
	v25 =	vld.idx.msk [tilespmem:v7+s6+$0x0], $0xffff;
	s1 =	sshll.u32 s1, $0x6;
	[tilespmem:s16+$0x0] =	vst v21;
	s6 =	sadd.s32 $0x80, s20  }
0x4e9: {  	s18 =	simm.s32 $0x8040;
	v22 =	vshll.u32 v18, $0x10;
	v18 =	vand.u32 $0xFFFF0000, v18;
	[tilespmem:s15+$0x0] =	vst v24;
	s1 =	sadd.s32 s1, s6  }
0x4ea: {  	s17 =	sadd.s32 $0x17100, s2;
	v21 =	vadd.f32 v22, v4;
	v18 =	vadd.f32 v18, v4;
	v14 =	vld.idx.msk [tilespmem:v14+s18+$0x0], $0xffff;
	[tilespmem:s0+$0x0] =	vst v23;
	v22 =	vshll.u32 v20, $0x10;
	s24 =	sadd.s32 $0x30, s1  }
0x4eb: {  	s19 =	sor.u32 s7, s17;
	v4 =	vmov v12;
	s21 =	sadd.s32 $0x10, s1;
	v12 =	vand.u32 $0xFFFF0000, v20;
	v20 =	vadd.f32 v22, v8;
	s0 =	sor.u32 $0x480, s24;
	v22 =	vld.idx.msk [tilespmem:v6+s18+$0x0], $0xffff;
	[tilespmem:s5+$0x0] =	vst v19  }
0x4ec: {  	s16 =	sadd.s32 $0x17500, s2;
	s20 =	sadd.s32 $0x20, s1;
	v12 =	vadd.f32 v12, v8;
	v19 =	vshll.u32 v15, $0x10;
	v15 =	vand.u32 $0xFFFF0000, v15;
	s5 =	sor.u32 $0x480, s21;
	v23 =	vld [tilespmem:s0+$0x10880];
	[tilespmem:s12+$0x0] =	vst v16  }
0x4ed: {  	s21 =	sor.u32 s7, s16;
	s15 =	sor.u32 $0x480, s20;
	v19 =	vadd.f32 v19, v3;
	[tilespmem:s19+$0x0] =	vst v20;
	v20 =	vadd.f32 v15, v3;
	v3 =	vmovc v10;
	v10 =	vld [tilespmem:s5+$0x10880];
	v15 =	vshll.u32 v25, $0x10  }
0x4ee: {  	s1 =	sor.u32 $0x480, s1;
	v24 =	vand.u32 $0xFFFF0000, v25;
	v25 =	vld [tilespmem:s15+$0x10880];
	[tilespmem:s21+$0x0] =	vst v12;
	v12 =	vadd.f32 v15, v4  }
0x4ef: {  	s20 =	sor.u32 s29, s17;
	[tilespmem:s14+$0x0] =	vst v21;
	v21 =	vld [tilespmem:s1+$0x10880];
	v15 =	vadd.f32 v24, v4;
	v16 =	vshll.u32 v14, $0x10  }
0x4f0: {  	s21 =	sor.u32 s29, s16;
	v14 =	vand.u32 $0xFFFF0000, v14;
	v24 =	vld.idx.msk [tilespmem:v5+s22+$0x0], $0xffff;
	[tilespmem:s20+$0x0] =	vst v12;
	v12 =	vadd.f32 v16, v3  }
0x4f1: {  	s24 =	sor.u32 s26, s17;
	v14 =	vadd.f32 v14, v3;
	v26 =	vld [tilespmem:s5+$0x10080];
	[tilespmem:s21+$0x0] =	vst v15  }
0x4f2: {  	s18 =	sor.u32 s23, s16;
	v27 =	vld [tilespmem:s15+$0x10080];
	s16 =	sor.u32 s26, s16;
	v16 =	vshll.u32 v23, $0x4;
	v23 =	vshll.u32 v22, $0x10;
	v22 =	vand.u32 $0xFFFF0000, v22;
	[tilespmem:s24+$0x0] =	vst v12  }
0x4f3: {  	v10 =	vshll.u32 v10, $0x4;
	v16 =	vor.u32 v0, v16;
	v23 =	vadd.f32 v23, v9;
	[tilespmem:s16+$0x0] =	vst v14  }
0x4f4: {  	s19 =	sor.u32 s23, s17;
	v15 =	vor.u32 v0, v10;
	v10 =	vadd.f32 v22, v9;
	v22 =	vld.idx.msk [tilespmem:v7+s22+$0x0], $0xffff;
	[tilespmem:s13+$0x0] =	vst v18  }
0x4f5: {  	v28 =	vld [tilespmem:s1+$0x10080];
	v21 =	vshll.u32 v21, $0x4;
	[tilespmem:s19+$0x0] =	vst v23  }
0x4f6: {  	v12 =	vshll.u32 v25, $0x4;
	v21 =	vor.u32 v0, v21;
	v14 =	vshll.u32 v24, $0x10;
	v23 =	vld.idx.msk [tilespmem:v11+s22+$0x0], $0xffff;
	[tilespmem:s11+$0x0] =	vst v19  }
0x4f7: {  	s5 =	sadd.s32 $0x17900, s2;
	v25 =	vld [tilespmem:s0+$0x10080];
	[tilespmem:s18+$0x0] =	vst v10;
	v10 =	vand.u32 $0xFFFF0000, v24;
	v24 =	vadd.f32 v14, v8;
	v14 =	vor.u32 v0, v12  }
0x4f8: {  	s4 =	sadd.s32 $0x40, s4;
	s14 =	sadd.s32 $0x17D00, s2;
	s16 =	sor.u32 s7, s5;
	[tilespmem:s10+$0x0] =	vst v20;
	v29 =	vadd.f32 v10, v8;
	v12 =	vadd.f32 v26, v26;
	v26 =	vld.idx.msk [tilespmem:v16+s28+$0x0], $0xffff  }
0x4f9: {  	s12 =	smov.u32 s8;
	s17 =	sor.u32 s23, s14;
	s19 =	sor.u32 s7, s14;
	v19 =	vld.idx.msk [tilespmem:v6+s22+$0x0], $0xffff;
	[tilespmem:s16+$0x0] =	vst v24  }
0x4fa: {  	[dreg:$0x13] =	wrdreg s17;
	s20 =	sor.u32 s29, s14;
	s21 =	sand.u32 $0x40, s4;
	v10 =	vadd.f32 v27, v27;
	v27 =	vld.idx.msk [tilespmem:v15+s28+$0x0], $0xffff;
	[tilespmem:s19+$0x0] =	vst v29;
	v18 =	vshll.u32 v22, $0x10  }
0x4fb: {  	s15 =	sor.u32 s23, s5;
	s1 =	sor.u32 s26, s5;
	s11 =	rddreg [dreg:$0x7];
	[tilespmem:s30+$0x0] =	vst v13;
	v22 =	vand.u32 $0xFFFF0000, v22;
	v53 =	vld.idx.msk [tilespmem:v5+s25+$0x0], $0xffff;
	v54 =	vadd.f32 v18, v4  }
0x4fc: {  	s24 =	sor.u32 $0x30, s21;
	s0 =	smov.u32 s29;
	s18 =	sor.u32 s29, s5;
	v13 =	vld.idx.msk [tilespmem:v21+s28+$0x0], $0xffff;
	[tilespmem:s11+$0x0] =	vst v17;
	v30 =	vshll.u32 v23, $0x10;
	v18 =	vadd.f32 v25, v25;
	v22 =	vadd.f32 v22, v4  }
0x4fd: {  	s13 =	sor.u32 s26, s14;
	[dreg:$0x7] =	wrdreg s12;
	s22 =	sand.u32 $0x300, s6;
	v25 =	vadd.f32 v30, v3;
	[tilespmem:s18+$0x0] =	vst v54;
	v17 =	vshll.u32 v26, $0x10  }
0x4fe: {  	s14 =	simm.s32 $0xE070;
	s10 =	smov.u32 s3;
	s17 =	sadd.s32 $0x15100, s22;
	v20 =	vld.idx.msk [tilespmem:v14+s28+$0x0], $0xffff;
	v26 =	vand.u32 $0xFFFF0000, v26;
	[tilespmem:s20+$0x0] =	vst v22;
	v17 =	vadd.f32 v17, v18  }
0x4ff: {  	s29 =	simm.s32 $0xC060;
	v24 =	vadd.f32 v28, v28;
	s11 =	sor.u32 s24, s17;
	v55 =	vld.idx.msk [tilespmem:v1+s14+$0x0], $0xffff;
	s20 =	sadd.s32 $0x15500, s22;
	[tilespmem:s1+$0x0] =	vst v25;
	v56 =	vshll.u32 v27, $0x10;
	v22 =	vadd.f32 v26, v18  }
0x500: {  	s30 =	smov.u32 s23;
	s23 =	sor.u32 $0x10, s21;
	v1 =	vmovc v6;
	v6 =	vmovc v21;
	v21 =	vand.u32 $0xFFFF0000, v27;
	s12 =	sor.u32 s24, s20;
	v25 =	vshll.u32 v53, $0x10;
	v27 =	vadd.f32 v56, v12;
	[tilespmem:s11+$0x0] =	vst v17  }
0x501: {  	[dreg:$0x16] =	wrdreg s10;
	s10 =	sadd.s32 $0x18100, s2;
	s16 =	sor.u32 s23, s17;
	v23 =	vand.u32 $0xFFFF0000, v23;
	v26 =	vld.idx.msk [tilespmem:v7+s29+$0x0], $0xffff;
	v17 =	vand.u32 $0xFFFF0000, v53;
	v25 =	vadd.f32 v25, v8;
	[tilespmem:s12+$0x0] =	vst v22  }
0x502: {  	s8 =	sadd.s32 $0x18500, s2;
	s14 =	sor.u32 s7, s10;
	v59 =	vshll.u32 v19, $0x10;
	v21 =	vadd.f32 v21, v12;
	v17 =	vadd.f32 v17, v8;
	[tilespmem:s16+$0x0] =	vst v27  }
0x503: {  	[dreg:$0x6] =	wrdreg s6;
	s6 =	sor.u32 s7, s8;
	v57 =	vshll.u32 v20, $0x10;
	v20 =	vand.u32 $0xFFFF0000, v20;
	v22 =	vshll.u32 v13, $0x10;
	v58 =	vld.idx.msk [tilespmem:v16+s31+$0x0], $0xffff;
	[tilespmem:s14+$0x0] =	vst v25  }
0x504: {  	s25 =	sor.u32 $0x20, s21;
	s18 =	simm.s32 $0xE070;
	s19 =	sor.u32 s23, s20;
	v13 =	vand.u32 $0xFFFF0000, v13;
	v20 =	vadd.f32 v20, v10;
	v25 =	vadd.f32 v57, v10;
	[tilespmem:s6+$0x0] =	vst v17  }
0x505: {  	s3 =	sor.u32 s25, s17;
	[tilespmem:s19+$0x0] =	vst v21;
	v17 =	vadd.f32 v22, v24;
	v22 =	vadd.f32 v13, v24;
	v13 =	vand.u32 $0xFFFF0000, v19;
	v19 =	vld.idx.msk [tilespmem:v5+s18+$0x0], $0xffff  }
0x506: {  	v23 =	vadd.f32 v23, v3;
	s1 =	sor.u32 s21, s17;
	s17 =	sor.u32 s25, s20;
	v60 =	vld.idx.msk [tilespmem:v15+s31+$0x0], $0xffff;
	v27 =	vadd.f32 v13, v9;
	v13 =	vshll.u32 v26, $0x10;
	[tilespmem:s3+$0x0] =	vst v25  }
0x507: {  	v21 =	vadd.f32 v59, v9;
	v5 =	vmovc v16;
	v16 =	vand.u32 $0xFFFF0000, v26;
	v25 =	vadd.f32 v13, v4;
	[tilespmem:s17+$0x0] =	vst v20  }
0x508: {  	s11 =	sor.u32 s21, s20;
	v13 =	vshll.u32 v55, $0x10;
	v20 =	vand.u32 $0xFFFF0000, v55;
	[tilespmem:s1+$0x0] =	vst v17;
	v61 =	vshll.u32 v58, $0x10  }
0x509: {  	s5 =	sor.u32 s30, s10;
	s1 =	sadd.s32 $0x15900, s22;
	v26 =	vld.idx.msk [tilespmem:v14+s31+$0x0], $0xffff;
	v17 =	vadd.f32 v20, v2;
	[tilespmem:s11+$0x0] =	vst v22;
	v20 =	vand.u32 $0xFFFF0000, v58;
	v22 =	vadd.f32 v61, v18  }
0x50a: {  	s19 =	sor.u32 s26, s10;
	s3 =	sadd.s32 $0x15D00, s22;
	v13 =	vadd.f32 v13, v2;
	v2 =	vmovc v9;
	s14 =	sor.u32 s24, s1;
	[tilespmem:s13+$0x0] =	vst v23;
	v20 =	vadd.f32 v20, v18;
	v23 =	vshll.u32 v19, $0x10  }
0x50b: {  	s6 =	sor.u32 s0, s10;
	s10 =	sadd.s32 $0x18900, s2;
	s17 =	sor.u32 s24, s3;
	v9 =	vmovc v24;
	v24 =	vld.idx.msk [tilespmem:v6+s31+$0x0], $0xffff;
	v62 =	vshll.u32 v60, $0x10;
	v19 =	vand.u32 $0xFFFF0000, v19;
	[tilespmem:s14+$0x0] =	vst v22;
	v23 =	vadd.f32 v23, v8  }
0x50c: {  	s13 =	sor.u32 s7, s10;
	s31 =	simm.s32 $0x4020;
	v19 =	vadd.f32 v19, v8;
	v8 =	vmov v18;
	v18 =	vadd.f32 v62, v12;
	[tilespmem:s17+$0x0] =	vst v20  }
0x50d: {  	s2 =	sadd.s32 $0x18D00, s2;
	s11 =	sor.u32 s23, s1;
	v28 =	vand.u32 $0xFFFF0000, v60;
	v63 =	vld.idx.msk [tilespmem:v5+s31+$0x0], $0xffff;
	[tilespmem:s13+$0x0] =	vst v23  }
0x50e: {  	v22 =	vld.idx.msk [tilespmem:v11+s29+$0x0], $0xffff;
	s14 =	sor.u32 s7, s2;
	v20 =	vadd.f32 v28, v12;
	v23 =	vshll.u32 v26, $0x10;
	[tilespmem:s11+$0x0] =	vst v18  }
0x50f: {  	s17 =	sor.u32 s23, s3;
	v26 =	vand.u32 $0xFFFF0000, v26;
	[tilespmem:s14+$0x0] =	vst v19;
	v18 =	vadd.f32 v23, v10  }
0x510: {  	s20 =	sor.u32 s0, s8;
	s12 =	sor.u32 s30, s8;
	v19 =	vadd.f32 v26, v10;
	v23 =	vshll.u32 v24, $0x10;
	v24 =	vand.u32 $0xFFFF0000, v24;
	[tilespmem:s17+$0x0] =	vst v20  }
0x511: {  	s18 =	sor.u32 s26, s8;
	s16 =	sor.u32 s21, s1;
	s1 =	sor.u32 s25, s1;
	v20 =	vadd.f32 v23, v9;
	v23 =	vadd.f32 v24, v9;
	v24 =	vld.idx.msk [tilespmem:v15+s31+$0x0], $0xffff;
	[tilespmem:s6+$0x0] =	vst v25  }
0x512: {  	s8 =	sor.u32 s30, s2;
	s28 =	sor.u32 s21, s3;
	s29 =	sor.u32 s25, s3;
	[tilespmem:s1+$0x0] =	vst v18  }
0x513: {  	s3 =	sor.u32 s30, s10;
	s13 =	sor.u32 s0, s2;
	s11 =	sor.u32 s26, s10;
	v18 =	vshll.u32 v22, $0x10;
	[tilespmem:s29+$0x0] =	vst v19  }
0x514: {  	s14 =	sor.u32 s0, s10;
	s10 =	sor.u32 s26, s2;
	s2 =	smov.u32 s22;
	v19 =	vand.u32 $0xFFFF0000, v22;
	v22 =	vadd.f32 v18, v3;
	[tilespmem:s16+$0x0] =	vst v20;
	v18 =	vld.idx.msk [tilespmem:v14+s31+$0x0], $0xffff;
	v20 =	vshll.u32 v63, $0x10  }
0x515: {  	s7 =	smov.u32 s24;
	s1 =	sadd.s32 $0x16100, s2;
	v26 =	vadd.f32 v19, v3;
	[tilespmem:s28+$0x0] =	vst v23;
	v19 =	vand.u32 $0xFFFF0000, v63;
	v20 =	vadd.f32 v20, v8  }
0x516: {  	s22 =	smov.u32 s23;
	s17 =	sadd.s32 $0x16500, s2;
	s23 =	sor.u32 s7, s1;
	v23 =	vld.idx.msk [tilespmem:v6+s31+$0x0], $0xffff;
	v19 =	vadd.f32 v19, v8;
	[tilespmem:s15+$0x0] =	vst v21  }
0x517: {  	s24 =	simm.s32 $0x6030;
	s0 =	sor.u32 s7, s17;
	[tilespmem:s23+$0x0] =	vst v20;
	v20 =	vshll.u32 v24, $0x10  }
0x518: {  	s30 =	smov.u32 s21;
	s21 =	rddreg [dreg:$0x13];
	s29 =	smov.u32 s22;
	v21 =	vand.u32 $0xFFFF0000, v24;
	[tilespmem:s0+$0x0] =	vst v19;
	v19 =	vadd.f32 v20, v12  }
0x519: {  	s22 =	sor.u32 s29, s1;
	[tilespmem:s21+$0x0] =	vst v27;
	v20 =	vadd.f32 v21, v12;
	v21 =	vld.idx.msk [tilespmem:v5+s24+$0x0], $0xffff;
	v24 =	vshll.u32 v18, $0x10  }
0x51a: {  	s26 =	smov.u32 s25;
	s23 =	sor.u32 s29, s17;
	[tilespmem:s22+$0x0] =	vst v19;
	v19 =	vadd.f32 v24, v10  }
0x51b: {  	v16 =	vadd.f32 v16, v4;
	s25 =	simm.s32 $0xC060;
	s16 =	sor.u32 s30, s1;
	s1 =	sor.u32 s26, s1;
	v18 =	vand.u32 $0xFFFF0000, v18;
	[tilespmem:s23+$0x0] =	vst v20  }
0x51c: {  	v27 =	vld.idx.msk [tilespmem:v1+s25+$0x0], $0xffff;
	v18 =	vadd.f32 v18, v10;
	v24 =	vshll.u32 v23, $0x10;
	[tilespmem:s1+$0x0] =	vst v19  }
0x51d: {  	s15 =	sor.u32 s30, s17;
	s17 =	sor.u32 s26, s17;
	v23 =	vand.u32 $0xFFFF0000, v23;
	v20 =	vadd.f32 v24, v9;
	v24 =	vld.idx.msk [tilespmem:v15+s24+$0x0], $0xffff;
	[tilespmem:s20+$0x0] =	vst v16  }
0x51e: {  	v23 =	vadd.f32 v23, v9;
	[tilespmem:s17+$0x0] =	vst v18;
	v18 =	vshll.u32 v21, $0x10  }
0x51f: {  	s1 =	sadd.s32 $0x16900, s2;
	[tilespmem:s16+$0x0] =	vst v20;
	v25 =	vld.idx.msk [tilespmem:v14+s24+$0x0], $0xffff;
	v18 =	vadd.f32 v18, v8  }
0x520: {  	s9 =	sadd.s32 $0x4, s9;
	s6 =	sor.u32 s7, s1;
	[tilespmem:s15+$0x0] =	vst v23  }
0x521: {  	p2 =	slt.u32 s9, $0x1C;
	p1 =	por !p1, !p1;
	v20 =	vshll.u32 v27, $0x10;
	v19 =	vand.u32 $0xFFFF0000, v21;
	v23 =	vld.idx.msk [tilespmem:v6+s24+$0x0], $0xffff;
	[tilespmem:s6+$0x0] =	vst v18;
	s6 =	simm.s32 $0xE070  }
.Ltmp5:
0x522: {  	s28 =	simm.s32 $0x0;
	s16 =	sadd.s32 $0x16D00, s2;
	v27 =	vand.u32 $0xFFFF0000, v27;
	[tilespmem:s19+$0x0] =	vst v22;
	v21 =	vadd.f32 v19, v8;
	v18 =	vld.idx.msk [tilespmem:v7+s6+$0x0], $0xffff;
	v7 =	vmovc v15;
	v15 =	vshll.u32 v24, $0x10;
	(pc) =	sbr.rel @p2 .LBB2_9-.Ltmp5, $4  }
0x523: {  	s31 =	simm.s32 $0x2010;
	s23 =	smov.u32 s30;
	s17 =	sor.u32 s7, s16;
	v19 =	vadd.f32 v20, v2;
	[tilespmem:s18+$0x0] =	vst v26;
	v20 =	vand.u32 $0xFFFF0000, v24;
	v15 =	vadd.f32 v15, v12  }
0x524: {  	s30 =	rddreg [dreg:$0x16];
	s21 =	sor.u32 s29, s1;
	v16 =	vadd.f32 v27, v2;
	[tilespmem:s17+$0x0] =	vst v21;
	v27 =	vadd.f32 v20, v12;
	s17 =	simm.s32 $0x8040;
	v21 =	vshll.u32 v25, $0x10  }
0x525: {  	s20 =	sor.u32 s26, s1;
	s15 =	sor.u32 s23, s1;
	s22 =	sor.u32 s29, s16;
	v20 =	vld.idx.msk [tilespmem:v5+s17+$0x0], $0xffff;
	v24 =	vand.u32 $0xFFFF0000, v25;
	v22 =	vadd.f32 v21, v10;
	[tilespmem:s21+$0x0] =	vst v15  }
0x526: {  	s0 =	sor.u32 s23, s16;
	s16 =	sor.u32 s26, s16;
	v21 =	vadd.f32 v24, v10;
	v24 =	vshll.u32 v23, $0x10;
	v23 =	vand.u32 $0xFFFF0000, v23;
	v15 =	vld.idx.msk [tilespmem:v11+s6+$0x0], $0xffff;
	v11 =	vmovc v14;
	[tilespmem:s22+$0x0] =	vst v27;
	s22 =	simm.s32 $0xA050  }
0x527: {  	_ =	sdelay $0x2  }
0x528: {  	s6 =	simm.s32 $0x8040  }
0x529: {  	[tilespmem:s20+$0x0] =	vst v22;
	v52 =	vld.idx.msk [tilespmem:v7+s6+$0x0], $0xffff  }
0x52a: {  	[tilespmem:s16+$0x0] =	vst v21  }
0x52b: {  	v51 =	vadd.f32 v24, v9;
	[tilespmem:s5+$0x0] =	vst v19;
	v14 =	vld.idx.msk [tilespmem:v14+s6+$0x0], $0xffff  }
0x52c: {  	v53 =	vadd.f32 v23, v9;
	[tilespmem:s12+$0x0] =	vst v16;
	v54 =	vshll.u32 v20, $0x10  }
0x52d: {  	s21 =	sadd.s32 $0x17100, s2;
	[tilespmem:s15+$0x0] =	vst v51;
	v55 =	vand.u32 $0xFFFF0000, v20;
	v56 =	vadd.f32 v54, v8  }
0x52e: {  	s1 =	sadd.s32 $0x17500, s2;
	s4 =	sor.u32 s7, s21;
	[tilespmem:s0+$0x0] =	vst v53;
	v57 =	vadd.f32 v55, v8;
	v59 =	vshll.u32 v52, $0x10  }
0x52f: {  	v58 =	vld.idx.msk [tilespmem:v6+s6+$0x0], $0xffff;
	s6 =	sor.u32 s7, s1;
	[tilespmem:s4+$0x0] =	vst v56;
	v60 =	vand.u32 $0xFFFF0000, v52;
	v21 =	vadd.f32 v59, v12  }
0x530: {  	s9 =	sor.u32 s29, s21;
	[tilespmem:s6+$0x0] =	vst v57;
	v61 =	vadd.f32 v60, v12;
	v62 =	vshll.u32 v14, $0x10  }
0x531: {  	s12 =	sor.u32 s29, s1;
	v14 =	vand.u32 $0xFFFF0000, v14;
	v63 =	vld.idx.msk [tilespmem:v5+s22+$0x0], $0xffff;
	v19 =	vadd.f32 v62, v10;
	[tilespmem:s9+$0x0] =	vst v21  }
0x532: {  	v24 =	vshll.u32 v18, $0x10;
	s15 =	sor.u32 s26, s21;
	v14 =	vadd.f32 v14, v10;
	[tilespmem:s12+$0x0] =	vst v61  }
0x533: {  	v29 =	vand.u32 $0xFFFF0000, v18;
	v25 =	vadd.f32 v24, v4;
	s16 =	sor.u32 s26, s1;
	[tilespmem:s15+$0x0] =	vst v19;
	v27 =	vld.idx.msk [tilespmem:v7+s22+$0x0], $0xffff  }
0x534: {  	v31 =	vadd.f32 v29, v4;
	v26 =	vshll.u32 v58, $0x10;
	[tilespmem:s16+$0x0] =	vst v14  }
0x535: {  	[tilespmem:s14+$0x0] =	vst v25;
	v28 =	vand.u32 $0xFFFF0000, v58;
	v19 =	vadd.f32 v26, v9;
	v30 =	vld.idx.msk [tilespmem:v11+s22+$0x0], $0xffff  }
0x536: {  	s0 =	sor.u32 s23, s21;
	[tilespmem:s13+$0x0] =	vst v31;
	v14 =	vadd.f32 v28, v9;
	v32 =	vshll.u32 v63, $0x10  }
0x537: {  	s17 =	sadd.s32 $0x17900, s2;
	s1 =	sor.u32 s23, s1;
	[tilespmem:s0+$0x0] =	vst v19;
	v33 =	vand.u32 $0xFFFF0000, v63;
	v16 =	vadd.f32 v32, v8  }
0x538: {  	s18 =	sadd.s32 $0x17D00, s2;
	s19 =	sor.u32 s7, s17;
	[tilespmem:s1+$0x0] =	vst v14;
	v34 =	vadd.f32 v33, v8;
	v35 =	vshll.u32 v27, $0x10  }
0x539: {  	s20 =	sor.u32 s7, s18;
	v36 =	vld.idx.msk [tilespmem:v6+s22+$0x0], $0xffff;
	[tilespmem:s19+$0x0] =	vst v16;
	v37 =	vand.u32 $0xFFFF0000, v27;
	v14 =	vadd.f32 v35, v12  }
0x53a: {  	s21 =	sor.u32 s29, s17;
	[tilespmem:s20+$0x0] =	vst v34;
	v38 =	vshll.u32 v30, $0x10;
	v19 =	vadd.f32 v37, v12  }
0x53b: {  	s5 =	sor.u32 s29, s18;
	v18 =	vand.u32 $0xFFFF0000, v30;
	v39 =	vld.idx.msk [tilespmem:v5+s25+$0x0], $0xffff;
	v4 =	vadd.f32 v38, v10;
	[tilespmem:s21+$0x0] =	vst v14  }
0x53c: {  	v40 =	vshll.u32 v15, $0x10;
	s6 =	sor.u32 s26, s17;
	v18 =	vadd.f32 v18, v10;
	[tilespmem:s5+$0x0] =	vst v19  }
0x53d: {  	v41 =	vand.u32 $0xFFFF0000, v15;
	v42 =	vadd.f32 v40, v3;
	s9 =	sor.u32 s26, s18;
	[tilespmem:s6+$0x0] =	vst v4;
	v43 =	vld.idx.msk [tilespmem:v7+s25+$0x0], $0xffff  }
0x53e: {  	v3 =	vadd.f32 v41, v3;
	v44 =	vshll.u32 v36, $0x10;
	[tilespmem:s9+$0x0] =	vst v18  }
0x53f: {  	[tilespmem:s11+$0x0] =	vst v42;
	v16 =	vand.u32 $0xFFFF0000, v36;
	v15 =	vadd.f32 v44, v9;
	v18 =	vld.idx.msk [tilespmem:v11+s25+$0x0], $0xffff  }
0x540: {  	[tilespmem:s10+$0x0] =	vst v3;
	s0 =	sor.u32 s23, s17;
	v16 =	vadd.f32 v16, v9;
	v3 =	vshll.u32 v39, $0x10  }
0x541: {  	s11 =	sadd.s32 $0x18100, s2;
	s17 =	simm.s32 $0xE070;
	s1 =	sor.u32 s23, s18;
	[tilespmem:s0+$0x0] =	vst v15;
	v14 =	vand.u32 $0xFFFF0000, v39;
	v3 =	vadd.f32 v3, v8  }
0x542: {  	s13 =	sor.u32 s7, s11;
	s12 =	sadd.s32 $0x18500, s2;
	v1 =	vld.idx.msk [tilespmem:v1+s17+$0x0], $0xffff;
	[tilespmem:s1+$0x0] =	vst v16;
	v14 =	vadd.f32 v14, v8;
	v45 =	vshll.u32 v43, $0x10  }
0x543: {  	s14 =	sor.u32 s7, s12;
	v47 =	vld.idx.msk [tilespmem:v6+s25+$0x0], $0xffff;
	[tilespmem:s13+$0x0] =	vst v3;
	v3 =	vand.u32 $0xFFFF0000, v43;
	v46 =	vadd.f32 v45, v12  }
0x544: {  	s15 =	sor.u32 s29, s11;
	[tilespmem:s14+$0x0] =	vst v14;
	v3 =	vadd.f32 v3, v12;
	v48 =	vshll.u32 v18, $0x10  }
0x545: {  	s16 =	sor.u32 s29, s12;
	v50 =	vand.u32 $0xFFFF0000, v18;
	v14 =	vadd.f32 v48, v10;
	[tilespmem:s15+$0x0] =	vst v46  }
0x546: {  	s18 =	sor.u32 s26, s11;
	[tilespmem:s16+$0x0] =	vst v3;
	v3 =	vadd.f32 v50, v10  }
0x547: {  	s19 =	sor.u32 s26, s12;
	v62 =	vshll.u32 v1, $0x10;
	v49 =	vld.idx.msk [tilespmem:v5+s17+$0x0], $0xffff;
	[tilespmem:s18+$0x0] =	vst v14  }
0x548: {  	v63 =	vadd.f32 v62, v2;
	[tilespmem:s19+$0x0] =	vst v3;
	v3 =	vshll.u32 v47, $0x10  }
0x549: {  	[tilespmem:s30+$0x0] =	vst v13;
	v52 =	vand.u32 $0xFFFF0000, v47;
	v51 =	vld.idx.msk [tilespmem:v7+s17+$0x0], $0xffff;
	v3 =	vadd.f32 v3, v9  }
0x54a: {  	s20 =	sor.u32 s23, s11;
	v7 =	vadd.f32 v52, v9;
	s1 =	rddreg [dreg:$0x7];
	[tilespmem:s3+$0x0] =	vst v63  }
0x54b: {  	v1 =	vand.u32 $0xFFFF0000, v1;
	s0 =	sor.u32 s23, s12;
	v53 =	vld.idx.msk [tilespmem:v11+s17+$0x0], $0xffff;
	[tilespmem:s20+$0x0] =	vst v3  }
0x54c: {  	v1 =	vadd.f32 v1, v2;
	v54 =	vshll.u32 v49, $0x10;
	[tilespmem:s0+$0x0] =	vst v7  }
0x54d: {  	s21 =	sadd.s32 $0x18900, s2;
	[tilespmem:s1+$0x0] =	vst v17;
	v55 =	vadd.f32 v54, v8;
	v3 =	vand.u32 $0xFFFF0000, v49;
	v59 =	vld.idx.msk [tilespmem:v6+s17+$0x0], $0xffff  }
0x54e: {  	s30 =	sadd.s32 $0x18D00, s2;
	s4 =	sor.u32 s7, s21;
	[tilespmem:s8+$0x0] =	vst v1;
	v3 =	vadd.f32 v3, v8;
	v56 =	vshll.u32 v51, $0x10  }
0x54f: {  	s6 =	sor.u32 s7, s30;
	[tilespmem:s4+$0x0] =	vst v55;
	v57 =	vand.u32 $0xFFFF0000, v51;
	v58 =	vadd.f32 v56, v12  }
0x550: {  	s7 =	sor.u32 s29, s21;
	[tilespmem:s6+$0x0] =	vst v3;
	v3 =	vadd.f32 v57, v12;
	v60 =	vshll.u32 v53, $0x10  }
0x551: {  	s9 =	sor.u32 s29, s30;
	v61 =	vand.u32 $0xFFFF0000, v53;
	[tilespmem:s7+$0x0] =	vst v58;
	v4 =	vadd.f32 v60, v10  }
0x552: {  	s10 =	sor.u32 s26, s21;
	[tilespmem:s9+$0x0] =	vst v3;
	v3 =	vadd.f32 v61, v10;
	v2 =	vshll.u32 v59, $0x10  }
0x553: {  	s11 =	sor.u32 s26, s30;
	[tilespmem:s10+$0x0] =	vst v4;
	v2 =	vadd.f32 v2, v9  }
0x554: {  	s12 =	sor.u32 s23, s21;
	[tilespmem:s11+$0x0] =	vst v3  }
0x555: {  	[tilespmem:s12+$0x0] =	vst v2  }
0x556: {  	s15 =	sld [smem:$0x7E9]  }
0x557: {  	v3 =	vand.u32 $0xFFFF0000, v59  }
0x558: {  	s14 =	rddreg [dreg:$0x3];
	v1 =	vadd.f32 v3, v9  }
0x559: {  	s13 =	sor.u32 s23, s30;
	s3 =	simm.s32 $0x100;
	s0 =	sadd.s32 s15, s14  }
0x55a: {  	s4 =	simm.s32 $0x400;
	s17 =	simm.s32 $0x15080;
	[tilespmem:s13+$0x0] =	vst v1;
	s16 =	sadd.s32 $0x20, s0  }
0x55b: {  	[hbm4b:s16+s3] =	stream.strided.scatter [tilespmem:s17], [sflag:$0x7], $0x400, s4, s3, $0x38;
	[tilespmem:$0x19080] =	vst v63  }
0x55c: {  	s19 =	simm.s32 $0x15480;
	s18 =	sadd.s32 $0x8020, s0  }
0x55d: {  	[hbm4b:s18+s3] =	stream.strided.scatter [tilespmem:s19], [sflag:$0x7], $0x400, s4, s3, $0x38;
	[tilespmem:$0x19080] =	vst v63  }
0x55e: {  	s21 =	simm.s32 $0x15880;
	s20 =	sadd.s32 $0x10020, s0  }
0x55f: {  	[hbm4b:s20+s3] =	stream.strided.scatter [tilespmem:s21], [sflag:$0x7], $0x400, s4, s3, $0x38;
	[tilespmem:$0x19080] =	vst v63  }
0x560: {  	s26 =	simm.s32 $0x15C80;
	s23 =	sadd.s32 $0x18020, s0  }
0x561: {  	[hbm4b:s23+s3] =	stream.strided.scatter [tilespmem:s26], [sflag:$0x7], $0x400, s4, s3, $0x38;
	[tilespmem:$0x19080] =	vst v63  }
0x562: {  	s30 =	simm.s32 $0x16080;
	s29 =	sadd.s32 $0x20020, s0  }
0x563: {  	[hbm4b:s29+s3] =	stream.strided.scatter [tilespmem:s30], [sflag:$0x7], $0x400, s4, s3, $0x38;
	[tilespmem:$0x19080] =	vst v63  }
0x564: {  	s6 =	simm.s32 $0x16480;
	s5 =	sadd.s32 $0x28020, s0  }
0x565: {  	[hbm4b:s5+s3] =	stream.strided.scatter [tilespmem:s6], [sflag:$0x7], $0x400, s4, s3, $0x38;
	[tilespmem:$0x19080] =	vst v63  }
0x566: {  	s8 =	simm.s32 $0x16880;
	s7 =	sadd.s32 $0x30020, s0  }
0x567: {  	[hbm4b:s7+s3] =	stream.strided.scatter [tilespmem:s8], [sflag:$0x7], $0x400, s4, s3, $0x38;
	[tilespmem:$0x19080] =	vst v63  }
0x568: {  	s10 =	simm.s32 $0x16C80;
	s9 =	sadd.s32 $0x38020, s0  }
0x569: {  	[hbm4b:s9+s3] =	stream.strided.scatter [tilespmem:s10], [sflag:$0x7], $0x400, s4, s3, $0x38;
	[tilespmem:$0x19080] =	vst v63  }
0x56a: {  	s12 =	simm.s32 $0x17080;
	s11 =	sadd.s32 $0x40020, s0  }
0x56b: {  	[hbm4b:s11+s3] =	stream.strided.scatter [tilespmem:s12], [sflag:$0x7], $0x400, s4, s3, $0x38;
	[tilespmem:$0x19080] =	vst v63  }
0x56c: {  	s14 =	simm.s32 $0x17480;
	s13 =	sadd.s32 $0x48020, s0  }
0x56d: {  	[hbm4b:s13+s3] =	stream.strided.scatter [tilespmem:s14], [sflag:$0x7], $0x400, s4, s3, $0x38;
	[tilespmem:$0x19080] =	vst v63  }
0x56e: {  	s15 =	sadd.s32 $0x50020, s0;
	s16 =	simm.s32 $0x17880  }
0x56f: {  	[hbm4b:s15+s3] =	stream.strided.scatter [tilespmem:s16], [sflag:$0x7], $0x400, s4, s3, $0x38;
	[tilespmem:$0x19080] =	vst v63  }
0x570: {  	s17 =	sadd.s32 $0x58020, s0;
	s18 =	simm.s32 $0x17C80  }
0x571: {  	[hbm4b:s17+s3] =	stream.strided.scatter [tilespmem:s18], [sflag:$0x7], $0x400, s4, s3, $0x38;
	[tilespmem:$0x19080] =	vst v63  }
0x572: {  	s19 =	sadd.s32 $0x60020, s0;
	s20 =	simm.s32 $0x18080  }
0x573: {  	[hbm4b:s19+s3] =	stream.strided.scatter [tilespmem:s20], [sflag:$0x7], $0x400, s4, s3, $0x38;
	[tilespmem:$0x19080] =	vst v63  }
0x574: {  	s21 =	sadd.s32 $0x68020, s0;
	s23 =	simm.s32 $0x18480  }
0x575: {  	[hbm4b:s21+s3] =	stream.strided.scatter [tilespmem:s23], [sflag:$0x7], $0x400, s4, s3, $0x38;
	[tilespmem:$0x19080] =	vst v63  }
.Ltmp6:
0x576: {  	_ = 	snop;
	(pc) =	sbr.rel @p0 .LBB2_12-.Ltmp6, $4  }
0x577: {  	s26 =	sadd.s32 $0x70020, s0;
	s0 =	sadd.s32 $0x78020, s0;
	s29 =	simm.s32 $0x18880  }
0x578: {  	[hbm4b:s26+s3] =	stream.strided.scatter [tilespmem:s29], [sflag:$0x7], $0x400, s4, s3, $0x38;
	[tilespmem:$0x19080] =	vst v63  }
0x579: {  	s30 =	simm.s32 $0x18C80;
	s10 =	simm.s32 $0xE070;
	s20 =	simm.s32 $0x8040  }
0x57a: {  	[hbm4b:s0+s3] =	stream.strided.scatter [tilespmem:s30], [sflag:$0x7], $0x400, s4, s3, $0x38;
	[tilespmem:$0x19080] =	vst v63  }
0x57b: {  	s5 =	sld [smem:$0x7EA];
	_ =	sdelay $0x2  }
0x57c: {  	s0 =	sshll.u32 s5, $0x2  }
0x57d: {  	s1 =	rddreg [dreg:$0x1d];
	s0 =	sadd.s32 $0x6, s0  }
0x57e: {  	s1 =	sadd.s32 s1, s0  }
0x57f: {  	s1 =	sshll.u32 s1, $0x9  }
0x580: {  	s2 =	rddreg [dreg:$0x1a];
	s0 =	sshll.u32 s0, $0x7;
	s1 =	sand.u32 $0x7F000, s1  }
0x581: {  	s0 =	sand.u32 $0x300, s0;
	s1 =	sadd.s32 s2, s1  }
0x582: {  	s26 =	rddreg [dreg:$0x0];
	s0 =	sor.u32 s0, s1  }
.Ltmp7:
0x583: {  	s28 =	simm.s32 $0x10480;
	s0 =	sshrl.u32 s0, $0x3;
	(pc) =	sbr.rel .LBB2_2-.Ltmp7, $4  }
0x584: {  	s29 =	rddreg [dreg:$0x1];
	s30 =	simm.s32 $0x10C80;
	s1 =	sadd.s32 s26, s0  }
0x585: {  	[tilespmem:s28], [sflag:$0x3] =	stream.strided.gather [hbm4b:s1+s3], $0x400, s4, s3, $0x38;
	[tilespmem:$0x19080] =	vst v63  }
0x586: {  	s13 =	simm.s32 $0x4020;
	s5 =	sadd.s32 $0x1, s5;
	s0 =	sadd.s32 s29, s0  }
0x587: {  	[tilespmem:s30], [sflag:$0x5] =	stream.strided.gather [hbm4b:s0+s3], $0x400, s4, s3, $0x38;
	[tilespmem:$0x19080] =	vst v63  }
.LBB2_13:
0x588: {  	_ =	sfence.sel $0x180000  }
0x589: {  	[bflag:$0x0] =	sbarrier.arrive $0xFFFF  }
0x58a: {  	_ =	strace $0x90000047  }
0x58b: {  	s0 =	stileid.u32;
	[bflag:$0x2] =	sbarrier.arrive $0xFFFF  }
0x58c: {  	p0 =	sne.s32 s0, $0x0;
	s0 =	rddreg [dreg:$0x4]  }
0x58d: {  	s0 =	sadd.s32 @!p0 $0x100000, s0  }
0x58e: {  	[sflag:s0] =	ssyncadd.tile.s32 @!p0 $0x1;
	_ =	shalt  }
.Lfunc_end2:
_tile_overlayer_lowered:
.L_overlay_start_2:
0x58f: {  	(tag) =	ssettag $0x2  }
0x590: {  	s0 =	rddreg [dreg:$0x0];
	s2 =	stileid.u32  }
0x591: {  	s1 =	rddreg [dreg:$0x1];
	p0 =	sne.s32 s2, $0x0  }
0x592: {  	s3 =	rddreg [dreg:$0x2];
	[bflag:$0x3] =	sbarrier.arrive $0xFFFF;
	s2 =	simm.s32 @!p0 $0x1C08  }
0x593: {  	[timem:s3], [sflag:s2] =	dma.local @!p0 [hbm:s0], s1  }
0x594: {  	s0 =	simm.s32 @!p0 $0x8  }
0x595: {  	_ =	swait.ge @!p0 [sflag:s0], s1  }
0x596: {  	s1 =	ssub.s32 @!p0 $0x0, s1;
	[sflag:s0] =	ssyncset.done @!p0 $0x0  }
0x597: {  	[sflag:s0] =	ssyncadd.s32 @!p0 s1  }
0x598: {  	[bflag:$0x3] =	sbarrier.arrive $0xFFFF  }
0x599: {  	_ =	shalt  }

</sc_bundles>
